<compile_context>
chip_gen: v7x
topology: tpu7x:2x2x1
jax: 0.10.2.dev20260603
libtpu: 0.0.44.dev20260713+nightly
codegen_flags: <defaults>
</compile_context>

<pallas_src>
import functools

import jax
import jax.numpy as jnp
from jax import lax
from jax.experimental import pallas as pl
from jax.experimental.pallas import tpu as pltpu
from jax.experimental.pallas import tpu_sc as plsc

N = 10000
NP = 10240
E = 320000
D = 128
NC = 2
NS = 16
EPT = E // NS
CH = 128
NCHUNK = 160
SDC = NCHUNK + 2
G = 8
RPT = NP // NS

@functools.cache
def _get_sc_degrees():
    mesh = plsc.VectorSubcoreMesh(core_axis_name="c", subcore_axis_name="s")
    return functools.partial(
        pl.kernel,
        mesh=mesh,
        out_type=(
            jax.ShapeDtypeStruct((NC * NS, NP), jnp.float32),
            jax.ShapeDtypeStruct((NC * NS, NP), jnp.float32),
        ),
        compiler_params=pltpu.CompilerParams(needs_layout_passes=False),
        scratch_types=[
            pltpu.VMEM((G, 2, CH), jnp.int32),
            pltpu.VMEM((NP,), jnp.float32),
            pltpu.VMEM((NP,), jnp.float32),
        ],
    )(_sc_degrees_body)


def _sc_degrees_body(sd_hbm, osrc_hbm, odst_hbm, stg, acc_s, acc_d):
    cid = lax.axis_index("c")
    sid = lax.axis_index("s")
    wid = cid * NS + sid
    off = cid * NP
    zero16 = jnp.zeros((16,), jnp.float32)
    ones16 = jnp.ones((16,), jnp.float32)

    def zstep(j, carry):
        acc_s[pl.ds(j * 16, 16)] = zero16
        acc_d[pl.ds(j * 16, 16)] = zero16
        return carry

    lax.fori_loop(0, NP // 16, zstep, 0)

    def step(t, carry):
        pltpu.sync_copy(sd_hbm.at[wid, pl.ds(t * G, G)], stg)
        for g in range(G):
            for kk in range(CH // 16):
                plsc.addupdate_scatter(
                    acc_s, [stg[g, 0, pl.ds(kk * 16, 16)] - off], ones16)
                plsc.addupdate_scatter(
                    acc_d, [stg[g, 1, pl.ds(kk * 16, 16)]], ones16)
        return carry

    lax.fori_loop(0, NCHUNK // G, step, 0)
    pltpu.sync_copy(acc_s, osrc_hbm.at[wid])
    pltpu.sync_copy(acc_d, odst_hbm.at[wid])


@functools.cache
def _get_sc_spmm():
    mesh = plsc.VectorSubcoreMesh(core_axis_name="c", subcore_axis_name="s")
    return functools.partial(
        pl.kernel,
        mesh=mesh,
        out_type=jax.ShapeDtypeStruct((NC * NP, D), jnp.float32),
        scratch_types=[
            pltpu.VMEM((4, 2, CH), jnp.int32),
            pltpu.VMEM((2, CH, D), jnp.float32),
            pltpu.VMEM_SHARED((NP, D), jnp.float32),
            pltpu.SemaphoreType.DMA,
            pltpu.SemaphoreType.DMA,
            pltpu.SemaphoreType.DMA,
            pltpu.SemaphoreType.DMA,
            pltpu.SemaphoreType.DMA,
            pltpu.SemaphoreType.DMA,
            pltpu.SemaphoreType.DMA,
            pltpu.SemaphoreType.DMA,
        ],
    )(_sc_spmm_body)


def _sc_spmm_body(z_hbm, sd_hbm, zeros_hbm, out_hbm, idxb, rows, acc,
                  isem0, isem1, isem2, isem3, gsem0, gsem1, ssem0, ssem1):
    cid = lax.axis_index("c")
    sid = lax.axis_index("s")
    wid = cid * NS + sid
    isems = (isem0, isem1, isem2, isem3)
    gsems = (gsem0, gsem1)
    ssems = (ssem0, ssem1)
    pltpu.sync_copy(zeros_hbm, acc.at[pl.ds(sid * RPT, RPT)])
    plsc.subcore_barrier()

    pltpu.async_copy(sd_hbm.at[wid, 0], idxb.at[0], isem0)
    pltpu.async_copy(sd_hbm.at[wid, 1], idxb.at[1], isem1)

    def drain_scatter(br, si):
        pltpu.make_async_copy(rows.at[br], acc.at[idxb.at[si, 1]],
                              ssems[br]).wait()

    def step4(j, carry):
        i0 = 4 * j
        for k in range(4):
            br, si = k % 2, k
            sp = (k + 2) % 4
            if k < 2:
                @pl.when(j > 0)
                def _():
                    drain_scatter(br, sp)
            else:
                drain_scatter(br, sp)
            pltpu.async_copy(sd_hbm.at[wid, i0 + k + 2], idxb.at[sp],
                             isems[sp])
            pltpu.make_async_copy(sd_hbm.at[wid, 0], idxb.at[si],
                                  isems[si]).wait()
            pltpu.async_copy(z_hbm.at[idxb.at[si, 0]], rows.at[br],
                             gsems[br]).wait()
            pltpu.async_copy(rows.at[br], acc.at[idxb.at[si, 1]], ssems[br],
                             add=True)
        return carry

    lax.fori_loop(0, NCHUNK // 4, step4, 0)
    drain_scatter(0, 2)
    drain_scatter(1, 3)
    pltpu.make_async_copy(sd_hbm.at[wid, 0], idxb.at[0], isem0).wait()
    pltpu.make_async_copy(sd_hbm.at[wid, 0], idxb.at[1], isem1).wait()
    plsc.subcore_barrier()
    pltpu.sync_copy(acc.at[pl.ds(sid * RPT, RPT)],
                    out_hbm.at[pl.ds(cid * NP + sid * RPT, RPT)])


def _tc_prep_body(hs_ref, hd_ref, xu_ref, xi_ref, w1c_ref, w1b_ref,
                  z_ref, s4_ref):
    hs = hs_ref[...]
    hd = hd_ref[...]
    deg_sc = jnp.sum(hs[:, 0:NS], axis=1, keepdims=True)
    deg_sb = jnp.sum(hs[:, NS:2 * NS], axis=1, keepdims=True)
    deg_dc = jnp.sum(hd[:, 0:NS], axis=1, keepdims=True)
    deg_db = jnp.sum(hd[:, NS:2 * NS], axis=1, keepdims=True)
    s4 = lax.rsqrt(jnp.maximum(
        jnp.concatenate([deg_sc, deg_sb, deg_dc, deg_db], axis=1), 1.0))
    s4_ref[...] = s4
    s_out_c = s4[0:N, 0:1]
    s_out_b = s4[0:N, 1:2]
    z_ref[0:N, :] = jnp.dot(xu_ref[...] * s_out_c, w1c_ref[...],
                            preferred_element_type=jnp.float32)
    z_ref[NP:NP + N, :] = jnp.dot(xi_ref[...] * s_out_b, w1b_ref[...],
                                  preferred_element_type=jnp.float32)
    z_ref[N:NP, :] = jnp.zeros((NP - N, D), jnp.float32)
    z_ref[NP + N:, :] = jnp.zeros((NP - N, D), jnp.float32)


def _tc_mid_body(p_ref, s4_ref, b1c_ref, b1b_ref, w2c_ref, w2b_ref, z_ref):
    s4 = s4_ref[...]
    s_out_c, s_out_b = s4[0:N, 0:1], s4[0:N, 1:2]
    s_in_c, s_in_b = s4[0:N, 2:3], s4[0:N, 3:4]
    h_item = jnp.maximum(p_ref[0:N, :] * s_in_c + b1c_ref[...], 0.0)
    h_user = jnp.maximum(p_ref[NP:NP + N, :] * s_in_b + b1b_ref[...], 0.0)
    z_ref[0:N, :] = jnp.dot(h_user * s_out_c, w2c_ref[...],
                            preferred_element_type=jnp.float32)
    z_ref[NP:NP + N, :] = jnp.dot(h_item * s_out_b, w2b_ref[...],
                                  preferred_element_type=jnp.float32)
    z_ref[N:NP, :] = jnp.zeros((NP - N, D), jnp.float32)
    z_ref[NP + N:, :] = jnp.zeros((NP - N, D), jnp.float32)


def _tc_final_body(q_ref, s4_ref, b2c_ref, b2b_ref, ou_ref, oi_ref):
    s4 = s4_ref[...]
    s_in_c, s_in_b = s4[0:N, 2:3], s4[0:N, 3:4]
    oi_ref[...] = q_ref[0:N, :] * s_in_c + b2c_ref[...]
    ou_ref[...] = q_ref[NP:NP + N, :] * s_in_b + b2b_ref[...]


_tc_prep = pl.pallas_call(
    _tc_prep_body,
    out_shape=(jax.ShapeDtypeStruct((NC * NP, D), jnp.float32),
               jax.ShapeDtypeStruct((NP, 4), jnp.float32)))
_tc_mid = pl.pallas_call(
    _tc_mid_body,
    out_shape=jax.ShapeDtypeStruct((NC * NP, D), jnp.float32))
_tc_final = pl.pallas_call(
    _tc_final_body,
    out_shape=(jax.ShapeDtypeStruct((N, D), jnp.float32),
               jax.ShapeDtypeStruct((N, D), jnp.float32)))


def kernel(x_user, x_item, edge_index_clicks, edge_index_clicked_by,
           W1_clicks, b1_clicks, W1_clicked_by, b1_clicked_by,
           W2_clicks, b2_clicks, W2_clicked_by, b2_clicked_by):
    src_c = edge_index_clicks[0].astype(jnp.int32)
    dst_c = edge_index_clicks[1].astype(jnp.int32)
    src_b = edge_index_clicked_by[0].astype(jnp.int32)
    dst_b = edge_index_clicked_by[1].astype(jnp.int32)

    pad = SDC * CH - EPT

    def _pack(src, dst, src_pad):
        s2 = jnp.concatenate(
            [src.reshape(NS, EPT),
             jnp.full((NS, pad), src_pad, jnp.int32)], axis=1)
        d2 = jnp.concatenate(
            [dst.reshape(NS, EPT),
             jnp.full((NS, pad), N, jnp.int32)], axis=1)
        return jnp.stack([s2.reshape(NS, SDC, CH),
                          d2.reshape(NS, SDC, CH)], axis=2)

    sd = jnp.concatenate([_pack(src_c, dst_c, N),
                          _pack(src_b + NP, dst_b, NP + N)], axis=0)

    zeros_d = jnp.zeros((RPT, D), jnp.float32)

    hsrc, hdst = _get_sc_degrees()(sd)
    hsrcT = hsrc.T
    hdstT = hdst.T

    b1c = b1_clicks.reshape(1, D)
    b1b = b1_clicked_by.reshape(1, D)
    b2c = b2_clicks.reshape(1, D)
    b2b = b2_clicked_by.reshape(1, D)

    spmm = _get_sc_spmm()
    z1, s4 = _tc_prep(hsrcT, hdstT, x_user, x_item, W1_clicks, W1_clicked_by)
    p1 = spmm(z1, sd, zeros_d)
    z2 = _tc_mid(p1, s4, b1c, b1b, W2_clicks, W2_clicked_by)
    p2 = spmm(z2, sd, zeros_d)
    out_user, out_item = _tc_final(p2, s4, b2c, b2b)
    return (out_user, out_item)

# --- scband reference (transcript-rebuilt; emitter-appended) ---
"""Pipeline reference for scband-heterogeneous-graph-embedding-29506425324287 (READ-ONLY COPY).

The authoritative reference and input builder live on the scoring server;
editing this copy changes nothing except your own understanding.
"""

import jax, jax.numpy as jnp
import numpy as np

N_USER = 10000
N_ITEM = 10000
E = 320000
D_IN = 128
D_H = 128
D_OUT = 128


def graph_conv(x_src, src, dst, n_src, n_dst, W, b):
    # DGL GraphConv with norm='both': src-side D^{-1/2}, sum aggregate, dst-side D^{-1/2}, then linear + bias
    deg_out = jnp.clip(jax.ops.segment_sum(jnp.ones(src.shape[0], dtype=x_src.dtype), src, num_segments=n_src), 1.0)
    h = x_src * (deg_out ** -0.5)[:, None]
    msg = h[src]
    agg = jax.ops.segment_sum(msg, dst, num_segments=n_dst)
    deg_in = jnp.clip(jax.ops.segment_sum(jnp.ones(dst.shape[0], dtype=x_src.dtype), dst, num_segments=n_dst), 1.0)
    agg = agg * (deg_in ** -0.5)[:, None]
    return agg @ W + b


def setup_inputs(seed: int = 0) -> dict:
    key = jax.random.key(seed)
    ks = [jax.random.fold_in(key, i) for i in range(16)]
    inp = {}
    inp['x_user'] = jax.random.normal(ks[0], (N_USER, D_IN), dtype=jnp.float32)
    inp['x_item'] = jax.random.normal(ks[1], (N_ITEM, D_IN), dtype=jnp.float32)
    # etype 'clicks': user -> item ; etype 'clicked_by': item -> user
    inp['edge_index_clicks'] = jax.random.randint(ks[2], (2, E), 0, N_USER, dtype=jnp.int64)
    inp['edge_index_clicked_by'] = jax.random.randint(ks[3], (2, E), 0, N_ITEM, dtype=jnp.int64)
    # learned parameters: one GraphConv per etype per layer
    inp['W1_clicks'] = jax.random.normal(ks[4], (D_IN, D_H), dtype=jnp.float32) * 0.05
    inp['b1_clicks'] = jnp.zeros((D_H,), dtype=jnp.float32)
    inp['W1_clicked_by'] = jax.random.normal(ks[5], (D_IN, D_H), dtype=jnp.float32) * 0.05
    inp['b1_clicked_by'] = jnp.zeros((D_H,), dtype=jnp.float32)
    inp['W2_clicks'] = jax.random.normal(ks[6], (D_H, D_OUT), dtype=jnp.float32) * 0.05
    inp['b2_clicks'] = jnp.zeros((D_OUT,), dtype=jnp.float32)
    inp['W2_clicked_by'] = jax.random.normal(ks[7], (D_H, D_OUT), dtype=jnp.float32) * 0.05
    inp['b2_clicked_by'] = jnp.zeros((D_OUT,), dtype=jnp.float32)
    return inp


def reference(x_user, x_item, edge_index_clicks, edge_index_clicked_by,
              W1_clicks, b1_clicks, W1_clicked_by, b1_clicked_by,
              W2_clicks, b2_clicks, W2_clicked_by, b2_clicked_by):
    src_c, dst_c = edge_index_clicks[0], edge_index_clicks[1]        # user -> item
    src_b, dst_b = edge_index_clicked_by[0], edge_index_clicked_by[1]  # item -> user
    # layer 1 (HeteroGraphConv, sum aggregate per dst type; one etype per dst type here)
    h_item = graph_conv(x_user, src_c, dst_c, N_USER, N_ITEM, W1_clicks, b1_clicks)
    h_user = graph_conv(x_item, src_b, dst_b, N_ITEM, N_USER, W1_clicked_by, b1_clicked_by)
    h_item = jax.nn.relu(h_item)
    h_user = jax.nn.relu(h_user)
    # layer 2
    out_item = graph_conv(h_user, src_c, dst_c, N_USER, N_ITEM, W2_clicks, b2_clicks)
    out_user = graph_conv(h_item, src_b, dst_b, N_ITEM, N_USER, W2_clicked_by, b2_clicked_by)
    return (out_user, out_item)

if __name__ == "__main__":
    import jax
    _d = setup_inputs()
    print(jax.jit(kernel)(*tuple(_d.values())))

</pallas_src>

<mosaic_0001>
#map = affine_map<(d0, d1) -> (0, 0)>
#map1 = affine_map<(d0, d1) -> (0, 0, 0, 0)>
module attributes {stable_mosaic.version = 14 : i64} {
  func.func @_sc_spmm_body(%arg0: i32, %arg1: i32, %arg2: memref<20480x128xf32, #tpu.memory_space<hbm>>, %arg3: memref<32x162x2x128xi32, #tpu.memory_space<hbm>>, %arg4: memref<640x128xf32, #tpu.memory_space<hbm>>, %arg5: memref<20480x128xf32, #tpu.memory_space<hbm>>, %arg6: memref<4x2x128xi32, #tpu.memory_space<vmem>>, %arg7: memref<2x128x128xf32, #tpu.memory_space<vmem>>, %arg8: memref<10240x128xf32, #tpu.memory_space<vmem_shared>>, %arg9: memref<!tpu.dma_semaphore, #tpu.memory_space<semaphore_mem>>, %arg10: memref<!tpu.dma_semaphore, #tpu.memory_space<semaphore_mem>>, %arg11: memref<!tpu.dma_semaphore, #tpu.memory_space<semaphore_mem>>, %arg12: memref<!tpu.dma_semaphore, #tpu.memory_space<semaphore_mem>>, %arg13: memref<!tpu.dma_semaphore, #tpu.memory_space<semaphore_mem>>, %arg14: memref<!tpu.dma_semaphore, #tpu.memory_space<semaphore_mem>>, %arg15: memref<!tpu.dma_semaphore, #tpu.memory_space<semaphore_mem>>, %arg16: memref<!tpu.dma_semaphore, #tpu.memory_space<semaphore_mem>>) attributes {dimension_semantics = [#tpu.dimension_semantics<core_parallel>, #tpu.dimension_semantics<subcore_parallel>], iteration_bounds = array<i64: 2, 16>, scalar_prefetch = 0 : i64, scratch_operands = 11 : i64, tpu.core_type = #tpu.core_type<sc_vector_subcore>, window_params = [{transform_indices = #map}, {transform_indices = #map1}, {transform_indices = #map}, {transform_indices = #map}]} {
    %mul3A = arith.constant 16 : i32
    %mul3A_0 = arith.muli %arg0, %mul3A : i32
    %add3A = arith.addi %mul3A_0, %arg1 : i32
    %mul3A_1 = arith.constant 640 : i32
    %mul3A_2 = arith.muli %arg1, %mul3A_1 : i32
    "tpu.region"() ({
      %run_scoped3A = tpu.sem_alloc : memref<!tpu.dma_semaphore, #tpu.memory_space<semaphore_mem>>
      %dma_start3A_112 = arith.constant 0 : i32
      %dma_start3A_113 = tpu.memref_slice %arg8[%mul3A_2, %dma_start3A_112] : memref<10240x128xf32, #tpu.memory_space<vmem_shared>> -> memref<640x128xf32, #tpu.memory_space<vmem_shared>>
      tpu.enqueue_dma source(%arg4 : memref<640x128xf32, #tpu.memory_space<hbm>>) target(%dma_start3A_113 : memref<640x128xf32, #tpu.memory_space<vmem_shared>>) target_semaphore(%run_scoped3A : memref<!tpu.dma_semaphore, #tpu.memory_space<semaphore_mem>>)
      %dma_wait3A_114 = arith.constant 0 : i32
      %dma_wait3A_115 = tpu.memref_slice %arg8[%mul3A_2, %dma_wait3A_114] : memref<10240x128xf32, #tpu.memory_space<vmem_shared>> -> memref<640x128xf32, #tpu.memory_space<vmem_shared>>
      tpu.wait_dma2 semaphore(%run_scoped3A : memref<!tpu.dma_semaphore, #tpu.memory_space<semaphore_mem>>) src(%arg4 : memref<640x128xf32, #tpu.memory_space<hbm>>) dst(%dma_wait3A_115 : memref<640x128xf32, #tpu.memory_space<vmem_shared>>)
      tpu.yield
    }) : () -> ()
    %barrier3A = arith.constant 0 : index
    tpu.barrier barrier_id(%barrier3A)
    %dma_start3A = arith.constant 0 : i32
    %dma_start3A_3 = arith.constant 0 : i32
    %dma_start3A_4 = arith.constant 0 : i32
    %dma_start3A_5 = arith.constant 0 : i32
    %dma_start3A_6 = tpu.memref_slice %arg6[%dma_start3A_3, %dma_start3A_4, %dma_start3A_5] : memref<4x2x128xi32, #tpu.memory_space<vmem>> -> memref<1x2x128xi32, #tpu.memory_space<vmem>>
    %dma_start3A_7 = tpu.memref_squeeze %dma_start3A_6 : memref<1x2x128xi32, #tpu.memory_space<vmem>> -> memref<2x128xi32, #tpu.memory_space<vmem>>
    %dma_start3A_8 = arith.constant 0 : i32
    %dma_start3A_9 = arith.constant 0 : i32
    %dma_start3A_10 = tpu.memref_slice %arg3[%add3A, %dma_start3A, %dma_start3A_8, %dma_start3A_9] : memref<32x162x2x128xi32, #tpu.memory_space<hbm>> -> memref<1x1x2x128xi32, #tpu.memory_space<hbm>>
    %dma_start3A_11 = tpu.memref_squeeze %dma_start3A_10 : memref<1x1x2x128xi32, #tpu.memory_space<hbm>> -> memref<2x128xi32, #tpu.memory_space<hbm>>
    %dma_start3A_12 = arith.constant 0 : i32
    %dma_start3A_13 = arith.constant 0 : i32
    %dma_start3A_14 = tpu.memref_slice %arg6[%dma_start3A_3, %dma_start3A_12, %dma_start3A_13] : memref<4x2x128xi32, #tpu.memory_space<vmem>> -> memref<1x2x128xi32, #tpu.memory_space<vmem>>
    %dma_start3A_15 = tpu.memref_squeeze %dma_start3A_14 : memref<1x2x128xi32, #tpu.memory_space<vmem>> -> memref<2x128xi32, #tpu.memory_space<vmem>>
    %dma_start3A_16 = arith.constant 0 : i32
    %dma_start3A_17 = arith.constant 0 : i32
    %dma_start3A_18 = tpu.memref_slice %arg3[%add3A, %dma_start3A, %dma_start3A_16, %dma_start3A_17] : memref<32x162x2x128xi32, #tpu.memory_space<hbm>> -> memref<1x1x2x128xi32, #tpu.memory_space<hbm>>
    %dma_start3A_19 = tpu.memref_squeeze %dma_start3A_18 : memref<1x1x2x128xi32, #tpu.memory_space<hbm>> -> memref<2x128xi32, #tpu.memory_space<hbm>>
    tpu.enqueue_dma source(%dma_start3A_19 : memref<2x128xi32, #tpu.memory_space<hbm>>) target(%dma_start3A_15 : memref<2x128xi32, #tpu.memory_space<vmem>>) target_semaphore(%arg9 : memref<!tpu.dma_semaphore, #tpu.memory_space<semaphore_mem>>)
    %dma_start3A_20 = arith.constant 1 : i32
    %dma_start3A_21 = arith.constant 1 : i32
    %dma_start3A_22 = arith.constant 0 : i32
    %dma_start3A_23 = arith.constant 0 : i32
    %dma_start3A_24 = tpu.memref_slice %arg6[%dma_start3A_21, %dma_start3A_22, %dma_start3A_23] : memref<4x2x128xi32, #tpu.memory_space<vmem>> -> memref<1x2x128xi32, #tpu.memory_space<vmem>>
    %dma_start3A_25 = tpu.memref_squeeze %dma_start3A_24 : memref<1x2x128xi32, #tpu.memory_space<vmem>> -> memref<2x128xi32, #tpu.memory_space<vmem>>
    %dma_start3A_26 = arith.constant 0 : i32
    %dma_start3A_27 = arith.constant 0 : i32
    %dma_start3A_28 = tpu.memref_slice %arg3[%add3A, %dma_start3A_20, %dma_start3A_26, %dma_start3A_27] : memref<32x162x2x128xi32, #tpu.memory_space<hbm>> -> memref<1x1x2x128xi32, #tpu.memory_space<hbm>>
    %dma_start3A_29 = tpu.memref_squeeze %dma_start3A_28 : memref<1x1x2x128xi32, #tpu.memory_space<hbm>> -> memref<2x128xi32, #tpu.memory_space<hbm>>
    %dma_start3A_30 = arith.constant 0 : i32
    %dma_start3A_31 = arith.constant 0 : i32
    %dma_start3A_32 = tpu.memref_slice %arg6[%dma_start3A_21, %dma_start3A_30, %dma_start3A_31] : memref<4x2x128xi32, #tpu.memory_space<vmem>> -> memref<1x2x128xi32, #tpu.memory_space<vmem>>
    %dma_start3A_33 = tpu.memref_squeeze %dma_start3A_32 : memref<1x2x128xi32, #tpu.memory_space<vmem>> -> memref<2x128xi32, #tpu.memory_space<vmem>>
    %dma_start3A_34 = arith.constant 0 : i32
    %dma_start3A_35 = arith.constant 0 : i32
    %dma_start3A_36 = tpu.memref_slice %arg3[%add3A, %dma_start3A_20, %dma_start3A_34, %dma_start3A_35] : memref<32x162x2x128xi32, #tpu.memory_space<hbm>> -> memref<1x1x2x128xi32, #tpu.memory_space<hbm>>
    %dma_start3A_37 = tpu.memref_squeeze %dma_start3A_36 : memref<1x1x2x128xi32, #tpu.memory_space<hbm>> -> memref<2x128xi32, #tpu.memory_space<hbm>>
    tpu.enqueue_dma source(%dma_start3A_37 : memref<2x128xi32, #tpu.memory_space<hbm>>) target(%dma_start3A_33 : memref<2x128xi32, #tpu.memory_space<vmem>>) target_semaphore(%arg10 : memref<!tpu.dma_semaphore, #tpu.memory_space<semaphore_mem>>)
    %scan3A = arith.constant 0 : i32
    %scan3A_38 = arith.constant 0 : i32
    %scan3A_39 = arith.constant 40 : i32
    %scan3A_40 = arith.addi %scan3A_38, %scan3A_39 : i32
    %scan3A_41 = arith.constant 1 : i32
    scf.for %scan3A_112 = %scan3A_38 to %scan3A_40 step %scan3A_41  : i32 {
      %mul3A_113 = arith.constant 4 : i32
      %mul3A_114 = arith.muli %mul3A_113, %scan3A_112 : i32
      %gt3A = arith.constant 0 : i32
      %gt3A_115 = arith.cmpi sgt, %scan3A_112, %gt3A : i32
      %convert_element_type3A = arith.extui %gt3A_115 : i1 to i32
      %cond3A = arith.constant 0 : i32
      %cond3A_116 = arith.cmpi ne, %convert_element_type3A, %cond3A : i32
      scf.if %cond3A_116 {
        %dma_wait3A_460 = arith.constant 0 : i32
        %dma_wait3A_461 = arith.constant 2 : i32
        %dma_wait3A_462 = arith.constant 1 : i32
        %dma_wait3A_463 = arith.constant 0 : i32
        %dma_wait3A_464 = arith.constant 0 : i32
        %dma_wait3A_465 = tpu.memref_slice %arg7[%dma_wait3A_460, %dma_wait3A_463, %dma_wait3A_464] : memref<2x128x128xf32, #tpu.memory_space<vmem>> -> memref<1x128x128xf32, #tpu.memory_space<vmem>>
        %dma_wait3A_466 = tpu.memref_squeeze %dma_wait3A_465 : memref<1x128x128xf32, #tpu.memory_space<vmem>> -> memref<128x128xf32, #tpu.memory_space<vmem>>
        %dma_wait3A_467 = arith.constant 0 : i32
        %dma_wait3A_468 = tpu.memref_slice %arg6[%dma_wait3A_461, %dma_wait3A_462, %dma_wait3A_467] : memref<4x2x128xi32, #tpu.memory_space<vmem>> -> memref<1x1x128xi32, #tpu.memory_space<vmem>>
        %dma_wait3A_469 = tpu.memref_squeeze %dma_wait3A_468 : memref<1x1x128xi32, #tpu.memory_space<vmem>> -> memref<128xi32, #tpu.memory_space<vmem>>
        %dma_wait3A_470 = arith.constant 0 : i32
        %dma_wait3A_471 = arith.constant 0 : i32
        %dma_wait3A_472 = tpu.memref_slice %arg8[%dma_wait3A_470, %dma_wait3A_471] : memref<10240x128xf32, #tpu.memory_space<vmem_shared>> -> memref<10240x128xf32, #tpu.memory_space<vmem_shared>>
        tpu.wait_indirect_dma semaphore(%arg15 : memref<!tpu.dma_semaphore, #tpu.memory_space<semaphore_mem>>) src(%dma_wait3A_466 : memref<128x128xf32, #tpu.memory_space<vmem>>) dst(%dma_wait3A_472 : memref<10240x128xf32, #tpu.memory_space<vmem_shared>>)
      } else {
      }
      %add3A_117 = arith.constant 0 : i32
      %add3A_118 = arith.addi %mul3A_114, %add3A_117 : i32
      %add3A_119 = arith.constant 2 : i32
      %add3A_120 = arith.addi %add3A_118, %add3A_119 : i32
      %dma_start3A_121 = arith.constant 2 : i32
      %dma_start3A_122 = arith.constant 0 : i32
      %dma_start3A_123 = arith.constant 0 : i32
      %dma_start3A_124 = tpu.memref_slice %arg6[%dma_start3A_121, %dma_start3A_122, %dma_start3A_123] : memref<4x2x128xi32, #tpu.memory_space<vmem>> -> memref<1x2x128xi32, #tpu.memory_space<vmem>>
      %dma_start3A_125 = tpu.memref_squeeze %dma_start3A_124 : memref<1x2x128xi32, #tpu.memory_space<vmem>> -> memref<2x128xi32, #tpu.memory_space<vmem>>
      %dma_start3A_126 = arith.constant 0 : i32
      %dma_start3A_127 = arith.constant 0 : i32
      %dma_start3A_128 = tpu.memref_slice %arg3[%add3A, %add3A_120, %dma_start3A_126, %dma_start3A_127] : memref<32x162x2x128xi32, #tpu.memory_space<hbm>> -> memref<1x1x2x128xi32, #tpu.memory_space<hbm>>
      %dma_start3A_129 = tpu.memref_squeeze %dma_start3A_128 : memref<1x1x2x128xi32, #tpu.memory_space<hbm>> -> memref<2x128xi32, #tpu.memory_space<hbm>>
      %dma_start3A_130 = arith.constant 0 : i32
      %dma_start3A_131 = arith.constant 0 : i32
      %dma_start3A_132 = tpu.memref_slice %arg6[%dma_start3A_121, %dma_start3A_130, %dma_start3A_131] : memref<4x2x128xi32, #tpu.memory_space<vmem>> -> memref<1x2x128xi32, #tpu.memory_space<vmem>>
      %dma_start3A_133 = tpu.memref_squeeze %dma_start3A_132 : memref<1x2x128xi32, #tpu.memory_space<vmem>> -> memref<2x128xi32, #tpu.memory_space<vmem>>
      %dma_start3A_134 = arith.constant 0 : i32
      %dma_start3A_135 = arith.constant 0 : i32
      %dma_start3A_136 = tpu.memref_slice %arg3[%add3A, %add3A_120, %dma_start3A_134, %dma_start3A_135] : memref<32x162x2x128xi32, #tpu.memory_space<hbm>> -> memref<1x1x2x128xi32, #tpu.memory_space<hbm>>
      %dma_start3A_137 = tpu.memref_squeeze %dma_start3A_136 : memref<1x1x2x128xi32, #tpu.memory_space<hbm>> -> memref<2x128xi32, #tpu.memory_space<hbm>>
      tpu.enqueue_dma source(%dma_start3A_137 : memref<2x128xi32, #tpu.memory_space<hbm>>) target(%dma_start3A_133 : memref<2x128xi32, #tpu.memory_space<vmem>>) target_semaphore(%arg11 : memref<!tpu.dma_semaphore, #tpu.memory_space<semaphore_mem>>)
      %dma_wait3A_138 = arith.constant 0 : i32
      %dma_wait3A_139 = arith.constant 0 : i32
      %dma_wait3A_140 = arith.constant 0 : i32
      %dma_wait3A_141 = arith.constant 0 : i32
      %dma_wait3A_142 = tpu.memref_slice %arg6[%dma_wait3A_139, %dma_wait3A_140, %dma_wait3A_141] : memref<4x2x128xi32, #tpu.memory_space<vmem>> -> memref<1x2x128xi32, #tpu.memory_space<vmem>>
      %dma_wait3A_143 = tpu.memref_squeeze %dma_wait3A_142 : memref<1x2x128xi32, #tpu.memory_space<vmem>> -> memref<2x128xi32, #tpu.memory_space<vmem>>
      %dma_wait3A_144 = arith.constant 0 : i32
      %dma_wait3A_145 = arith.constant 0 : i32
      %dma_wait3A_146 = tpu.memref_slice %arg3[%add3A, %dma_wait3A_138, %dma_wait3A_144, %dma_wait3A_145] : memref<32x162x2x128xi32, #tpu.memory_space<hbm>> -> memref<1x1x2x128xi32, #tpu.memory_space<hbm>>
      %dma_wait3A_147 = tpu.memref_squeeze %dma_wait3A_146 : memref<1x1x2x128xi32, #tpu.memory_space<hbm>> -> memref<2x128xi32, #tpu.memory_space<hbm>>
      %dma_wait3A_148 = arith.constant 0 : i32
      %dma_wait3A_149 = arith.constant 0 : i32
      %dma_wait3A_150 = tpu.memref_slice %arg6[%dma_wait3A_139, %dma_wait3A_148, %dma_wait3A_149] : memref<4x2x128xi32, #tpu.memory_space<vmem>> -> memref<1x2x128xi32, #tpu.memory_space<vmem>>
      %dma_wait3A_151 = tpu.memref_squeeze %dma_wait3A_150 : memref<1x2x128xi32, #tpu.memory_space<vmem>> -> memref<2x128xi32, #tpu.memory_space<vmem>>
      %dma_wait3A_152 = arith.constant 0 : i32
      %dma_wait3A_153 = arith.constant 0 : i32
      %dma_wait3A_154 = tpu.memref_slice %arg3[%add3A, %dma_wait3A_138, %dma_wait3A_152, %dma_wait3A_153] : memref<32x162x2x128xi32, #tpu.memory_space<hbm>> -> memref<1x1x2x128xi32, #tpu.memory_space<hbm>>
      %dma_wait3A_155 = tpu.memref_squeeze %dma_wait3A_154 : memref<1x1x2x128xi32, #tpu.memory_space<hbm>> -> memref<2x128xi32, #tpu.memory_space<hbm>>
      tpu.wait_dma2 semaphore(%arg9 : memref<!tpu.dma_semaphore, #tpu.memory_space<semaphore_mem>>) src(%dma_wait3A_155 : memref<2x128xi32, #tpu.memory_space<hbm>>) dst(%dma_wait3A_151 : memref<2x128xi32, #tpu.memory_space<vmem>>)
      %dma_start3A_156 = arith.constant 0 : i32
      %dma_start3A_157 = arith.constant 0 : i32
      %dma_start3A_158 = arith.constant 0 : i32
      %dma_start3A_159 = arith.constant 0 : i32
      %dma_start3A_160 = arith.constant 0 : i32
      %dma_start3A_161 = tpu.memref_slice %arg7[%dma_start3A_158, %dma_start3A_159, %dma_start3A_160] : memref<2x128x128xf32, #tpu.memory_space<vmem>> -> memref<1x128x128xf32, #tpu.memory_space<vmem>>
      %dma_start3A_162 = tpu.memref_squeeze %dma_start3A_161 : memref<1x128x128xf32, #tpu.memory_space<vmem>> -> memref<128x128xf32, #tpu.memory_space<vmem>>
      %dma_start3A_163 = arith.constant 0 : i32
      %dma_start3A_164 = tpu.memref_slice %arg6[%dma_start3A_156, %dma_start3A_157, %dma_start3A_163] : memref<4x2x128xi32, #tpu.memory_space<vmem>> -> memref<1x1x128xi32, #tpu.memory_space<vmem>>
      %dma_start3A_165 = tpu.memref_squeeze %dma_start3A_164 : memref<1x1x128xi32, #tpu.memory_space<vmem>> -> memref<128xi32, #tpu.memory_space<vmem>>
      %dma_start3A_166 = arith.constant 0 : i32
      %dma_start3A_167 = arith.constant 0 : i32
      %dma_start3A_168 = tpu.memref_slice %arg2[%dma_start3A_166, %dma_start3A_167] : memref<20480x128xf32, #tpu.memory_space<hbm>> -> memref<20480x128xf32, #tpu.memory_space<hbm>>
      tpu.enqueue_indirect_dma source(%dma_start3A_168 : memref<20480x128xf32, #tpu.memory_space<hbm>>) target(%dma_start3A_162 : memref<128x128xf32, #tpu.memory_space<vmem>>) offsets(%dma_start3A_165 : memref<128xi32, #tpu.memory_space<vmem>>) semaphore(%arg13 : memref<!tpu.dma_semaphore, #tpu.memory_space<semaphore_mem>>)
      %dma_wait3A_169 = arith.constant 0 : i32
      %dma_wait3A_170 = arith.constant 0 : i32
      %dma_wait3A_171 = arith.constant 0 : i32
      %dma_wait3A_172 = arith.constant 0 : i32
      %dma_wait3A_173 = arith.constant 0 : i32
      %dma_wait3A_174 = tpu.memref_slice %arg7[%dma_wait3A_171, %dma_wait3A_172, %dma_wait3A_173] : memref<2x128x128xf32, #tpu.memory_space<vmem>> -> memref<1x128x128xf32, #tpu.memory_space<vmem>>
      %dma_wait3A_175 = tpu.memref_squeeze %dma_wait3A_174 : memref<1x128x128xf32, #tpu.memory_space<vmem>> -> memref<128x128xf32, #tpu.memory_space<vmem>>
      %dma_wait3A_176 = arith.constant 0 : i32
      %dma_wait3A_177 = tpu.memref_slice %arg6[%dma_wait3A_169, %dma_wait3A_170, %dma_wait3A_176] : memref<4x2x128xi32, #tpu.memory_space<vmem>> -> memref<1x1x128xi32, #tpu.memory_space<vmem>>
      %dma_wait3A_178 = tpu.memref_squeeze %dma_wait3A_177 : memref<1x1x128xi32, #tpu.memory_space<vmem>> -> memref<128xi32, #tpu.memory_space<vmem>>
      %dma_wait3A_179 = arith.constant 0 : i32
      %dma_wait3A_180 = arith.constant 0 : i32
      %dma_wait3A_181 = tpu.memref_slice %arg2[%dma_wait3A_179, %dma_wait3A_180] : memref<20480x128xf32, #tpu.memory_space<hbm>> -> memref<20480x128xf32, #tpu.memory_space<hbm>>
      tpu.wait_indirect_dma semaphore(%arg13 : memref<!tpu.dma_semaphore, #tpu.memory_space<semaphore_mem>>) src(%dma_wait3A_181 : memref<20480x128xf32, #tpu.memory_space<hbm>>) dst(%dma_wait3A_175 : memref<128x128xf32, #tpu.memory_space<vmem>>)
      %dma_start3A_182 = arith.constant 0 : i32
      %dma_start3A_183 = arith.constant 0 : i32
      %dma_start3A_184 = arith.constant 1 : i32
      %dma_start3A_185 = arith.constant 0 : i32
      %dma_start3A_186 = arith.constant 0 : i32
      %dma_start3A_187 = tpu.memref_slice %arg7[%dma_start3A_182, %dma_start3A_185, %dma_start3A_186] : memref<2x128x128xf32, #tpu.memory_space<vmem>> -> memref<1x128x128xf32, #tpu.memory_space<vmem>>
      %dma_start3A_188 = tpu.memref_squeeze %dma_start3A_187 : memref<1x128x128xf32, #tpu.memory_space<vmem>> -> memref<128x128xf32, #tpu.memory_space<vmem>>
      %dma_start3A_189 = arith.constant 0 : i32
      %dma_start3A_190 = tpu.memref_slice %arg6[%dma_start3A_183, %dma_start3A_184, %dma_start3A_189] : memref<4x2x128xi32, #tpu.memory_space<vmem>> -> memref<1x1x128xi32, #tpu.memory_space<vmem>>
      %dma_start3A_191 = tpu.memref_squeeze %dma_start3A_190 : memref<1x1x128xi32, #tpu.memory_space<vmem>> -> memref<128xi32, #tpu.memory_space<vmem>>
      %dma_start3A_192 = arith.constant 0 : i32
      %dma_start3A_193 = arith.constant 0 : i32
      %dma_start3A_194 = tpu.memref_slice %arg8[%dma_start3A_192, %dma_start3A_193] : memref<10240x128xf32, #tpu.memory_space<vmem_shared>> -> memref<10240x128xf32, #tpu.memory_space<vmem_shared>>
      tpu.enqueue_indirect_dma source(%dma_start3A_188 : memref<128x128xf32, #tpu.memory_space<vmem>>) target(%dma_start3A_194 : memref<10240x128xf32, #tpu.memory_space<vmem_shared>>) offsets(%dma_start3A_191 : memref<128xi32, #tpu.memory_space<vmem>>) semaphore(%arg15 : memref<!tpu.dma_semaphore, #tpu.memory_space<semaphore_mem>>) {add = true}
      %gt3A_195 = arith.constant 0 : i32
      %gt3A_196 = arith.cmpi sgt, %scan3A_112, %gt3A_195 : i32
      %convert_element_type3A_197 = arith.extui %gt3A_196 : i1 to i32
      %cond3A_198 = arith.constant 0 : i32
      %cond3A_199 = arith.cmpi ne, %convert_element_type3A_197, %cond3A_198 : i32
      scf.if %cond3A_199 {
        %dma_wait3A_460 = arith.constant 1 : i32
        %dma_wait3A_461 = arith.constant 3 : i32
        %dma_wait3A_462 = arith.constant 1 : i32
        %dma_wait3A_463 = arith.constant 0 : i32
        %dma_wait3A_464 = arith.constant 0 : i32
        %dma_wait3A_465 = tpu.memref_slice %arg7[%dma_wait3A_460, %dma_wait3A_463, %dma_wait3A_464] : memref<2x128x128xf32, #tpu.memory_space<vmem>> -> memref<1x128x128xf32, #tpu.memory_space<vmem>>
        %dma_wait3A_466 = tpu.memref_squeeze %dma_wait3A_465 : memref<1x128x128xf32, #tpu.memory_space<vmem>> -> memref<128x128xf32, #tpu.memory_space<vmem>>
        %dma_wait3A_467 = arith.constant 0 : i32
        %dma_wait3A_468 = tpu.memref_slice %arg6[%dma_wait3A_461, %dma_wait3A_462, %dma_wait3A_467] : memref<4x2x128xi32, #tpu.memory_space<vmem>> -> memref<1x1x128xi32, #tpu.memory_space<vmem>>
        %dma_wait3A_469 = tpu.memref_squeeze %dma_wait3A_468 : memref<1x1x128xi32, #tpu.memory_space<vmem>> -> memref<128xi32, #tpu.memory_space<vmem>>
        %dma_wait3A_470 = arith.constant 0 : i32
        %dma_wait3A_471 = arith.constant 0 : i32
        %dma_wait3A_472 = tpu.memref_slice %arg8[%dma_wait3A_470, %dma_wait3A_471] : memref<10240x128xf32, #tpu.memory_space<vmem_shared>> -> memref<10240x128xf32, #tpu.memory_space<vmem_shared>>
        tpu.wait_indirect_dma semaphore(%arg16 : memref<!tpu.dma_semaphore, #tpu.memory_space<semaphore_mem>>) src(%dma_wait3A_466 : memref<128x128xf32, #tpu.memory_space<vmem>>) dst(%dma_wait3A_472 : memref<10240x128xf32, #tpu.memory_space<vmem_shared>>)
      } else {
      }
      %add3A_200 = arith.constant 1 : i32
      %add3A_201 = arith.addi %mul3A_114, %add3A_200 : i32
      %add3A_202 = arith.constant 2 : i32
      %add3A_203 = arith.addi %add3A_201, %add3A_202 : i32
      %dma_start3A_204 = arith.constant 3 : i32
      %dma_start3A_205 = arith.constant 0 : i32
      %dma_start3A_206 = arith.constant 0 : i32
      %dma_start3A_207 = tpu.memref_slice %arg6[%dma_start3A_204, %dma_start3A_205, %dma_start3A_206] : memref<4x2x128xi32, #tpu.memory_space<vmem>> -> memref<1x2x128xi32, #tpu.memory_space<vmem>>
      %dma_start3A_208 = tpu.memref_squeeze %dma_start3A_207 : memref<1x2x128xi32, #tpu.memory_space<vmem>> -> memref<2x128xi32, #tpu.memory_space<vmem>>
      %dma_start3A_209 = arith.constant 0 : i32
      %dma_start3A_210 = arith.constant 0 : i32
      %dma_start3A_211 = tpu.memref_slice %arg3[%add3A, %add3A_203, %dma_start3A_209, %dma_start3A_210] : memref<32x162x2x128xi32, #tpu.memory_space<hbm>> -> memref<1x1x2x128xi32, #tpu.memory_space<hbm>>
      %dma_start3A_212 = tpu.memref_squeeze %dma_start3A_211 : memref<1x1x2x128xi32, #tpu.memory_space<hbm>> -> memref<2x128xi32, #tpu.memory_space<hbm>>
      %dma_start3A_213 = arith.constant 0 : i32
      %dma_start3A_214 = arith.constant 0 : i32
      %dma_start3A_215 = tpu.memref_slice %arg6[%dma_start3A_204, %dma_start3A_213, %dma_start3A_214] : memref<4x2x128xi32, #tpu.memory_space<vmem>> -> memref<1x2x128xi32, #tpu.memory_space<vmem>>
      %dma_start3A_216 = tpu.memref_squeeze %dma_start3A_215 : memref<1x2x128xi32, #tpu.memory_space<vmem>> -> memref<2x128xi32, #tpu.memory_space<vmem>>
      %dma_start3A_217 = arith.constant 0 : i32
      %dma_start3A_218 = arith.constant 0 : i32
      %dma_start3A_219 = tpu.memref_slice %arg3[%add3A, %add3A_203, %dma_start3A_217, %dma_start3A_218] : memref<32x162x2x128xi32, #tpu.memory_space<hbm>> -> memref<1x1x2x128xi32, #tpu.memory_space<hbm>>
      %dma_start3A_220 = tpu.memref_squeeze %dma_start3A_219 : memref<1x1x2x128xi32, #tpu.memory_space<hbm>> -> memref<2x128xi32, #tpu.memory_space<hbm>>
      tpu.enqueue_dma source(%dma_start3A_220 : memref<2x128xi32, #tpu.memory_space<hbm>>) target(%dma_start3A_216 : memref<2x128xi32, #tpu.memory_space<vmem>>) target_semaphore(%arg12 : memref<!tpu.dma_semaphore, #tpu.memory_space<semaphore_mem>>)
      %dma_wait3A_221 = arith.constant 0 : i32
      %dma_wait3A_222 = arith.constant 1 : i32
      %dma_wait3A_223 = arith.constant 0 : i32
      %dma_wait3A_224 = arith.constant 0 : i32
      %dma_wait3A_225 = tpu.memref_slice %arg6[%dma_wait3A_222, %dma_wait3A_223, %dma_wait3A_224] : memref<4x2x128xi32, #tpu.memory_space<vmem>> -> memref<1x2x128xi32, #tpu.memory_space<vmem>>
      %dma_wait3A_226 = tpu.memref_squeeze %dma_wait3A_225 : memref<1x2x128xi32, #tpu.memory_space<vmem>> -> memref<2x128xi32, #tpu.memory_space<vmem>>
      %dma_wait3A_227 = arith.constant 0 : i32
      %dma_wait3A_228 = arith.constant 0 : i32
      %dma_wait3A_229 = tpu.memref_slice %arg3[%add3A, %dma_wait3A_221, %dma_wait3A_227, %dma_wait3A_228] : memref<32x162x2x128xi32, #tpu.memory_space<hbm>> -> memref<1x1x2x128xi32, #tpu.memory_space<hbm>>
      %dma_wait3A_230 = tpu.memref_squeeze %dma_wait3A_229 : memref<1x1x2x128xi32, #tpu.memory_space<hbm>> -> memref<2x128xi32, #tpu.memory_space<hbm>>
      %dma_wait3A_231 = arith.constant 0 : i32
      %dma_wait3A_232 = arith.constant 0 : i32
      %dma_wait3A_233 = tpu.memref_slice %arg6[%dma_wait3A_222, %dma_wait3A_231, %dma_wait3A_232] : memref<4x2x128xi32, #tpu.memory_space<vmem>> -> memref<1x2x128xi32, #tpu.memory_space<vmem>>
      %dma_wait3A_234 = tpu.memref_squeeze %dma_wait3A_233 : memref<1x2x128xi32, #tpu.memory_space<vmem>> -> memref<2x128xi32, #tpu.memory_space<vmem>>
      %dma_wait3A_235 = arith.constant 0 : i32
      %dma_wait3A_236 = arith.constant 0 : i32
      %dma_wait3A_237 = tpu.memref_slice %arg3[%add3A, %dma_wait3A_221, %dma_wait3A_235, %dma_wait3A_236] : memref<32x162x2x128xi32, #tpu.memory_space<hbm>> -> memref<1x1x2x128xi32, #tpu.memory_space<hbm>>
      %dma_wait3A_238 = tpu.memref_squeeze %dma_wait3A_237 : memref<1x1x2x128xi32, #tpu.memory_space<hbm>> -> memref<2x128xi32, #tpu.memory_space<hbm>>
      tpu.wait_dma2 semaphore(%arg10 : memref<!tpu.dma_semaphore, #tpu.memory_space<semaphore_mem>>) src(%dma_wait3A_238 : memref<2x128xi32, #tpu.memory_space<hbm>>) dst(%dma_wait3A_234 : memref<2x128xi32, #tpu.memory_space<vmem>>)
      %dma_start3A_239 = arith.constant 1 : i32
      %dma_start3A_240 = arith.constant 0 : i32
      %dma_start3A_241 = arith.constant 1 : i32
      %dma_start3A_242 = arith.constant 0 : i32
      %dma_start3A_243 = arith.constant 0 : i32
      %dma_start3A_244 = tpu.memref_slice %arg7[%dma_start3A_241, %dma_start3A_242, %dma_start3A_243] : memref<2x128x128xf32, #tpu.memory_space<vmem>> -> memref<1x128x128xf32, #tpu.memory_space<vmem>>
      %dma_start3A_245 = tpu.memref_squeeze %dma_start3A_244 : memref<1x128x128xf32, #tpu.memory_space<vmem>> -> memref<128x128xf32, #tpu.memory_space<vmem>>
      %dma_start3A_246 = arith.constant 0 : i32
      %dma_start3A_247 = tpu.memref_slice %arg6[%dma_start3A_239, %dma_start3A_240, %dma_start3A_246] : memref<4x2x128xi32, #tpu.memory_space<vmem>> -> memref<1x1x128xi32, #tpu.memory_space<vmem>>
      %dma_start3A_248 = tpu.memref_squeeze %dma_start3A_247 : memref<1x1x128xi32, #tpu.memory_space<vmem>> -> memref<128xi32, #tpu.memory_space<vmem>>
      %dma_start3A_249 = arith.constant 0 : i32
      %dma_start3A_250 = arith.constant 0 : i32
      %dma_start3A_251 = tpu.memref_slice %arg2[%dma_start3A_249, %dma_start3A_250] : memref<20480x128xf32, #tpu.memory_space<hbm>> -> memref<20480x128xf32, #tpu.memory_space<hbm>>
      tpu.enqueue_indirect_dma source(%dma_start3A_251 : memref<20480x128xf32, #tpu.memory_space<hbm>>) target(%dma_start3A_245 : memref<128x128xf32, #tpu.memory_space<vmem>>) offsets(%dma_start3A_248 : memref<128xi32, #tpu.memory_space<vmem>>) semaphore(%arg14 : memref<!tpu.dma_semaphore, #tpu.memory_space<semaphore_mem>>)
      %dma_wait3A_252 = arith.constant 1 : i32
      %dma_wait3A_253 = arith.constant 0 : i32
      %dma_wait3A_254 = arith.constant 1 : i32
      %dma_wait3A_255 = arith.constant 0 : i32
      %dma_wait3A_256 = arith.constant 0 : i32
      %dma_wait3A_257 = tpu.memref_slice %arg7[%dma_wait3A_254, %dma_wait3A_255, %dma_wait3A_256] : memref<2x128x128xf32, #tpu.memory_space<vmem>> -> memref<1x128x128xf32, #tpu.memory_space<vmem>>
      %dma_wait3A_258 = tpu.memref_squeeze %dma_wait3A_257 : memref<1x128x128xf32, #tpu.memory_space<vmem>> -> memref<128x128xf32, #tpu.memory_space<vmem>>
      %dma_wait3A_259 = arith.constant 0 : i32
      %dma_wait3A_260 = tpu.memref_slice %arg6[%dma_wait3A_252, %dma_wait3A_253, %dma_wait3A_259] : memref<4x2x128xi32, #tpu.memory_space<vmem>> -> memref<1x1x128xi32, #tpu.memory_space<vmem>>
      %dma_wait3A_261 = tpu.memref_squeeze %dma_wait3A_260 : memref<1x1x128xi32, #tpu.memory_space<vmem>> -> memref<128xi32, #tpu.memory_space<vmem>>
      %dma_wait3A_262 = arith.constant 0 : i32
      %dma_wait3A_263 = arith.constant 0 : i32
      %dma_wait3A_264 = tpu.memref_slice %arg2[%dma_wait3A_262, %dma_wait3A_263] : memref<20480x128xf32, #tpu.memory_space<hbm>> -> memref<20480x128xf32, #tpu.memory_space<hbm>>
      tpu.wait_indirect_dma semaphore(%arg14 : memref<!tpu.dma_semaphore, #tpu.memory_space<semaphore_mem>>) src(%dma_wait3A_264 : memref<20480x128xf32, #tpu.memory_space<hbm>>) dst(%dma_wait3A_258 : memref<128x128xf32, #tpu.memory_space<vmem>>)
      %dma_start3A_265 = arith.constant 1 : i32
      %dma_start3A_266 = arith.constant 1 : i32
      %dma_start3A_267 = arith.constant 1 : i32
      %dma_start3A_268 = arith.constant 0 : i32
      %dma_start3A_269 = arith.constant 0 : i32
      %dma_start3A_270 = tpu.memref_slice %arg7[%dma_start3A_265, %dma_start3A_268, %dma_start3A_269] : memref<2x128x128xf32, #tpu.memory_space<vmem>> -> memref<1x128x128xf32, #tpu.memory_space<vmem>>
      %dma_start3A_271 = tpu.memref_squeeze %dma_start3A_270 : memref<1x128x128xf32, #tpu.memory_space<vmem>> -> memref<128x128xf32, #tpu.memory_space<vmem>>
      %dma_start3A_272 = arith.constant 0 : i32
      %dma_start3A_273 = tpu.memref_slice %arg6[%dma_start3A_266, %dma_start3A_267, %dma_start3A_272] : memref<4x2x128xi32, #tpu.memory_space<vmem>> -> memref<1x1x128xi32, #tpu.memory_space<vmem>>
      %dma_start3A_274 = tpu.memref_squeeze %dma_start3A_273 : memref<1x1x128xi32, #tpu.memory_space<vmem>> -> memref<128xi32, #tpu.memory_space<vmem>>
      %dma_start3A_275 = arith.constant 0 : i32
      %dma_start3A_276 = arith.constant 0 : i32
      %dma_start3A_277 = tpu.memref_slice %arg8[%dma_start3A_275, %dma_start3A_276] : memref<10240x128xf32, #tpu.memory_space<vmem_shared>> -> memref<10240x128xf32, #tpu.memory_space<vmem_shared>>
      tpu.enqueue_indirect_dma source(%dma_start3A_271 : memref<128x128xf32, #tpu.memory_space<vmem>>) target(%dma_start3A_277 : memref<10240x128xf32, #tpu.memory_space<vmem_shared>>) offsets(%dma_start3A_274 : memref<128xi32, #tpu.memory_space<vmem>>) semaphore(%arg16 : memref<!tpu.dma_semaphore, #tpu.memory_space<semaphore_mem>>) {add = true}
      %dma_wait3A_278 = arith.constant 0 : i32
      %dma_wait3A_279 = arith.constant 0 : i32
      %dma_wait3A_280 = arith.constant 1 : i32
      %dma_wait3A_281 = arith.constant 0 : i32
      %dma_wait3A_282 = arith.constant 0 : i32
      %dma_wait3A_283 = tpu.memref_slice %arg7[%dma_wait3A_278, %dma_wait3A_281, %dma_wait3A_282] : memref<2x128x128xf32, #tpu.memory_space<vmem>> -> memref<1x128x128xf32, #tpu.memory_space<vmem>>
      %dma_wait3A_284 = tpu.memref_squeeze %dma_wait3A_283 : memref<1x128x128xf32, #tpu.memory_space<vmem>> -> memref<128x128xf32, #tpu.memory_space<vmem>>
      %dma_wait3A_285 = arith.constant 0 : i32
      %dma_wait3A_286 = tpu.memref_slice %arg6[%dma_wait3A_279, %dma_wait3A_280, %dma_wait3A_285] : memref<4x2x128xi32, #tpu.memory_space<vmem>> -> memref<1x1x128xi32, #tpu.memory_space<vmem>>
      %dma_wait3A_287 = tpu.memref_squeeze %dma_wait3A_286 : memref<1x1x128xi32, #tpu.memory_space<vmem>> -> memref<128xi32, #tpu.memory_space<vmem>>
      %dma_wait3A_288 = arith.constant 0 : i32
      %dma_wait3A_289 = arith.constant 0 : i32
      %dma_wait3A_290 = tpu.memref_slice %arg8[%dma_wait3A_288, %dma_wait3A_289] : memref<10240x128xf32, #tpu.memory_space<vmem_shared>> -> memref<10240x128xf32, #tpu.memory_space<vmem_shared>>
      tpu.wait_indirect_dma semaphore(%arg15 : memref<!tpu.dma_semaphore, #tpu.memory_space<semaphore_mem>>) src(%dma_wait3A_284 : memref<128x128xf32, #tpu.memory_space<vmem>>) dst(%dma_wait3A_290 : memref<10240x128xf32, #tpu.memory_space<vmem_shared>>)
      %add3A_291 = arith.constant 2 : i32
      %add3A_292 = arith.addi %mul3A_114, %add3A_291 : i32
      %add3A_293 = arith.constant 2 : i32
      %add3A_294 = arith.addi %add3A_292, %add3A_293 : i32
      %dma_start3A_295 = arith.constant 0 : i32
      %dma_start3A_296 = arith.constant 0 : i32
      %dma_start3A_297 = arith.constant 0 : i32
      %dma_start3A_298 = tpu.memref_slice %arg6[%dma_start3A_295, %dma_start3A_296, %dma_start3A_297] : memref<4x2x128xi32, #tpu.memory_space<vmem>> -> memref<1x2x128xi32, #tpu.memory_space<vmem>>
      %dma_start3A_299 = tpu.memref_squeeze %dma_start3A_298 : memref<1x2x128xi32, #tpu.memory_space<vmem>> -> memref<2x128xi32, #tpu.memory_space<vmem>>
      %dma_start3A_300 = arith.constant 0 : i32
      %dma_start3A_301 = arith.constant 0 : i32
      %dma_start3A_302 = tpu.memref_slice %arg3[%add3A, %add3A_294, %dma_start3A_300, %dma_start3A_301] : memref<32x162x2x128xi32, #tpu.memory_space<hbm>> -> memref<1x1x2x128xi32, #tpu.memory_space<hbm>>
      %dma_start3A_303 = tpu.memref_squeeze %dma_start3A_302 : memref<1x1x2x128xi32, #tpu.memory_space<hbm>> -> memref<2x128xi32, #tpu.memory_space<hbm>>
      %dma_start3A_304 = arith.constant 0 : i32
      %dma_start3A_305 = arith.constant 0 : i32
      %dma_start3A_306 = tpu.memref_slice %arg6[%dma_start3A_295, %dma_start3A_304, %dma_start3A_305] : memref<4x2x128xi32, #tpu.memory_space<vmem>> -> memref<1x2x128xi32, #tpu.memory_space<vmem>>
      %dma_start3A_307 = tpu.memref_squeeze %dma_start3A_306 : memref<1x2x128xi32, #tpu.memory_space<vmem>> -> memref<2x128xi32, #tpu.memory_space<vmem>>
      %dma_start3A_308 = arith.constant 0 : i32
      %dma_start3A_309 = arith.constant 0 : i32
      %dma_start3A_310 = tpu.memref_slice %arg3[%add3A, %add3A_294, %dma_start3A_308, %dma_start3A_309] : memref<32x162x2x128xi32, #tpu.memory_space<hbm>> -> memref<1x1x2x128xi32, #tpu.memory_space<hbm>>
      %dma_start3A_311 = tpu.memref_squeeze %dma_start3A_310 : memref<1x1x2x128xi32, #tpu.memory_space<hbm>> -> memref<2x128xi32, #tpu.memory_space<hbm>>
      tpu.enqueue_dma source(%dma_start3A_311 : memref<2x128xi32, #tpu.memory_space<hbm>>) target(%dma_start3A_307 : memref<2x128xi32, #tpu.memory_space<vmem>>) target_semaphore(%arg9 : memref<!tpu.dma_semaphore, #tpu.memory_space<semaphore_mem>>)
      %dma_wait3A_312 = arith.constant 0 : i32
      %dma_wait3A_313 = arith.constant 2 : i32
      %dma_wait3A_314 = arith.constant 0 : i32
      %dma_wait3A_315 = arith.constant 0 : i32
      %dma_wait3A_316 = tpu.memref_slice %arg6[%dma_wait3A_313, %dma_wait3A_314, %dma_wait3A_315] : memref<4x2x128xi32, #tpu.memory_space<vmem>> -> memref<1x2x128xi32, #tpu.memory_space<vmem>>
      %dma_wait3A_317 = tpu.memref_squeeze %dma_wait3A_316 : memref<1x2x128xi32, #tpu.memory_space<vmem>> -> memref<2x128xi32, #tpu.memory_space<vmem>>
      %dma_wait3A_318 = arith.constant 0 : i32
      %dma_wait3A_319 = arith.constant 0 : i32
      %dma_wait3A_320 = tpu.memref_slice %arg3[%add3A, %dma_wait3A_312, %dma_wait3A_318, %dma_wait3A_319] : memref<32x162x2x128xi32, #tpu.memory_space<hbm>> -> memref<1x1x2x128xi32, #tpu.memory_space<hbm>>
      %dma_wait3A_321 = tpu.memref_squeeze %dma_wait3A_320 : memref<1x1x2x128xi32, #tpu.memory_space<hbm>> -> memref<2x128xi32, #tpu.memory_space<hbm>>
      %dma_wait3A_322 = arith.constant 0 : i32
      %dma_wait3A_323 = arith.constant 0 : i32
      %dma_wait3A_324 = tpu.memref_slice %arg6[%dma_wait3A_313, %dma_wait3A_322, %dma_wait3A_323] : memref<4x2x128xi32, #tpu.memory_space<vmem>> -> memref<1x2x128xi32, #tpu.memory_space<vmem>>
      %dma_wait3A_325 = tpu.memref_squeeze %dma_wait3A_324 : memref<1x2x128xi32, #tpu.memory_space<vmem>> -> memref<2x128xi32, #tpu.memory_space<vmem>>
      %dma_wait3A_326 = arith.constant 0 : i32
      %dma_wait3A_327 = arith.constant 0 : i32
      %dma_wait3A_328 = tpu.memref_slice %arg3[%add3A, %dma_wait3A_312, %dma_wait3A_326, %dma_wait3A_327] : memref<32x162x2x128xi32, #tpu.memory_space<hbm>> -> memref<1x1x2x128xi32, #tpu.memory_space<hbm>>
      %dma_wait3A_329 = tpu.memref_squeeze %dma_wait3A_328 : memref<1x1x2x128xi32, #tpu.memory_space<hbm>> -> memref<2x128xi32, #tpu.memory_space<hbm>>
      tpu.wait_dma2 semaphore(%arg11 : memref<!tpu.dma_semaphore, #tpu.memory_space<semaphore_mem>>) src(%dma_wait3A_329 : memref<2x128xi32, #tpu.memory_space<hbm>>) dst(%dma_wait3A_325 : memref<2x128xi32, #tpu.memory_space<vmem>>)
      %dma_start3A_330 = arith.constant 2 : i32
      %dma_start3A_331 = arith.constant 0 : i32
      %dma_start3A_332 = arith.constant 0 : i32
      %dma_start3A_333 = arith.constant 0 : i32
      %dma_start3A_334 = arith.constant 0 : i32
      %dma_start3A_335 = tpu.memref_slice %arg7[%dma_start3A_332, %dma_start3A_333, %dma_start3A_334] : memref<2x128x128xf32, #tpu.memory_space<vmem>> -> memref<1x128x128xf32, #tpu.memory_space<vmem>>
      %dma_start3A_336 = tpu.memref_squeeze %dma_start3A_335 : memref<1x128x128xf32, #tpu.memory_space<vmem>> -> memref<128x128xf32, #tpu.memory_space<vmem>>
      %dma_start3A_337 = arith.constant 0 : i32
      %dma_start3A_338 = tpu.memref_slice %arg6[%dma_start3A_330, %dma_start3A_331, %dma_start3A_337] : memref<4x2x128xi32, #tpu.memory_space<vmem>> -> memref<1x1x128xi32, #tpu.memory_space<vmem>>
      %dma_start3A_339 = tpu.memref_squeeze %dma_start3A_338 : memref<1x1x128xi32, #tpu.memory_space<vmem>> -> memref<128xi32, #tpu.memory_space<vmem>>
      %dma_start3A_340 = arith.constant 0 : i32
      %dma_start3A_341 = arith.constant 0 : i32
      %dma_start3A_342 = tpu.memref_slice %arg2[%dma_start3A_340, %dma_start3A_341] : memref<20480x128xf32, #tpu.memory_space<hbm>> -> memref<20480x128xf32, #tpu.memory_space<hbm>>
      tpu.enqueue_indirect_dma source(%dma_start3A_342 : memref<20480x128xf32, #tpu.memory_space<hbm>>) target(%dma_start3A_336 : memref<128x128xf32, #tpu.memory_space<vmem>>) offsets(%dma_start3A_339 : memref<128xi32, #tpu.memory_space<vmem>>) semaphore(%arg13 : memref<!tpu.dma_semaphore, #tpu.memory_space<semaphore_mem>>)
      %dma_wait3A_343 = arith.constant 2 : i32
      %dma_wait3A_344 = arith.constant 0 : i32
      %dma_wait3A_345 = arith.constant 0 : i32
      %dma_wait3A_346 = arith.constant 0 : i32
      %dma_wait3A_347 = arith.constant 0 : i32
      %dma_wait3A_348 = tpu.memref_slice %arg7[%dma_wait3A_345, %dma_wait3A_346, %dma_wait3A_347] : memref<2x128x128xf32, #tpu.memory_space<vmem>> -> memref<1x128x128xf32, #tpu.memory_space<vmem>>
      %dma_wait3A_349 = tpu.memref_squeeze %dma_wait3A_348 : memref<1x128x128xf32, #tpu.memory_space<vmem>> -> memref<128x128xf32, #tpu.memory_space<vmem>>
      %dma_wait3A_350 = arith.constant 0 : i32
      %dma_wait3A_351 = tpu.memref_slice %arg6[%dma_wait3A_343, %dma_wait3A_344, %dma_wait3A_350] : memref<4x2x128xi32, #tpu.memory_space<vmem>> -> memref<1x1x128xi32, #tpu.memory_space<vmem>>
      %dma_wait3A_352 = tpu.memref_squeeze %dma_wait3A_351 : memref<1x1x128xi32, #tpu.memory_space<vmem>> -> memref<128xi32, #tpu.memory_space<vmem>>
      %dma_wait3A_353 = arith.constant 0 : i32
      %dma_wait3A_354 = arith.constant 0 : i32
      %dma_wait3A_355 = tpu.memref_slice %arg2[%dma_wait3A_353, %dma_wait3A_354] : memref<20480x128xf32, #tpu.memory_space<hbm>> -> memref<20480x128xf32, #tpu.memory_space<hbm>>
      tpu.wait_indirect_dma semaphore(%arg13 : memref<!tpu.dma_semaphore, #tpu.memory_space<semaphore_mem>>) src(%dma_wait3A_355 : memref<20480x128xf32, #tpu.memory_space<hbm>>) dst(%dma_wait3A_349 : memref<128x128xf32, #tpu.memory_space<vmem>>)
      %dma_start3A_356 = arith.constant 0 : i32
      %dma_start3A_357 = arith.constant 2 : i32
      %dma_start3A_358 = arith.constant 1 : i32
      %dma_start3A_359 = arith.constant 0 : i32
      %dma_start3A_360 = arith.constant 0 : i32
      %dma_start3A_361 = tpu.memref_slice %arg7[%dma_start3A_356, %dma_start3A_359, %dma_start3A_360] : memref<2x128x128xf32, #tpu.memory_space<vmem>> -> memref<1x128x128xf32, #tpu.memory_space<vmem>>
      %dma_start3A_362 = tpu.memref_squeeze %dma_start3A_361 : memref<1x128x128xf32, #tpu.memory_space<vmem>> -> memref<128x128xf32, #tpu.memory_space<vmem>>
      %dma_start3A_363 = arith.constant 0 : i32
      %dma_start3A_364 = tpu.memref_slice %arg6[%dma_start3A_357, %dma_start3A_358, %dma_start3A_363] : memref<4x2x128xi32, #tpu.memory_space<vmem>> -> memref<1x1x128xi32, #tpu.memory_space<vmem>>
      %dma_start3A_365 = tpu.memref_squeeze %dma_start3A_364 : memref<1x1x128xi32, #tpu.memory_space<vmem>> -> memref<128xi32, #tpu.memory_space<vmem>>
      %dma_start3A_366 = arith.constant 0 : i32
      %dma_start3A_367 = arith.constant 0 : i32
      %dma_start3A_368 = tpu.memref_slice %arg8[%dma_start3A_366, %dma_start3A_367] : memref<10240x128xf32, #tpu.memory_space<vmem_shared>> -> memref<10240x128xf32, #tpu.memory_space<vmem_shared>>
      tpu.enqueue_indirect_dma source(%dma_start3A_362 : memref<128x128xf32, #tpu.memory_space<vmem>>) target(%dma_start3A_368 : memref<10240x128xf32, #tpu.memory_space<vmem_shared>>) offsets(%dma_start3A_365 : memref<128xi32, #tpu.memory_space<vmem>>) semaphore(%arg15 : memref<!tpu.dma_semaphore, #tpu.memory_space<semaphore_mem>>) {add = true}
      %dma_wait3A_369 = arith.constant 1 : i32
      %dma_wait3A_370 = arith.constant 1 : i32
      %dma_wait3A_371 = arith.constant 1 : i32
      %dma_wait3A_372 = arith.constant 0 : i32
      %dma_wait3A_373 = arith.constant 0 : i32
      %dma_wait3A_374 = tpu.memref_slice %arg7[%dma_wait3A_369, %dma_wait3A_372, %dma_wait3A_373] : memref<2x128x128xf32, #tpu.memory_space<vmem>> -> memref<1x128x128xf32, #tpu.memory_space<vmem>>
      %dma_wait3A_375 = tpu.memref_squeeze %dma_wait3A_374 : memref<1x128x128xf32, #tpu.memory_space<vmem>> -> memref<128x128xf32, #tpu.memory_space<vmem>>
      %dma_wait3A_376 = arith.constant 0 : i32
      %dma_wait3A_377 = tpu.memref_slice %arg6[%dma_wait3A_370, %dma_wait3A_371, %dma_wait3A_376] : memref<4x2x128xi32, #tpu.memory_space<vmem>> -> memref<1x1x128xi32, #tpu.memory_space<vmem>>
      %dma_wait3A_378 = tpu.memref_squeeze %dma_wait3A_377 : memref<1x1x128xi32, #tpu.memory_space<vmem>> -> memref<128xi32, #tpu.memory_space<vmem>>
      %dma_wait3A_379 = arith.constant 0 : i32
      %dma_wait3A_380 = arith.constant 0 : i32
      %dma_wait3A_381 = tpu.memref_slice %arg8[%dma_wait3A_379, %dma_wait3A_380] : memref<10240x128xf32, #tpu.memory_space<vmem_shared>> -> memref<10240x128xf32, #tpu.memory_space<vmem_shared>>
      tpu.wait_indirect_dma semaphore(%arg16 : memref<!tpu.dma_semaphore, #tpu.memory_space<semaphore_mem>>) src(%dma_wait3A_375 : memref<128x128xf32, #tpu.memory_space<vmem>>) dst(%dma_wait3A_381 : memref<10240x128xf32, #tpu.memory_space<vmem_shared>>)
      %add3A_382 = arith.constant 3 : i32
      %add3A_383 = arith.addi %mul3A_114, %add3A_382 : i32
      %add3A_384 = arith.constant 2 : i32
      %add3A_385 = arith.addi %add3A_383, %add3A_384 : i32
      %dma_start3A_386 = arith.constant 1 : i32
      %dma_start3A_387 = arith.constant 0 : i32
      %dma_start3A_388 = arith.constant 0 : i32
      %dma_start3A_389 = tpu.memref_slice %arg6[%dma_start3A_386, %dma_start3A_387, %dma_start3A_388] : memref<4x2x128xi32, #tpu.memory_space<vmem>> -> memref<1x2x128xi32, #tpu.memory_space<vmem>>
      %dma_start3A_390 = tpu.memref_squeeze %dma_start3A_389 : memref<1x2x128xi32, #tpu.memory_space<vmem>> -> memref<2x128xi32, #tpu.memory_space<vmem>>
      %dma_start3A_391 = arith.constant 0 : i32
      %dma_start3A_392 = arith.constant 0 : i32
      %dma_start3A_393 = tpu.memref_slice %arg3[%add3A, %add3A_385, %dma_start3A_391, %dma_start3A_392] : memref<32x162x2x128xi32, #tpu.memory_space<hbm>> -> memref<1x1x2x128xi32, #tpu.memory_space<hbm>>
      %dma_start3A_394 = tpu.memref_squeeze %dma_start3A_393 : memref<1x1x2x128xi32, #tpu.memory_space<hbm>> -> memref<2x128xi32, #tpu.memory_space<hbm>>
      %dma_start3A_395 = arith.constant 0 : i32
      %dma_start3A_396 = arith.constant 0 : i32
      %dma_start3A_397 = tpu.memref_slice %arg6[%dma_start3A_386, %dma_start3A_395, %dma_start3A_396] : memref<4x2x128xi32, #tpu.memory_space<vmem>> -> memref<1x2x128xi32, #tpu.memory_space<vmem>>
      %dma_start3A_398 = tpu.memref_squeeze %dma_start3A_397 : memref<1x2x128xi32, #tpu.memory_space<vmem>> -> memref<2x128xi32, #tpu.memory_space<vmem>>
      %dma_start3A_399 = arith.constant 0 : i32
      %dma_start3A_400 = arith.constant 0 : i32
      %dma_start3A_401 = tpu.memref_slice %arg3[%add3A, %add3A_385, %dma_start3A_399, %dma_start3A_400] : memref<32x162x2x128xi32, #tpu.memory_space<hbm>> -> memref<1x1x2x128xi32, #tpu.memory_space<hbm>>
      %dma_start3A_402 = tpu.memref_squeeze %dma_start3A_401 : memref<1x1x2x128xi32, #tpu.memory_space<hbm>> -> memref<2x128xi32, #tpu.memory_space<hbm>>
      tpu.enqueue_dma source(%dma_start3A_402 : memref<2x128xi32, #tpu.memory_space<hbm>>) target(%dma_start3A_398 : memref<2x128xi32, #tpu.memory_space<vmem>>) target_semaphore(%arg10 : memref<!tpu.dma_semaphore, #tpu.memory_space<semaphore_mem>>)
      %dma_wait3A_403 = arith.constant 0 : i32
      %dma_wait3A_404 = arith.constant 3 : i32
      %dma_wait3A_405 = arith.constant 0 : i32
      %dma_wait3A_406 = arith.constant 0 : i32
      %dma_wait3A_407 = tpu.memref_slice %arg6[%dma_wait3A_404, %dma_wait3A_405, %dma_wait3A_406] : memref<4x2x128xi32, #tpu.memory_space<vmem>> -> memref<1x2x128xi32, #tpu.memory_space<vmem>>
      %dma_wait3A_408 = tpu.memref_squeeze %dma_wait3A_407 : memref<1x2x128xi32, #tpu.memory_space<vmem>> -> memref<2x128xi32, #tpu.memory_space<vmem>>
      %dma_wait3A_409 = arith.constant 0 : i32
      %dma_wait3A_410 = arith.constant 0 : i32
      %dma_wait3A_411 = tpu.memref_slice %arg3[%add3A, %dma_wait3A_403, %dma_wait3A_409, %dma_wait3A_410] : memref<32x162x2x128xi32, #tpu.memory_space<hbm>> -> memref<1x1x2x128xi32, #tpu.memory_space<hbm>>
      %dma_wait3A_412 = tpu.memref_squeeze %dma_wait3A_411 : memref<1x1x2x128xi32, #tpu.memory_space<hbm>> -> memref<2x128xi32, #tpu.memory_space<hbm>>
      %dma_wait3A_413 = arith.constant 0 : i32
      %dma_wait3A_414 = arith.constant 0 : i32
      %dma_wait3A_415 = tpu.memref_slice %arg6[%dma_wait3A_404, %dma_wait3A_413, %dma_wait3A_414] : memref<4x2x128xi32, #tpu.memory_space<vmem>> -> memref<1x2x128xi32, #tpu.memory_space<vmem>>
      %dma_wait3A_416 = tpu.memref_squeeze %dma_wait3A_415 : memref<1x2x128xi32, #tpu.memory_space<vmem>> -> memref<2x128xi32, #tpu.memory_space<vmem>>
      %dma_wait3A_417 = arith.constant 0 : i32
      %dma_wait3A_418 = arith.constant 0 : i32
      %dma_wait3A_419 = tpu.memref_slice %arg3[%add3A, %dma_wait3A_403, %dma_wait3A_417, %dma_wait3A_418] : memref<32x162x2x128xi32, #tpu.memory_space<hbm>> -> memref<1x1x2x128xi32, #tpu.memory_space<hbm>>
      %dma_wait3A_420 = tpu.memref_squeeze %dma_wait3A_419 : memref<1x1x2x128xi32, #tpu.memory_space<hbm>> -> memref<2x128xi32, #tpu.memory_space<hbm>>
      tpu.wait_dma2 semaphore(%arg12 : memref<!tpu.dma_semaphore, #tpu.memory_space<semaphore_mem>>) src(%dma_wait3A_420 : memref<2x128xi32, #tpu.memory_space<hbm>>) dst(%dma_wait3A_416 : memref<2x128xi32, #tpu.memory_space<vmem>>)
      %dma_start3A_421 = arith.constant 3 : i32
      %dma_start3A_422 = arith.constant 0 : i32
      %dma_start3A_423 = arith.constant 1 : i32
      %dma_start3A_424 = arith.constant 0 : i32
      %dma_start3A_425 = arith.constant 0 : i32
      %dma_start3A_426 = tpu.memref_slice %arg7[%dma_start3A_423, %dma_start3A_424, %dma_start3A_425] : memref<2x128x128xf32, #tpu.memory_space<vmem>> -> memref<1x128x128xf32, #tpu.memory_space<vmem>>
      %dma_start3A_427 = tpu.memref_squeeze %dma_start3A_426 : memref<1x128x128xf32, #tpu.memory_space<vmem>> -> memref<128x128xf32, #tpu.memory_space<vmem>>
      %dma_start3A_428 = arith.constant 0 : i32
      %dma_start3A_429 = tpu.memref_slice %arg6[%dma_start3A_421, %dma_start3A_422, %dma_start3A_428] : memref<4x2x128xi32, #tpu.memory_space<vmem>> -> memref<1x1x128xi32, #tpu.memory_space<vmem>>
      %dma_start3A_430 = tpu.memref_squeeze %dma_start3A_429 : memref<1x1x128xi32, #tpu.memory_space<vmem>> -> memref<128xi32, #tpu.memory_space<vmem>>
      %dma_start3A_431 = arith.constant 0 : i32
      %dma_start3A_432 = arith.constant 0 : i32
      %dma_start3A_433 = tpu.memref_slice %arg2[%dma_start3A_431, %dma_start3A_432] : memref<20480x128xf32, #tpu.memory_space<hbm>> -> memref<20480x128xf32, #tpu.memory_space<hbm>>
      tpu.enqueue_indirect_dma source(%dma_start3A_433 : memref<20480x128xf32, #tpu.memory_space<hbm>>) target(%dma_start3A_427 : memref<128x128xf32, #tpu.memory_space<vmem>>) offsets(%dma_start3A_430 : memref<128xi32, #tpu.memory_space<vmem>>) semaphore(%arg14 : memref<!tpu.dma_semaphore, #tpu.memory_space<semaphore_mem>>)
      %dma_wait3A_434 = arith.constant 3 : i32
      %dma_wait3A_435 = arith.constant 0 : i32
      %dma_wait3A_436 = arith.constant 1 : i32
      %dma_wait3A_437 = arith.constant 0 : i32
      %dma_wait3A_438 = arith.constant 0 : i32
      %dma_wait3A_439 = tpu.memref_slice %arg7[%dma_wait3A_436, %dma_wait3A_437, %dma_wait3A_438] : memref<2x128x128xf32, #tpu.memory_space<vmem>> -> memref<1x128x128xf32, #tpu.memory_space<vmem>>
      %dma_wait3A_440 = tpu.memref_squeeze %dma_wait3A_439 : memref<1x128x128xf32, #tpu.memory_space<vmem>> -> memref<128x128xf32, #tpu.memory_space<vmem>>
      %dma_wait3A_441 = arith.constant 0 : i32
      %dma_wait3A_442 = tpu.memref_slice %arg6[%dma_wait3A_434, %dma_wait3A_435, %dma_wait3A_441] : memref<4x2x128xi32, #tpu.memory_space<vmem>> -> memref<1x1x128xi32, #tpu.memory_space<vmem>>
      %dma_wait3A_443 = tpu.memref_squeeze %dma_wait3A_442 : memref<1x1x128xi32, #tpu.memory_space<vmem>> -> memref<128xi32, #tpu.memory_space<vmem>>
      %dma_wait3A_444 = arith.constant 0 : i32
      %dma_wait3A_445 = arith.constant 0 : i32
      %dma_wait3A_446 = tpu.memref_slice %arg2[%dma_wait3A_444, %dma_wait3A_445] : memref<20480x128xf32, #tpu.memory_space<hbm>> -> memref<20480x128xf32, #tpu.memory_space<hbm>>
      tpu.wait_indirect_dma semaphore(%arg14 : memref<!tpu.dma_semaphore, #tpu.memory_space<semaphore_mem>>) src(%dma_wait3A_446 : memref<20480x128xf32, #tpu.memory_space<hbm>>) dst(%dma_wait3A_440 : memref<128x128xf32, #tpu.memory_space<vmem>>)
      %dma_start3A_447 = arith.constant 1 : i32
      %dma_start3A_448 = arith.constant 3 : i32
      %dma_start3A_449 = arith.constant 1 : i32
      %dma_start3A_450 = arith.constant 0 : i32
      %dma_start3A_451 = arith.constant 0 : i32
      %dma_start3A_452 = tpu.memref_slice %arg7[%dma_start3A_447, %dma_start3A_450, %dma_start3A_451] : memref<2x128x128xf32, #tpu.memory_space<vmem>> -> memref<1x128x128xf32, #tpu.memory_space<vmem>>
      %dma_start3A_453 = tpu.memref_squeeze %dma_start3A_452 : memref<1x128x128xf32, #tpu.memory_space<vmem>> -> memref<128x128xf32, #tpu.memory_space<vmem>>
      %dma_start3A_454 = arith.constant 0 : i32
      %dma_start3A_455 = tpu.memref_slice %arg6[%dma_start3A_448, %dma_start3A_449, %dma_start3A_454] : memref<4x2x128xi32, #tpu.memory_space<vmem>> -> memref<1x1x128xi32, #tpu.memory_space<vmem>>
      %dma_start3A_456 = tpu.memref_squeeze %dma_start3A_455 : memref<1x1x128xi32, #tpu.memory_space<vmem>> -> memref<128xi32, #tpu.memory_space<vmem>>
      %dma_start3A_457 = arith.constant 0 : i32
      %dma_start3A_458 = arith.constant 0 : i32
      %dma_start3A_459 = tpu.memref_slice %arg8[%dma_start3A_457, %dma_start3A_458] : memref<10240x128xf32, #tpu.memory_space<vmem_shared>> -> memref<10240x128xf32, #tpu.memory_space<vmem_shared>>
      tpu.enqueue_indirect_dma source(%dma_start3A_453 : memref<128x128xf32, #tpu.memory_space<vmem>>) target(%dma_start3A_459 : memref<10240x128xf32, #tpu.memory_space<vmem_shared>>) offsets(%dma_start3A_456 : memref<128xi32, #tpu.memory_space<vmem>>) semaphore(%arg16 : memref<!tpu.dma_semaphore, #tpu.memory_space<semaphore_mem>>) {add = true}
    }
    %scan3A_42 = arith.constant 40 : i32
    %dma_wait3A = arith.constant 0 : i32
    %dma_wait3A_43 = arith.constant 2 : i32
    %dma_wait3A_44 = arith.constant 1 : i32
    %dma_wait3A_45 = arith.constant 0 : i32
    %dma_wait3A_46 = arith.constant 0 : i32
    %dma_wait3A_47 = tpu.memref_slice %arg7[%dma_wait3A, %dma_wait3A_45, %dma_wait3A_46] : memref<2x128x128xf32, #tpu.memory_space<vmem>> -> memref<1x128x128xf32, #tpu.memory_space<vmem>>
    %dma_wait3A_48 = tpu.memref_squeeze %dma_wait3A_47 : memref<1x128x128xf32, #tpu.memory_space<vmem>> -> memref<128x128xf32, #tpu.memory_space<vmem>>
    %dma_wait3A_49 = arith.constant 0 : i32
    %dma_wait3A_50 = tpu.memref_slice %arg6[%dma_wait3A_43, %dma_wait3A_44, %dma_wait3A_49] : memref<4x2x128xi32, #tpu.memory_space<vmem>> -> memref<1x1x128xi32, #tpu.memory_space<vmem>>
    %dma_wait3A_51 = tpu.memref_squeeze %dma_wait3A_50 : memref<1x1x128xi32, #tpu.memory_space<vmem>> -> memref<128xi32, #tpu.memory_space<vmem>>
    %dma_wait3A_52 = arith.constant 0 : i32
    %dma_wait3A_53 = arith.constant 0 : i32
    %dma_wait3A_54 = tpu.memref_slice %arg8[%dma_wait3A_52, %dma_wait3A_53] : memref<10240x128xf32, #tpu.memory_space<vmem_shared>> -> memref<10240x128xf32, #tpu.memory_space<vmem_shared>>
    tpu.wait_indirect_dma semaphore(%arg15 : memref<!tpu.dma_semaphore, #tpu.memory_space<semaphore_mem>>) src(%dma_wait3A_48 : memref<128x128xf32, #tpu.memory_space<vmem>>) dst(%dma_wait3A_54 : memref<10240x128xf32, #tpu.memory_space<vmem_shared>>)
    %dma_wait3A_55 = arith.constant 1 : i32
    %dma_wait3A_56 = arith.constant 3 : i32
    %dma_wait3A_57 = arith.constant 1 : i32
    %dma_wait3A_58 = arith.constant 0 : i32
    %dma_wait3A_59 = arith.constant 0 : i32
    %dma_wait3A_60 = tpu.memref_slice %arg7[%dma_wait3A_55, %dma_wait3A_58, %dma_wait3A_59] : memref<2x128x128xf32, #tpu.memory_space<vmem>> -> memref<1x128x128xf32, #tpu.memory_space<vmem>>
    %dma_wait3A_61 = tpu.memref_squeeze %dma_wait3A_60 : memref<1x128x128xf32, #tpu.memory_space<vmem>> -> memref<128x128xf32, #tpu.memory_space<vmem>>
    %dma_wait3A_62 = arith.constant 0 : i32
    %dma_wait3A_63 = tpu.memref_slice %arg6[%dma_wait3A_56, %dma_wait3A_57, %dma_wait3A_62] : memref<4x2x128xi32, #tpu.memory_space<vmem>> -> memref<1x1x128xi32, #tpu.memory_space<vmem>>
    %dma_wait3A_64 = tpu.memref_squeeze %dma_wait3A_63 : memref<1x1x128xi32, #tpu.memory_space<vmem>> -> memref<128xi32, #tpu.memory_space<vmem>>
    %dma_wait3A_65 = arith.constant 0 : i32
    %dma_wait3A_66 = arith.constant 0 : i32
    %dma_wait3A_67 = tpu.memref_slice %arg8[%dma_wait3A_65, %dma_wait3A_66] : memref<10240x128xf32, #tpu.memory_space<vmem_shared>> -> memref<10240x128xf32, #tpu.memory_space<vmem_shared>>
    tpu.wait_indirect_dma semaphore(%arg16 : memref<!tpu.dma_semaphore, #tpu.memory_space<semaphore_mem>>) src(%dma_wait3A_61 : memref<128x128xf32, #tpu.memory_space<vmem>>) dst(%dma_wait3A_67 : memref<10240x128xf32, #tpu.memory_space<vmem_shared>>)
    %dma_wait3A_68 = arith.constant 0 : i32
    %dma_wait3A_69 = arith.constant 0 : i32
    %dma_wait3A_70 = arith.constant 0 : i32
    %dma_wait3A_71 = arith.constant 0 : i32
    %dma_wait3A_72 = tpu.memref_slice %arg6[%dma_wait3A_69, %dma_wait3A_70, %dma_wait3A_71] : memref<4x2x128xi32, #tpu.memory_space<vmem>> -> memref<1x2x128xi32, #tpu.memory_space<vmem>>
    %dma_wait3A_73 = tpu.memref_squeeze %dma_wait3A_72 : memref<1x2x128xi32, #tpu.memory_space<vmem>> -> memref<2x128xi32, #tpu.memory_space<vmem>>
    %dma_wait3A_74 = arith.constant 0 : i32
    %dma_wait3A_75 = arith.constant 0 : i32
    %dma_wait3A_76 = tpu.memref_slice %arg3[%add3A, %dma_wait3A_68, %dma_wait3A_74, %dma_wait3A_75] : memref<32x162x2x128xi32, #tpu.memory_space<hbm>> -> memref<1x1x2x128xi32, #tpu.memory_space<hbm>>
    %dma_wait3A_77 = tpu.memref_squeeze %dma_wait3A_76 : memref<1x1x2x128xi32, #tpu.memory_space<hbm>> -> memref<2x128xi32, #tpu.memory_space<hbm>>
    %dma_wait3A_78 = arith.constant 0 : i32
    %dma_wait3A_79 = arith.constant 0 : i32
    %dma_wait3A_80 = tpu.memref_slice %arg6[%dma_wait3A_69, %dma_wait3A_78, %dma_wait3A_79] : memref<4x2x128xi32, #tpu.memory_space<vmem>> -> memref<1x2x128xi32, #tpu.memory_space<vmem>>
    %dma_wait3A_81 = tpu.memref_squeeze %dma_wait3A_80 : memref<1x2x128xi32, #tpu.memory_space<vmem>> -> memref<2x128xi32, #tpu.memory_space<vmem>>
    %dma_wait3A_82 = arith.constant 0 : i32
    %dma_wait3A_83 = arith.constant 0 : i32
    %dma_wait3A_84 = tpu.memref_slice %arg3[%add3A, %dma_wait3A_68, %dma_wait3A_82, %dma_wait3A_83] : memref<32x162x2x128xi32, #tpu.memory_space<hbm>> -> memref<1x1x2x128xi32, #tpu.memory_space<hbm>>
    %dma_wait3A_85 = tpu.memref_squeeze %dma_wait3A_84 : memref<1x1x2x128xi32, #tpu.memory_space<hbm>> -> memref<2x128xi32, #tpu.memory_space<hbm>>
    tpu.wait_dma2 semaphore(%arg9 : memref<!tpu.dma_semaphore, #tpu.memory_space<semaphore_mem>>) src(%dma_wait3A_85 : memref<2x128xi32, #tpu.memory_space<hbm>>) dst(%dma_wait3A_81 : memref<2x128xi32, #tpu.memory_space<vmem>>)
    %dma_wait3A_86 = arith.constant 0 : i32
    %dma_wait3A_87 = arith.constant 1 : i32
    %dma_wait3A_88 = arith.constant 0 : i32
    %dma_wait3A_89 = arith.constant 0 : i32
    %dma_wait3A_90 = tpu.memref_slice %arg6[%dma_wait3A_87, %dma_wait3A_88, %dma_wait3A_89] : memref<4x2x128xi32, #tpu.memory_space<vmem>> -> memref<1x2x128xi32, #tpu.memory_space<vmem>>
    %dma_wait3A_91 = tpu.memref_squeeze %dma_wait3A_90 : memref<1x2x128xi32, #tpu.memory_space<vmem>> -> memref<2x128xi32, #tpu.memory_space<vmem>>
    %dma_wait3A_92 = arith.constant 0 : i32
    %dma_wait3A_93 = arith.constant 0 : i32
    %dma_wait3A_94 = tpu.memref_slice %arg3[%add3A, %dma_wait3A_86, %dma_wait3A_92, %dma_wait3A_93] : memref<32x162x2x128xi32, #tpu.memory_space<hbm>> -> memref<1x1x2x128xi32, #tpu.memory_space<hbm>>
    %dma_wait3A_95 = tpu.memref_squeeze %dma_wait3A_94 : memref<1x1x2x128xi32, #tpu.memory_space<hbm>> -> memref<2x128xi32, #tpu.memory_space<hbm>>
    %dma_wait3A_96 = arith.constant 0 : i32
    %dma_wait3A_97 = arith.constant 0 : i32
    %dma_wait3A_98 = tpu.memref_slice %arg6[%dma_wait3A_87, %dma_wait3A_96, %dma_wait3A_97] : memref<4x2x128xi32, #tpu.memory_space<vmem>> -> memref<1x2x128xi32, #tpu.memory_space<vmem>>
    %dma_wait3A_99 = tpu.memref_squeeze %dma_wait3A_98 : memref<1x2x128xi32, #tpu.memory_space<vmem>> -> memref<2x128xi32, #tpu.memory_space<vmem>>
    %dma_wait3A_100 = arith.constant 0 : i32
    %dma_wait3A_101 = arith.constant 0 : i32
    %dma_wait3A_102 = tpu.memref_slice %arg3[%add3A, %dma_wait3A_86, %dma_wait3A_100, %dma_wait3A_101] : memref<32x162x2x128xi32, #tpu.memory_space<hbm>> -> memref<1x1x2x128xi32, #tpu.memory_space<hbm>>
    %dma_wait3A_103 = tpu.memref_squeeze %dma_wait3A_102 : memref<1x1x2x128xi32, #tpu.memory_space<hbm>> -> memref<2x128xi32, #tpu.memory_space<hbm>>
    tpu.wait_dma2 semaphore(%arg10 : memref<!tpu.dma_semaphore, #tpu.memory_space<semaphore_mem>>) src(%dma_wait3A_103 : memref<2x128xi32, #tpu.memory_space<hbm>>) dst(%dma_wait3A_99 : memref<2x128xi32, #tpu.memory_space<vmem>>)
    %barrier3A_104 = arith.constant 0 : index
    tpu.barrier barrier_id(%barrier3A_104)
    %mul3A_105 = arith.constant 640 : i32
    %mul3A_106 = arith.muli %arg1, %mul3A_105 : i32
    %mul3A_107 = arith.constant 10240 : i32
    %mul3A_108 = arith.muli %arg0, %mul3A_107 : i32
    %mul3A_109 = arith.constant 640 : i32
    %mul3A_110 = arith.muli %arg1, %mul3A_109 : i32
    %add3A_111 = arith.addi %mul3A_108, %mul3A_110 : i32
    "tpu.region"() ({
      %run_scoped3A = tpu.sem_alloc : memref<!tpu.dma_semaphore, #tpu.memory_space<semaphore_mem>>
      %dma_start3A_112 = arith.constant 0 : i32
      %dma_start3A_113 = tpu.memref_slice %arg5[%add3A_111, %dma_start3A_112] : memref<20480x128xf32, #tpu.memory_space<hbm>> -> memref<640x128xf32, #tpu.memory_space<hbm>>
      %dma_start3A_114 = arith.constant 0 : i32
      %dma_start3A_115 = tpu.memref_slice %arg8[%mul3A_106, %dma_start3A_114] : memref<10240x128xf32, #tpu.memory_space<vmem_shared>> -> memref<640x128xf32, #tpu.memory_space<vmem_shared>>
      tpu.enqueue_dma source(%dma_start3A_115 : memref<640x128xf32, #tpu.memory_space<vmem_shared>>) target(%dma_start3A_113 : memref<640x128xf32, #tpu.memory_space<hbm>>) target_semaphore(%run_scoped3A : memref<!tpu.dma_semaphore, #tpu.memory_space<semaphore_mem>>)
      %dma_wait3A_116 = arith.constant 0 : i32
      %dma_wait3A_117 = tpu.memref_slice %arg5[%add3A_111, %dma_wait3A_116] : memref<20480x128xf32, #tpu.memory_space<hbm>> -> memref<640x128xf32, #tpu.memory_space<hbm>>
      %dma_wait3A_118 = arith.constant 0 : i32
      %dma_wait3A_119 = tpu.memref_slice %arg8[%mul3A_106, %dma_wait3A_118] : memref<10240x128xf32, #tpu.memory_space<vmem_shared>> -> memref<640x128xf32, #tpu.memory_space<vmem_shared>>
      tpu.wait_dma2 semaphore(%run_scoped3A : memref<!tpu.dma_semaphore, #tpu.memory_space<semaphore_mem>>) src(%dma_wait3A_119 : memref<640x128xf32, #tpu.memory_space<vmem_shared>>) dst(%dma_wait3A_117 : memref<640x128xf32, #tpu.memory_space<hbm>>)
      tpu.yield
    }) : () -> ()
    return
  }
}

#map = affine_map<(d0, d1) -> (0, 0)>
#map1 = affine_map<(d0, d1) -> (0, 0, 0, 0)>
module attributes {stable_mosaic.version = 14 : i64} {
  func.func @_sc_spmm_body(%arg0: i32, %arg1: i32, %arg2: memref<20480x128xf32, #tpu.memory_space<hbm>>, %arg3: memref<32x162x2x128xi32, #tpu.memory_space<hbm>>, %arg4: memref<640x128xf32, #tpu.memory_space<hbm>>, %arg5: memref<20480x128xf32, #tpu.memory_space<hbm>>, %arg6: memref<4x2x128xi32, #tpu.memory_space<vmem>>, %arg7: memref<2x128x128xf32, #tpu.memory_space<vmem>>, %arg8: memref<10240x128xf32, #tpu.memory_space<vmem_shared>>, %arg9: memref<!tpu.dma_semaphore, #tpu.memory_space<semaphore_mem>>, %arg10: memref<!tpu.dma_semaphore, #tpu.memory_space<semaphore_mem>>, %arg11: memref<!tpu.dma_semaphore, #tpu.memory_space<semaphore_mem>>, %arg12: memref<!tpu.dma_semaphore, #tpu.memory_space<semaphore_mem>>, %arg13: memref<!tpu.dma_semaphore, #tpu.memory_space<semaphore_mem>>, %arg14: memref<!tpu.dma_semaphore, #tpu.memory_space<semaphore_mem>>, %arg15: memref<!tpu.dma_semaphore, #tpu.memory_space<semaphore_mem>>, %arg16: memref<!tpu.dma_semaphore, #tpu.memory_space<semaphore_mem>>) attributes {dimension_semantics = [#tpu.dimension_semantics<core_parallel>, #tpu.dimension_semantics<subcore_parallel>], iteration_bounds = array<i64: 2, 16>, scalar_prefetch = 0 : i64, scratch_operands = 11 : i64, tpu.core_type = #tpu.core_type<sc_vector_subcore>, window_params = [{transform_indices = #map}, {transform_indices = #map1}, {transform_indices = #map}, {transform_indices = #map}]} {
    %mul3A = arith.constant 16 : i32
    %mul3A_0 = arith.muli %arg0, %mul3A : i32
    %add3A = arith.addi %mul3A_0, %arg1 : i32
    %mul3A_1 = arith.constant 640 : i32
    %mul3A_2 = arith.muli %arg1, %mul3A_1 : i32
    "tpu.region"() ({
      %run_scoped3A = tpu.sem_alloc : memref<!tpu.dma_semaphore, #tpu.memory_space<semaphore_mem>>
      %dma_start3A_112 = arith.constant 0 : i32
      %dma_start3A_113 = tpu.memref_slice %arg8[%mul3A_2, %dma_start3A_112] : memref<10240x128xf32, #tpu.memory_space<vmem_shared>> -> memref<640x128xf32, #tpu.memory_space<vmem_shared>>
      tpu.enqueue_dma source(%arg4 : memref<640x128xf32, #tpu.memory_space<hbm>>) target(%dma_start3A_113 : memref<640x128xf32, #tpu.memory_space<vmem_shared>>) target_semaphore(%run_scoped3A : memref<!tpu.dma_semaphore, #tpu.memory_space<semaphore_mem>>)
      %dma_wait3A_114 = arith.constant 0 : i32
      %dma_wait3A_115 = tpu.memref_slice %arg8[%mul3A_2, %dma_wait3A_114] : memref<10240x128xf32, #tpu.memory_space<vmem_shared>> -> memref<640x128xf32, #tpu.memory_space<vmem_shared>>
      tpu.wait_dma2 semaphore(%run_scoped3A : memref<!tpu.dma_semaphore, #tpu.memory_space<semaphore_mem>>) src(%arg4 : memref<640x128xf32, #tpu.memory_space<hbm>>) dst(%dma_wait3A_115 : memref<640x128xf32, #tpu.memory_space<vmem_shared>>)
      tpu.yield
    }) : () -> ()
    %barrier3A = arith.constant 0 : index
    tpu.barrier barrier_id(%barrier3A)
    %dma_start3A = arith.constant 0 : i32
    %dma_start3A_3 = arith.constant 0 : i32
    %dma_start3A_4 = arith.constant 0 : i32
    %dma_start3A_5 = arith.constant 0 : i32
    %dma_start3A_6 = tpu.memref_slice %arg6[%dma_start3A_3, %dma_start3A_4, %dma_start3A_5] : memref<4x2x128xi32, #tpu.memory_space<vmem>> -> memref<1x2x128xi32, #tpu.memory_space<vmem>>
    %dma_start3A_7 = tpu.memref_squeeze %dma_start3A_6 : memref<1x2x128xi32, #tpu.memory_space<vmem>> -> memref<2x128xi32, #tpu.memory_space<vmem>>
    %dma_start3A_8 = arith.constant 0 : i32
    %dma_start3A_9 = arith.constant 0 : i32
    %dma_start3A_10 = tpu.memref_slice %arg3[%add3A, %dma_start3A, %dma_start3A_8, %dma_start3A_9] : memref<32x162x2x128xi32, #tpu.memory_space<hbm>> -> memref<1x1x2x128xi32, #tpu.memory_space<hbm>>
    %dma_start3A_11 = tpu.memref_squeeze %dma_start3A_10 : memref<1x1x2x128xi32, #tpu.memory_space<hbm>> -> memref<2x128xi32, #tpu.memory_space<hbm>>
    %dma_start3A_12 = arith.constant 0 : i32
    %dma_start3A_13 = arith.constant 0 : i32
    %dma_start3A_14 = tpu.memref_slice %arg6[%dma_start3A_3, %dma_start3A_12, %dma_start3A_13] : memref<4x2x128xi32, #tpu.memory_space<vmem>> -> memref<1x2x128xi32, #tpu.memory_space<vmem>>
    %dma_start3A_15 = tpu.memref_squeeze %dma_start3A_14 : memref<1x2x128xi32, #tpu.memory_space<vmem>> -> memref<2x128xi32, #tpu.memory_space<vmem>>
    %dma_start3A_16 = arith.constant 0 : i32
    %dma_start3A_17 = arith.constant 0 : i32
    %dma_start3A_18 = tpu.memref_slice %arg3[%add3A, %dma_start3A, %dma_start3A_16, %dma_start3A_17] : memref<32x162x2x128xi32, #tpu.memory_space<hbm>> -> memref<1x1x2x128xi32, #tpu.memory_space<hbm>>
    %dma_start3A_19 = tpu.memref_squeeze %dma_start3A_18 : memref<1x1x2x128xi32, #tpu.memory_space<hbm>> -> memref<2x128xi32, #tpu.memory_space<hbm>>
    tpu.enqueue_dma source(%dma_start3A_19 : memref<2x128xi32, #tpu.memory_space<hbm>>) target(%dma_start3A_15 : memref<2x128xi32, #tpu.memory_space<vmem>>) target_semaphore(%arg9 : memref<!tpu.dma_semaphore, #tpu.memory_space<semaphore_mem>>)
    %dma_start3A_20 = arith.constant 1 : i32
    %dma_start3A_21 = arith.constant 1 : i32
    %dma_start3A_22 = arith.constant 0 : i32
    %dma_start3A_23 = arith.constant 0 : i32
    %dma_start3A_24 = tpu.memref_slice %arg6[%dma_start3A_21, %dma_start3A_22, %dma_start3A_23] : memref<4x2x128xi32, #tpu.memory_space<vmem>> -> memref<1x2x128xi32, #tpu.memory_space<vmem>>
    %dma_start3A_25 = tpu.memref_squeeze %dma_start3A_24 : memref<1x2x128xi32, #tpu.memory_space<vmem>> -> memref<2x128xi32, #tpu.memory_space<vmem>>
    %dma_start3A_26 = arith.constant 0 : i32
    %dma_start3A_27 = arith.constant 0 : i32
    %dma_start3A_28 = tpu.memref_slice %arg3[%add3A, %dma_start3A_20, %dma_start3A_26, %dma_start3A_27] : memref<32x162x2x128xi32, #tpu.memory_space<hbm>> -> memref<1x1x2x128xi32, #tpu.memory_space<hbm>>
    %dma_start3A_29 = tpu.memref_squeeze %dma_start3A_28 : memref<1x1x2x128xi32, #tpu.memory_space<hbm>> -> memref<2x128xi32, #tpu.memory_space<hbm>>
    %dma_start3A_30 = arith.constant 0 : i32
    %dma_start3A_31 = arith.constant 0 : i32
    %dma_start3A_32 = tpu.memref_slice %arg6[%dma_start3A_21, %dma_start3A_30, %dma_start3A_31] : memref<4x2x128xi32, #tpu.memory_space<vmem>> -> memref<1x2x128xi32, #tpu.memory_space<vmem>>
    %dma_start3A_33 = tpu.memref_squeeze %dma_start3A_32 : memref<1x2x128xi32, #tpu.memory_space<vmem>> -> memref<2x128xi32, #tpu.memory_space<vmem>>
    %dma_start3A_34 = arith.constant 0 : i32
    %dma_start3A_35 = arith.constant 0 : i32
    %dma_start3A_36 = tpu.memref_slice %arg3[%add3A, %dma_start3A_20, %dma_start3A_34, %dma_start3A_35] : memref<32x162x2x128xi32, #tpu.memory_space<hbm>> -> memref<1x1x2x128xi32, #tpu.memory_space<hbm>>
    %dma_start3A_37 = tpu.memref_squeeze %dma_start3A_36 : memref<1x1x2x128xi32, #tpu.memory_space<hbm>> -> memref<2x128xi32, #tpu.memory_space<hbm>>
    tpu.enqueue_dma source(%dma_start3A_37 : memref<2x128xi32, #tpu.memory_space<hbm>>) target(%dma_start3A_33 : memref<2x128xi32, #tpu.memory_space<vmem>>) target_semaphore(%arg10 : memref<!tpu.dma_semaphore, #tpu.memory_space<semaphore_mem>>)
    %scan3A = arith.constant 0 : i32
    %scan3A_38 = arith.constant 0 : i32
    %scan3A_39 = arith.constant 40 : i32
    %scan3A_40 = arith.addi %scan3A_38, %scan3A_39 : i32
    %scan3A_41 = arith.constant 1 : i32
    scf.for %scan3A_112 = %scan3A_38 to %scan3A_40 step %scan3A_41  : i32 {
      %mul3A_113 = arith.constant 4 : i32
      %mul3A_114 = arith.muli %mul3A_113, %scan3A_112 : i32
      %gt3A = arith.constant 0 : i32
      %gt3A_115 = arith.cmpi sgt, %scan3A_112, %gt3A : i32
      %convert_element_type3A = arith.extui %gt3A_115 : i1 to i32
      %cond3A = arith.constant 0 : i32
      %cond3A_116 = arith.cmpi ne, %convert_element_type3A, %cond3A : i32
      scf.if %cond3A_116 {
        %dma_wait3A_460 = arith.constant 0 : i32
        %dma_wait3A_461 = arith.constant 2 : i32
        %dma_wait3A_462 = arith.constant 1 : i32
        %dma_wait3A_463 = arith.constant 0 : i32
        %dma_wait3A_464 = arith.constant 0 : i32
        %dma_wait3A_465 = tpu.memref_slice %arg7[%dma_wait3A_460, %dma_wait3A_463, %dma_wait3A_464] : memref<2x128x128xf32, #tpu.memory_space<vmem>> -> memref<1x128x128xf32, #tpu.memory_space<vmem>>
        %dma_wait3A_466 = tpu.memref_squeeze %dma_wait3A_465 : memref<1x128x128xf32, #tpu.memory_space<vmem>> -> memref<128x128xf32, #tpu.memory_space<vmem>>
        %dma_wait3A_467 = arith.constant 0 : i32
        %dma_wait3A_468 = tpu.memref_slice %arg6[%dma_wait3A_461, %dma_wait3A_462, %dma_wait3A_467] : memref<4x2x128xi32, #tpu.memory_space<vmem>> -> memref<1x1x128xi32, #tpu.memory_space<vmem>>
        %dma_wait3A_469 = tpu.memref_squeeze %dma_wait3A_468 : memref<1x1x128xi32, #tpu.memory_space<vmem>> -> memref<128xi32, #tpu.memory_space<vmem>>
        %dma_wait3A_470 = arith.constant 0 : i32
        %dma_wait3A_471 = arith.constant 0 : i32
        %dma_wait3A_472 = tpu.memref_slice %arg8[%dma_wait3A_470, %dma_wait3A_471] : memref<10240x128xf32, #tpu.memory_space<vmem_shared>> -> memref<10240x128xf32, #tpu.memory_space<vmem_shared>>
        tpu.wait_indirect_dma semaphore(%arg15 : memref<!tpu.dma_semaphore, #tpu.memory_space<semaphore_mem>>) src(%dma_wait3A_466 : memref<128x128xf32, #tpu.memory_space<vmem>>) dst(%dma_wait3A_472 : memref<10240x128xf32, #tpu.memory_space<vmem_shared>>)
      } else {
      }
      %add3A_117 = arith.constant 0 : i32
      %add3A_118 = arith.addi %mul3A_114, %add3A_117 : i32
      %add3A_119 = arith.constant 2 : i32
      %add3A_120 = arith.addi %add3A_118, %add3A_119 : i32
      %dma_start3A_121 = arith.constant 2 : i32
      %dma_start3A_122 = arith.constant 0 : i32
      %dma_start3A_123 = arith.constant 0 : i32
      %dma_start3A_124 = tpu.memref_slice %arg6[%dma_start3A_121, %dma_start3A_122, %dma_start3A_123] : memref<4x2x128xi32, #tpu.memory_space<vmem>> -> memref<1x2x128xi32, #tpu.memory_space<vmem>>
      %dma_start3A_125 = tpu.memref_squeeze %dma_start3A_124 : memref<1x2x128xi32, #tpu.memory_space<vmem>> -> memref<2x128xi32, #tpu.memory_space<vmem>>
      %dma_start3A_126 = arith.constant 0 : i32
      %dma_start3A_127 = arith.constant 0 : i32
      %dma_start3A_128 = tpu.memref_slice %arg3[%add3A, %add3A_120, %dma_start3A_126, %dma_start3A_127] : memref<32x162x2x128xi32, #tpu.memory_space<hbm>> -> memref<1x1x2x128xi32, #tpu.memory_space<hbm>>
      %dma_start3A_129 = tpu.memref_squeeze %dma_start3A_128 : memref<1x1x2x128xi32, #tpu.memory_space<hbm>> -> memref<2x128xi32, #tpu.memory_space<hbm>>
      %dma_start3A_130 = arith.constant 0 : i32
      %dma_start3A_131 = arith.constant 0 : i32
      %dma_start3A_132 = tpu.memref_slice %arg6[%dma_start3A_121, %dma_start3A_130, %dma_start3A_131] : memref<4x2x128xi32, #tpu.memory_space<vmem>> -> memref<1x2x128xi32, #tpu.memory_space<vmem>>
      %dma_start3A_133 = tpu.memref_squeeze %dma_start3A_132 : memref<1x2x128xi32, #tpu.memory_space<vmem>> -> memref<2x128xi32, #tpu.memory_space<vmem>>
      %dma_start3A_134 = arith.constant 0 : i32
      %dma_start3A_135 = arith.constant 0 : i32
      %dma_start3A_136 = tpu.memref_slice %arg3[%add3A, %add3A_120, %dma_start3A_134, %dma_start3A_135] : memref<32x162x2x128xi32, #tpu.memory_space<hbm>> -> memref<1x1x2x128xi32, #tpu.memory_space<hbm>>
      %dma_start3A_137 = tpu.memref_squeeze %dma_start3A_136 : memref<1x1x2x128xi32, #tpu.memory_space<hbm>> -> memref<2x128xi32, #tpu.memory_space<hbm>>
      tpu.enqueue_dma source(%dma_start3A_137 : memref<2x128xi32, #tpu.memory_space<hbm>>) target(%dma_start3A_133 : memref<2x128xi32, #tpu.memory_space<vmem>>) target_semaphore(%arg11 : memref<!tpu.dma_semaphore, #tpu.memory_space<semaphore_mem>>)
      %dma_wait3A_138 = arith.constant 0 : i32
      %dma_wait3A_139 = arith.constant 0 : i32
      %dma_wait3A_140 = arith.constant 0 : i32
      %dma_wait3A_141 = arith.constant 0 : i32
      %dma_wait3A_142 = tpu.memref_slice %arg6[%dma_wait3A_139, %dma_wait3A_140, %dma_wait3A_141] : memref<4x2x128xi32, #tpu.memory_space<vmem>> -> memref<1x2x128xi32, #tpu.memory_space<vmem>>
      %dma_wait3A_143 = tpu.memref_squeeze %dma_wait3A_142 : memref<1x2x128xi32, #tpu.memory_space<vmem>> -> memref<2x128xi32, #tpu.memory_space<vmem>>
      %dma_wait3A_144 = arith.constant 0 : i32
      %dma_wait3A_145 = arith.constant 0 : i32
      %dma_wait3A_146 = tpu.memref_slice %arg3[%add3A, %dma_wait3A_138, %dma_wait3A_144, %dma_wait3A_145] : memref<32x162x2x128xi32, #tpu.memory_space<hbm>> -> memref<1x1x2x128xi32, #tpu.memory_space<hbm>>
      %dma_wait3A_147 = tpu.memref_squeeze %dma_wait3A_146 : memref<1x1x2x128xi32, #tpu.memory_space<hbm>> -> memref<2x128xi32, #tpu.memory_space<hbm>>
      %dma_wait3A_148 = arith.constant 0 : i32
      %dma_wait3A_149 = arith.constant 0 : i32
      %dma_wait3A_150 = tpu.memref_slice %arg6[%dma_wait3A_139, %dma_wait3A_148, %dma_wait3A_149] : memref<4x2x128xi32, #tpu.memory_space<vmem>> -> memref<1x2x128xi32, #tpu.memory_space<vmem>>
      %dma_wait3A_151 = tpu.memref_squeeze %dma_wait3A_150 : memref<1x2x128xi32, #tpu.memory_space<vmem>> -> memref<2x128xi32, #tpu.memory_space<vmem>>
      %dma_wait3A_152 = arith.constant 0 : i32
      %dma_wait3A_153 = arith.constant 0 : i32
      %dma_wait3A_154 = tpu.memref_slice %arg3[%add3A, %dma_wait3A_138, %dma_wait3A_152, %dma_wait3A_153] : memref<32x162x2x128xi32, #tpu.memory_space<hbm>> -> memref<1x1x2x128xi32, #tpu.memory_space<hbm>>
      %dma_wait3A_155 = tpu.memref_squeeze %dma_wait3A_154 : memref<1x1x2x128xi32, #tpu.memory_space<hbm>> -> memref<2x128xi32, #tpu.memory_space<hbm>>
      tpu.wait_dma2 semaphore(%arg9 : memref<!tpu.dma_semaphore, #tpu.memory_space<semaphore_mem>>) src(%dma_wait3A_155 : memref<2x128xi32, #tpu.memory_space<hbm>>) dst(%dma_wait3A_151 : memref<2x128xi32, #tpu.memory_space<vmem>>)
      %dma_start3A_156 = arith.constant 0 : i32
      %dma_start3A_157 = arith.constant 0 : i32
      %dma_start3A_158 = arith.constant 0 : i32
      %dma_start3A_159 = arith.constant 0 : i32
      %dma_start3A_160 = arith.constant 0 : i32
      %dma_start3A_161 = tpu.memref_slice %arg7[%dma_start3A_158, %dma_start3A_159, %dma_start3A_160] : memref<2x128x128xf32, #tpu.memory_space<vmem>> -> memref<1x128x128xf32, #tpu.memory_space<vmem>>
      %dma_start3A_162 = tpu.memref_squeeze %dma_start3A_161 : memref<1x128x128xf32, #tpu.memory_space<vmem>> -> memref<128x128xf32, #tpu.memory_space<vmem>>
      %dma_start3A_163 = arith.constant 0 : i32
      %dma_start3A_164 = tpu.memref_slice %arg6[%dma_start3A_156, %dma_start3A_157, %dma_start3A_163] : memref<4x2x128xi32, #tpu.memory_space<vmem>> -> memref<1x1x128xi32, #tpu.memory_space<vmem>>
      %dma_start3A_165 = tpu.memref_squeeze %dma_start3A_164 : memref<1x1x128xi32, #tpu.memory_space<vmem>> -> memref<128xi32, #tpu.memory_space<vmem>>
      %dma_start3A_166 = arith.constant 0 : i32
      %dma_start3A_167 = arith.constant 0 : i32
      %dma_start3A_168 = tpu.memref_slice %arg2[%dma_start3A_166, %dma_start3A_167] : memref<20480x128xf32, #tpu.memory_space<hbm>> -> memref<20480x128xf32, #tpu.memory_space<hbm>>
      tpu.enqueue_indirect_dma source(%dma_start3A_168 : memref<20480x128xf32, #tpu.memory_space<hbm>>) target(%dma_start3A_162 : memref<128x128xf32, #tpu.memory_space<vmem>>) offsets(%dma_start3A_165 : memref<128xi32, #tpu.memory_space<vmem>>) semaphore(%arg13 : memref<!tpu.dma_semaphore, #tpu.memory_space<semaphore_mem>>)
      %dma_wait3A_169 = arith.constant 0 : i32
      %dma_wait3A_170 = arith.constant 0 : i32
      %dma_wait3A_171 = arith.constant 0 : i32
      %dma_wait3A_172 = arith.constant 0 : i32
      %dma_wait3A_173 = arith.constant 0 : i32
      %dma_wait3A_174 = tpu.memref_slice %arg7[%dma_wait3A_171, %dma_wait3A_172, %dma_wait3A_173] : memref<2x128x128xf32, #tpu.memory_space<vmem>> -> memref<1x128x128xf32, #tpu.memory_space<vmem>>
      %dma_wait3A_175 = tpu.memref_squeeze %dma_wait3A_174 : memref<1x128x128xf32, #tpu.memory_space<vmem>> -> memref<128x128xf32, #tpu.memory_space<vmem>>
      %dma_wait3A_176 = arith.constant 0 : i32
      %dma_wait3A_177 = tpu.memref_slice %arg6[%dma_wait3A_169, %dma_wait3A_170, %dma_wait3A_176] : memref<4x2x128xi32, #tpu.memory_space<vmem>> -> memref<1x1x128xi32, #tpu.memory_space<vmem>>
      %dma_wait3A_178 = tpu.memref_squeeze %dma_wait3A_177 : memref<1x1x128xi32, #tpu.memory_space<vmem>> -> memref<128xi32, #tpu.memory_space<vmem>>
      %dma_wait3A_179 = arith.constant 0 : i32
      %dma_wait3A_180 = arith.constant 0 : i32
      %dma_wait3A_181 = tpu.memref_slice %arg2[%dma_wait3A_179, %dma_wait3A_180] : memref<20480x128xf32, #tpu.memory_space<hbm>> -> memref<20480x128xf32, #tpu.memory_space<hbm>>
      tpu.wait_indirect_dma semaphore(%arg13 : memref<!tpu.dma_semaphore, #tpu.memory_space<semaphore_mem>>) src(%dma_wait3A_181 : memref<20480x128xf32, #tpu.memory_space<hbm>>) dst(%dma_wait3A_175 : memref<128x128xf32, #tpu.memory_space<vmem>>)
      %dma_start3A_182 = arith.constant 0 : i32
      %dma_start3A_183 = arith.constant 0 : i32
      %dma_start3A_184 = arith.constant 1 : i32
      %dma_start3A_185 = arith.constant 0 : i32
      %dma_start3A_186 = arith.constant 0 : i32
      %dma_start3A_187 = tpu.memref_slice %arg7[%dma_start3A_182, %dma_start3A_185, %dma_start3A_186] : memref<2x128x128xf32, #tpu.memory_space<vmem>> -> memref<1x128x128xf32, #tpu.memory_space<vmem>>
      %dma_start3A_188 = tpu.memref_squeeze %dma_start3A_187 : memref<1x128x128xf32, #tpu.memory_space<vmem>> -> memref<128x128xf32, #tpu.memory_space<vmem>>
      %dma_start3A_189 = arith.constant 0 : i32
      %dma_start3A_190 = tpu.memref_slice %arg6[%dma_start3A_183, %dma_start3A_184, %dma_start3A_189] : memref<4x2x128xi32, #tpu.memory_space<vmem>> -> memref<1x1x128xi32, #tpu.memory_space<vmem>>
      %dma_start3A_191 = tpu.memref_squeeze %dma_start3A_190 : memref<1x1x128xi32, #tpu.memory_space<vmem>> -> memref<128xi32, #tpu.memory_space<vmem>>
      %dma_start3A_192 = arith.constant 0 : i32
      %dma_start3A_193 = arith.constant 0 : i32
      %dma_start3A_194 = tpu.memref_slice %arg8[%dma_start3A_192, %dma_start3A_193] : memref<10240x128xf32, #tpu.memory_space<vmem_shared>> -> memref<10240x128xf32, #tpu.memory_space<vmem_shared>>
      tpu.enqueue_indirect_dma source(%dma_start3A_188 : memref<128x128xf32, #tpu.memory_space<vmem>>) target(%dma_start3A_194 : memref<10240x128xf32, #tpu.memory_space<vmem_shared>>) offsets(%dma_start3A_191 : memref<128xi32, #tpu.memory_space<vmem>>) semaphore(%arg15 : memref<!tpu.dma_semaphore, #tpu.memory_space<semaphore_mem>>) {add = true}
      %gt3A_195 = arith.constant 0 : i32
      %gt3A_196 = arith.cmpi sgt, %scan3A_112, %gt3A_195 : i32
      %convert_element_type3A_197 = arith.extui %gt3A_196 : i1 to i32
      %cond3A_198 = arith.constant 0 : i32
      %cond3A_199 = arith.cmpi ne, %convert_element_type3A_197, %cond3A_198 : i32
      scf.if %cond3A_199 {
        %dma_wait3A_460 = arith.constant 1 : i32
        %dma_wait3A_461 = arith.constant 3 : i32
        %dma_wait3A_462 = arith.constant 1 : i32
        %dma_wait3A_463 = arith.constant 0 : i32
        %dma_wait3A_464 = arith.constant 0 : i32
        %dma_wait3A_465 = tpu.memref_slice %arg7[%dma_wait3A_460, %dma_wait3A_463, %dma_wait3A_464] : memref<2x128x128xf32, #tpu.memory_space<vmem>> -> memref<1x128x128xf32, #tpu.memory_space<vmem>>
        %dma_wait3A_466 = tpu.memref_squeeze %dma_wait3A_465 : memref<1x128x128xf32, #tpu.memory_space<vmem>> -> memref<128x128xf32, #tpu.memory_space<vmem>>
        %dma_wait3A_467 = arith.constant 0 : i32
        %dma_wait3A_468 = tpu.memref_slice %arg6[%dma_wait3A_461, %dma_wait3A_462, %dma_wait3A_467] : memref<4x2x128xi32, #tpu.memory_space<vmem>> -> memref<1x1x128xi32, #tpu.memory_space<vmem>>
        %dma_wait3A_469 = tpu.memref_squeeze %dma_wait3A_468 : memref<1x1x128xi32, #tpu.memory_space<vmem>> -> memref<128xi32, #tpu.memory_space<vmem>>
        %dma_wait3A_470 = arith.constant 0 : i32
        %dma_wait3A_471 = arith.constant 0 : i32
        %dma_wait3A_472 = tpu.memref_slice %arg8[%dma_wait3A_470, %dma_wait3A_471] : memref<10240x128xf32, #tpu.memory_space<vmem_shared>> -> memref<10240x128xf32, #tpu.memory_space<vmem_shared>>
        tpu.wait_indirect_dma semaphore(%arg16 : memref<!tpu.dma_semaphore, #tpu.memory_space<semaphore_mem>>) src(%dma_wait3A_466 : memref<128x128xf32, #tpu.memory_space<vmem>>) dst(%dma_wait3A_472 : memref<10240x128xf32, #tpu.memory_space<vmem_shared>>)
      } else {
      }
      %add3A_200 = arith.constant 1 : i32
      %add3A_201 = arith.addi %mul3A_114, %add3A_200 : i32
      %add3A_202 = arith.constant 2 : i32
      %add3A_203 = arith.addi %add3A_201, %add3A_202 : i32
      %dma_start3A_204 = arith.constant 3 : i32
      %dma_start3A_205 = arith.constant 0 : i32
      %dma_start3A_206 = arith.constant 0 : i32
      %dma_start3A_207 = tpu.memref_slice %arg6[%dma_start3A_204, %dma_start3A_205, %dma_start3A_206] : memref<4x2x128xi32, #tpu.memory_space<vmem>> -> memref<1x2x128xi32, #tpu.memory_space<vmem>>
      %dma_start3A_208 = tpu.memref_squeeze %dma_start3A_207 : memref<1x2x128xi32, #tpu.memory_space<vmem>> -> memref<2x128xi32, #tpu.memory_space<vmem>>
      %dma_start3A_209 = arith.constant 0 : i32
      %dma_start3A_210 = arith.constant 0 : i32
      %dma_start3A_211 = tpu.memref_slice %arg3[%add3A, %add3A_203, %dma_start3A_209, %dma_start3A_210] : memref<32x162x2x128xi32, #tpu.memory_space<hbm>> -> memref<1x1x2x128xi32, #tpu.memory_space<hbm>>
      %dma_start3A_212 = tpu.memref_squeeze %dma_start3A_211 : memref<1x1x2x128xi32, #tpu.memory_space<hbm>> -> memref<2x128xi32, #tpu.memory_space<hbm>>
      %dma_start3A_213 = arith.constant 0 : i32
      %dma_start3A_214 = arith.constant 0 : i32
      %dma_start3A_215 = tpu.memref_slice %arg6[%dma_start3A_204, %dma_start3A_213, %dma_start3A_214] : memref<4x2x128xi32, #tpu.memory_space<vmem>> -> memref<1x2x128xi32, #tpu.memory_space<vmem>>
      %dma_start3A_216 = tpu.memref_squeeze %dma_start3A_215 : memref<1x2x128xi32, #tpu.memory_space<vmem>> -> memref<2x128xi32, #tpu.memory_space<vmem>>
      %dma_start3A_217 = arith.constant 0 : i32
      %dma_start3A_218 = arith.constant 0 : i32
      %dma_start3A_219 = tpu.memref_slice %arg3[%add3A, %add3A_203, %dma_start3A_217, %dma_start3A_218] : memref<32x162x2x128xi32, #tpu.memory_space<hbm>> -> memref<1x1x2x128xi32, #tpu.memory_space<hbm>>
      %dma_start3A_220 = tpu.memref_squeeze %dma_start3A_219 : memref<1x1x2x128xi32, #tpu.memory_space<hbm>> -> memref<2x128xi32, #tpu.memory_space<hbm>>
      tpu.enqueue_dma source(%dma_start3A_220 : memref<2x128xi32, #tpu.memory_space<hbm>>) target(%dma_start3A_216 : memref<2x128xi32, #tpu.memory_space<vmem>>) target_semaphore(%arg12 : memref<!tpu.dma_semaphore, #tpu.memory_space<semaphore_mem>>)
      %dma_wait3A_221 = arith.constant 0 : i32
      %dma_wait3A_222 = arith.constant 1 : i32
      %dma_wait3A_223 = arith.constant 0 : i32
      %dma_wait3A_224 = arith.constant 0 : i32
      %dma_wait3A_225 = tpu.memref_slice %arg6[%dma_wait3A_222, %dma_wait3A_223, %dma_wait3A_224] : memref<4x2x128xi32, #tpu.memory_space<vmem>> -> memref<1x2x128xi32, #tpu.memory_space<vmem>>
      %dma_wait3A_226 = tpu.memref_squeeze %dma_wait3A_225 : memref<1x2x128xi32, #tpu.memory_space<vmem>> -> memref<2x128xi32, #tpu.memory_space<vmem>>
      %dma_wait3A_227 = arith.constant 0 : i32
      %dma_wait3A_228 = arith.constant 0 : i32
      %dma_wait3A_229 = tpu.memref_slice %arg3[%add3A, %dma_wait3A_221, %dma_wait3A_227, %dma_wait3A_228] : memref<32x162x2x128xi32, #tpu.memory_space<hbm>> -> memref<1x1x2x128xi32, #tpu.memory_space<hbm>>
      %dma_wait3A_230 = tpu.memref_squeeze %dma_wait3A_229 : memref<1x1x2x128xi32, #tpu.memory_space<hbm>> -> memref<2x128xi32, #tpu.memory_space<hbm>>
      %dma_wait3A_231 = arith.constant 0 : i32
      %dma_wait3A_232 = arith.constant 0 : i32
      %dma_wait3A_233 = tpu.memref_slice %arg6[%dma_wait3A_222, %dma_wait3A_231, %dma_wait3A_232] : memref<4x2x128xi32, #tpu.memory_space<vmem>> -> memref<1x2x128xi32, #tpu.memory_space<vmem>>
      %dma_wait3A_234 = tpu.memref_squeeze %dma_wait3A_233 : memref<1x2x128xi32, #tpu.memory_space<vmem>> -> memref<2x128xi32, #tpu.memory_space<vmem>>
      %dma_wait3A_235 = arith.constant 0 : i32
      %dma_wait3A_236 = arith.constant 0 : i32
      %dma_wait3A_237 = tpu.memref_slice %arg3[%add3A, %dma_wait3A_221, %dma_wait3A_235, %dma_wait3A_236] : memref<32x162x2x128xi32, #tpu.memory_space<hbm>> -> memref<1x1x2x128xi32, #tpu.memory_space<hbm>>
      %dma_wait3A_238 = tpu.memref_squeeze %dma_wait3A_237 : memref<1x1x2x128xi32, #tpu.memory_space<hbm>> -> memref<2x128xi32, #tpu.memory_space<hbm>>
      tpu.wait_dma2 semaphore(%arg10 : memref<!tpu.dma_semaphore, #tpu.memory_space<semaphore_mem>>) src(%dma_wait3A_238 : memref<2x128xi32, #tpu.memory_space<hbm>>) dst(%dma_wait3A_234 : memref<2x128xi32, #tpu.memory_space<vmem>>)
      %dma_start3A_239 = arith.constant 1 : i32
      %dma_start3A_240 = arith.constant 0 : i32
      %dma_start3A_241 = arith.constant 1 : i32
      %dma_start3A_242 = arith.constant 0 : i32
      %dma_start3A_243 = arith.constant 0 : i32
      %dma_start3A_244 = tpu.memref_slice %arg7[%dma_start3A_241, %dma_start3A_242, %dma_start3A_243] : memref<2x128x128xf32, #tpu.memory_space<vmem>> -> memref<1x128x128xf32, #tpu.memory_space<vmem>>
      %dma_start3A_245 = tpu.memref_squeeze %dma_start3A_244 : memref<1x128x128xf32, #tpu.memory_space<vmem>> -> memref<128x128xf32, #tpu.memory_space<vmem>>
      %dma_start3A_246 = arith.constant 0 : i32
      %dma_start3A_247 = tpu.memref_slice %arg6[%dma_start3A_239, %dma_start3A_240, %dma_start3A_246] : memref<4x2x128xi32, #tpu.memory_space<vmem>> -> memref<1x1x128xi32, #tpu.memory_space<vmem>>
      %dma_start3A_248 = tpu.memref_squeeze %dma_start3A_247 : memref<1x1x128xi32, #tpu.memory_space<vmem>> -> memref<128xi32, #tpu.memory_space<vmem>>
      %dma_start3A_249 = arith.constant 0 : i32
      %dma_start3A_250 = arith.constant 0 : i32
      %dma_start3A_251 = tpu.memref_slice %arg2[%dma_start3A_249, %dma_start3A_250] : memref<20480x128xf32, #tpu.memory_space<hbm>> -> memref<20480x128xf32, #tpu.memory_space<hbm>>
      tpu.enqueue_indirect_dma source(%dma_start3A_251 : memref<20480x128xf32, #tpu.memory_space<hbm>>) target(%dma_start3A_245 : memref<128x128xf32, #tpu.memory_space<vmem>>) offsets(%dma_start3A_248 : memref<128xi32, #tpu.memory_space<vmem>>) semaphore(%arg14 : memref<!tpu.dma_semaphore, #tpu.memory_space<semaphore_mem>>)
      %dma_wait3A_252 = arith.constant 1 : i32
      %dma_wait3A_253 = arith.constant 0 : i32
      %dma_wait3A_254 = arith.constant 1 : i32
      %dma_wait3A_255 = arith.constant 0 : i32
      %dma_wait3A_256 = arith.constant 0 : i32
      %dma_wait3A_257 = tpu.memref_slice %arg7[%dma_wait3A_254, %dma_wait3A_255, %dma_wait3A_256] : memref<2x128x128xf32, #tpu.memory_space<vmem>> -> memref<1x128x128xf32, #tpu.memory_space<vmem>>
      %dma_wait3A_258 = tpu.memref_squeeze %dma_wait3A_257 : memref<1x128x128xf32, #tpu.memory_space<vmem>> -> memref<128x128xf32, #tpu.memory_space<vmem>>
      %dma_wait3A_259 = arith.constant 0 : i32
      %dma_wait3A_260 = tpu.memref_slice %arg6[%dma_wait3A_252, %dma_wait3A_253, %dma_wait3A_259] : memref<4x2x128xi32, #tpu.memory_space<vmem>> -> memref<1x1x128xi32, #tpu.memory_space<vmem>>
      %dma_wait3A_261 = tpu.memref_squeeze %dma_wait3A_260 : memref<1x1x128xi32, #tpu.memory_space<vmem>> -> memref<128xi32, #tpu.memory_space<vmem>>
      %dma_wait3A_262 = arith.constant 0 : i32
      %dma_wait3A_263 = arith.constant 0 : i32
      %dma_wait3A_264 = tpu.memref_slice %arg2[%dma_wait3A_262, %dma_wait3A_263] : memref<20480x128xf32, #tpu.memory_space<hbm>> -> memref<20480x128xf32, #tpu.memory_space<hbm>>
      tpu.wait_indirect_dma semaphore(%arg14 : memref<!tpu.dma_semaphore, #tpu.memory_space<semaphore_mem>>) src(%dma_wait3A_264 : memref<20480x128xf32, #tpu.memory_space<hbm>>) dst(%dma_wait3A_258 : memref<128x128xf32, #tpu.memory_space<vmem>>)
      %dma_start3A_265 = arith.constant 1 : i32
      %dma_start3A_266 = arith.constant 1 : i32
      %dma_start3A_267 = arith.constant 1 : i32
      %dma_start3A_268 = arith.constant 0 : i32
      %dma_start3A_269 = arith.constant 0 : i32
      %dma_start3A_270 = tpu.memref_slice %arg7[%dma_start3A_265, %dma_start3A_268, %dma_start3A_269] : memref<2x128x128xf32, #tpu.memory_space<vmem>> -> memref<1x128x128xf32, #tpu.memory_space<vmem>>
      %dma_start3A_271 = tpu.memref_squeeze %dma_start3A_270 : memref<1x128x128xf32, #tpu.memory_space<vmem>> -> memref<128x128xf32, #tpu.memory_space<vmem>>
      %dma_start3A_272 = arith.constant 0 : i32
      %dma_start3A_273 = tpu.memref_slice %arg6[%dma_start3A_266, %dma_start3A_267, %dma_start3A_272] : memref<4x2x128xi32, #tpu.memory_space<vmem>> -> memref<1x1x128xi32, #tpu.memory_space<vmem>>
      %dma_start3A_274 = tpu.memref_squeeze %dma_start3A_273 : memref<1x1x128xi32, #tpu.memory_space<vmem>> -> memref<128xi32, #tpu.memory_space<vmem>>
      %dma_start3A_275 = arith.constant 0 : i32
      %dma_start3A_276 = arith.constant 0 : i32
      %dma_start3A_277 = tpu.memref_slice %arg8[%dma_start3A_275, %dma_start3A_276] : memref<10240x128xf32, #tpu.memory_space<vmem_shared>> -> memref<10240x128xf32, #tpu.memory_space<vmem_shared>>
      tpu.enqueue_indirect_dma source(%dma_start3A_271 : memref<128x128xf32, #tpu.memory_space<vmem>>) target(%dma_start3A_277 : memref<10240x128xf32, #tpu.memory_space<vmem_shared>>) offsets(%dma_start3A_274 : memref<128xi32, #tpu.memory_space<vmem>>) semaphore(%arg16 : memref<!tpu.dma_semaphore, #tpu.memory_space<semaphore_mem>>) {add = true}
      %dma_wait3A_278 = arith.constant 0 : i32
      %dma_wait3A_279 = arith.constant 0 : i32
      %dma_wait3A_280 = arith.constant 1 : i32
      %dma_wait3A_281 = arith.constant 0 : i32
      %dma_wait3A_282 = arith.constant 0 : i32
      %dma_wait3A_283 = tpu.memref_slice %arg7[%dma_wait3A_278, %dma_wait3A_281, %dma_wait3A_282] : memref<2x128x128xf32, #tpu.memory_space<vmem>> -> memref<1x128x128xf32, #tpu.memory_space<vmem>>
      %dma_wait3A_284 = tpu.memref_squeeze %dma_wait3A_283 : memref<1x128x128xf32, #tpu.memory_space<vmem>> -> memref<128x128xf32, #tpu.memory_space<vmem>>
      %dma_wait3A_285 = arith.constant 0 : i32
      %dma_wait3A_286 = tpu.memref_slice %arg6[%dma_wait3A_279, %dma_wait3A_280, %dma_wait3A_285] : memref<4x2x128xi32, #tpu.memory_space<vmem>> -> memref<1x1x128xi32, #tpu.memory_space<vmem>>
      %dma_wait3A_287 = tpu.memref_squeeze %dma_wait3A_286 : memref<1x1x128xi32, #tpu.memory_space<vmem>> -> memref<128xi32, #tpu.memory_space<vmem>>
      %dma_wait3A_288 = arith.constant 0 : i32
      %dma_wait3A_289 = arith.constant 0 : i32
      %dma_wait3A_290 = tpu.memref_slice %arg8[%dma_wait3A_288, %dma_wait3A_289] : memref<10240x128xf32, #tpu.memory_space<vmem_shared>> -> memref<10240x128xf32, #tpu.memory_space<vmem_shared>>
      tpu.wait_indirect_dma semaphore(%arg15 : memref<!tpu.dma_semaphore, #tpu.memory_space<semaphore_mem>>) src(%dma_wait3A_284 : memref<128x128xf32, #tpu.memory_space<vmem>>) dst(%dma_wait3A_290 : memref<10240x128xf32, #tpu.memory_space<vmem_shared>>)
      %add3A_291 = arith.constant 2 : i32
      %add3A_292 = arith.addi %mul3A_114, %add3A_291 : i32
      %add3A_293 = arith.constant 2 : i32
      %add3A_294 = arith.addi %add3A_292, %add3A_293 : i32
      %dma_start3A_295 = arith.constant 0 : i32
      %dma_start3A_296 = arith.constant 0 : i32
      %dma_start3A_297 = arith.constant 0 : i32
      %dma_start3A_298 = tpu.memref_slice %arg6[%dma_start3A_295, %dma_start3A_296, %dma_start3A_297] : memref<4x2x128xi32, #tpu.memory_space<vmem>> -> memref<1x2x128xi32, #tpu.memory_space<vmem>>
      %dma_start3A_299 = tpu.memref_squeeze %dma_start3A_298 : memref<1x2x128xi32, #tpu.memory_space<vmem>> -> memref<2x128xi32, #tpu.memory_space<vmem>>
      %dma_start3A_300 = arith.constant 0 : i32
      %dma_start3A_301 = arith.constant 0 : i32
      %dma_start3A_302 = tpu.memref_slice %arg3[%add3A, %add3A_294, %dma_start3A_300, %dma_start3A_301] : memref<32x162x2x128xi32, #tpu.memory_space<hbm>> -> memref<1x1x2x128xi32, #tpu.memory_space<hbm>>
      %dma_start3A_303 = tpu.memref_squeeze %dma_start3A_302 : memref<1x1x2x128xi32, #tpu.memory_space<hbm>> -> memref<2x128xi32, #tpu.memory_space<hbm>>
      %dma_start3A_304 = arith.constant 0 : i32
      %dma_start3A_305 = arith.constant 0 : i32
      %dma_start3A_306 = tpu.memref_slice %arg6[%dma_start3A_295, %dma_start3A_304, %dma_start3A_305] : memref<4x2x128xi32, #tpu.memory_space<vmem>> -> memref<1x2x128xi32, #tpu.memory_space<vmem>>
      %dma_start3A_307 = tpu.memref_squeeze %dma_start3A_306 : memref<1x2x128xi32, #tpu.memory_space<vmem>> -> memref<2x128xi32, #tpu.memory_space<vmem>>
      %dma_start3A_308 = arith.constant 0 : i32
      %dma_start3A_309 = arith.constant 0 : i32
      %dma_start3A_310 = tpu.memref_slice %arg3[%add3A, %add3A_294, %dma_start3A_308, %dma_start3A_309] : memref<32x162x2x128xi32, #tpu.memory_space<hbm>> -> memref<1x1x2x128xi32, #tpu.memory_space<hbm>>
      %dma_start3A_311 = tpu.memref_squeeze %dma_start3A_310 : memref<1x1x2x128xi32, #tpu.memory_space<hbm>> -> memref<2x128xi32, #tpu.memory_space<hbm>>
      tpu.enqueue_dma source(%dma_start3A_311 : memref<2x128xi32, #tpu.memory_space<hbm>>) target(%dma_start3A_307 : memref<2x128xi32, #tpu.memory_space<vmem>>) target_semaphore(%arg9 : memref<!tpu.dma_semaphore, #tpu.memory_space<semaphore_mem>>)
      %dma_wait3A_312 = arith.constant 0 : i32
      %dma_wait3A_313 = arith.constant 2 : i32
      %dma_wait3A_314 = arith.constant 0 : i32
      %dma_wait3A_315 = arith.constant 0 : i32
      %dma_wait3A_316 = tpu.memref_slice %arg6[%dma_wait3A_313, %dma_wait3A_314, %dma_wait3A_315] : memref<4x2x128xi32, #tpu.memory_space<vmem>> -> memref<1x2x128xi32, #tpu.memory_space<vmem>>
      %dma_wait3A_317 = tpu.memref_squeeze %dma_wait3A_316 : memref<1x2x128xi32, #tpu.memory_space<vmem>> -> memref<2x128xi32, #tpu.memory_space<vmem>>
      %dma_wait3A_318 = arith.constant 0 : i32
      %dma_wait3A_319 = arith.constant 0 : i32
      %dma_wait3A_320 = tpu.memref_slice %arg3[%add3A, %dma_wait3A_312, %dma_wait3A_318, %dma_wait3A_319] : memref<32x162x2x128xi32, #tpu.memory_space<hbm>> -> memref<1x1x2x128xi32, #tpu.memory_space<hbm>>
      %dma_wait3A_321 = tpu.memref_squeeze %dma_wait3A_320 : memref<1x1x2x128xi32, #tpu.memory_space<hbm>> -> memref<2x128xi32, #tpu.memory_space<hbm>>
      %dma_wait3A_322 = arith.constant 0 : i32
      %dma_wait3A_323 = arith.constant 0 : i32
      %dma_wait3A_324 = tpu.memref_slice %arg6[%dma_wait3A_313, %dma_wait3A_322, %dma_wait3A_323] : memref<4x2x128xi32, #tpu.memory_space<vmem>> -> memref<1x2x128xi32, #tpu.memory_space<vmem>>
      %dma_wait3A_325 = tpu.memref_squeeze %dma_wait3A_324 : memref<1x2x128xi32, #tpu.memory_space<vmem>> -> memref<2x128xi32, #tpu.memory_space<vmem>>
      %dma_wait3A_326 = arith.constant 0 : i32
      %dma_wait3A_327 = arith.constant 0 : i32
      %dma_wait3A_328 = tpu.memref_slice %arg3[%add3A, %dma_wait3A_312, %dma_wait3A_326, %dma_wait3A_327] : memref<32x162x2x128xi32, #tpu.memory_space<hbm>> -> memref<1x1x2x128xi32, #tpu.memory_space<hbm>>
      %dma_wait3A_329 = tpu.memref_squeeze %dma_wait3A_328 : memref<1x1x2x128xi32, #tpu.memory_space<hbm>> -> memref<2x128xi32, #tpu.memory_space<hbm>>
      tpu.wait_dma2 semaphore(%arg11 : memref<!tpu.dma_semaphore, #tpu.memory_space<semaphore_mem>>) src(%dma_wait3A_329 : memref<2x128xi32, #tpu.memory_space<hbm>>) dst(%dma_wait3A_325 : memref<2x128xi32, #tpu.memory_space<vmem>>)
      %dma_start3A_330 = arith.constant 2 : i32
      %dma_start3A_331 = arith.constant 0 : i32
      %dma_start3A_332 = arith.constant 0 : i32
      %dma_start3A_333 = arith.constant 0 : i32
      %dma_start3A_334 = arith.constant 0 : i32
      %dma_start3A_335 = tpu.memref_slice %arg7[%dma_start3A_332, %dma_start3A_333, %dma_start3A_334] : memref<2x128x128xf32, #tpu.memory_space<vmem>> -> memref<1x128x128xf32, #tpu.memory_space<vmem>>
      %dma_start3A_336 = tpu.memref_squeeze %dma_start3A_335 : memref<1x128x128xf32, #tpu.memory_space<vmem>> -> memref<128x128xf32, #tpu.memory_space<vmem>>
      %dma_start3A_337 = arith.constant 0 : i32
      %dma_start3A_338 = tpu.memref_slice %arg6[%dma_start3A_330, %dma_start3A_331, %dma_start3A_337] : memref<4x2x128xi32, #tpu.memory_space<vmem>> -> memref<1x1x128xi32, #tpu.memory_space<vmem>>
      %dma_start3A_339 = tpu.memref_squeeze %dma_start3A_338 : memref<1x1x128xi32, #tpu.memory_space<vmem>> -> memref<128xi32, #tpu.memory_space<vmem>>
      %dma_start3A_340 = arith.constant 0 : i32
      %dma_start3A_341 = arith.constant 0 : i32
      %dma_start3A_342 = tpu.memref_slice %arg2[%dma_start3A_340, %dma_start3A_341] : memref<20480x128xf32, #tpu.memory_space<hbm>> -> memref<20480x128xf32, #tpu.memory_space<hbm>>
      tpu.enqueue_indirect_dma source(%dma_start3A_342 : memref<20480x128xf32, #tpu.memory_space<hbm>>) target(%dma_start3A_336 : memref<128x128xf32, #tpu.memory_space<vmem>>) offsets(%dma_start3A_339 : memref<128xi32, #tpu.memory_space<vmem>>) semaphore(%arg13 : memref<!tpu.dma_semaphore, #tpu.memory_space<semaphore_mem>>)
      %dma_wait3A_343 = arith.constant 2 : i32
      %dma_wait3A_344 = arith.constant 0 : i32
      %dma_wait3A_345 = arith.constant 0 : i32
      %dma_wait3A_346 = arith.constant 0 : i32
      %dma_wait3A_347 = arith.constant 0 : i32
      %dma_wait3A_348 = tpu.memref_slice %arg7[%dma_wait3A_345, %dma_wait3A_346, %dma_wait3A_347] : memref<2x128x128xf32, #tpu.memory_space<vmem>> -> memref<1x128x128xf32, #tpu.memory_space<vmem>>
      %dma_wait3A_349 = tpu.memref_squeeze %dma_wait3A_348 : memref<1x128x128xf32, #tpu.memory_space<vmem>> -> memref<128x128xf32, #tpu.memory_space<vmem>>
      %dma_wait3A_350 = arith.constant 0 : i32
      %dma_wait3A_351 = tpu.memref_slice %arg6[%dma_wait3A_343, %dma_wait3A_344, %dma_wait3A_350] : memref<4x2x128xi32, #tpu.memory_space<vmem>> -> memref<1x1x128xi32, #tpu.memory_space<vmem>>
      %dma_wait3A_352 = tpu.memref_squeeze %dma_wait3A_351 : memref<1x1x128xi32, #tpu.memory_space<vmem>> -> memref<128xi32, #tpu.memory_space<vmem>>
      %dma_wait3A_353 = arith.constant 0 : i32
      %dma_wait3A_354 = arith.constant 0 : i32
      %dma_wait3A_355 = tpu.memref_slice %arg2[%dma_wait3A_353, %dma_wait3A_354] : memref<20480x128xf32, #tpu.memory_space<hbm>> -> memref<20480x128xf32, #tpu.memory_space<hbm>>
      tpu.wait_indirect_dma semaphore(%arg13 : memref<!tpu.dma_semaphore, #tpu.memory_space<semaphore_mem>>) src(%dma_wait3A_355 : memref<20480x128xf32, #tpu.memory_space<hbm>>) dst(%dma_wait3A_349 : memref<128x128xf32, #tpu.memory_space<vmem>>)
      %dma_start3A_356 = arith.constant 0 : i32
      %dma_start3A_357 = arith.constant 2 : i32
      %dma_start3A_358 = arith.constant 1 : i32
      %dma_start3A_359 = arith.constant 0 : i32
      %dma_start3A_360 = arith.constant 0 : i32
      %dma_start3A_361 = tpu.memref_slice %arg7[%dma_start3A_356, %dma_start3A_359, %dma_start3A_360] : memref<2x128x128xf32, #tpu.memory_space<vmem>> -> memref<1x128x128xf32, #tpu.memory_space<vmem>>
      %dma_start3A_362 = tpu.memref_squeeze %dma_start3A_361 : memref<1x128x128xf32, #tpu.memory_space<vmem>> -> memref<128x128xf32, #tpu.memory_space<vmem>>
      %dma_start3A_363 = arith.constant 0 : i32
      %dma_start3A_364 = tpu.memref_slice %arg6[%dma_start3A_357, %dma_start3A_358, %dma_start3A_363] : memref<4x2x128xi32, #tpu.memory_space<vmem>> -> memref<1x1x128xi32, #tpu.memory_space<vmem>>
      %dma_start3A_365 = tpu.memref_squeeze %dma_start3A_364 : memref<1x1x128xi32, #tpu.memory_space<vmem>> -> memref<128xi32, #tpu.memory_space<vmem>>
      %dma_start3A_366 = arith.constant 0 : i32
      %dma_start3A_367 = arith.constant 0 : i32
      %dma_start3A_368 = tpu.memref_slice %arg8[%dma_start3A_366, %dma_start3A_367] : memref<10240x128xf32, #tpu.memory_space<vmem_shared>> -> memref<10240x128xf32, #tpu.memory_space<vmem_shared>>
      tpu.enqueue_indirect_dma source(%dma_start3A_362 : memref<128x128xf32, #tpu.memory_space<vmem>>) target(%dma_start3A_368 : memref<10240x128xf32, #tpu.memory_space<vmem_shared>>) offsets(%dma_start3A_365 : memref<128xi32, #tpu.memory_space<vmem>>) semaphore(%arg15 : memref<!tpu.dma_semaphore, #tpu.memory_space<semaphore_mem>>) {add = true}
      %dma_wait3A_369 = arith.constant 1 : i32
      %dma_wait3A_370 = arith.constant 1 : i32
      %dma_wait3A_371 = arith.constant 1 : i32
      %dma_wait3A_372 = arith.constant 0 : i32
      %dma_wait3A_373 = arith.constant 0 : i32
      %dma_wait3A_374 = tpu.memref_slice %arg7[%dma_wait3A_369, %dma_wait3A_372, %dma_wait3A_373] : memref<2x128x128xf32, #tpu.memory_space<vmem>> -> memref<1x128x128xf32, #tpu.memory_space<vmem>>
      %dma_wait3A_375 = tpu.memref_squeeze %dma_wait3A_374 : memref<1x128x128xf32, #tpu.memory_space<vmem>> -> memref<128x128xf32, #tpu.memory_space<vmem>>
      %dma_wait3A_376 = arith.constant 0 : i32
      %dma_wait3A_377 = tpu.memref_slice %arg6[%dma_wait3A_370, %dma_wait3A_371, %dma_wait3A_376] : memref<4x2x128xi32, #tpu.memory_space<vmem>> -> memref<1x1x128xi32, #tpu.memory_space<vmem>>
      %dma_wait3A_378 = tpu.memref_squeeze %dma_wait3A_377 : memref<1x1x128xi32, #tpu.memory_space<vmem>> -> memref<128xi32, #tpu.memory_space<vmem>>
      %dma_wait3A_379 = arith.constant 0 : i32
      %dma_wait3A_380 = arith.constant 0 : i32
      %dma_wait3A_381 = tpu.memref_slice %arg8[%dma_wait3A_379, %dma_wait3A_380] : memref<10240x128xf32, #tpu.memory_space<vmem_shared>> -> memref<10240x128xf32, #tpu.memory_space<vmem_shared>>
      tpu.wait_indirect_dma semaphore(%arg16 : memref<!tpu.dma_semaphore, #tpu.memory_space<semaphore_mem>>) src(%dma_wait3A_375 : memref<128x128xf32, #tpu.memory_space<vmem>>) dst(%dma_wait3A_381 : memref<10240x128xf32, #tpu.memory_space<vmem_shared>>)
      %add3A_382 = arith.constant 3 : i32
      %add3A_383 = arith.addi %mul3A_114, %add3A_382 : i32
      %add3A_384 = arith.constant 2 : i32
      %add3A_385 = arith.addi %add3A_383, %add3A_384 : i32
      %dma_start3A_386 = arith.constant 1 : i32
      %dma_start3A_387 = arith.constant 0 : i32
      %dma_start3A_388 = arith.constant 0 : i32
      %dma_start3A_389 = tpu.memref_slice %arg6[%dma_start3A_386, %dma_start3A_387, %dma_start3A_388] : memref<4x2x128xi32, #tpu.memory_space<vmem>> -> memref<1x2x128xi32, #tpu.memory_space<vmem>>
      %dma_start3A_390 = tpu.memref_squeeze %dma_start3A_389 : memref<1x2x128xi32, #tpu.memory_space<vmem>> -> memref<2x128xi32, #tpu.memory_space<vmem>>
      %dma_start3A_391 = arith.constant 0 : i32
      %dma_start3A_392 = arith.constant 0 : i32
      %dma_start3A_393 = tpu.memref_slice %arg3[%add3A, %add3A_385, %dma_start3A_391, %dma_start3A_392] : memref<32x162x2x128xi32, #tpu.memory_space<hbm>> -> memref<1x1x2x128xi32, #tpu.memory_space<hbm>>
      %dma_start3A_394 = tpu.memref_squeeze %dma_start3A_393 : memref<1x1x2x128xi32, #tpu.memory_space<hbm>> -> memref<2x128xi32, #tpu.memory_space<hbm>>
      %dma_start3A_395 = arith.constant 0 : i32
      %dma_start3A_396 = arith.constant 0 : i32
      %dma_start3A_397 = tpu.memref_slice %arg6[%dma_start3A_386, %dma_start3A_395, %dma_start3A_396] : memref<4x2x128xi32, #tpu.memory_space<vmem>> -> memref<1x2x128xi32, #tpu.memory_space<vmem>>
      %dma_start3A_398 = tpu.memref_squeeze %dma_start3A_397 : memref<1x2x128xi32, #tpu.memory_space<vmem>> -> memref<2x128xi32, #tpu.memory_space<vmem>>
      %dma_start3A_399 = arith.constant 0 : i32
      %dma_start3A_400 = arith.constant 0 : i32
      %dma_start3A_401 = tpu.memref_slice %arg3[%add3A, %add3A_385, %dma_start3A_399, %dma_start3A_400] : memref<32x162x2x128xi32, #tpu.memory_space<hbm>> -> memref<1x1x2x128xi32, #tpu.memory_space<hbm>>
      %dma_start3A_402 = tpu.memref_squeeze %dma_start3A_401 : memref<1x1x2x128xi32, #tpu.memory_space<hbm>> -> memref<2x128xi32, #tpu.memory_space<hbm>>
      tpu.enqueue_dma source(%dma_start3A_402 : memref<2x128xi32, #tpu.memory_space<hbm>>) target(%dma_start3A_398 : memref<2x128xi32, #tpu.memory_space<vmem>>) target_semaphore(%arg10 : memref<!tpu.dma_semaphore, #tpu.memory_space<semaphore_mem>>)
      %dma_wait3A_403 = arith.constant 0 : i32
      %dma_wait3A_404 = arith.constant 3 : i32
      %dma_wait3A_405 = arith.constant 0 : i32
      %dma_wait3A_406 = arith.constant 0 : i32
      %dma_wait3A_407 = tpu.memref_slice %arg6[%dma_wait3A_404, %dma_wait3A_405, %dma_wait3A_406] : memref<4x2x128xi32, #tpu.memory_space<vmem>> -> memref<1x2x128xi32, #tpu.memory_space<vmem>>
      %dma_wait3A_408 = tpu.memref_squeeze %dma_wait3A_407 : memref<1x2x128xi32, #tpu.memory_space<vmem>> -> memref<2x128xi32, #tpu.memory_space<vmem>>
      %dma_wait3A_409 = arith.constant 0 : i32
      %dma_wait3A_410 = arith.constant 0 : i32
      %dma_wait3A_411 = tpu.memref_slice %arg3[%add3A, %dma_wait3A_403, %dma_wait3A_409, %dma_wait3A_410] : memref<32x162x2x128xi32, #tpu.memory_space<hbm>> -> memref<1x1x2x128xi32, #tpu.memory_space<hbm>>
      %dma_wait3A_412 = tpu.memref_squeeze %dma_wait3A_411 : memref<1x1x2x128xi32, #tpu.memory_space<hbm>> -> memref<2x128xi32, #tpu.memory_space<hbm>>
      %dma_wait3A_413 = arith.constant 0 : i32
      %dma_wait3A_414 = arith.constant 0 : i32
      %dma_wait3A_415 = tpu.memref_slice %arg6[%dma_wait3A_404, %dma_wait3A_413, %dma_wait3A_414] : memref<4x2x128xi32, #tpu.memory_space<vmem>> -> memref<1x2x128xi32, #tpu.memory_space<vmem>>
      %dma_wait3A_416 = tpu.memref_squeeze %dma_wait3A_415 : memref<1x2x128xi32, #tpu.memory_space<vmem>> -> memref<2x128xi32, #tpu.memory_space<vmem>>
      %dma_wait3A_417 = arith.constant 0 : i32
      %dma_wait3A_418 = arith.constant 0 : i32
      %dma_wait3A_419 = tpu.memref_slice %arg3[%add3A, %dma_wait3A_403, %dma_wait3A_417, %dma_wait3A_418] : memref<32x162x2x128xi32, #tpu.memory_space<hbm>> -> memref<1x1x2x128xi32, #tpu.memory_space<hbm>>
      %dma_wait3A_420 = tpu.memref_squeeze %dma_wait3A_419 : memref<1x1x2x128xi32, #tpu.memory_space<hbm>> -> memref<2x128xi32, #tpu.memory_space<hbm>>
      tpu.wait_dma2 semaphore(%arg12 : memref<!tpu.dma_semaphore, #tpu.memory_space<semaphore_mem>>) src(%dma_wait3A_420 : memref<2x128xi32, #tpu.memory_space<hbm>>) dst(%dma_wait3A_416 : memref<2x128xi32, #tpu.memory_space<vmem>>)
      %dma_start3A_421 = arith.constant 3 : i32
      %dma_start3A_422 = arith.constant 0 : i32
      %dma_start3A_423 = arith.constant 1 : i32
      %dma_start3A_424 = arith.constant 0 : i32
      %dma_start3A_425 = arith.constant 0 : i32
      %dma_start3A_426 = tpu.memref_slice %arg7[%dma_start3A_423, %dma_start3A_424, %dma_start3A_425] : memref<2x128x128xf32, #tpu.memory_space<vmem>> -> memref<1x128x128xf32, #tpu.memory_space<vmem>>
      %dma_start3A_427 = tpu.memref_squeeze %dma_start3A_426 : memref<1x128x128xf32, #tpu.memory_space<vmem>> -> memref<128x128xf32, #tpu.memory_space<vmem>>
      %dma_start3A_428 = arith.constant 0 : i32
      %dma_start3A_429 = tpu.memref_slice %arg6[%dma_start3A_421, %dma_start3A_422, %dma_start3A_428] : memref<4x2x128xi32, #tpu.memory_space<vmem>> -> memref<1x1x128xi32, #tpu.memory_space<vmem>>
      %dma_start3A_430 = tpu.memref_squeeze %dma_start3A_429 : memref<1x1x128xi32, #tpu.memory_space<vmem>> -> memref<128xi32, #tpu.memory_space<vmem>>
      %dma_start3A_431 = arith.constant 0 : i32
      %dma_start3A_432 = arith.constant 0 : i32
      %dma_start3A_433 = tpu.memref_slice %arg2[%dma_start3A_431, %dma_start3A_432] : memref<20480x128xf32, #tpu.memory_space<hbm>> -> memref<20480x128xf32, #tpu.memory_space<hbm>>
      tpu.enqueue_indirect_dma source(%dma_start3A_433 : memref<20480x128xf32, #tpu.memory_space<hbm>>) target(%dma_start3A_427 : memref<128x128xf32, #tpu.memory_space<vmem>>) offsets(%dma_start3A_430 : memref<128xi32, #tpu.memory_space<vmem>>) semaphore(%arg14 : memref<!tpu.dma_semaphore, #tpu.memory_space<semaphore_mem>>)
      %dma_wait3A_434 = arith.constant 3 : i32
      %dma_wait3A_435 = arith.constant 0 : i32
      %dma_wait3A_436 = arith.constant 1 : i32
      %dma_wait3A_437 = arith.constant 0 : i32
      %dma_wait3A_438 = arith.constant 0 : i32
      %dma_wait3A_439 = tpu.memref_slice %arg7[%dma_wait3A_436, %dma_wait3A_437, %dma_wait3A_438] : memref<2x128x128xf32, #tpu.memory_space<vmem>> -> memref<1x128x128xf32, #tpu.memory_space<vmem>>
      %dma_wait3A_440 = tpu.memref_squeeze %dma_wait3A_439 : memref<1x128x128xf32, #tpu.memory_space<vmem>> -> memref<128x128xf32, #tpu.memory_space<vmem>>
      %dma_wait3A_441 = arith.constant 0 : i32
      %dma_wait3A_442 = tpu.memref_slice %arg6[%dma_wait3A_434, %dma_wait3A_435, %dma_wait3A_441] : memref<4x2x128xi32, #tpu.memory_space<vmem>> -> memref<1x1x128xi32, #tpu.memory_space<vmem>>
      %dma_wait3A_443 = tpu.memref_squeeze %dma_wait3A_442 : memref<1x1x128xi32, #tpu.memory_space<vmem>> -> memref<128xi32, #tpu.memory_space<vmem>>
      %dma_wait3A_444 = arith.constant 0 : i32
      %dma_wait3A_445 = arith.constant 0 : i32
      %dma_wait3A_446 = tpu.memref_slice %arg2[%dma_wait3A_444, %dma_wait3A_445] : memref<20480x128xf32, #tpu.memory_space<hbm>> -> memref<20480x128xf32, #tpu.memory_space<hbm>>
      tpu.wait_indirect_dma semaphore(%arg14 : memref<!tpu.dma_semaphore, #tpu.memory_space<semaphore_mem>>) src(%dma_wait3A_446 : memref<20480x128xf32, #tpu.memory_space<hbm>>) dst(%dma_wait3A_440 : memref<128x128xf32, #tpu.memory_space<vmem>>)
      %dma_start3A_447 = arith.constant 1 : i32
      %dma_start3A_448 = arith.constant 3 : i32
      %dma_start3A_449 = arith.constant 1 : i32
      %dma_start3A_450 = arith.constant 0 : i32
      %dma_start3A_451 = arith.constant 0 : i32
      %dma_start3A_452 = tpu.memref_slice %arg7[%dma_start3A_447, %dma_start3A_450, %dma_start3A_451] : memref<2x128x128xf32, #tpu.memory_space<vmem>> -> memref<1x128x128xf32, #tpu.memory_space<vmem>>
      %dma_start3A_453 = tpu.memref_squeeze %dma_start3A_452 : memref<1x128x128xf32, #tpu.memory_space<vmem>> -> memref<128x128xf32, #tpu.memory_space<vmem>>
      %dma_start3A_454 = arith.constant 0 : i32
      %dma_start3A_455 = tpu.memref_slice %arg6[%dma_start3A_448, %dma_start3A_449, %dma_start3A_454] : memref<4x2x128xi32, #tpu.memory_space<vmem>> -> memref<1x1x128xi32, #tpu.memory_space<vmem>>
      %dma_start3A_456 = tpu.memref_squeeze %dma_start3A_455 : memref<1x1x128xi32, #tpu.memory_space<vmem>> -> memref<128xi32, #tpu.memory_space<vmem>>
      %dma_start3A_457 = arith.constant 0 : i32
      %dma_start3A_458 = arith.constant 0 : i32
      %dma_start3A_459 = tpu.memref_slice %arg8[%dma_start3A_457, %dma_start3A_458] : memref<10240x128xf32, #tpu.memory_space<vmem_shared>> -> memref<10240x128xf32, #tpu.memory_space<vmem_shared>>
      tpu.enqueue_indirect_dma source(%dma_start3A_453 : memref<128x128xf32, #tpu.memory_space<vmem>>) target(%dma_start3A_459 : memref<10240x128xf32, #tpu.memory_space<vmem_shared>>) offsets(%dma_start3A_456 : memref<128xi32, #tpu.memory_space<vmem>>) semaphore(%arg16 : memref<!tpu.dma_semaphore, #tpu.memory_space<semaphore_mem>>) {add = true}
    }
    %scan3A_42 = arith.constant 40 : i32
    %dma_wait3A = arith.constant 0 : i32
    %dma_wait3A_43 = arith.constant 2 : i32
    %dma_wait3A_44 = arith.constant 1 : i32
    %dma_wait3A_45 = arith.constant 0 : i32
    %dma_wait3A_46 = arith.constant 0 : i32
    %dma_wait3A_47 = tpu.memref_slice %arg7[%dma_wait3A, %dma_wait3A_45, %dma_wait3A_46] : memref<2x128x128xf32, #tpu.memory_space<vmem>> -> memref<1x128x128xf32, #tpu.memory_space<vmem>>
    %dma_wait3A_48 = tpu.memref_squeeze %dma_wait3A_47 : memref<1x128x128xf32, #tpu.memory_space<vmem>> -> memref<128x128xf32, #tpu.memory_space<vmem>>
    %dma_wait3A_49 = arith.constant 0 : i32
    %dma_wait3A_50 = tpu.memref_slice %arg6[%dma_wait3A_43, %dma_wait3A_44, %dma_wait3A_49] : memref<4x2x128xi32, #tpu.memory_space<vmem>> -> memref<1x1x128xi32, #tpu.memory_space<vmem>>
    %dma_wait3A_51 = tpu.memref_squeeze %dma_wait3A_50 : memref<1x1x128xi32, #tpu.memory_space<vmem>> -> memref<128xi32, #tpu.memory_space<vmem>>
    %dma_wait3A_52 = arith.constant 0 : i32
    %dma_wait3A_53 = arith.constant 0 : i32
    %dma_wait3A_54 = tpu.memref_slice %arg8[%dma_wait3A_52, %dma_wait3A_53] : memref<10240x128xf32, #tpu.memory_space<vmem_shared>> -> memref<10240x128xf32, #tpu.memory_space<vmem_shared>>
    tpu.wait_indirect_dma semaphore(%arg15 : memref<!tpu.dma_semaphore, #tpu.memory_space<semaphore_mem>>) src(%dma_wait3A_48 : memref<128x128xf32, #tpu.memory_space<vmem>>) dst(%dma_wait3A_54 : memref<10240x128xf32, #tpu.memory_space<vmem_shared>>)
    %dma_wait3A_55 = arith.constant 1 : i32
    %dma_wait3A_56 = arith.constant 3 : i32
    %dma_wait3A_57 = arith.constant 1 : i32
    %dma_wait3A_58 = arith.constant 0 : i32
    %dma_wait3A_59 = arith.constant 0 : i32
    %dma_wait3A_60 = tpu.memref_slice %arg7[%dma_wait3A_55, %dma_wait3A_58, %dma_wait3A_59] : memref<2x128x128xf32, #tpu.memory_space<vmem>> -> memref<1x128x128xf32, #tpu.memory_space<vmem>>
    %dma_wait3A_61 = tpu.memref_squeeze %dma_wait3A_60 : memref<1x128x128xf32, #tpu.memory_space<vmem>> -> memref<128x128xf32, #tpu.memory_space<vmem>>
    %dma_wait3A_62 = arith.constant 0 : i32
    %dma_wait3A_63 = tpu.memref_slice %arg6[%dma_wait3A_56, %dma_wait3A_57, %dma_wait3A_62] : memref<4x2x128xi32, #tpu.memory_space<vmem>> -> memref<1x1x128xi32, #tpu.memory_space<vmem>>
    %dma_wait3A_64 = tpu.memref_squeeze %dma_wait3A_63 : memref<1x1x128xi32, #tpu.memory_space<vmem>> -> memref<128xi32, #tpu.memory_space<vmem>>
    %dma_wait3A_65 = arith.constant 0 : i32
    %dma_wait3A_66 = arith.constant 0 : i32
    %dma_wait3A_67 = tpu.memref_slice %arg8[%dma_wait3A_65, %dma_wait3A_66] : memref<10240x128xf32, #tpu.memory_space<vmem_shared>> -> memref<10240x128xf32, #tpu.memory_space<vmem_shared>>
    tpu.wait_indirect_dma semaphore(%arg16 : memref<!tpu.dma_semaphore, #tpu.memory_space<semaphore_mem>>) src(%dma_wait3A_61 : memref<128x128xf32, #tpu.memory_space<vmem>>) dst(%dma_wait3A_67 : memref<10240x128xf32, #tpu.memory_space<vmem_shared>>)
    %dma_wait3A_68 = arith.constant 0 : i32
    %dma_wait3A_69 = arith.constant 0 : i32
    %dma_wait3A_70 = arith.constant 0 : i32
    %dma_wait3A_71 = arith.constant 0 : i32
    %dma_wait3A_72 = tpu.memref_slice %arg6[%dma_wait3A_69, %dma_wait3A_70, %dma_wait3A_71] : memref<4x2x128xi32, #tpu.memory_space<vmem>> -> memref<1x2x128xi32, #tpu.memory_space<vmem>>
    %dma_wait3A_73 = tpu.memref_squeeze %dma_wait3A_72 : memref<1x2x128xi32, #tpu.memory_space<vmem>> -> memref<2x128xi32, #tpu.memory_space<vmem>>
    %dma_wait3A_74 = arith.constant 0 : i32
    %dma_wait3A_75 = arith.constant 0 : i32
    %dma_wait3A_76 = tpu.memref_slice %arg3[%add3A, %dma_wait3A_68, %dma_wait3A_74, %dma_wait3A_75] : memref<32x162x2x128xi32, #tpu.memory_space<hbm>> -> memref<1x1x2x128xi32, #tpu.memory_space<hbm>>
    %dma_wait3A_77 = tpu.memref_squeeze %dma_wait3A_76 : memref<1x1x2x128xi32, #tpu.memory_space<hbm>> -> memref<2x128xi32, #tpu.memory_space<hbm>>
    %dma_wait3A_78 = arith.constant 0 : i32
    %dma_wait3A_79 = arith.constant 0 : i32
    %dma_wait3A_80 = tpu.memref_slice %arg6[%dma_wait3A_69, %dma_wait3A_78, %dma_wait3A_79] : memref<4x2x128xi32, #tpu.memory_space<vmem>> -> memref<1x2x128xi32, #tpu.memory_space<vmem>>
    %dma_wait3A_81 = tpu.memref_squeeze %dma_wait3A_80 : memref<1x2x128xi32, #tpu.memory_space<vmem>> -> memref<2x128xi32, #tpu.memory_space<vmem>>
    %dma_wait3A_82 = arith.constant 0 : i32
    %dma_wait3A_83 = arith.constant 0 : i32
    %dma_wait3A_84 = tpu.memref_slice %arg3[%add3A, %dma_wait3A_68, %dma_wait3A_82, %dma_wait3A_83] : memref<32x162x2x128xi32, #tpu.memory_space<hbm>> -> memref<1x1x2x128xi32, #tpu.memory_space<hbm>>
    %dma_wait3A_85 = tpu.memref_squeeze %dma_wait3A_84 : memref<1x1x2x128xi32, #tpu.memory_space<hbm>> -> memref<2x128xi32, #tpu.memory_space<hbm>>
    tpu.wait_dma2 semaphore(%arg9 : memref<!tpu.dma_semaphore, #tpu.memory_space<semaphore_mem>>) src(%dma_wait3A_85 : memref<2x128xi32, #tpu.memory_space<hbm>>) dst(%dma_wait3A_81 : memref<2x128xi32, #tpu.memory_space<vmem>>)
    %dma_wait3A_86 = arith.constant 0 : i32
    %dma_wait3A_87 = arith.constant 1 : i32
    %dma_wait3A_88 = arith.constant 0 : i32
    %dma_wait3A_89 = arith.constant 0 : i32
    %dma_wait3A_90 = tpu.memref_slice %arg6[%dma_wait3A_87, %dma_wait3A_88, %dma_wait3A_89] : memref<4x2x128xi32, #tpu.memory_space<vmem>> -> memref<1x2x128xi32, #tpu.memory_space<vmem>>
    %dma_wait3A_91 = tpu.memref_squeeze %dma_wait3A_90 : memref<1x2x128xi32, #tpu.memory_space<vmem>> -> memref<2x128xi32, #tpu.memory_space<vmem>>
    %dma_wait3A_92 = arith.constant 0 : i32
    %dma_wait3A_93 = arith.constant 0 : i32
    %dma_wait3A_94 = tpu.memref_slice %arg3[%add3A, %dma_wait3A_86, %dma_wait3A_92, %dma_wait3A_93] : memref<32x162x2x128xi32, #tpu.memory_space<hbm>> -> memref<1x1x2x128xi32, #tpu.memory_space<hbm>>
    %dma_wait3A_95 = tpu.memref_squeeze %dma_wait3A_94 : memref<1x1x2x128xi32, #tpu.memory_space<hbm>> -> memref<2x128xi32, #tpu.memory_space<hbm>>
    %dma_wait3A_96 = arith.constant 0 : i32
    %dma_wait3A_97 = arith.constant 0 : i32
    %dma_wait3A_98 = tpu.memref_slice %arg6[%dma_wait3A_87, %dma_wait3A_96, %dma_wait3A_97] : memref<4x2x128xi32, #tpu.memory_space<vmem>> -> memref<1x2x128xi32, #tpu.memory_space<vmem>>
    %dma_wait3A_99 = tpu.memref_squeeze %dma_wait3A_98 : memref<1x2x128xi32, #tpu.memory_space<vmem>> -> memref<2x128xi32, #tpu.memory_space<vmem>>
    %dma_wait3A_100 = arith.constant 0 : i32
    %dma_wait3A_101 = arith.constant 0 : i32
    %dma_wait3A_102 = tpu.memref_slice %arg3[%add3A, %dma_wait3A_86, %dma_wait3A_100, %dma_wait3A_101] : memref<32x162x2x128xi32, #tpu.memory_space<hbm>> -> memref<1x1x2x128xi32, #tpu.memory_space<hbm>>
    %dma_wait3A_103 = tpu.memref_squeeze %dma_wait3A_102 : memref<1x1x2x128xi32, #tpu.memory_space<hbm>> -> memref<2x128xi32, #tpu.memory_space<hbm>>
    tpu.wait_dma2 semaphore(%arg10 : memref<!tpu.dma_semaphore, #tpu.memory_space<semaphore_mem>>) src(%dma_wait3A_103 : memref<2x128xi32, #tpu.memory_space<hbm>>) dst(%dma_wait3A_99 : memref<2x128xi32, #tpu.memory_space<vmem>>)
    %barrier3A_104 = arith.constant 0 : index
    tpu.barrier barrier_id(%barrier3A_104)
    %mul3A_105 = arith.constant 640 : i32
    %mul3A_106 = arith.muli %arg1, %mul3A_105 : i32
    %mul3A_107 = arith.constant 10240 : i32
    %mul3A_108 = arith.muli %arg0, %mul3A_107 : i32
    %mul3A_109 = arith.constant 640 : i32
    %mul3A_110 = arith.muli %arg1, %mul3A_109 : i32
    %add3A_111 = arith.addi %mul3A_108, %mul3A_110 : i32
    "tpu.region"() ({
      %run_scoped3A = tpu.sem_alloc : memref<!tpu.dma_semaphore, #tpu.memory_space<semaphore_mem>>
      %dma_start3A_112 = arith.constant 0 : i32
      %dma_start3A_113 = tpu.memref_slice %arg5[%add3A_111, %dma_start3A_112] : memref<20480x128xf32, #tpu.memory_space<hbm>> -> memref<640x128xf32, #tpu.memory_space<hbm>>
      %dma_start3A_114 = arith.constant 0 : i32
      %dma_start3A_115 = tpu.memref_slice %arg8[%mul3A_106, %dma_start3A_114] : memref<10240x128xf32, #tpu.memory_space<vmem_shared>> -> memref<640x128xf32, #tpu.memory_space<vmem_shared>>
      tpu.enqueue_dma source(%dma_start3A_115 : memref<640x128xf32, #tpu.memory_space<vmem_shared>>) target(%dma_start3A_113 : memref<640x128xf32, #tpu.memory_space<hbm>>) target_semaphore(%run_scoped3A : memref<!tpu.dma_semaphore, #tpu.memory_space<semaphore_mem>>)
      %dma_wait3A_116 = arith.constant 0 : i32
      %dma_wait3A_117 = tpu.memref_slice %arg5[%add3A_111, %dma_wait3A_116] : memref<20480x128xf32, #tpu.memory_space<hbm>> -> memref<640x128xf32, #tpu.memory_space<hbm>>
      %dma_wait3A_118 = arith.constant 0 : i32
      %dma_wait3A_119 = tpu.memref_slice %arg8[%mul3A_106, %dma_wait3A_118] : memref<10240x128xf32, #tpu.memory_space<vmem_shared>> -> memref<640x128xf32, #tpu.memory_space<vmem_shared>>
      tpu.wait_dma2 semaphore(%run_scoped3A : memref<!tpu.dma_semaphore, #tpu.memory_space<semaphore_mem>>) src(%dma_wait3A_119 : memref<640x128xf32, #tpu.memory_space<vmem_shared>>) dst(%dma_wait3A_117 : memref<640x128xf32, #tpu.memory_space<hbm>>)
      tpu.yield
    }) : () -> ()
    return
  }
}

#map = affine_map<(d0, d1) -> (0, 0, 0, 0)>
#map1 = affine_map<(d0, d1) -> (0, 0)>
module attributes {stable_mosaic.version = 14 : i64} {
  func.func @_sc_degrees_body(%arg0: i32, %arg1: i32, %arg2: memref<32x162x2x128xi32, #tpu.memory_space<hbm>>, %arg3: memref<32x10240xf32, #tpu.memory_space<hbm>>, %arg4: memref<32x10240xf32, #tpu.memory_space<hbm>>, %arg5: memref<8x2x128xi32, #tpu.memory_space<vmem>>, %arg6: memref<10240xf32, #tpu.memory_space<vmem>>, %arg7: memref<10240xf32, #tpu.memory_space<vmem>>) attributes {dimension_semantics = [#tpu.dimension_semantics<core_parallel>, #tpu.dimension_semantics<subcore_parallel>], iteration_bounds = array<i64: 2, 16>, scalar_prefetch = 0 : i64, scratch_operands = 3 : i64, tpu.core_type = #tpu.core_type<sc_vector_subcore>, window_params = [{transform_indices = #map}, {transform_indices = #map1}, {transform_indices = #map1}]} {
    %mul3A = arith.constant 16 : i32
    %mul3A_0 = arith.muli %arg0, %mul3A : i32
    %add3A = arith.addi %mul3A_0, %arg1 : i32
    %mul3A_1 = arith.constant 10240 : i32
    %mul3A_2 = arith.muli %arg0, %mul3A_1 : i32
    %broadcast_in_dim3A = arith.constant 0.000000e+00 : f32
    %broadcast_in_dim3A_3 = vector.broadcast %broadcast_in_dim3A : f32 to vector<16xf32>
    %broadcast_in_dim3A_4 = arith.constant 1.000000e+00 : f32
    %broadcast_in_dim3A_5 = vector.broadcast %broadcast_in_dim3A_4 : f32 to vector<16xf32>
    %scan3A = arith.constant 0 : i32
    %scan3A_6 = arith.constant 0 : i32
    %scan3A_7 = arith.constant 640 : i32
    %scan3A_8 = arith.addi %scan3A_6, %scan3A_7 : i32
    %scan3A_9 = arith.constant 1 : i32
    scf.for %scan3A_17 = %scan3A_6 to %scan3A_8 step %scan3A_9  : i32 {
      %mul3A_18 = arith.constant 16 : i32
      %mul3A_19 = arith.muli %scan3A_17, %mul3A_18 : i32
      %swap3A = arith.index_cast %mul3A_19 : i32 to index
      %swap3A_20 = tpu.vector_load %arg6[%swap3A] {strides = array<i32>} : memref<10240xf32, #tpu.memory_space<vmem>>, vector<16xf32>,
      tpu.vector_store %arg6[%swap3A], %broadcast_in_dim3A_3 {strides = array<i32>} : memref<10240xf32, #tpu.memory_space<vmem>>, vector<16xf32>,
      %mul3A_21 = arith.constant 16 : i32
      %mul3A_22 = arith.muli %scan3A_17, %mul3A_21 : i32
      %swap3A_23 = arith.index_cast %mul3A_22 : i32 to index
      %swap3A_24 = tpu.vector_load %arg7[%swap3A_23] {strides = array<i32>} : memref<10240xf32, #tpu.memory_space<vmem>>, vector<16xf32>,
      tpu.vector_store %arg7[%swap3A_23], %broadcast_in_dim3A_3 {strides = array<i32>} : memref<10240xf32, #tpu.memory_space<vmem>>, vector<16xf32>,
    }
    %scan3A_10 = arith.constant 640 : i32
    %scan3A_11 = arith.constant 0 : i32
    %scan3A_12 = arith.constant 0 : i32
    %scan3A_13 = arith.constant 20 : i32
    %scan3A_14 = arith.addi %scan3A_12, %scan3A_13 : i32
    %scan3A_15 = arith.constant 1 : i32
    scf.for %scan3A_17 = %scan3A_12 to %scan3A_14 step %scan3A_15  : i32 {
      %mul3A_18 = arith.constant 8 : i32
      %mul3A_19 = arith.muli %scan3A_17, %mul3A_18 : i32
      "tpu.region"() ({
        %run_scoped3A = tpu.sem_alloc : memref<!tpu.dma_semaphore, #tpu.memory_space<semaphore_mem>>
        %dma_start3A = arith.constant 0 : i32
        %dma_start3A_914 = arith.constant 0 : i32
        %dma_start3A_915 = tpu.memref_slice %arg2[%add3A, %mul3A_19, %dma_start3A, %dma_start3A_914] : memref<32x162x2x128xi32, #tpu.memory_space<hbm>> -> memref<1x8x2x128xi32, #tpu.memory_space<hbm>>
        %dma_start3A_916 = tpu.memref_squeeze %dma_start3A_915 : memref<1x8x2x128xi32, #tpu.memory_space<hbm>> -> memref<8x2x128xi32, #tpu.memory_space<hbm>>
        %dma_start3A_917 = arith.constant 0 : i32
        %dma_start3A_918 = arith.constant 0 : i32
        %dma_start3A_919 = tpu.memref_slice %arg2[%add3A, %mul3A_19, %dma_start3A_917, %dma_start3A_918] : memref<32x162x2x128xi32, #tpu.memory_space<hbm>> -> memref<1x8x2x128xi32, #tpu.memory_space<hbm>>
        %dma_start3A_920 = tpu.memref_squeeze %dma_start3A_919 : memref<1x8x2x128xi32, #tpu.memory_space<hbm>> -> memref<8x2x128xi32, #tpu.memory_space<hbm>>
        tpu.enqueue_dma source(%dma_start3A_920 : memref<8x2x128xi32, #tpu.memory_space<hbm>>) target(%arg5 : memref<8x2x128xi32, #tpu.memory_space<vmem>>) target_semaphore(%run_scoped3A : memref<!tpu.dma_semaphore, #tpu.memory_space<semaphore_mem>>)
        %dma_wait3A = arith.constant 0 : i32
        %dma_wait3A_921 = arith.constant 0 : i32
        %dma_wait3A_922 = tpu.memref_slice %arg2[%add3A, %mul3A_19, %dma_wait3A, %dma_wait3A_921] : memref<32x162x2x128xi32, #tpu.memory_space<hbm>> -> memref<1x8x2x128xi32, #tpu.memory_space<hbm>>
        %dma_wait3A_923 = tpu.memref_squeeze %dma_wait3A_922 : memref<1x8x2x128xi32, #tpu.memory_space<hbm>> -> memref<8x2x128xi32, #tpu.memory_space<hbm>>
        %dma_wait3A_924 = arith.constant 0 : i32
        %dma_wait3A_925 = arith.constant 0 : i32
        %dma_wait3A_926 = tpu.memref_slice %arg2[%add3A, %mul3A_19, %dma_wait3A_924, %dma_wait3A_925] : memref<32x162x2x128xi32, #tpu.memory_space<hbm>> -> memref<1x8x2x128xi32, #tpu.memory_space<hbm>>
        %dma_wait3A_927 = tpu.memref_squeeze %dma_wait3A_926 : memref<1x8x2x128xi32, #tpu.memory_space<hbm>> -> memref<8x2x128xi32, #tpu.memory_space<hbm>>
        tpu.wait_dma2 semaphore(%run_scoped3A : memref<!tpu.dma_semaphore, #tpu.memory_space<semaphore_mem>>) src(%dma_wait3A_927 : memref<8x2x128xi32, #tpu.memory_space<hbm>>) dst(%arg5 : memref<8x2x128xi32, #tpu.memory_space<vmem>>)
        tpu.yield
      }) : () -> ()
      %get3A = arith.constant 0 : i32
      %get3A_20 = arith.constant 0 : i32
      %get3A_21 = arith.index_cast %get3A : i32 to index
      %get3A_22 = arith.index_cast %get3A_20 : i32 to index
      %get3A_23 = arith.constant 0 : index
      %get3A_24 = tpu.vector_load %arg5[%get3A_21, %get3A_22, %get3A_23] {strides = array<i32>} : memref<8x2x128xi32, #tpu.memory_space<vmem>>, vector<16xi32>,
      %sub3A = vector.broadcast %mul3A_2 : i32 to vector<16xi32>
      %sub3A_25 = arith.subi %get3A_24, %sub3A : vector<16xi32>
      tpu.vector_store_idx %arg6[%sub3A_25], %broadcast_in_dim3A_5 {add = true} : memref<10240xf32, #tpu.memory_space<vmem>>[vector<16xi32>], vector<16xf32>,
      %get3A_26 = arith.constant 0 : i32
      %get3A_27 = arith.constant 1 : i32
      %get3A_28 = arith.index_cast %get3A_26 : i32 to index
      %get3A_29 = arith.index_cast %get3A_27 : i32 to index
      %get3A_30 = arith.constant 0 : index
      %get3A_31 = tpu.vector_load %arg5[%get3A_28, %get3A_29, %get3A_30] {strides = array<i32>} : memref<8x2x128xi32, #tpu.memory_space<vmem>>, vector<16xi32>,
      tpu.vector_store_idx %arg7[%get3A_31], %broadcast_in_dim3A_5 {add = true} : memref<10240xf32, #tpu.memory_space<vmem>>[vector<16xi32>], vector<16xf32>,
      %get3A_32 = arith.constant 0 : i32
      %get3A_33 = arith.constant 0 : i32
      %get3A_34 = arith.index_cast %get3A_32 : i32 to index
      %get3A_35 = arith.index_cast %get3A_33 : i32 to index
      %get3A_36 = arith.constant 16 : index
      %get3A_37 = tpu.vector_load %arg5[%get3A_34, %get3A_35, %get3A_36] {strides = array<i32>} : memref<8x2x128xi32, #tpu.memory_space<vmem>>, vector<16xi32>,
      %sub3A_38 = vector.broadcast %mul3A_2 : i32 to vector<16xi32>
      %sub3A_39 = arith.subi %get3A_37, %sub3A_38 : vector<16xi32>
      tpu.vector_store_idx %arg6[%sub3A_39], %broadcast_in_dim3A_5 {add = true} : memref<10240xf32, #tpu.memory_space<vmem>>[vector<16xi32>], vector<16xf32>,
      %get3A_40 = arith.constant 0 : i32
      %get3A_41 = arith.constant 1 : i32
      %get3A_42 = arith.index_cast %get3A_40 : i32 to index
      %get3A_43 = arith.index_cast %get3A_41 : i32 to index
      %get3A_44 = arith.constant 16 : index
      %get3A_45 = tpu.vector_load %arg5[%get3A_42, %get3A_43, %get3A_44] {strides = array<i32>} : memref<8x2x128xi32, #tpu.memory_space<vmem>>, vector<16xi32>,
      tpu.vector_store_idx %arg7[%get3A_45], %broadcast_in_dim3A_5 {add = true} : memref<10240xf32, #tpu.memory_space<vmem>>[vector<16xi32>], vector<16xf32>,
      %get3A_46 = arith.constant 0 : i32
      %get3A_47 = arith.constant 0 : i32
      %get3A_48 = arith.index_cast %get3A_46 : i32 to index
      %get3A_49 = arith.index_cast %get3A_47 : i32 to index
      %get3A_50 = arith.constant 32 : index
      %get3A_51 = tpu.vector_load %arg5[%get3A_48, %get3A_49, %get3A_50] {strides = array<i32>} : memref<8x2x128xi32, #tpu.memory_space<vmem>>, vector<16xi32>,
      %sub3A_52 = vector.broadcast %mul3A_2 : i32 to vector<16xi32>
      %sub3A_53 = arith.subi %get3A_51, %sub3A_52 : vector<16xi32>
      tpu.vector_store_idx %arg6[%sub3A_53], %broadcast_in_dim3A_5 {add = true} : memref<10240xf32, #tpu.memory_space<vmem>>[vector<16xi32>], vector<16xf32>,
      %get3A_54 = arith.constant 0 : i32
      %get3A_55 = arith.constant 1 : i32
      %get3A_56 = arith.index_cast %get3A_54 : i32 to index
      %get3A_57 = arith.index_cast %get3A_55 : i32 to index
      %get3A_58 = arith.constant 32 : index
      %get3A_59 = tpu.vector_load %arg5[%get3A_56, %get3A_57, %get3A_58] {strides = array<i32>} : memref<8x2x128xi32, #tpu.memory_space<vmem>>, vector<16xi32>,
      tpu.vector_store_idx %arg7[%get3A_59], %broadcast_in_dim3A_5 {add = true} : memref<10240xf32, #tpu.memory_space<vmem>>[vector<16xi32>], vector<16xf32>,
      %get3A_60 = arith.constant 0 : i32
      %get3A_61 = arith.constant 0 : i32
      %get3A_62 = arith.index_cast %get3A_60 : i32 to index
      %get3A_63 = arith.index_cast %get3A_61 : i32 to index
      %get3A_64 = arith.constant 48 : index
      %get3A_65 = tpu.vector_load %arg5[%get3A_62, %get3A_63, %get3A_64] {strides = array<i32>} : memref<8x2x128xi32, #tpu.memory_space<vmem>>, vector<16xi32>,
      %sub3A_66 = vector.broadcast %mul3A_2 : i32 to vector<16xi32>
      %sub3A_67 = arith.subi %get3A_65, %sub3A_66 : vector<16xi32>
      tpu.vector_store_idx %arg6[%sub3A_67], %broadcast_in_dim3A_5 {add = true} : memref<10240xf32, #tpu.memory_space<vmem>>[vector<16xi32>], vector<16xf32>,
      %get3A_68 = arith.constant 0 : i32
      %get3A_69 = arith.constant 1 : i32
      %get3A_70 = arith.index_cast %get3A_68 : i32 to index
      %get3A_71 = arith.index_cast %get3A_69 : i32 to index
      %get3A_72 = arith.constant 48 : index
      %get3A_73 = tpu.vector_load %arg5[%get3A_70, %get3A_71, %get3A_72] {strides = array<i32>} : memref<8x2x128xi32, #tpu.memory_space<vmem>>, vector<16xi32>,
      tpu.vector_store_idx %arg7[%get3A_73], %broadcast_in_dim3A_5 {add = true} : memref<10240xf32, #tpu.memory_space<vmem>>[vector<16xi32>], vector<16xf32>,
      %get3A_74 = arith.constant 0 : i32
      %get3A_75 = arith.constant 0 : i32
      %get3A_76 = arith.index_cast %get3A_74 : i32 to index
      %get3A_77 = arith.index_cast %get3A_75 : i32 to index
      %get3A_78 = arith.constant 64 : index
      %get3A_79 = tpu.vector_load %arg5[%get3A_76, %get3A_77, %get3A_78] {strides = array<i32>} : memref<8x2x128xi32, #tpu.memory_space<vmem>>, vector<16xi32>,
      %sub3A_80 = vector.broadcast %mul3A_2 : i32 to vector<16xi32>
      %sub3A_81 = arith.subi %get3A_79, %sub3A_80 : vector<16xi32>
      tpu.vector_store_idx %arg6[%sub3A_81], %broadcast_in_dim3A_5 {add = true} : memref<10240xf32, #tpu.memory_space<vmem>>[vector<16xi32>], vector<16xf32>,
      %get3A_82 = arith.constant 0 : i32
      %get3A_83 = arith.constant 1 : i32
      %get3A_84 = arith.index_cast %get3A_82 : i32 to index
      %get3A_85 = arith.index_cast %get3A_83 : i32 to index
      %get3A_86 = arith.constant 64 : index
      %get3A_87 = tpu.vector_load %arg5[%get3A_84, %get3A_85, %get3A_86] {strides = array<i32>} : memref<8x2x128xi32, #tpu.memory_space<vmem>>, vector<16xi32>,
      tpu.vector_store_idx %arg7[%get3A_87], %broadcast_in_dim3A_5 {add = true} : memref<10240xf32, #tpu.memory_space<vmem>>[vector<16xi32>], vector<16xf32>,
      %get3A_88 = arith.constant 0 : i32
      %get3A_89 = arith.constant 0 : i32
      %get3A_90 = arith.index_cast %get3A_88 : i32 to index
      %get3A_91 = arith.index_cast %get3A_89 : i32 to index
      %get3A_92 = arith.constant 80 : index
      %get3A_93 = tpu.vector_load %arg5[%get3A_90, %get3A_91, %get3A_92] {strides = array<i32>} : memref<8x2x128xi32, #tpu.memory_space<vmem>>, vector<16xi32>,
      %sub3A_94 = vector.broadcast %mul3A_2 : i32 to vector<16xi32>
      %sub3A_95 = arith.subi %get3A_93, %sub3A_94 : vector<16xi32>
      tpu.vector_store_idx %arg6[%sub3A_95], %broadcast_in_dim3A_5 {add = true} : memref<10240xf32, #tpu.memory_space<vmem>>[vector<16xi32>], vector<16xf32>,
      %get3A_96 = arith.constant 0 : i32
      %get3A_97 = arith.constant 1 : i32
      %get3A_98 = arith.index_cast %get3A_96 : i32 to index
      %get3A_99 = arith.index_cast %get3A_97 : i32 to index
      %get3A_100 = arith.constant 80 : index
      %get3A_101 = tpu.vector_load %arg5[%get3A_98, %get3A_99, %get3A_100] {strides = array<i32>} : memref<8x2x128xi32, #tpu.memory_space<vmem>>, vector<16xi32>,
      tpu.vector_store_idx %arg7[%get3A_101], %broadcast_in_dim3A_5 {add = true} : memref<10240xf32, #tpu.memory_space<vmem>>[vector<16xi32>], vector<16xf32>,
      %get3A_102 = arith.constant 0 : i32
      %get3A_103 = arith.constant 0 : i32
      %get3A_104 = arith.index_cast %get3A_102 : i32 to index
      %get3A_105 = arith.index_cast %get3A_103 : i32 to index
      %get3A_106 = arith.constant 96 : index
      %get3A_107 = tpu.vector_load %arg5[%get3A_104, %get3A_105, %get3A_106] {strides = array<i32>} : memref<8x2x128xi32, #tpu.memory_space<vmem>>, vector<16xi32>,
      %sub3A_108 = vector.broadcast %mul3A_2 : i32 to vector<16xi32>
      %sub3A_109 = arith.subi %get3A_107, %sub3A_108 : vector<16xi32>
      tpu.vector_store_idx %arg6[%sub3A_109], %broadcast_in_dim3A_5 {add = true} : memref<10240xf32, #tpu.memory_space<vmem>>[vector<16xi32>], vector<16xf32>,
      %get3A_110 = arith.constant 0 : i32
      %get3A_111 = arith.constant 1 : i32
      %get3A_112 = arith.index_cast %get3A_110 : i32 to index
      %get3A_113 = arith.index_cast %get3A_111 : i32 to index
      %get3A_114 = arith.constant 96 : index
      %get3A_115 = tpu.vector_load %arg5[%get3A_112, %get3A_113, %get3A_114] {strides = array<i32>} : memref<8x2x128xi32, #tpu.memory_space<vmem>>, vector<16xi32>,
      tpu.vector_store_idx %arg7[%get3A_115], %broadcast_in_dim3A_5 {add = true} : memref<10240xf32, #tpu.memory_space<vmem>>[vector<16xi32>], vector<16xf32>,
      %get3A_116 = arith.constant 0 : i32
      %get3A_117 = arith.constant 0 : i32
      %get3A_118 = arith.index_cast %get3A_116 : i32 to index
      %get3A_119 = arith.index_cast %get3A_117 : i32 to index
      %get3A_120 = arith.constant 112 : index
      %get3A_121 = tpu.vector_load %arg5[%get3A_118, %get3A_119, %get3A_120] {strides = array<i32>} : memref<8x2x128xi32, #tpu.memory_space<vmem>>, vector<16xi32>,
      %sub3A_122 = vector.broadcast %mul3A_2 : i32 to vector<16xi32>
      %sub3A_123 = arith.subi %get3A_121, %sub3A_122 : vector<16xi32>
      tpu.vector_store_idx %arg6[%sub3A_123], %broadcast_in_dim3A_5 {add = true} : memref<10240xf32, #tpu.memory_space<vmem>>[vector<16xi32>], vector<16xf32>,
      %get3A_124 = arith.constant 0 : i32
      %get3A_125 = arith.constant 1 : i32
      %get3A_126 = arith.index_cast %get3A_124 : i32 to index
      %get3A_127 = arith.index_cast %get3A_125 : i32 to index
      %get3A_128 = arith.constant 112 : index
      %get3A_129 = tpu.vector_load %arg5[%get3A_126, %get3A_127, %get3A_128] {strides = array<i32>} : memref<8x2x128xi32, #tpu.memory_space<vmem>>, vector<16xi32>,
      tpu.vector_store_idx %arg7[%get3A_129], %broadcast_in_dim3A_5 {add = true} : memref<10240xf32, #tpu.memory_space<vmem>>[vector<16xi32>], vector<16xf32>,
      %get3A_130 = arith.constant 1 : i32
      %get3A_131 = arith.constant 0 : i32
      %get3A_132 = arith.index_cast %get3A_130 : i32 to index
      %get3A_133 = arith.index_cast %get3A_131 : i32 to index
      %get3A_134 = arith.constant 0 : index
      %get3A_135 = tpu.vector_load %arg5[%get3A_132, %get3A_133, %get3A_134] {strides = array<i32>} : memref<8x2x128xi32, #tpu.memory_space<vmem>>, vector<16xi32>,
      %sub3A_136 = vector.broadcast %mul3A_2 : i32 to vector<16xi32>
      %sub3A_137 = arith.subi %get3A_135, %sub3A_136 : vector<16xi32>
      tpu.vector_store_idx %arg6[%sub3A_137], %broadcast_in_dim3A_5 {add = true} : memref<10240xf32, #tpu.memory_space<vmem>>[vector<16xi32>], vector<16xf32>,
      %get3A_138 = arith.constant 1 : i32
      %get3A_139 = arith.constant 1 : i32
      %get3A_140 = arith.index_cast %get3A_138 : i32 to index
      %get3A_141 = arith.index_cast %get3A_139 : i32 to index
      %get3A_142 = arith.constant 0 : index
      %get3A_143 = tpu.vector_load %arg5[%get3A_140, %get3A_141, %get3A_142] {strides = array<i32>} : memref<8x2x128xi32, #tpu.memory_space<vmem>>, vector<16xi32>,
      tpu.vector_store_idx %arg7[%get3A_143], %broadcast_in_dim3A_5 {add = true} : memref<10240xf32, #tpu.memory_space<vmem>>[vector<16xi32>], vector<16xf32>,
      %get3A_144 = arith.constant 1 : i32
      %get3A_145 = arith.constant 0 : i32
      %get3A_146 = arith.index_cast %get3A_144 : i32 to index
      %get3A_147 = arith.index_cast %get3A_145 : i32 to index
      %get3A_148 = arith.constant 16 : index
      %get3A_149 = tpu.vector_load %arg5[%get3A_146, %get3A_147, %get3A_148] {strides = array<i32>} : memref<8x2x128xi32, #tpu.memory_space<vmem>>, vector<16xi32>,
      %sub3A_150 = vector.broadcast %mul3A_2 : i32 to vector<16xi32>
      %sub3A_151 = arith.subi %get3A_149, %sub3A_150 : vector<16xi32>
      tpu.vector_store_idx %arg6[%sub3A_151], %broadcast_in_dim3A_5 {add = true} : memref<10240xf32, #tpu.memory_space<vmem>>[vector<16xi32>], vector<16xf32>,
      %get3A_152 = arith.constant 1 : i32
      %get3A_153 = arith.constant 1 : i32
      %get3A_154 = arith.index_cast %get3A_152 : i32 to index
      %get3A_155 = arith.index_cast %get3A_153 : i32 to index
      %get3A_156 = arith.constant 16 : index
      %get3A_157 = tpu.vector_load %arg5[%get3A_154, %get3A_155, %get3A_156] {strides = array<i32>} : memref<8x2x128xi32, #tpu.memory_space<vmem>>, vector<16xi32>,
      tpu.vector_store_idx %arg7[%get3A_157], %broadcast_in_dim3A_5 {add = true} : memref<10240xf32, #tpu.memory_space<vmem>>[vector<16xi32>], vector<16xf32>,
      %get3A_158 = arith.constant 1 : i32
      %get3A_159 = arith.constant 0 : i32
      %get3A_160 = arith.index_cast %get3A_158 : i32 to index
      %get3A_161 = arith.index_cast %get3A_159 : i32 to index
      %get3A_162 = arith.constant 32 : index
      %get3A_163 = tpu.vector_load %arg5[%get3A_160, %get3A_161, %get3A_162] {strides = array<i32>} : memref<8x2x128xi32, #tpu.memory_space<vmem>>, vector<16xi32>,
      %sub3A_164 = vector.broadcast %mul3A_2 : i32 to vector<16xi32>
      %sub3A_165 = arith.subi %get3A_163, %sub3A_164 : vector<16xi32>
      tpu.vector_store_idx %arg6[%sub3A_165], %broadcast_in_dim3A_5 {add = true} : memref<10240xf32, #tpu.memory_space<vmem>>[vector<16xi32>], vector<16xf32>,
      %get3A_166 = arith.constant 1 : i32
      %get3A_167 = arith.constant 1 : i32
      %get3A_168 = arith.index_cast %get3A_166 : i32 to index
      %get3A_169 = arith.index_cast %get3A_167 : i32 to index
      %get3A_170 = arith.constant 32 : index
      %get3A_171 = tpu.vector_load %arg5[%get3A_168, %get3A_169, %get3A_170] {strides = array<i32>} : memref<8x2x128xi32, #tpu.memory_space<vmem>>, vector<16xi32>,
      tpu.vector_store_idx %arg7[%get3A_171], %broadcast_in_dim3A_5 {add = true} : memref<10240xf32, #tpu.memory_space<vmem>>[vector<16xi32>], vector<16xf32>,
      %get3A_172 = arith.constant 1 : i32
      %get3A_173 = arith.constant 0 : i32
      %get3A_174 = arith.index_cast %get3A_172 : i32 to index
      %get3A_175 = arith.index_cast %get3A_173 : i32 to index
      %get3A_176 = arith.constant 48 : index
      %get3A_177 = tpu.vector_load %arg5[%get3A_174, %get3A_175, %get3A_176] {strides = array<i32>} : memref<8x2x128xi32, #tpu.memory_space<vmem>>, vector<16xi32>,
      %sub3A_178 = vector.broadcast %mul3A_2 : i32 to vector<16xi32>
      %sub3A_179 = arith.subi %get3A_177, %sub3A_178 : vector<16xi32>
      tpu.vector_store_idx %arg6[%sub3A_179], %broadcast_in_dim3A_5 {add = true} : memref<10240xf32, #tpu.memory_space<vmem>>[vector<16xi32>], vector<16xf32>,
      %get3A_180 = arith.constant 1 : i32
      %get3A_181 = arith.constant 1 : i32
      %get3A_182 = arith.index_cast %get3A_180 : i32 to index
      %get3A_183 = arith.index_cast %get3A_181 : i32 to index
      %get3A_184 = arith.constant 48 : index
      %get3A_185 = tpu.vector_load %arg5[%get3A_182, %get3A_183, %get3A_184] {strides = array<i32>} : memref<8x2x128xi32, #tpu.memory_space<vmem>>, vector<16xi32>,
      tpu.vector_store_idx %arg7[%get3A_185], %broadcast_in_dim3A_5 {add = true} : memref<10240xf32, #tpu.memory_space<vmem>>[vector<16xi32>], vector<16xf32>,
      %get3A_186 = arith.constant 1 : i32
      %get3A_187 = arith.constant 0 : i32
      %get3A_188 = arith.index_cast %get3A_186 : i32 to index
      %get3A_189 = arith.index_cast %get3A_187 : i32 to index
      %get3A_190 = arith.constant 64 : index
      %get3A_191 = tpu.vector_load %arg5[%get3A_188, %get3A_189, %get3A_190] {strides = array<i32>} : memref<8x2x128xi32, #tpu.memory_space<vmem>>, vector<16xi32>,
      %sub3A_192 = vector.broadcast %mul3A_2 : i32 to vector<16xi32>
      %sub3A_193 = arith.subi %get3A_191, %sub3A_192 : vector<16xi32>
      tpu.vector_store_idx %arg6[%sub3A_193], %broadcast_in_dim3A_5 {add = true} : memref<10240xf32, #tpu.memory_space<vmem>>[vector<16xi32>], vector<16xf32>,
      %get3A_194 = arith.constant 1 : i32
      %get3A_195 = arith.constant 1 : i32
      %get3A_196 = arith.index_cast %get3A_194 : i32 to index
      %get3A_197 = arith.index_cast %get3A_195 : i32 to index
      %get3A_198 = arith.constant 64 : index
      %get3A_199 = tpu.vector_load %arg5[%get3A_196, %get3A_197, %get3A_198] {strides = array<i32>} : memref<8x2x128xi32, #tpu.memory_space<vmem>>, vector<16xi32>,
      tpu.vector_store_idx %arg7[%get3A_199], %broadcast_in_dim3A_5 {add = true} : memref<10240xf32, #tpu.memory_space<vmem>>[vector<16xi32>], vector<16xf32>,
      %get3A_200 = arith.constant 1 : i32
      %get3A_201 = arith.constant 0 : i32
      %get3A_202 = arith.index_cast %get3A_200 : i32 to index
      %get3A_203 = arith.index_cast %get3A_201 : i32 to index
      %get3A_204 = arith.constant 80 : index
      %get3A_205 = tpu.vector_load %arg5[%get3A_202, %get3A_203, %get3A_204] {strides = array<i32>} : memref<8x2x128xi32, #tpu.memory_space<vmem>>, vector<16xi32>,
      %sub3A_206 = vector.broadcast %mul3A_2 : i32 to vector<16xi32>
      %sub3A_207 = arith.subi %get3A_205, %sub3A_206 : vector<16xi32>
      tpu.vector_store_idx %arg6[%sub3A_207], %broadcast_in_dim3A_5 {add = true} : memref<10240xf32, #tpu.memory_space<vmem>>[vector<16xi32>], vector<16xf32>,
      %get3A_208 = arith.constant 1 : i32
      %get3A_209 = arith.constant 1 : i32
      %get3A_210 = arith.index_cast %get3A_208 : i32 to index
      %get3A_211 = arith.index_cast %get3A_209 : i32 to index
      %get3A_212 = arith.constant 80 : index
      %get3A_213 = tpu.vector_load %arg5[%get3A_210, %get3A_211, %get3A_212] {strides = array<i32>} : memref<8x2x128xi32, #tpu.memory_space<vmem>>, vector<16xi32>,
      tpu.vector_store_idx %arg7[%get3A_213], %broadcast_in_dim3A_5 {add = true} : memref<10240xf32, #tpu.memory_space<vmem>>[vector<16xi32>], vector<16xf32>,
      %get3A_214 = arith.constant 1 : i32
      %get3A_215 = arith.constant 0 : i32
      %get3A_216 = arith.index_cast %get3A_214 : i32 to index
      %get3A_217 = arith.index_cast %get3A_215 : i32 to index
      %get3A_218 = arith.constant 96 : index
      %get3A_219 = tpu.vector_load %arg5[%get3A_216, %get3A_217, %get3A_218] {strides = array<i32>} : memref<8x2x128xi32, #tpu.memory_space<vmem>>, vector<16xi32>,
      %sub3A_220 = vector.broadcast %mul3A_2 : i32 to vector<16xi32>
      %sub3A_221 = arith.subi %get3A_219, %sub3A_220 : vector<16xi32>
      tpu.vector_store_idx %arg6[%sub3A_221], %broadcast_in_dim3A_5 {add = true} : memref<10240xf32, #tpu.memory_space<vmem>>[vector<16xi32>], vector<16xf32>,
      %get3A_222 = arith.constant 1 : i32
      %get3A_223 = arith.constant 1 : i32
      %get3A_224 = arith.index_cast %get3A_222 : i32 to index
      %get3A_225 = arith.index_cast %get3A_223 : i32 to index
      %get3A_226 = arith.constant 96 : index
      %get3A_227 = tpu.vector_load %arg5[%get3A_224, %get3A_225, %get3A_226] {strides = array<i32>} : memref<8x2x128xi32, #tpu.memory_space<vmem>>, vector<16xi32>,
      tpu.vector_store_idx %arg7[%get3A_227], %broadcast_in_dim3A_5 {add = true} : memref<10240xf32, #tpu.memory_space<vmem>>[vector<16xi32>], vector<16xf32>,
      %get3A_228 = arith.constant 1 : i32
      %get3A_229 = arith.constant 0 : i32
      %get3A_230 = arith.index_cast %get3A_228 : i32 to index
      %get3A_231 = arith.index_cast %get3A_229 : i32 to index
      %get3A_232 = arith.constant 112 : index
      %get3A_233 = tpu.vector_load %arg5[%get3A_230, %get3A_231, %get3A_232] {strides = array<i32>} : memref<8x2x128xi32, #tpu.memory_space<vmem>>, vector<16xi32>,
      %sub3A_234 = vector.broadcast %mul3A_2 : i32 to vector<16xi32>
      %sub3A_235 = arith.subi %get3A_233, %sub3A_234 : vector<16xi32>
      tpu.vector_store_idx %arg6[%sub3A_235], %broadcast_in_dim3A_5 {add = true} : memref<10240xf32, #tpu.memory_space<vmem>>[vector<16xi32>], vector<16xf32>,
      %get3A_236 = arith.constant 1 : i32
      %get3A_237 = arith.constant 1 : i32
      %get3A_238 = arith.index_cast %get3A_236 : i32 to index
      %get3A_239 = arith.index_cast %get3A_237 : i32 to index
      %get3A_240 = arith.constant 112 : index
      %get3A_241 = tpu.vector_load %arg5[%get3A_238, %get3A_239, %get3A_240] {strides = array<i32>} : memref<8x2x128xi32, #tpu.memory_space<vmem>>, vector<16xi32>,
      tpu.vector_store_idx %arg7[%get3A_241], %broadcast_in_dim3A_5 {add = true} : memref<10240xf32, #tpu.memory_space<vmem>>[vector<16xi32>], vector<16xf32>,
      %get3A_242 = arith.constant 2 : i32
      %get3A_243 = arith.constant 0 : i32
      %get3A_244 = arith.index_cast %get3A_242 : i32 to index
      %get3A_245 = arith.index_cast %get3A_243 : i32 to index
      %get3A_246 = arith.constant 0 : index
      %get3A_247 = tpu.vector_load %arg5[%get3A_244, %get3A_245, %get3A_246] {strides = array<i32>} : memref<8x2x128xi32, #tpu.memory_space<vmem>>, vector<16xi32>,
      %sub3A_248 = vector.broadcast %mul3A_2 : i32 to vector<16xi32>
      %sub3A_249 = arith.subi %get3A_247, %sub3A_248 : vector<16xi32>
      tpu.vector_store_idx %arg6[%sub3A_249], %broadcast_in_dim3A_5 {add = true} : memref<10240xf32, #tpu.memory_space<vmem>>[vector<16xi32>], vector<16xf32>,
      %get3A_250 = arith.constant 2 : i32
      %get3A_251 = arith.constant 1 : i32
      %get3A_252 = arith.index_cast %get3A_250 : i32 to index
      %get3A_253 = arith.index_cast %get3A_251 : i32 to index
      %get3A_254 = arith.constant 0 : index
      %get3A_255 = tpu.vector_load %arg5[%get3A_252, %get3A_253, %get3A_254] {strides = array<i32>} : memref<8x2x128xi32, #tpu.memory_space<vmem>>, vector<16xi32>,
      tpu.vector_store_idx %arg7[%get3A_255], %broadcast_in_dim3A_5 {add = true} : memref<10240xf32, #tpu.memory_space<vmem>>[vector<16xi32>], vector<16xf32>,
      %get3A_256 = arith.constant 2 : i32
      %get3A_257 = arith.constant 0 : i32
      %get3A_258 = arith.index_cast %get3A_256 : i32 to index
      %get3A_259 = arith.index_cast %get3A_257 : i32 to index
      %get3A_260 = arith.constant 16 : index
      %get3A_261 = tpu.vector_load %arg5[%get3A_258, %get3A_259, %get3A_260] {strides = array<i32>} : memref<8x2x128xi32, #tpu.memory_space<vmem>>, vector<16xi32>,
      %sub3A_262 = vector.broadcast %mul3A_2 : i32 to vector<16xi32>
      %sub3A_263 = arith.subi %get3A_261, %sub3A_262 : vector<16xi32>
      tpu.vector_store_idx %arg6[%sub3A_263], %broadcast_in_dim3A_5 {add = true} : memref<10240xf32, #tpu.memory_space<vmem>>[vector<16xi32>], vector<16xf32>,
      %get3A_264 = arith.constant 2 : i32
      %get3A_265 = arith.constant 1 : i32
      %get3A_266 = arith.index_cast %get3A_264 : i32 to index
      %get3A_267 = arith.index_cast %get3A_265 : i32 to index
      %get3A_268 = arith.constant 16 : index
      %get3A_269 = tpu.vector_load %arg5[%get3A_266, %get3A_267, %get3A_268] {strides = array<i32>} : memref<8x2x128xi32, #tpu.memory_space<vmem>>, vector<16xi32>,
      tpu.vector_store_idx %arg7[%get3A_269], %broadcast_in_dim3A_5 {add = true} : memref<10240xf32, #tpu.memory_space<vmem>>[vector<16xi32>], vector<16xf32>,
      %get3A_270 = arith.constant 2 : i32
      %get3A_271 = arith.constant 0 : i32
      %get3A_272 = arith.index_cast %get3A_270 : i32 to index
      %get3A_273 = arith.index_cast %get3A_271 : i32 to index
      %get3A_274 = arith.constant 32 : index
      %get3A_275 = tpu.vector_load %arg5[%get3A_272, %get3A_273, %get3A_274] {strides = array<i32>} : memref<8x2x128xi32, #tpu.memory_space<vmem>>, vector<16xi32>,
      %sub3A_276 = vector.broadcast %mul3A_2 : i32 to vector<16xi32>
      %sub3A_277 = arith.subi %get3A_275, %sub3A_276 : vector<16xi32>
      tpu.vector_store_idx %arg6[%sub3A_277], %broadcast_in_dim3A_5 {add = true} : memref<10240xf32, #tpu.memory_space<vmem>>[vector<16xi32>], vector<16xf32>,
      %get3A_278 = arith.constant 2 : i32
      %get3A_279 = arith.constant 1 : i32
      %get3A_280 = arith.index_cast %get3A_278 : i32 to index
      %get3A_281 = arith.index_cast %get3A_279 : i32 to index
      %get3A_282 = arith.constant 32 : index
      %get3A_283 = tpu.vector_load %arg5[%get3A_280, %get3A_281, %get3A_282] {strides = array<i32>} : memref<8x2x128xi32, #tpu.memory_space<vmem>>, vector<16xi32>,
      tpu.vector_store_idx %arg7[%get3A_283], %broadcast_in_dim3A_5 {add = true} : memref<10240xf32, #tpu.memory_space<vmem>>[vector<16xi32>], vector<16xf32>,
      %get3A_284 = arith.constant 2 : i32
      %get3A_285 = arith.constant 0 : i32
      %get3A_286 = arith.index_cast %get3A_284 : i32 to index
      %get3A_287 = arith.index_cast %get3A_285 : i32 to index
      %get3A_288 = arith.constant 48 : index
      %get3A_289 = tpu.vector_load %arg5[%get3A_286, %get3A_287, %get3A_288] {strides = array<i32>} : memref<8x2x128xi32, #tpu.memory_space<vmem>>, vector<16xi32>,
      %sub3A_290 = vector.broadcast %mul3A_2 : i32 to vector<16xi32>
      %sub3A_291 = arith.subi %get3A_289, %sub3A_290 : vector<16xi32>
      tpu.vector_store_idx %arg6[%sub3A_291], %broadcast_in_dim3A_5 {add = true} : memref<10240xf32, #tpu.memory_space<vmem>>[vector<16xi32>], vector<16xf32>,
      %get3A_292 = arith.constant 2 : i32
      %get3A_293 = arith.constant 1 : i32
      %get3A_294 = arith.index_cast %get3A_292 : i32 to index
      %get3A_295 = arith.index_cast %get3A_293 : i32 to index
      %get3A_296 = arith.constant 48 : index
      %get3A_297 = tpu.vector_load %arg5[%get3A_294, %get3A_295, %get3A_296] {strides = array<i32>} : memref<8x2x128xi32, #tpu.memory_space<vmem>>, vector<16xi32>,
      tpu.vector_store_idx %arg7[%get3A_297], %broadcast_in_dim3A_5 {add = true} : memref<10240xf32, #tpu.memory_space<vmem>>[vector<16xi32>], vector<16xf32>,
      %get3A_298 = arith.constant 2 : i32
      %get3A_299 = arith.constant 0 : i32
      %get3A_300 = arith.index_cast %get3A_298 : i32 to index
      %get3A_301 = arith.index_cast %get3A_299 : i32 to index
      %get3A_302 = arith.constant 64 : index
      %get3A_303 = tpu.vector_load %arg5[%get3A_300, %get3A_301, %get3A_302] {strides = array<i32>} : memref<8x2x128xi32, #tpu.memory_space<vmem>>, vector<16xi32>,
      %sub3A_304 = vector.broadcast %mul3A_2 : i32 to vector<16xi32>
      %sub3A_305 = arith.subi %get3A_303, %sub3A_304 : vector<16xi32>
      tpu.vector_store_idx %arg6[%sub3A_305], %broadcast_in_dim3A_5 {add = true} : memref<10240xf32, #tpu.memory_space<vmem>>[vector<16xi32>], vector<16xf32>,
      %get3A_306 = arith.constant 2 : i32
      %get3A_307 = arith.constant 1 : i32
      %get3A_308 = arith.index_cast %get3A_306 : i32 to index
      %get3A_309 = arith.index_cast %get3A_307 : i32 to index
      %get3A_310 = arith.constant 64 : index
      %get3A_311 = tpu.vector_load %arg5[%get3A_308, %get3A_309, %get3A_310] {strides = array<i32>} : memref<8x2x128xi32, #tpu.memory_space<vmem>>, vector<16xi32>,
      tpu.vector_store_idx %arg7[%get3A_311], %broadcast_in_dim3A_5 {add = true} : memref<10240xf32, #tpu.memory_space<vmem>>[vector<16xi32>], vector<16xf32>,
      %get3A_312 = arith.constant 2 : i32
      %get3A_313 = arith.constant 0 : i32
      %get3A_314 = arith.index_cast %get3A_312 : i32 to index
      %get3A_315 = arith.index_cast %get3A_313 : i32 to index
      %get3A_316 = arith.constant 80 : index
      %get3A_317 = tpu.vector_load %arg5[%get3A_314, %get3A_315, %get3A_316] {strides = array<i32>} : memref<8x2x128xi32, #tpu.memory_space<vmem>>, vector<16xi32>,
      %sub3A_318 = vector.broadcast %mul3A_2 : i32 to vector<16xi32>
      %sub3A_319 = arith.subi %get3A_317, %sub3A_318 : vector<16xi32>
      tpu.vector_store_idx %arg6[%sub3A_319], %broadcast_in_dim3A_5 {add = true} : memref<10240xf32, #tpu.memory_space<vmem>>[vector<16xi32>], vector<16xf32>,
      %get3A_320 = arith.constant 2 : i32
      %get3A_321 = arith.constant 1 : i32
      %get3A_322 = arith.index_cast %get3A_320 : i32 to index
      %get3A_323 = arith.index_cast %get3A_321 : i32 to index
      %get3A_324 = arith.constant 80 : index
      %get3A_325 = tpu.vector_load %arg5[%get3A_322, %get3A_323, %get3A_324] {strides = array<i32>} : memref<8x2x128xi32, #tpu.memory_space<vmem>>, vector<16xi32>,
      tpu.vector_store_idx %arg7[%get3A_325], %broadcast_in_dim3A_5 {add = true} : memref<10240xf32, #tpu.memory_space<vmem>>[vector<16xi32>], vector<16xf32>,
      %get3A_326 = arith.constant 2 : i32
      %get3A_327 = arith.constant 0 : i32
      %get3A_328 = arith.index_cast %get3A_326 : i32 to index
      %get3A_329 = arith.index_cast %get3A_327 : i32 to index
      %get3A_330 = arith.constant 96 : index
      %get3A_331 = tpu.vector_load %arg5[%get3A_328, %get3A_329, %get3A_330] {strides = array<i32>} : memref<8x2x128xi32, #tpu.memory_space<vmem>>, vector<16xi32>,
      %sub3A_332 = vector.broadcast %mul3A_2 : i32 to vector<16xi32>
      %sub3A_333 = arith.subi %get3A_331, %sub3A_332 : vector<16xi32>
      tpu.vector_store_idx %arg6[%sub3A_333], %broadcast_in_dim3A_5 {add = true} : memref<10240xf32, #tpu.memory_space<vmem>>[vector<16xi32>], vector<16xf32>,
      %get3A_334 = arith.constant 2 : i32
      %get3A_335 = arith.constant 1 : i32
      %get3A_336 = arith.index_cast %get3A_334 : i32 to index
      %get3A_337 = arith.index_cast %get3A_335 : i32 to index
      %get3A_338 = arith.constant 96 : index
      %get3A_339 = tpu.vector_load %arg5[%get3A_336, %get3A_337, %get3A_338] {strides = array<i32>} : memref<8x2x128xi32, #tpu.memory_space<vmem>>, vector<16xi32>,
      tpu.vector_store_idx %arg7[%get3A_339], %broadcast_in_dim3A_5 {add = true} : memref<10240xf32, #tpu.memory_space<vmem>>[vector<16xi32>], vector<16xf32>,
      %get3A_340 = arith.constant 2 : i32
      %get3A_341 = arith.constant 0 : i32
      %get3A_342 = arith.index_cast %get3A_340 : i32 to index
      %get3A_343 = arith.index_cast %get3A_341 : i32 to index
      %get3A_344 = arith.constant 112 : index
      %get3A_345 = tpu.vector_load %arg5[%get3A_342, %get3A_343, %get3A_344] {strides = array<i32>} : memref<8x2x128xi32, #tpu.memory_space<vmem>>, vector<16xi32>,
      %sub3A_346 = vector.broadcast %mul3A_2 : i32 to vector<16xi32>
      %sub3A_347 = arith.subi %get3A_345, %sub3A_346 : vector<16xi32>
      tpu.vector_store_idx %arg6[%sub3A_347], %broadcast_in_dim3A_5 {add = true} : memref<10240xf32, #tpu.memory_space<vmem>>[vector<16xi32>], vector<16xf32>,
      %get3A_348 = arith.constant 2 : i32
      %get3A_349 = arith.constant 1 : i32
      %get3A_350 = arith.index_cast %get3A_348 : i32 to index
      %get3A_351 = arith.index_cast %get3A_349 : i32 to index
      %get3A_352 = arith.constant 112 : index
      %get3A_353 = tpu.vector_load %arg5[%get3A_350, %get3A_351, %get3A_352] {strides = array<i32>} : memref<8x2x128xi32, #tpu.memory_space<vmem>>, vector<16xi32>,
      tpu.vector_store_idx %arg7[%get3A_353], %broadcast_in_dim3A_5 {add = true} : memref<10240xf32, #tpu.memory_space<vmem>>[vector<16xi32>], vector<16xf32>,
      %get3A_354 = arith.constant 3 : i32
      %get3A_355 = arith.constant 0 : i32
      %get3A_356 = arith.index_cast %get3A_354 : i32 to index
      %get3A_357 = arith.index_cast %get3A_355 : i32 to index
      %get3A_358 = arith.constant 0 : index
      %get3A_359 = tpu.vector_load %arg5[%get3A_356, %get3A_357, %get3A_358] {strides = array<i32>} : memref<8x2x128xi32, #tpu.memory_space<vmem>>, vector<16xi32>,
      %sub3A_360 = vector.broadcast %mul3A_2 : i32 to vector<16xi32>
      %sub3A_361 = arith.subi %get3A_359, %sub3A_360 : vector<16xi32>
      tpu.vector_store_idx %arg6[%sub3A_361], %broadcast_in_dim3A_5 {add = true} : memref<10240xf32, #tpu.memory_space<vmem>>[vector<16xi32>], vector<16xf32>,
      %get3A_362 = arith.constant 3 : i32
      %get3A_363 = arith.constant 1 : i32
      %get3A_364 = arith.index_cast %get3A_362 : i32 to index
      %get3A_365 = arith.index_cast %get3A_363 : i32 to index
      %get3A_366 = arith.constant 0 : index
      %get3A_367 = tpu.vector_load %arg5[%get3A_364, %get3A_365, %get3A_366] {strides = array<i32>} : memref<8x2x128xi32, #tpu.memory_space<vmem>>, vector<16xi32>,
      tpu.vector_store_idx %arg7[%get3A_367], %broadcast_in_dim3A_5 {add = true} : memref<10240xf32, #tpu.memory_space<vmem>>[vector<16xi32>], vector<16xf32>,
      %get3A_368 = arith.constant 3 : i32
      %get3A_369 = arith.constant 0 : i32
      %get3A_370 = arith.index_cast %get3A_368 : i32 to index
      %get3A_371 = arith.index_cast %get3A_369 : i32 to index
      %get3A_372 = arith.constant 16 : index
      %get3A_373 = tpu.vector_load %arg5[%get3A_370, %get3A_371, %get3A_372] {strides = array<i32>} : memref<8x2x128xi32, #tpu.memory_space<vmem>>, vector<16xi32>,
      %sub3A_374 = vector.broadcast %mul3A_2 : i32 to vector<16xi32>
      %sub3A_375 = arith.subi %get3A_373, %sub3A_374 : vector<16xi32>
      tpu.vector_store_idx %arg6[%sub3A_375], %broadcast_in_dim3A_5 {add = true} : memref<10240xf32, #tpu.memory_space<vmem>>[vector<16xi32>], vector<16xf32>,
      %get3A_376 = arith.constant 3 : i32
      %get3A_377 = arith.constant 1 : i32
      %get3A_378 = arith.index_cast %get3A_376 : i32 to index
      %get3A_379 = arith.index_cast %get3A_377 : i32 to index
      %get3A_380 = arith.constant 16 : index
      %get3A_381 = tpu.vector_load %arg5[%get3A_378, %get3A_379, %get3A_380] {strides = array<i32>} : memref<8x2x128xi32, #tpu.memory_space<vmem>>, vector<16xi32>,
      tpu.vector_store_idx %arg7[%get3A_381], %broadcast_in_dim3A_5 {add = true} : memref<10240xf32, #tpu.memory_space<vmem>>[vector<16xi32>], vector<16xf32>,
      %get3A_382 = arith.constant 3 : i32
      %get3A_383 = arith.constant 0 : i32
      %get3A_384 = arith.index_cast %get3A_382 : i32 to index
      %get3A_385 = arith.index_cast %get3A_383 : i32 to index
      %get3A_386 = arith.constant 32 : index
      %get3A_387 = tpu.vector_load %arg5[%get3A_384, %get3A_385, %get3A_386] {strides = array<i32>} : memref<8x2x128xi32, #tpu.memory_space<vmem>>, vector<16xi32>,
      %sub3A_388 = vector.broadcast %mul3A_2 : i32 to vector<16xi32>
      %sub3A_389 = arith.subi %get3A_387, %sub3A_388 : vector<16xi32>
      tpu.vector_store_idx %arg6[%sub3A_389], %broadcast_in_dim3A_5 {add = true} : memref<10240xf32, #tpu.memory_space<vmem>>[vector<16xi32>], vector<16xf32>,
      %get3A_390 = arith.constant 3 : i32
      %get3A_391 = arith.constant 1 : i32
      %get3A_392 = arith.index_cast %get3A_390 : i32 to index
      %get3A_393 = arith.index_cast %get3A_391 : i32 to index
      %get3A_394 = arith.constant 32 : index
      %get3A_395 = tpu.vector_load %arg5[%get3A_392, %get3A_393, %get3A_394] {strides = array<i32>} : memref<8x2x128xi32, #tpu.memory_space<vmem>>, vector<16xi32>,
      tpu.vector_store_idx %arg7[%get3A_395], %broadcast_in_dim3A_5 {add = true} : memref<10240xf32, #tpu.memory_space<vmem>>[vector<16xi32>], vector<16xf32>,
      %get3A_396 = arith.constant 3 : i32
      %get3A_397 = arith.constant 0 : i32
      %get3A_398 = arith.index_cast %get3A_396 : i32 to index
      %get3A_399 = arith.index_cast %get3A_397 : i32 to index
      %get3A_400 = arith.constant 48 : index
      %get3A_401 = tpu.vector_load %arg5[%get3A_398, %get3A_399, %get3A_400] {strides = array<i32>} : memref<8x2x128xi32, #tpu.memory_space<vmem>>, vector<16xi32>,
      %sub3A_402 = vector.broadcast %mul3A_2 : i32 to vector<16xi32>
      %sub3A_403 = arith.subi %get3A_401, %sub3A_402 : vector<16xi32>
      tpu.vector_store_idx %arg6[%sub3A_403], %broadcast_in_dim3A_5 {add = true} : memref<10240xf32, #tpu.memory_space<vmem>>[vector<16xi32>], vector<16xf32>,
      %get3A_404 = arith.constant 3 : i32
      %get3A_405 = arith.constant 1 : i32
      %get3A_406 = arith.index_cast %get3A_404 : i32 to index
      %get3A_407 = arith.index_cast %get3A_405 : i32 to index
      %get3A_408 = arith.constant 48 : index
      %get3A_409 = tpu.vector_load %arg5[%get3A_406, %get3A_407, %get3A_408] {strides = array<i32>} : memref<8x2x128xi32, #tpu.memory_space<vmem>>, vector<16xi32>,
      tpu.vector_store_idx %arg7[%get3A_409], %broadcast_in_dim3A_5 {add = true} : memref<10240xf32, #tpu.memory_space<vmem>>[vector<16xi32>], vector<16xf32>,
      %get3A_410 = arith.constant 3 : i32
      %get3A_411 = arith.constant 0 : i32
      %get3A_412 = arith.index_cast %get3A_410 : i32 to index
      %get3A_413 = arith.index_cast %get3A_411 : i32 to index
      %get3A_414 = arith.constant 64 : index
      %get3A_415 = tpu.vector_load %arg5[%get3A_412, %get3A_413, %get3A_414] {strides = array<i32>} : memref<8x2x128xi32, #tpu.memory_space<vmem>>, vector<16xi32>,
      %sub3A_416 = vector.broadcast %mul3A_2 : i32 to vector<16xi32>
      %sub3A_417 = arith.subi %get3A_415, %sub3A_416 : vector<16xi32>
      tpu.vector_store_idx %arg6[%sub3A_417], %broadcast_in_dim3A_5 {add = true} : memref<10240xf32, #tpu.memory_space<vmem>>[vector<16xi32>], vector<16xf32>,
      %get3A_418 = arith.constant 3 : i32
      %get3A_419 = arith.constant 1 : i32
      %get3A_420 = arith.index_cast %get3A_418 : i32 to index
      %get3A_421 = arith.index_cast %get3A_419 : i32 to index
      %get3A_422 = arith.constant 64 : index
      %get3A_423 = tpu.vector_load %arg5[%get3A_420, %get3A_421, %get3A_422] {strides = array<i32>} : memref<8x2x128xi32, #tpu.memory_space<vmem>>, vector<16xi32>,
      tpu.vector_store_idx %arg7[%get3A_423], %broadcast_in_dim3A_5 {add = true} : memref<10240xf32, #tpu.memory_space<vmem>>[vector<16xi32>], vector<16xf32>,
      %get3A_424 = arith.constant 3 : i32
      %get3A_425 = arith.constant 0 : i32
      %get3A_426 = arith.index_cast %get3A_424 : i32 to index
      %get3A_427 = arith.index_cast %get3A_425 : i32 to index
      %get3A_428 = arith.constant 80 : index
      %get3A_429 = tpu.vector_load %arg5[%get3A_426, %get3A_427, %get3A_428] {strides = array<i32>} : memref<8x2x128xi32, #tpu.memory_space<vmem>>, vector<16xi32>,
      %sub3A_430 = vector.broadcast %mul3A_2 : i32 to vector<16xi32>
      %sub3A_431 = arith.subi %get3A_429, %sub3A_430 : vector<16xi32>
      tpu.vector_store_idx %arg6[%sub3A_431], %broadcast_in_dim3A_5 {add = true} : memref<10240xf32, #tpu.memory_space<vmem>>[vector<16xi32>], vector<16xf32>,
      %get3A_432 = arith.constant 3 : i32
      %get3A_433 = arith.constant 1 : i32
      %get3A_434 = arith.index_cast %get3A_432 : i32 to index
      %get3A_435 = arith.index_cast %get3A_433 : i32 to index
      %get3A_436 = arith.constant 80 : index
      %get3A_437 = tpu.vector_load %arg5[%get3A_434, %get3A_435, %get3A_436] {strides = array<i32>} : memref<8x2x128xi32, #tpu.memory_space<vmem>>, vector<16xi32>,
      tpu.vector_store_idx %arg7[%get3A_437], %broadcast_in_dim3A_5 {add = true} : memref<10240xf32, #tpu.memory_space<vmem>>[vector<16xi32>], vector<16xf32>,
      %get3A_438 = arith.constant 3 : i32
      %get3A_439 = arith.constant 0 : i32
      %get3A_440 = arith.index_cast %get3A_438 : i32 to index
      %get3A_441 = arith.index_cast %get3A_439 : i32 to index
      %get3A_442 = arith.constant 96 : index
      %get3A_443 = tpu.vector_load %arg5[%get3A_440, %get3A_441, %get3A_442] {strides = array<i32>} : memref<8x2x128xi32, #tpu.memory_space<vmem>>, vector<16xi32>,
      %sub3A_444 = vector.broadcast %mul3A_2 : i32 to vector<16xi32>
      %sub3A_445 = arith.subi %get3A_443, %sub3A_444 : vector<16xi32>
      tpu.vector_store_idx %arg6[%sub3A_445], %broadcast_in_dim3A_5 {add = true} : memref<10240xf32, #tpu.memory_space<vmem>>[vector<16xi32>], vector<16xf32>,
      %get3A_446 = arith.constant 3 : i32
      %get3A_447 = arith.constant 1 : i32
      %get3A_448 = arith.index_cast %get3A_446 : i32 to index
      %get3A_449 = arith.index_cast %get3A_447 : i32 to index
      %get3A_450 = arith.constant 96 : index
      %get3A_451 = tpu.vector_load %arg5[%get3A_448, %get3A_449, %get3A_450] {strides = array<i32>} : memref<8x2x128xi32, #tpu.memory_space<vmem>>, vector<16xi32>,
      tpu.vector_store_idx %arg7[%get3A_451], %broadcast_in_dim3A_5 {add = true} : memref<10240xf32, #tpu.memory_space<vmem>>[vector<16xi32>], vector<16xf32>,
      %get3A_452 = arith.constant 3 : i32
      %get3A_453 = arith.constant 0 : i32
      %get3A_454 = arith.index_cast %get3A_452 : i32 to index
      %get3A_455 = arith.index_cast %get3A_453 : i32 to index
      %get3A_456 = arith.constant 112 : index
      %get3A_457 = tpu.vector_load %arg5[%get3A_454, %get3A_455, %get3A_456] {strides = array<i32>} : memref<8x2x128xi32, #tpu.memory_space<vmem>>, vector<16xi32>,
      %sub3A_458 = vector.broadcast %mul3A_2 : i32 to vector<16xi32>
      %sub3A_459 = arith.subi %get3A_457, %sub3A_458 : vector<16xi32>
      tpu.vector_store_idx %arg6[%sub3A_459], %broadcast_in_dim3A_5 {add = true} : memref<10240xf32, #tpu.memory_space<vmem>>[vector<16xi32>], vector<16xf32>,
      %get3A_460 = arith.constant 3 : i32
      %get3A_461 = arith.constant 1 : i32
      %get3A_462 = arith.index_cast %get3A_460 : i32 to index
      %get3A_463 = arith.index_cast %get3A_461 : i32 to index
      %get3A_464 = arith.constant 112 : index
      %get3A_465 = tpu.vector_load %arg5[%get3A_462, %get3A_463, %get3A_464] {strides = array<i32>} : memref<8x2x128xi32, #tpu.memory_space<vmem>>, vector<16xi32>,
      tpu.vector_store_idx %arg7[%get3A_465], %broadcast_in_dim3A_5 {add = true} : memref<10240xf32, #tpu.memory_space<vmem>>[vector<16xi32>], vector<16xf32>,
      %get3A_466 = arith.constant 4 : i32
      %get3A_467 = arith.constant 0 : i32
      %get3A_468 = arith.index_cast %get3A_466 : i32 to index
      %get3A_469 = arith.index_cast %get3A_467 : i32 to index
      %get3A_470 = arith.constant 0 : index
      %get3A_471 = tpu.vector_load %arg5[%get3A_468, %get3A_469, %get3A_470] {strides = array<i32>} : memref<8x2x128xi32, #tpu.memory_space<vmem>>, vector<16xi32>,
      %sub3A_472 = vector.broadcast %mul3A_2 : i32 to vector<16xi32>
      %sub3A_473 = arith.subi %get3A_471, %sub3A_472 : vector<16xi32>
      tpu.vector_store_idx %arg6[%sub3A_473], %broadcast_in_dim3A_5 {add = true} : memref<10240xf32, #tpu.memory_space<vmem>>[vector<16xi32>], vector<16xf32>,
      %get3A_474 = arith.constant 4 : i32
      %get3A_475 = arith.constant 1 : i32
      %get3A_476 = arith.index_cast %get3A_474 : i32 to index
      %get3A_477 = arith.index_cast %get3A_475 : i32 to index
      %get3A_478 = arith.constant 0 : index
      %get3A_479 = tpu.vector_load %arg5[%get3A_476, %get3A_477, %get3A_478] {strides = array<i32>} : memref<8x2x128xi32, #tpu.memory_space<vmem>>, vector<16xi32>,
      tpu.vector_store_idx %arg7[%get3A_479], %broadcast_in_dim3A_5 {add = true} : memref<10240xf32, #tpu.memory_space<vmem>>[vector<16xi32>], vector<16xf32>,
      %get3A_480 = arith.constant 4 : i32
      %get3A_481 = arith.constant 0 : i32
      %get3A_482 = arith.index_cast %get3A_480 : i32 to index
      %get3A_483 = arith.index_cast %get3A_481 : i32 to index
      %get3A_484 = arith.constant 16 : index
      %get3A_485 = tpu.vector_load %arg5[%get3A_482, %get3A_483, %get3A_484] {strides = array<i32>} : memref<8x2x128xi32, #tpu.memory_space<vmem>>, vector<16xi32>,
      %sub3A_486 = vector.broadcast %mul3A_2 : i32 to vector<16xi32>
      %sub3A_487 = arith.subi %get3A_485, %sub3A_486 : vector<16xi32>
      tpu.vector_store_idx %arg6[%sub3A_487], %broadcast_in_dim3A_5 {add = true} : memref<10240xf32, #tpu.memory_space<vmem>>[vector<16xi32>], vector<16xf32>,
      %get3A_488 = arith.constant 4 : i32
      %get3A_489 = arith.constant 1 : i32
      %get3A_490 = arith.index_cast %get3A_488 : i32 to index
      %get3A_491 = arith.index_cast %get3A_489 : i32 to index
      %get3A_492 = arith.constant 16 : index
      %get3A_493 = tpu.vector_load %arg5[%get3A_490, %get3A_491, %get3A_492] {strides = array<i32>} : memref<8x2x128xi32, #tpu.memory_space<vmem>>, vector<16xi32>,
      tpu.vector_store_idx %arg7[%get3A_493], %broadcast_in_dim3A_5 {add = true} : memref<10240xf32, #tpu.memory_space<vmem>>[vector<16xi32>], vector<16xf32>,
      %get3A_494 = arith.constant 4 : i32
      %get3A_495 = arith.constant 0 : i32
      %get3A_496 = arith.index_cast %get3A_494 : i32 to index
      %get3A_497 = arith.index_cast %get3A_495 : i32 to index
      %get3A_498 = arith.constant 32 : index
      %get3A_499 = tpu.vector_load %arg5[%get3A_496, %get3A_497, %get3A_498] {strides = array<i32>} : memref<8x2x128xi32, #tpu.memory_space<vmem>>, vector<16xi32>,
      %sub3A_500 = vector.broadcast %mul3A_2 : i32 to vector<16xi32>
      %sub3A_501 = arith.subi %get3A_499, %sub3A_500 : vector<16xi32>
      tpu.vector_store_idx %arg6[%sub3A_501], %broadcast_in_dim3A_5 {add = true} : memref<10240xf32, #tpu.memory_space<vmem>>[vector<16xi32>], vector<16xf32>,
      %get3A_502 = arith.constant 4 : i32
      %get3A_503 = arith.constant 1 : i32
      %get3A_504 = arith.index_cast %get3A_502 : i32 to index
      %get3A_505 = arith.index_cast %get3A_503 : i32 to index
      %get3A_506 = arith.constant 32 : index
      %get3A_507 = tpu.vector_load %arg5[%get3A_504, %get3A_505, %get3A_506] {strides = array<i32>} : memref<8x2x128xi32, #tpu.memory_space<vmem>>, vector<16xi32>,
      tpu.vector_store_idx %arg7[%get3A_507], %broadcast_in_dim3A_5 {add = true} : memref<10240xf32, #tpu.memory_space<vmem>>[vector<16xi32>], vector<16xf32>,
      %get3A_508 = arith.constant 4 : i32
      %get3A_509 = arith.constant 0 : i32
      %get3A_510 = arith.index_cast %get3A_508 : i32 to index
      %get3A_511 = arith.index_cast %get3A_509 : i32 to index
      %get3A_512 = arith.constant 48 : index
      %get3A_513 = tpu.vector_load %arg5[%get3A_510, %get3A_511, %get3A_512] {strides = array<i32>} : memref<8x2x128xi32, #tpu.memory_space<vmem>>, vector<16xi32>,
      %sub3A_514 = vector.broadcast %mul3A_2 : i32 to vector<16xi32>
      %sub3A_515 = arith.subi %get3A_513, %sub3A_514 : vector<16xi32>
      tpu.vector_store_idx %arg6[%sub3A_515], %broadcast_in_dim3A_5 {add = true} : memref<10240xf32, #tpu.memory_space<vmem>>[vector<16xi32>], vector<16xf32>,
      %get3A_516 = arith.constant 4 : i32
      %get3A_517 = arith.constant 1 : i32
      %get3A_518 = arith.index_cast %get3A_516 : i32 to index
      %get3A_519 = arith.index_cast %get3A_517 : i32 to index
      %get3A_520 = arith.constant 48 : index
      %get3A_521 = tpu.vector_load %arg5[%get3A_518, %get3A_519, %get3A_520] {strides = array<i32>} : memref<8x2x128xi32, #tpu.memory_space<vmem>>, vector<16xi32>,
      tpu.vector_store_idx %arg7[%get3A_521], %broadcast_in_dim3A_5 {add = true} : memref<10240xf32, #tpu.memory_space<vmem>>[vector<16xi32>], vector<16xf32>,
      %get3A_522 = arith.constant 4 : i32
      %get3A_523 = arith.constant 0 : i32
      %get3A_524 = arith.index_cast %get3A_522 : i32 to index
      %get3A_525 = arith.index_cast %get3A_523 : i32 to index
      %get3A_526 = arith.constant 64 : index
      %get3A_527 = tpu.vector_load %arg5[%get3A_524, %get3A_525, %get3A_526] {strides = array<i32>} : memref<8x2x128xi32, #tpu.memory_space<vmem>>, vector<16xi32>,
      %sub3A_528 = vector.broadcast %mul3A_2 : i32 to vector<16xi32>
      %sub3A_529 = arith.subi %get3A_527, %sub3A_528 : vector<16xi32>
      tpu.vector_store_idx %arg6[%sub3A_529], %broadcast_in_dim3A_5 {add = true} : memref<10240xf32, #tpu.memory_space<vmem>>[vector<16xi32>], vector<16xf32>,
      %get3A_530 = arith.constant 4 : i32
      %get3A_531 = arith.constant 1 : i32
      %get3A_532 = arith.index_cast %get3A_530 : i32 to index
      %get3A_533 = arith.index_cast %get3A_531 : i32 to index
      %get3A_534 = arith.constant 64 : index
      %get3A_535 = tpu.vector_load %arg5[%get3A_532, %get3A_533, %get3A_534] {strides = array<i32>} : memref<8x2x128xi32, #tpu.memory_space<vmem>>, vector<16xi32>,
      tpu.vector_store_idx %arg7[%get3A_535], %broadcast_in_dim3A_5 {add = true} : memref<10240xf32, #tpu.memory_space<vmem>>[vector<16xi32>], vector<16xf32>,
      %get3A_536 = arith.constant 4 : i32
      %get3A_537 = arith.constant 0 : i32
      %get3A_538 = arith.index_cast %get3A_536 : i32 to index
      %get3A_539 = arith.index_cast %get3A_537 : i32 to index
      %get3A_540 = arith.constant 80 : index
      %get3A_541 = tpu.vector_load %arg5[%get3A_538, %get3A_539, %get3A_540] {strides = array<i32>} : memref<8x2x128xi32, #tpu.memory_space<vmem>>, vector<16xi32>,
      %sub3A_542 = vector.broadcast %mul3A_2 : i32 to vector<16xi32>
      %sub3A_543 = arith.subi %get3A_541, %sub3A_542 : vector<16xi32>
      tpu.vector_store_idx %arg6[%sub3A_543], %broadcast_in_dim3A_5 {add = true} : memref<10240xf32, #tpu.memory_space<vmem>>[vector<16xi32>], vector<16xf32>,
      %get3A_544 = arith.constant 4 : i32
      %get3A_545 = arith.constant 1 : i32
      %get3A_546 = arith.index_cast %get3A_544 : i32 to index
      %get3A_547 = arith.index_cast %get3A_545 : i32 to index
      %get3A_548 = arith.constant 80 : index
      %get3A_549 = tpu.vector_load %arg5[%get3A_546, %get3A_547, %get3A_548] {strides = array<i32>} : memref<8x2x128xi32, #tpu.memory_space<vmem>>, vector<16xi32>,
      tpu.vector_store_idx %arg7[%get3A_549], %broadcast_in_dim3A_5 {add = true} : memref<10240xf32, #tpu.memory_space<vmem>>[vector<16xi32>], vector<16xf32>,
      %get3A_550 = arith.constant 4 : i32
      %get3A_551 = arith.constant 0 : i32
      %get3A_552 = arith.index_cast %get3A_550 : i32 to index
      %get3A_553 = arith.index_cast %get3A_551 : i32 to index
      %get3A_554 = arith.constant 96 : index
      %get3A_555 = tpu.vector_load %arg5[%get3A_552, %get3A_553, %get3A_554] {strides = array<i32>} : memref<8x2x128xi32, #tpu.memory_space<vmem>>, vector<16xi32>,
      %sub3A_556 = vector.broadcast %mul3A_2 : i32 to vector<16xi32>
      %sub3A_557 = arith.subi %get3A_555, %sub3A_556 : vector<16xi32>
      tpu.vector_store_idx %arg6[%sub3A_557], %broadcast_in_dim3A_5 {add = true} : memref<10240xf32, #tpu.memory_space<vmem>>[vector<16xi32>], vector<16xf32>,
      %get3A_558 = arith.constant 4 : i32
      %get3A_559 = arith.constant 1 : i32
      %get3A_560 = arith.index_cast %get3A_558 : i32 to index
      %get3A_561 = arith.index_cast %get3A_559 : i32 to index
      %get3A_562 = arith.constant 96 : index
      %get3A_563 = tpu.vector_load %arg5[%get3A_560, %get3A_561, %get3A_562] {strides = array<i32>} : memref<8x2x128xi32, #tpu.memory_space<vmem>>, vector<16xi32>,
      tpu.vector_store_idx %arg7[%get3A_563], %broadcast_in_dim3A_5 {add = true} : memref<10240xf32, #tpu.memory_space<vmem>>[vector<16xi32>], vector<16xf32>,
      %get3A_564 = arith.constant 4 : i32
      %get3A_565 = arith.constant 0 : i32
      %get3A_566 = arith.index_cast %get3A_564 : i32 to index
      %get3A_567 = arith.index_cast %get3A_565 : i32 to index
      %get3A_568 = arith.constant 112 : index
      %get3A_569 = tpu.vector_load %arg5[%get3A_566, %get3A_567, %get3A_568] {strides = array<i32>} : memref<8x2x128xi32, #tpu.memory_space<vmem>>, vector<16xi32>,
      %sub3A_570 = vector.broadcast %mul3A_2 : i32 to vector<16xi32>
      %sub3A_571 = arith.subi %get3A_569, %sub3A_570 : vector<16xi32>
      tpu.vector_store_idx %arg6[%sub3A_571], %broadcast_in_dim3A_5 {add = true} : memref<10240xf32, #tpu.memory_space<vmem>>[vector<16xi32>], vector<16xf32>,
      %get3A_572 = arith.constant 4 : i32
      %get3A_573 = arith.constant 1 : i32
      %get3A_574 = arith.index_cast %get3A_572 : i32 to index
      %get3A_575 = arith.index_cast %get3A_573 : i32 to index
      %get3A_576 = arith.constant 112 : index
      %get3A_577 = tpu.vector_load %arg5[%get3A_574, %get3A_575, %get3A_576] {strides = array<i32>} : memref<8x2x128xi32, #tpu.memory_space<vmem>>, vector<16xi32>,
      tpu.vector_store_idx %arg7[%get3A_577], %broadcast_in_dim3A_5 {add = true} : memref<10240xf32, #tpu.memory_space<vmem>>[vector<16xi32>], vector<16xf32>,
      %get3A_578 = arith.constant 5 : i32
      %get3A_579 = arith.constant 0 : i32
      %get3A_580 = arith.index_cast %get3A_578 : i32 to index
      %get3A_581 = arith.index_cast %get3A_579 : i32 to index
      %get3A_582 = arith.constant 0 : index
      %get3A_583 = tpu.vector_load %arg5[%get3A_580, %get3A_581, %get3A_582] {strides = array<i32>} : memref<8x2x128xi32, #tpu.memory_space<vmem>>, vector<16xi32>,
      %sub3A_584 = vector.broadcast %mul3A_2 : i32 to vector<16xi32>
      %sub3A_585 = arith.subi %get3A_583, %sub3A_584 : vector<16xi32>
      tpu.vector_store_idx %arg6[%sub3A_585], %broadcast_in_dim3A_5 {add = true} : memref<10240xf32, #tpu.memory_space<vmem>>[vector<16xi32>], vector<16xf32>,
      %get3A_586 = arith.constant 5 : i32
      %get3A_587 = arith.constant 1 : i32
      %get3A_588 = arith.index_cast %get3A_586 : i32 to index
      %get3A_589 = arith.index_cast %get3A_587 : i32 to index
      %get3A_590 = arith.constant 0 : index
      %get3A_591 = tpu.vector_load %arg5[%get3A_588, %get3A_589, %get3A_590] {strides = array<i32>} : memref<8x2x128xi32, #tpu.memory_space<vmem>>, vector<16xi32>,
      tpu.vector_store_idx %arg7[%get3A_591], %broadcast_in_dim3A_5 {add = true} : memref<10240xf32, #tpu.memory_space<vmem>>[vector<16xi32>], vector<16xf32>,
      %get3A_592 = arith.constant 5 : i32
      %get3A_593 = arith.constant 0 : i32
      %get3A_594 = arith.index_cast %get3A_592 : i32 to index
      %get3A_595 = arith.index_cast %get3A_593 : i32 to index
      %get3A_596 = arith.constant 16 : index
      %get3A_597 = tpu.vector_load %arg5[%get3A_594, %get3A_595, %get3A_596] {strides = array<i32>} : memref<8x2x128xi32, #tpu.memory_space<vmem>>, vector<16xi32>,
      %sub3A_598 = vector.broadcast %mul3A_2 : i32 to vector<16xi32>
      %sub3A_599 = arith.subi %get3A_597, %sub3A_598 : vector<16xi32>
      tpu.vector_store_idx %arg6[%sub3A_599], %broadcast_in_dim3A_5 {add = true} : memref<10240xf32, #tpu.memory_space<vmem>>[vector<16xi32>], vector<16xf32>,
      %get3A_600 = arith.constant 5 : i32
      %get3A_601 = arith.constant 1 : i32
      %get3A_602 = arith.index_cast %get3A_600 : i32 to index
      %get3A_603 = arith.index_cast %get3A_601 : i32 to index
      %get3A_604 = arith.constant 16 : index
      %get3A_605 = tpu.vector_load %arg5[%get3A_602, %get3A_603, %get3A_604] {strides = array<i32>} : memref<8x2x128xi32, #tpu.memory_space<vmem>>, vector<16xi32>,
      tpu.vector_store_idx %arg7[%get3A_605], %broadcast_in_dim3A_5 {add = true} : memref<10240xf32, #tpu.memory_space<vmem>>[vector<16xi32>], vector<16xf32>,
      %get3A_606 = arith.constant 5 : i32
      %get3A_607 = arith.constant 0 : i32
      %get3A_608 = arith.index_cast %get3A_606 : i32 to index
      %get3A_609 = arith.index_cast %get3A_607 : i32 to index
      %get3A_610 = arith.constant 32 : index
      %get3A_611 = tpu.vector_load %arg5[%get3A_608, %get3A_609, %get3A_610] {strides = array<i32>} : memref<8x2x128xi32, #tpu.memory_space<vmem>>, vector<16xi32>,
      %sub3A_612 = vector.broadcast %mul3A_2 : i32 to vector<16xi32>
      %sub3A_613 = arith.subi %get3A_611, %sub3A_612 : vector<16xi32>
      tpu.vector_store_idx %arg6[%sub3A_613], %broadcast_in_dim3A_5 {add = true} : memref<10240xf32, #tpu.memory_space<vmem>>[vector<16xi32>], vector<16xf32>,
      %get3A_614 = arith.constant 5 : i32
      %get3A_615 = arith.constant 1 : i32
      %get3A_616 = arith.index_cast %get3A_614 : i32 to index
      %get3A_617 = arith.index_cast %get3A_615 : i32 to index
      %get3A_618 = arith.constant 32 : index
      %get3A_619 = tpu.vector_load %arg5[%get3A_616, %get3A_617, %get3A_618] {strides = array<i32>} : memref<8x2x128xi32, #tpu.memory_space<vmem>>, vector<16xi32>,
      tpu.vector_store_idx %arg7[%get3A_619], %broadcast_in_dim3A_5 {add = true} : memref<10240xf32, #tpu.memory_space<vmem>>[vector<16xi32>], vector<16xf32>,
      %get3A_620 = arith.constant 5 : i32
      %get3A_621 = arith.constant 0 : i32
      %get3A_622 = arith.index_cast %get3A_620 : i32 to index
      %get3A_623 = arith.index_cast %get3A_621 : i32 to index
      %get3A_624 = arith.constant 48 : index
      %get3A_625 = tpu.vector_load %arg5[%get3A_622, %get3A_623, %get3A_624] {strides = array<i32>} : memref<8x2x128xi32, #tpu.memory_space<vmem>>, vector<16xi32>,
      %sub3A_626 = vector.broadcast %mul3A_2 : i32 to vector<16xi32>
      %sub3A_627 = arith.subi %get3A_625, %sub3A_626 : vector<16xi32>
      tpu.vector_store_idx %arg6[%sub3A_627], %broadcast_in_dim3A_5 {add = true} : memref<10240xf32, #tpu.memory_space<vmem>>[vector<16xi32>], vector<16xf32>,
      %get3A_628 = arith.constant 5 : i32
      %get3A_629 = arith.constant 1 : i32
      %get3A_630 = arith.index_cast %get3A_628 : i32 to index
      %get3A_631 = arith.index_cast %get3A_629 : i32 to index
      %get3A_632 = arith.constant 48 : index
      %get3A_633 = tpu.vector_load %arg5[%get3A_630, %get3A_631, %get3A_632] {strides = array<i32>} : memref<8x2x128xi32, #tpu.memory_space<vmem>>, vector<16xi32>,
      tpu.vector_store_idx %arg7[%get3A_633], %broadcast_in_dim3A_5 {add = true} : memref<10240xf32, #tpu.memory_space<vmem>>[vector<16xi32>], vector<16xf32>,
      %get3A_634 = arith.constant 5 : i32
      %get3A_635 = arith.constant 0 : i32
      %get3A_636 = arith.index_cast %get3A_634 : i32 to index
      %get3A_637 = arith.index_cast %get3A_635 : i32 to index
      %get3A_638 = arith.constant 64 : index
      %get3A_639 = tpu.vector_load %arg5[%get3A_636, %get3A_637, %get3A_638] {strides = array<i32>} : memref<8x2x128xi32, #tpu.memory_space<vmem>>, vector<16xi32>,
      %sub3A_640 = vector.broadcast %mul3A_2 : i32 to vector<16xi32>
      %sub3A_641 = arith.subi %get3A_639, %sub3A_640 : vector<16xi32>
      tpu.vector_store_idx %arg6[%sub3A_641], %broadcast_in_dim3A_5 {add = true} : memref<10240xf32, #tpu.memory_space<vmem>>[vector<16xi32>], vector<16xf32>,
      %get3A_642 = arith.constant 5 : i32
      %get3A_643 = arith.constant 1 : i32
      %get3A_644 = arith.index_cast %get3A_642 : i32 to index
      %get3A_645 = arith.index_cast %get3A_643 : i32 to index
      %get3A_646 = arith.constant 64 : index
      %get3A_647 = tpu.vector_load %arg5[%get3A_644, %get3A_645, %get3A_646] {strides = array<i32>} : memref<8x2x128xi32, #tpu.memory_space<vmem>>, vector<16xi32>,
      tpu.vector_store_idx %arg7[%get3A_647], %broadcast_in_dim3A_5 {add = true} : memref<10240xf32, #tpu.memory_space<vmem>>[vector<16xi32>], vector<16xf32>,
      %get3A_648 = arith.constant 5 : i32
      %get3A_649 = arith.constant 0 : i32
      %get3A_650 = arith.index_cast %get3A_648 : i32 to index
      %get3A_651 = arith.index_cast %get3A_649 : i32 to index
      %get3A_652 = arith.constant 80 : index
      %get3A_653 = tpu.vector_load %arg5[%get3A_650, %get3A_651, %get3A_652] {strides = array<i32>} : memref<8x2x128xi32, #tpu.memory_space<vmem>>, vector<16xi32>,
      %sub3A_654 = vector.broadcast %mul3A_2 : i32 to vector<16xi32>
      %sub3A_655 = arith.subi %get3A_653, %sub3A_654 : vector<16xi32>
      tpu.vector_store_idx %arg6[%sub3A_655], %broadcast_in_dim3A_5 {add = true} : memref<10240xf32, #tpu.memory_space<vmem>>[vector<16xi32>], vector<16xf32>,
      %get3A_656 = arith.constant 5 : i32
      %get3A_657 = arith.constant 1 : i32
      %get3A_658 = arith.index_cast %get3A_656 : i32 to index
      %get3A_659 = arith.index_cast %get3A_657 : i32 to index
      %get3A_660 = arith.constant 80 : index
      %get3A_661 = tpu.vector_load %arg5[%get3A_658, %get3A_659, %get3A_660] {strides = array<i32>} : memref<8x2x128xi32, #tpu.memory_space<vmem>>, vector<16xi32>,
      tpu.vector_store_idx %arg7[%get3A_661], %broadcast_in_dim3A_5 {add = true} : memref<10240xf32, #tpu.memory_space<vmem>>[vector<16xi32>], vector<16xf32>,
      %get3A_662 = arith.constant 5 : i32
      %get3A_663 = arith.constant 0 : i32
      %get3A_664 = arith.index_cast %get3A_662 : i32 to index
      %get3A_665 = arith.index_cast %get3A_663 : i32 to index
      %get3A_666 = arith.constant 96 : index
      %get3A_667 = tpu.vector_load %arg5[%get3A_664, %get3A_665, %get3A_666] {strides = array<i32>} : memref<8x2x128xi32, #tpu.memory_space<vmem>>, vector<16xi32>,
      %sub3A_668 = vector.broadcast %mul3A_2 : i32 to vector<16xi32>
      %sub3A_669 = arith.subi %get3A_667, %sub3A_668 : vector<16xi32>
      tpu.vector_store_idx %arg6[%sub3A_669], %broadcast_in_dim3A_5 {add = true} : memref<10240xf32, #tpu.memory_space<vmem>>[vector<16xi32>], vector<16xf32>,
      %get3A_670 = arith.constant 5 : i32
      %get3A_671 = arith.constant 1 : i32
      %get3A_672 = arith.index_cast %get3A_670 : i32 to index
      %get3A_673 = arith.index_cast %get3A_671 : i32 to index
      %get3A_674 = arith.constant 96 : index
      %get3A_675 = tpu.vector_load %arg5[%get3A_672, %get3A_673, %get3A_674] {strides = array<i32>} : memref<8x2x128xi32, #tpu.memory_space<vmem>>, vector<16xi32>,
      tpu.vector_store_idx %arg7[%get3A_675], %broadcast_in_dim3A_5 {add = true} : memref<10240xf32, #tpu.memory_space<vmem>>[vector<16xi32>], vector<16xf32>,
      %get3A_676 = arith.constant 5 : i32
      %get3A_677 = arith.constant 0 : i32
      %get3A_678 = arith.index_cast %get3A_676 : i32 to index
      %get3A_679 = arith.index_cast %get3A_677 : i32 to index
      %get3A_680 = arith.constant 112 : index
      %get3A_681 = tpu.vector_load %arg5[%get3A_678, %get3A_679, %get3A_680] {strides = array<i32>} : memref<8x2x128xi32, #tpu.memory_space<vmem>>, vector<16xi32>,
      %sub3A_682 = vector.broadcast %mul3A_2 : i32 to vector<16xi32>
      %sub3A_683 = arith.subi %get3A_681, %sub3A_682 : vector<16xi32>
      tpu.vector_store_idx %arg6[%sub3A_683], %broadcast_in_dim3A_5 {add = true} : memref<10240xf32, #tpu.memory_space<vmem>>[vector<16xi32>], vector<16xf32>,
      %get3A_684 = arith.constant 5 : i32
      %get3A_685 = arith.constant 1 : i32
      %get3A_686 = arith.index_cast %get3A_684 : i32 to index
      %get3A_687 = arith.index_cast %get3A_685 : i32 to index
      %get3A_688 = arith.constant 112 : index
      %get3A_689 = tpu.vector_load %arg5[%get3A_686, %get3A_687, %get3A_688] {strides = array<i32>} : memref<8x2x128xi32, #tpu.memory_space<vmem>>, vector<16xi32>,
      tpu.vector_store_idx %arg7[%get3A_689], %broadcast_in_dim3A_5 {add = true} : memref<10240xf32, #tpu.memory_space<vmem>>[vector<16xi32>], vector<16xf32>,
      %get3A_690 = arith.constant 6 : i32
      %get3A_691 = arith.constant 0 : i32
      %get3A_692 = arith.index_cast %get3A_690 : i32 to index
      %get3A_693 = arith.index_cast %get3A_691 : i32 to index
      %get3A_694 = arith.constant 0 : index
      %get3A_695 = tpu.vector_load %arg5[%get3A_692, %get3A_693, %get3A_694] {strides = array<i32>} : memref<8x2x128xi32, #tpu.memory_space<vmem>>, vector<16xi32>,
      %sub3A_696 = vector.broadcast %mul3A_2 : i32 to vector<16xi32>
      %sub3A_697 = arith.subi %get3A_695, %sub3A_696 : vector<16xi32>
      tpu.vector_store_idx %arg6[%sub3A_697], %broadcast_in_dim3A_5 {add = true} : memref<10240xf32, #tpu.memory_space<vmem>>[vector<16xi32>], vector<16xf32>,
      %get3A_698 = arith.constant 6 : i32
      %get3A_699 = arith.constant 1 : i32
      %get3A_700 = arith.index_cast %get3A_698 : i32 to index
      %get3A_701 = arith.index_cast %get3A_699 : i32 to index
      %get3A_702 = arith.constant 0 : index
      %get3A_703 = tpu.vector_load %arg5[%get3A_700, %get3A_701, %get3A_702] {strides = array<i32>} : memref<8x2x128xi32, #tpu.memory_space<vmem>>, vector<16xi32>,
      tpu.vector_store_idx %arg7[%get3A_703], %broadcast_in_dim3A_5 {add = true} : memref<10240xf32, #tpu.memory_space<vmem>>[vector<16xi32>], vector<16xf32>,
      %get3A_704 = arith.constant 6 : i32
      %get3A_705 = arith.constant 0 : i32
      %get3A_706 = arith.index_cast %get3A_704 : i32 to index
      %get3A_707 = arith.index_cast %get3A_705 : i32 to index
      %get3A_708 = arith.constant 16 : index
      %get3A_709 = tpu.vector_load %arg5[%get3A_706, %get3A_707, %get3A_708] {strides = array<i32>} : memref<8x2x128xi32, #tpu.memory_space<vmem>>, vector<16xi32>,
      %sub3A_710 = vector.broadcast %mul3A_2 : i32 to vector<16xi32>
      %sub3A_711 = arith.subi %get3A_709, %sub3A_710 : vector<16xi32>
      tpu.vector_store_idx %arg6[%sub3A_711], %broadcast_in_dim3A_5 {add = true} : memref<10240xf32, #tpu.memory_space<vmem>>[vector<16xi32>], vector<16xf32>,
      %get3A_712 = arith.constant 6 : i32
      %get3A_713 = arith.constant 1 : i32
      %get3A_714 = arith.index_cast %get3A_712 : i32 to index
      %get3A_715 = arith.index_cast %get3A_713 : i32 to index
      %get3A_716 = arith.constant 16 : index
      %get3A_717 = tpu.vector_load %arg5[%get3A_714, %get3A_715, %get3A_716] {strides = array<i32>} : memref<8x2x128xi32, #tpu.memory_space<vmem>>, vector<16xi32>,
      tpu.vector_store_idx %arg7[%get3A_717], %broadcast_in_dim3A_5 {add = true} : memref<10240xf32, #tpu.memory_space<vmem>>[vector<16xi32>], vector<16xf32>,
      %get3A_718 = arith.constant 6 : i32
      %get3A_719 = arith.constant 0 : i32
      %get3A_720 = arith.index_cast %get3A_718 : i32 to index
      %get3A_721 = arith.index_cast %get3A_719 : i32 to index
      %get3A_722 = arith.constant 32 : index
      %get3A_723 = tpu.vector_load %arg5[%get3A_720, %get3A_721, %get3A_722] {strides = array<i32>} : memref<8x2x128xi32, #tpu.memory_space<vmem>>, vector<16xi32>,
      %sub3A_724 = vector.broadcast %mul3A_2 : i32 to vector<16xi32>
      %sub3A_725 = arith.subi %get3A_723, %sub3A_724 : vector<16xi32>
      tpu.vector_store_idx %arg6[%sub3A_725], %broadcast_in_dim3A_5 {add = true} : memref<10240xf32, #tpu.memory_space<vmem>>[vector<16xi32>], vector<16xf32>,
      %get3A_726 = arith.constant 6 : i32
      %get3A_727 = arith.constant 1 : i32
      %get3A_728 = arith.index_cast %get3A_726 : i32 to index
      %get3A_729 = arith.index_cast %get3A_727 : i32 to index
      %get3A_730 = arith.constant 32 : index
      %get3A_731 = tpu.vector_load %arg5[%get3A_728, %get3A_729, %get3A_730] {strides = array<i32>} : memref<8x2x128xi32, #tpu.memory_space<vmem>>, vector<16xi32>,
      tpu.vector_store_idx %arg7[%get3A_731], %broadcast_in_dim3A_5 {add = true} : memref<10240xf32, #tpu.memory_space<vmem>>[vector<16xi32>], vector<16xf32>,
      %get3A_732 = arith.constant 6 : i32
      %get3A_733 = arith.constant 0 : i32
      %get3A_734 = arith.index_cast %get3A_732 : i32 to index
      %get3A_735 = arith.index_cast %get3A_733 : i32 to index
      %get3A_736 = arith.constant 48 : index
      %get3A_737 = tpu.vector_load %arg5[%get3A_734, %get3A_735, %get3A_736] {strides = array<i32>} : memref<8x2x128xi32, #tpu.memory_space<vmem>>, vector<16xi32>,
      %sub3A_738 = vector.broadcast %mul3A_2 : i32 to vector<16xi32>
      %sub3A_739 = arith.subi %get3A_737, %sub3A_738 : vector<16xi32>
      tpu.vector_store_idx %arg6[%sub3A_739], %broadcast_in_dim3A_5 {add = true} : memref<10240xf32, #tpu.memory_space<vmem>>[vector<16xi32>], vector<16xf32>,
      %get3A_740 = arith.constant 6 : i32
      %get3A_741 = arith.constant 1 : i32
      %get3A_742 = arith.index_cast %get3A_740 : i32 to index
      %get3A_743 = arith.index_cast %get3A_741 : i32 to index
      %get3A_744 = arith.constant 48 : index
      %get3A_745 = tpu.vector_load %arg5[%get3A_742, %get3A_743, %get3A_744] {strides = array<i32>} : memref<8x2x128xi32, #tpu.memory_space<vmem>>, vector<16xi32>,
      tpu.vector_store_idx %arg7[%get3A_745], %broadcast_in_dim3A_5 {add = true} : memref<10240xf32, #tpu.memory_space<vmem>>[vector<16xi32>], vector<16xf32>,
      %get3A_746 = arith.constant 6 : i32
      %get3A_747 = arith.constant 0 : i32
      %get3A_748 = arith.index_cast %get3A_746 : i32 to index
      %get3A_749 = arith.index_cast %get3A_747 : i32 to index
      %get3A_750 = arith.constant 64 : index
      %get3A_751 = tpu.vector_load %arg5[%get3A_748, %get3A_749, %get3A_750] {strides = array<i32>} : memref<8x2x128xi32, #tpu.memory_space<vmem>>, vector<16xi32>,
      %sub3A_752 = vector.broadcast %mul3A_2 : i32 to vector<16xi32>
      %sub3A_753 = arith.subi %get3A_751, %sub3A_752 : vector<16xi32>
      tpu.vector_store_idx %arg6[%sub3A_753], %broadcast_in_dim3A_5 {add = true} : memref<10240xf32, #tpu.memory_space<vmem>>[vector<16xi32>], vector<16xf32>,
      %get3A_754 = arith.constant 6 : i32
      %get3A_755 = arith.constant 1 : i32
      %get3A_756 = arith.index_cast %get3A_754 : i32 to index
      %get3A_757 = arith.index_cast %get3A_755 : i32 to index
      %get3A_758 = arith.constant 64 : index
      %get3A_759 = tpu.vector_load %arg5[%get3A_756, %get3A_757, %get3A_758] {strides = array<i32>} : memref<8x2x128xi32, #tpu.memory_space<vmem>>, vector<16xi32>,
      tpu.vector_store_idx %arg7[%get3A_759], %broadcast_in_dim3A_5 {add = true} : memref<10240xf32, #tpu.memory_space<vmem>>[vector<16xi32>], vector<16xf32>,
      %get3A_760 = arith.constant 6 : i32
      %get3A_761 = arith.constant 0 : i32
      %get3A_762 = arith.index_cast %get3A_760 : i32 to index
      %get3A_763 = arith.index_cast %get3A_761 : i32 to index
      %get3A_764 = arith.constant 80 : index
      %get3A_765 = tpu.vector_load %arg5[%get3A_762, %get3A_763, %get3A_764] {strides = array<i32>} : memref<8x2x128xi32, #tpu.memory_space<vmem>>, vector<16xi32>,
      %sub3A_766 = vector.broadcast %mul3A_2 : i32 to vector<16xi32>
      %sub3A_767 = arith.subi %get3A_765, %sub3A_766 : vector<16xi32>
      tpu.vector_store_idx %arg6[%sub3A_767], %broadcast_in_dim3A_5 {add = true} : memref<10240xf32, #tpu.memory_space<vmem>>[vector<16xi32>], vector<16xf32>,
      %get3A_768 = arith.constant 6 : i32
      %get3A_769 = arith.constant 1 : i32
      %get3A_770 = arith.index_cast %get3A_768 : i32 to index
      %get3A_771 = arith.index_cast %get3A_769 : i32 to index
      %get3A_772 = arith.constant 80 : index
      %get3A_773 = tpu.vector_load %arg5[%get3A_770, %get3A_771, %get3A_772] {strides = array<i32>} : memref<8x2x128xi32, #tpu.memory_space<vmem>>, vector<16xi32>,
      tpu.vector_store_idx %arg7[%get3A_773], %broadcast_in_dim3A_5 {add = true} : memref<10240xf32, #tpu.memory_space<vmem>>[vector<16xi32>], vector<16xf32>,
      %get3A_774 = arith.constant 6 : i32
      %get3A_775 = arith.constant 0 : i32
      %get3A_776 = arith.index_cast %get3A_774 : i32 to index
      %get3A_777 = arith.index_cast %get3A_775 : i32 to index
      %get3A_778 = arith.constant 96 : index
      %get3A_779 = tpu.vector_load %arg5[%get3A_776, %get3A_777, %get3A_778] {strides = array<i32>} : memref<8x2x128xi32, #tpu.memory_space<vmem>>, vector<16xi32>,
      %sub3A_780 = vector.broadcast %mul3A_2 : i32 to vector<16xi32>
      %sub3A_781 = arith.subi %get3A_779, %sub3A_780 : vector<16xi32>
      tpu.vector_store_idx %arg6[%sub3A_781], %broadcast_in_dim3A_5 {add = true} : memref<10240xf32, #tpu.memory_space<vmem>>[vector<16xi32>], vector<16xf32>,
      %get3A_782 = arith.constant 6 : i32
      %get3A_783 = arith.constant 1 : i32
      %get3A_784 = arith.index_cast %get3A_782 : i32 to index
      %get3A_785 = arith.index_cast %get3A_783 : i32 to index
      %get3A_786 = arith.constant 96 : index
      %get3A_787 = tpu.vector_load %arg5[%get3A_784, %get3A_785, %get3A_786] {strides = array<i32>} : memref<8x2x128xi32, #tpu.memory_space<vmem>>, vector<16xi32>,
      tpu.vector_store_idx %arg7[%get3A_787], %broadcast_in_dim3A_5 {add = true} : memref<10240xf32, #tpu.memory_space<vmem>>[vector<16xi32>], vector<16xf32>,
      %get3A_788 = arith.constant 6 : i32
      %get3A_789 = arith.constant 0 : i32
      %get3A_790 = arith.index_cast %get3A_788 : i32 to index
      %get3A_791 = arith.index_cast %get3A_789 : i32 to index
      %get3A_792 = arith.constant 112 : index
      %get3A_793 = tpu.vector_load %arg5[%get3A_790, %get3A_791, %get3A_792] {strides = array<i32>} : memref<8x2x128xi32, #tpu.memory_space<vmem>>, vector<16xi32>,
      %sub3A_794 = vector.broadcast %mul3A_2 : i32 to vector<16xi32>
      %sub3A_795 = arith.subi %get3A_793, %sub3A_794 : vector<16xi32>
      tpu.vector_store_idx %arg6[%sub3A_795], %broadcast_in_dim3A_5 {add = true} : memref<10240xf32, #tpu.memory_space<vmem>>[vector<16xi32>], vector<16xf32>,
      %get3A_796 = arith.constant 6 : i32
      %get3A_797 = arith.constant 1 : i32
      %get3A_798 = arith.index_cast %get3A_796 : i32 to index
      %get3A_799 = arith.index_cast %get3A_797 : i32 to index
      %get3A_800 = arith.constant 112 : index
      %get3A_801 = tpu.vector_load %arg5[%get3A_798, %get3A_799, %get3A_800] {strides = array<i32>} : memref<8x2x128xi32, #tpu.memory_space<vmem>>, vector<16xi32>,
      tpu.vector_store_idx %arg7[%get3A_801], %broadcast_in_dim3A_5 {add = true} : memref<10240xf32, #tpu.memory_space<vmem>>[vector<16xi32>], vector<16xf32>,
      %get3A_802 = arith.constant 7 : i32
      %get3A_803 = arith.constant 0 : i32
      %get3A_804 = arith.index_cast %get3A_802 : i32 to index
      %get3A_805 = arith.index_cast %get3A_803 : i32 to index
      %get3A_806 = arith.constant 0 : index
      %get3A_807 = tpu.vector_load %arg5[%get3A_804, %get3A_805, %get3A_806] {strides = array<i32>} : memref<8x2x128xi32, #tpu.memory_space<vmem>>, vector<16xi32>,
      %sub3A_808 = vector.broadcast %mul3A_2 : i32 to vector<16xi32>
      %sub3A_809 = arith.subi %get3A_807, %sub3A_808 : vector<16xi32>
      tpu.vector_store_idx %arg6[%sub3A_809], %broadcast_in_dim3A_5 {add = true} : memref<10240xf32, #tpu.memory_space<vmem>>[vector<16xi32>], vector<16xf32>,
      %get3A_810 = arith.constant 7 : i32
      %get3A_811 = arith.constant 1 : i32
      %get3A_812 = arith.index_cast %get3A_810 : i32 to index
      %get3A_813 = arith.index_cast %get3A_811 : i32 to index
      %get3A_814 = arith.constant 0 : index
      %get3A_815 = tpu.vector_load %arg5[%get3A_812, %get3A_813, %get3A_814] {strides = array<i32>} : memref<8x2x128xi32, #tpu.memory_space<vmem>>, vector<16xi32>,
      tpu.vector_store_idx %arg7[%get3A_815], %broadcast_in_dim3A_5 {add = true} : memref<10240xf32, #tpu.memory_space<vmem>>[vector<16xi32>], vector<16xf32>,
      %get3A_816 = arith.constant 7 : i32
      %get3A_817 = arith.constant 0 : i32
      %get3A_818 = arith.index_cast %get3A_816 : i32 to index
      %get3A_819 = arith.index_cast %get3A_817 : i32 to index
      %get3A_820 = arith.constant 16 : index
      %get3A_821 = tpu.vector_load %arg5[%get3A_818, %get3A_819, %get3A_820] {strides = array<i32>} : memref<8x2x128xi32, #tpu.memory_space<vmem>>, vector<16xi32>,
      %sub3A_822 = vector.broadcast %mul3A_2 : i32 to vector<16xi32>
      %sub3A_823 = arith.subi %get3A_821, %sub3A_822 : vector<16xi32>
      tpu.vector_store_idx %arg6[%sub3A_823], %broadcast_in_dim3A_5 {add = true} : memref<10240xf32, #tpu.memory_space<vmem>>[vector<16xi32>], vector<16xf32>,
      %get3A_824 = arith.constant 7 : i32
      %get3A_825 = arith.constant 1 : i32
      %get3A_826 = arith.index_cast %get3A_824 : i32 to index
      %get3A_827 = arith.index_cast %get3A_825 : i32 to index
      %get3A_828 = arith.constant 16 : index
      %get3A_829 = tpu.vector_load %arg5[%get3A_826, %get3A_827, %get3A_828] {strides = array<i32>} : memref<8x2x128xi32, #tpu.memory_space<vmem>>, vector<16xi32>,
      tpu.vector_store_idx %arg7[%get3A_829], %broadcast_in_dim3A_5 {add = true} : memref<10240xf32, #tpu.memory_space<vmem>>[vector<16xi32>], vector<16xf32>,
      %get3A_830 = arith.constant 7 : i32
      %get3A_831 = arith.constant 0 : i32
      %get3A_832 = arith.index_cast %get3A_830 : i32 to index
      %get3A_833 = arith.index_cast %get3A_831 : i32 to index
      %get3A_834 = arith.constant 32 : index
      %get3A_835 = tpu.vector_load %arg5[%get3A_832, %get3A_833, %get3A_834] {strides = array<i32>} : memref<8x2x128xi32, #tpu.memory_space<vmem>>, vector<16xi32>,
      %sub3A_836 = vector.broadcast %mul3A_2 : i32 to vector<16xi32>
      %sub3A_837 = arith.subi %get3A_835, %sub3A_836 : vector<16xi32>
      tpu.vector_store_idx %arg6[%sub3A_837], %broadcast_in_dim3A_5 {add = true} : memref<10240xf32, #tpu.memory_space<vmem>>[vector<16xi32>], vector<16xf32>,
      %get3A_838 = arith.constant 7 : i32
      %get3A_839 = arith.constant 1 : i32
      %get3A_840 = arith.index_cast %get3A_838 : i32 to index
      %get3A_841 = arith.index_cast %get3A_839 : i32 to index
      %get3A_842 = arith.constant 32 : index
      %get3A_843 = tpu.vector_load %arg5[%get3A_840, %get3A_841, %get3A_842] {strides = array<i32>} : memref<8x2x128xi32, #tpu.memory_space<vmem>>, vector<16xi32>,
      tpu.vector_store_idx %arg7[%get3A_843], %broadcast_in_dim3A_5 {add = true} : memref<10240xf32, #tpu.memory_space<vmem>>[vector<16xi32>], vector<16xf32>,
      %get3A_844 = arith.constant 7 : i32
      %get3A_845 = arith.constant 0 : i32
      %get3A_846 = arith.index_cast %get3A_844 : i32 to index
      %get3A_847 = arith.index_cast %get3A_845 : i32 to index
      %get3A_848 = arith.constant 48 : index
      %get3A_849 = tpu.vector_load %arg5[%get3A_846, %get3A_847, %get3A_848] {strides = array<i32>} : memref<8x2x128xi32, #tpu.memory_space<vmem>>, vector<16xi32>,
      %sub3A_850 = vector.broadcast %mul3A_2 : i32 to vector<16xi32>
      %sub3A_851 = arith.subi %get3A_849, %sub3A_850 : vector<16xi32>
      tpu.vector_store_idx %arg6[%sub3A_851], %broadcast_in_dim3A_5 {add = true} : memref<10240xf32, #tpu.memory_space<vmem>>[vector<16xi32>], vector<16xf32>,
      %get3A_852 = arith.constant 7 : i32
      %get3A_853 = arith.constant 1 : i32
      %get3A_854 = arith.index_cast %get3A_852 : i32 to index
      %get3A_855 = arith.index_cast %get3A_853 : i32 to index
      %get3A_856 = arith.constant 48 : index
      %get3A_857 = tpu.vector_load %arg5[%get3A_854, %get3A_855, %get3A_856] {strides = array<i32>} : memref<8x2x128xi32, #tpu.memory_space<vmem>>, vector<16xi32>,
      tpu.vector_store_idx %arg7[%get3A_857], %broadcast_in_dim3A_5 {add = true} : memref<10240xf32, #tpu.memory_space<vmem>>[vector<16xi32>], vector<16xf32>,
      %get3A_858 = arith.constant 7 : i32
      %get3A_859 = arith.constant 0 : i32
      %get3A_860 = arith.index_cast %get3A_858 : i32 to index
      %get3A_861 = arith.index_cast %get3A_859 : i32 to index
      %get3A_862 = arith.constant 64 : index
      %get3A_863 = tpu.vector_load %arg5[%get3A_860, %get3A_861, %get3A_862] {strides = array<i32>} : memref<8x2x128xi32, #tpu.memory_space<vmem>>, vector<16xi32>,
      %sub3A_864 = vector.broadcast %mul3A_2 : i32 to vector<16xi32>
      %sub3A_865 = arith.subi %get3A_863, %sub3A_864 : vector<16xi32>
      tpu.vector_store_idx %arg6[%sub3A_865], %broadcast_in_dim3A_5 {add = true} : memref<10240xf32, #tpu.memory_space<vmem>>[vector<16xi32>], vector<16xf32>,
      %get3A_866 = arith.constant 7 : i32
      %get3A_867 = arith.constant 1 : i32
      %get3A_868 = arith.index_cast %get3A_866 : i32 to index
      %get3A_869 = arith.index_cast %get3A_867 : i32 to index
      %get3A_870 = arith.constant 64 : index
      %get3A_871 = tpu.vector_load %arg5[%get3A_868, %get3A_869, %get3A_870] {strides = array<i32>} : memref<8x2x128xi32, #tpu.memory_space<vmem>>, vector<16xi32>,
      tpu.vector_store_idx %arg7[%get3A_871], %broadcast_in_dim3A_5 {add = true} : memref<10240xf32, #tpu.memory_space<vmem>>[vector<16xi32>], vector<16xf32>,
      %get3A_872 = arith.constant 7 : i32
      %get3A_873 = arith.constant 0 : i32
      %get3A_874 = arith.index_cast %get3A_872 : i32 to index
      %get3A_875 = arith.index_cast %get3A_873 : i32 to index
      %get3A_876 = arith.constant 80 : index
      %get3A_877 = tpu.vector_load %arg5[%get3A_874, %get3A_875, %get3A_876] {strides = array<i32>} : memref<8x2x128xi32, #tpu.memory_space<vmem>>, vector<16xi32>,
      %sub3A_878 = vector.broadcast %mul3A_2 : i32 to vector<16xi32>
      %sub3A_879 = arith.subi %get3A_877, %sub3A_878 : vector<16xi32>
      tpu.vector_store_idx %arg6[%sub3A_879], %broadcast_in_dim3A_5 {add = true} : memref<10240xf32, #tpu.memory_space<vmem>>[vector<16xi32>], vector<16xf32>,
      %get3A_880 = arith.constant 7 : i32
      %get3A_881 = arith.constant 1 : i32
      %get3A_882 = arith.index_cast %get3A_880 : i32 to index
      %get3A_883 = arith.index_cast %get3A_881 : i32 to index
      %get3A_884 = arith.constant 80 : index
      %get3A_885 = tpu.vector_load %arg5[%get3A_882, %get3A_883, %get3A_884] {strides = array<i32>} : memref<8x2x128xi32, #tpu.memory_space<vmem>>, vector<16xi32>,
      tpu.vector_store_idx %arg7[%get3A_885], %broadcast_in_dim3A_5 {add = true} : memref<10240xf32, #tpu.memory_space<vmem>>[vector<16xi32>], vector<16xf32>,
      %get3A_886 = arith.constant 7 : i32
      %get3A_887 = arith.constant 0 : i32
      %get3A_888 = arith.index_cast %get3A_886 : i32 to index
      %get3A_889 = arith.index_cast %get3A_887 : i32 to index
      %get3A_890 = arith.constant 96 : index
      %get3A_891 = tpu.vector_load %arg5[%get3A_888, %get3A_889, %get3A_890] {strides = array<i32>} : memref<8x2x128xi32, #tpu.memory_space<vmem>>, vector<16xi32>,
      %sub3A_892 = vector.broadcast %mul3A_2 : i32 to vector<16xi32>
      %sub3A_893 = arith.subi %get3A_891, %sub3A_892 : vector<16xi32>
      tpu.vector_store_idx %arg6[%sub3A_893], %broadcast_in_dim3A_5 {add = true} : memref<10240xf32, #tpu.memory_space<vmem>>[vector<16xi32>], vector<16xf32>,
      %get3A_894 = arith.constant 7 : i32
      %get3A_895 = arith.constant 1 : i32
      %get3A_896 = arith.index_cast %get3A_894 : i32 to index
      %get3A_897 = arith.index_cast %get3A_895 : i32 to index
      %get3A_898 = arith.constant 96 : index
      %get3A_899 = tpu.vector_load %arg5[%get3A_896, %get3A_897, %get3A_898] {strides = array<i32>} : memref<8x2x128xi32, #tpu.memory_space<vmem>>, vector<16xi32>,
      tpu.vector_store_idx %arg7[%get3A_899], %broadcast_in_dim3A_5 {add = true} : memref<10240xf32, #tpu.memory_space<vmem>>[vector<16xi32>], vector<16xf32>,
      %get3A_900 = arith.constant 7 : i32
      %get3A_901 = arith.constant 0 : i32
      %get3A_902 = arith.index_cast %get3A_900 : i32 to index
      %get3A_903 = arith.index_cast %get3A_901 : i32 to index
      %get3A_904 = arith.constant 112 : index
      %get3A_905 = tpu.vector_load %arg5[%get3A_902, %get3A_903, %get3A_904] {strides = array<i32>} : memref<8x2x128xi32, #tpu.memory_space<vmem>>, vector<16xi32>,
      %sub3A_906 = vector.broadcast %mul3A_2 : i32 to vector<16xi32>
      %sub3A_907 = arith.subi %get3A_905, %sub3A_906 : vector<16xi32>
      tpu.vector_store_idx %arg6[%sub3A_907], %broadcast_in_dim3A_5 {add = true} : memref<10240xf32, #tpu.memory_space<vmem>>[vector<16xi32>], vector<16xf32>,
      %get3A_908 = arith.constant 7 : i32
      %get3A_909 = arith.constant 1 : i32
      %get3A_910 = arith.index_cast %get3A_908 : i32 to index
      %get3A_911 = arith.index_cast %get3A_909 : i32 to index
      %get3A_912 = arith.constant 112 : index
      %get3A_913 = tpu.vector_load %arg5[%get3A_910, %get3A_911, %get3A_912] {strides = array<i32>} : memref<8x2x128xi32, #tpu.memory_space<vmem>>, vector<16xi32>,
      tpu.vector_store_idx %arg7[%get3A_913], %broadcast_in_dim3A_5 {add = true} : memref<10240xf32, #tpu.memory_space<vmem>>[vector<16xi32>], vector<16xf32>,
    }
    %scan3A_16 = arith.constant 20 : i32
    "tpu.region"() ({
      %run_scoped3A = tpu.sem_alloc : memref<!tpu.dma_semaphore, #tpu.memory_space<semaphore_mem>>
      %dma_start3A = arith.constant 0 : i32
      %dma_start3A_17 = tpu.memref_slice %arg3[%add3A, %dma_start3A] : memref<32x10240xf32, #tpu.memory_space<hbm>> -> memref<1x10240xf32, #tpu.memory_space<hbm>>
      %dma_start3A_18 = tpu.memref_squeeze %dma_start3A_17 : memref<1x10240xf32, #tpu.memory_space<hbm>> -> memref<10240xf32, #tpu.memory_space<hbm>>
      %dma_start3A_19 = arith.constant 0 : i32
      %dma_start3A_20 = tpu.memref_slice %arg3[%add3A, %dma_start3A_19] : memref<32x10240xf32, #tpu.memory_space<hbm>> -> memref<1x10240xf32, #tpu.memory_space<hbm>>
      %dma_start3A_21 = tpu.memref_squeeze %dma_start3A_20 : memref<1x10240xf32, #tpu.memory_space<hbm>> -> memref<10240xf32, #tpu.memory_space<hbm>>
      tpu.enqueue_dma source(%arg6 : memref<10240xf32, #tpu.memory_space<vmem>>) target(%dma_start3A_21 : memref<10240xf32, #tpu.memory_space<hbm>>) target_semaphore(%run_scoped3A : memref<!tpu.dma_semaphore, #tpu.memory_space<semaphore_mem>>)
      %dma_wait3A = arith.constant 0 : i32
      %dma_wait3A_22 = tpu.memref_slice %arg3[%add3A, %dma_wait3A] : memref<32x10240xf32, #tpu.memory_space<hbm>> -> memref<1x10240xf32, #tpu.memory_space<hbm>>
      %dma_wait3A_23 = tpu.memref_squeeze %dma_wait3A_22 : memref<1x10240xf32, #tpu.memory_space<hbm>> -> memref<10240xf32, #tpu.memory_space<hbm>>
      %dma_wait3A_24 = arith.constant 0 : i32
      %dma_wait3A_25 = tpu.memref_slice %arg3[%add3A, %dma_wait3A_24] : memref<32x10240xf32, #tpu.memory_space<hbm>> -> memref<1x10240xf32, #tpu.memory_space<hbm>>
      %dma_wait3A_26 = tpu.memref_squeeze %dma_wait3A_25 : memref<1x10240xf32, #tpu.memory_space<hbm>> -> memref<10240xf32, #tpu.memory_space<hbm>>
      tpu.wait_dma2 semaphore(%run_scoped3A : memref<!tpu.dma_semaphore, #tpu.memory_space<semaphore_mem>>) src(%arg6 : memref<10240xf32, #tpu.memory_space<vmem>>) dst(%dma_wait3A_26 : memref<10240xf32, #tpu.memory_space<hbm>>)
      tpu.yield
    }) : () -> ()
    "tpu.region"() ({
      %run_scoped3A = tpu.sem_alloc : memref<!tpu.dma_semaphore, #tpu.memory_space<semaphore_mem>>
      %dma_start3A = arith.constant 0 : i32
      %dma_start3A_17 = tpu.memref_slice %arg4[%add3A, %dma_start3A] : memref<32x10240xf32, #tpu.memory_space<hbm>> -> memref<1x10240xf32, #tpu.memory_space<hbm>>
      %dma_start3A_18 = tpu.memref_squeeze %dma_start3A_17 : memref<1x10240xf32, #tpu.memory_space<hbm>> -> memref<10240xf32, #tpu.memory_space<hbm>>
      %dma_start3A_19 = arith.constant 0 : i32
      %dma_start3A_20 = tpu.memref_slice %arg4[%add3A, %dma_start3A_19] : memref<32x10240xf32, #tpu.memory_space<hbm>> -> memref<1x10240xf32, #tpu.memory_space<hbm>>
      %dma_start3A_21 = tpu.memref_squeeze %dma_start3A_20 : memref<1x10240xf32, #tpu.memory_space<hbm>> -> memref<10240xf32, #tpu.memory_space<hbm>>
      tpu.enqueue_dma source(%arg7 : memref<10240xf32, #tpu.memory_space<vmem>>) target(%dma_start3A_21 : memref<10240xf32, #tpu.memory_space<hbm>>) target_semaphore(%run_scoped3A : memref<!tpu.dma_semaphore, #tpu.memory_space<semaphore_mem>>)
      %dma_wait3A = arith.constant 0 : i32
      %dma_wait3A_22 = tpu.memref_slice %arg4[%add3A, %dma_wait3A] : memref<32x10240xf32, #tpu.memory_space<hbm>> -> memref<1x10240xf32, #tpu.memory_space<hbm>>
      %dma_wait3A_23 = tpu.memref_squeeze %dma_wait3A_22 : memref<1x10240xf32, #tpu.memory_space<hbm>> -> memref<10240xf32, #tpu.memory_space<hbm>>
      %dma_wait3A_24 = arith.constant 0 : i32
      %dma_wait3A_25 = tpu.memref_slice %arg4[%add3A, %dma_wait3A_24] : memref<32x10240xf32, #tpu.memory_space<hbm>> -> memref<1x10240xf32, #tpu.memory_space<hbm>>
      %dma_wait3A_26 = tpu.memref_squeeze %dma_wait3A_25 : memref<1x10240xf32, #tpu.memory_space<hbm>> -> memref<10240xf32, #tpu.memory_space<hbm>>
      tpu.wait_dma2 semaphore(%run_scoped3A : memref<!tpu.dma_semaphore, #tpu.memory_space<semaphore_mem>>) src(%arg7 : memref<10240xf32, #tpu.memory_space<vmem>>) dst(%dma_wait3A_26 : memref<10240xf32, #tpu.memory_space<hbm>>)
      tpu.yield
    }) : () -> ()
    return
  }
}

module attributes {stable_mosaic.version = 14 : i64} {
  func.func @_tc_prep_body(%arg0: memref<10240x32xf32, #tpu.memory_space<vmem>>, %arg1: memref<10240x32xf32, #tpu.memory_space<vmem>>, %arg2: memref<10000x128xf32, #tpu.memory_space<vmem>>, %arg3: memref<10000x128xf32, #tpu.memory_space<vmem>>, %arg4: memref<128x128xf32, #tpu.memory_space<vmem>>, %arg5: memref<128x128xf32, #tpu.memory_space<vmem>>, %arg6: memref<20480x128xf32, #tpu.memory_space<vmem>>, %arg7: memref<10240x4xf32, #tpu.memory_space<vmem>>) attributes {dimension_semantics = [], scalar_prefetch = 0 : i64, scratch_operands = 0 : i64, tpu.core_type = #tpu.core_type<tc>} {
    %get3A = arith.constant 0 : index
    %get3A_0 = arith.constant 0 : index
    %get3A_1 = vector.load %arg0[%get3A, %get3A_0] : memref<10240x32xf32, #tpu.memory_space<vmem>>, vector<10240x32xf32>
    %get3A_2 = arith.constant 0 : index
    %get3A_3 = arith.constant 0 : index
    %get3A_4 = vector.load %arg1[%get3A_2, %get3A_3] : memref<10240x32xf32, #tpu.memory_space<vmem>>, vector<10240x32xf32>
    %slice3A = vector.extract_strided_slice %get3A_1 {offsets = [0, 0], sizes = [10240, 16], strides = [1, 1]} : vector<10240x32xf32> to vector<10240x16xf32>
    %reduce_sum3A = arith.constant dense<0.000000e+00> : vector<10240xf32>
    %reduce_sum3A_5 = vector.multi_reduction <add>, %slice3A, %reduce_sum3A [1] : vector<10240x16xf32> to vector<10240xf32>
    %broadcast_in_dim3A = vector.shape_cast %reduce_sum3A_5 : vector<10240xf32> to vector<10240x1xf32>
    %slice3A_6 = vector.extract_strided_slice %get3A_1 {offsets = [0, 16], sizes = [10240, 16], strides = [1, 1]} : vector<10240x32xf32> to vector<10240x16xf32>
    %reduce_sum3A_7 = arith.constant dense<0.000000e+00> : vector<10240xf32>
    %reduce_sum3A_8 = vector.multi_reduction <add>, %slice3A_6, %reduce_sum3A_7 [1] : vector<10240x16xf32> to vector<10240xf32>
    %broadcast_in_dim3A_9 = vector.shape_cast %reduce_sum3A_8 : vector<10240xf32> to vector<10240x1xf32>
    %slice3A_10 = vector.extract_strided_slice %get3A_4 {offsets = [0, 0], sizes = [10240, 16], strides = [1, 1]} : vector<10240x32xf32> to vector<10240x16xf32>
    %reduce_sum3A_11 = arith.constant dense<0.000000e+00> : vector<10240xf32>
    %reduce_sum3A_12 = vector.multi_reduction <add>, %slice3A_10, %reduce_sum3A_11 [1] : vector<10240x16xf32> to vector<10240xf32>
    %broadcast_in_dim3A_13 = vector.shape_cast %reduce_sum3A_12 : vector<10240xf32> to vector<10240x1xf32>
    %slice3A_14 = vector.extract_strided_slice %get3A_4 {offsets = [0, 16], sizes = [10240, 16], strides = [1, 1]} : vector<10240x32xf32> to vector<10240x16xf32>
    %reduce_sum3A_15 = arith.constant dense<0.000000e+00> : vector<10240xf32>
    %reduce_sum3A_16 = vector.multi_reduction <add>, %slice3A_14, %reduce_sum3A_15 [1] : vector<10240x16xf32> to vector<10240xf32>
    %broadcast_in_dim3A_17 = vector.shape_cast %reduce_sum3A_16 : vector<10240xf32> to vector<10240x1xf32>
    %concatenate3A = tpu.concatenate %broadcast_in_dim3A, %broadcast_in_dim3A_9, %broadcast_in_dim3A_13, %broadcast_in_dim3A_17 in 1 : vector<10240x1xf32>, vector<10240x1xf32>, vector<10240x1xf32>, vector<10240x1xf32> -> vector<10240x4xf32>
    %max3A = arith.constant 1.000000e+00 : f32
    %max3A_18 = vector.broadcast %max3A : f32 to vector<10240x4xf32>
    %max3A_19 = arith.maximumf %concatenate3A, %max3A_18 : vector<10240x4xf32>
    %rsqrt3A = math.rsqrt %max3A_19 : vector<10240x4xf32>
    %swap3A = arith.constant 0 : index
    %swap3A_20 = arith.constant 0 : index
    %swap3A_21 = vector.load %arg7[%swap3A, %swap3A_20] : memref<10240x4xf32, #tpu.memory_space<vmem>>, vector<10240x4xf32>
    tpu.vector_store %arg7[%swap3A, %swap3A_20], %rsqrt3A {strides = array<i32>} : memref<10240x4xf32, #tpu.memory_space<vmem>>, vector<10240x4xf32>,
    %slice3A_22 = vector.extract_strided_slice %rsqrt3A {offsets = [0, 0], sizes = [10000, 1], strides = [1, 1]} : vector<10240x4xf32> to vector<10000x1xf32>
    %slice3A_23 = vector.extract_strided_slice %rsqrt3A {offsets = [0, 1], sizes = [10000, 1], strides = [1, 1]} : vector<10240x4xf32> to vector<10000x1xf32>
    %get3A_24 = arith.constant 0 : index
    %get3A_25 = arith.constant 0 : index
    %get3A_26 = vector.load %arg2[%get3A_24, %get3A_25] : memref<10000x128xf32, #tpu.memory_space<vmem>>, vector<10000x128xf32>
    %mul3A = vector.broadcast %slice3A_22 : vector<10000x1xf32> to vector<10000x128xf32>
    %mul3A_27 = arith.mulf %get3A_26, %mul3A : vector<10000x128xf32>
    %get3A_28 = arith.constant 0 : index
    %get3A_29 = arith.constant 0 : index
    %get3A_30 = vector.load %arg4[%get3A_28, %get3A_29] : memref<128x128xf32, #tpu.memory_space<vmem>>, vector<128x128xf32>
    %dot_general3A = arith.constant dense<0.000000e+00> : vector<10000x128xf32>
    %dot_general3A_31 = tpu.matmul %mul3A_27, %get3A_30, %dot_general3A {dimension_numbers = #tpu.dot_dimension_numbers<[1], [0], [0], [1], [0, 0, 1, 1], [], []>, transpose_lhs_hint = false} : vector<10000x128xf32>, vector<128x128xf32>, vector<10000x128xf32> -> vector<10000x128xf32>
    %swap3A_32 = arith.constant 0 : index
    %swap3A_33 = arith.constant 0 : index
    %swap3A_34 = vector.load %arg6[%swap3A_32, %swap3A_33] : memref<20480x128xf32, #tpu.memory_space<vmem>>, vector<10000x128xf32>
    tpu.vector_store %arg6[%swap3A_32, %swap3A_33], %dot_general3A_31 {strides = array<i32>} : memref<20480x128xf32, #tpu.memory_space<vmem>>, vector<10000x128xf32>,
    %get3A_35 = arith.constant 0 : index
    %get3A_36 = arith.constant 0 : index
    %get3A_37 = vector.load %arg3[%get3A_35, %get3A_36] : memref<10000x128xf32, #tpu.memory_space<vmem>>, vector<10000x128xf32>
    %mul3A_38 = vector.broadcast %slice3A_23 : vector<10000x1xf32> to vector<10000x128xf32>
    %mul3A_39 = arith.mulf %get3A_37, %mul3A_38 : vector<10000x128xf32>
    %get3A_40 = arith.constant 0 : index
    %get3A_41 = arith.constant 0 : index
    %get3A_42 = vector.load %arg5[%get3A_40, %get3A_41] : memref<128x128xf32, #tpu.memory_space<vmem>>, vector<128x128xf32>
    %dot_general3A_43 = arith.constant dense<0.000000e+00> : vector<10000x128xf32>
    %dot_general3A_44 = tpu.matmul %mul3A_39, %get3A_42, %dot_general3A_43 {dimension_numbers = #tpu.dot_dimension_numbers<[1], [0], [0], [1], [0, 0, 1, 1], [], []>, transpose_lhs_hint = false} : vector<10000x128xf32>, vector<128x128xf32>, vector<10000x128xf32> -> vector<10000x128xf32>
    %swap3A_45 = arith.constant 10240 : index
    %swap3A_46 = arith.constant 0 : index
    %swap3A_47 = vector.load %arg6[%swap3A_45, %swap3A_46] : memref<20480x128xf32, #tpu.memory_space<vmem>>, vector<10000x128xf32>
    tpu.vector_store %arg6[%swap3A_45, %swap3A_46], %dot_general3A_44 {strides = array<i32>} : memref<20480x128xf32, #tpu.memory_space<vmem>>, vector<10000x128xf32>,
    %broadcast_in_dim3A_48 = arith.constant 0.000000e+00 : f32
    %broadcast_in_dim3A_49 = vector.broadcast %broadcast_in_dim3A_48 : f32 to vector<240x128xf32>
    %swap3A_50 = arith.constant 10000 : index
    %swap3A_51 = arith.constant 0 : index
    %swap3A_52 = vector.load %arg6[%swap3A_50, %swap3A_51] : memref<20480x128xf32, #tpu.memory_space<vmem>>, vector<240x128xf32>
    tpu.vector_store %arg6[%swap3A_50, %swap3A_51], %broadcast_in_dim3A_49 {strides = array<i32>} : memref<20480x128xf32, #tpu.memory_space<vmem>>, vector<240x128xf32>,
    %broadcast_in_dim3A_53 = arith.constant 0.000000e+00 : f32
    %broadcast_in_dim3A_54 = vector.broadcast %broadcast_in_dim3A_53 : f32 to vector<240x128xf32>
    %swap3A_55 = arith.constant 20240 : index
    %swap3A_56 = arith.constant 0 : index
    %swap3A_57 = vector.load %arg6[%swap3A_55, %swap3A_56] : memref<20480x128xf32, #tpu.memory_space<vmem>>, vector<240x128xf32>
    tpu.vector_store %arg6[%swap3A_55, %swap3A_56], %broadcast_in_dim3A_54 {strides = array<i32>} : memref<20480x128xf32, #tpu.memory_space<vmem>>, vector<240x128xf32>,
    return
  }
}

module attributes {stable_mosaic.version = 14 : i64} {
  func.func @_tc_mid_body(%arg0: memref<20480x128xf32, #tpu.memory_space<vmem>>, %arg1: memref<10240x4xf32, #tpu.memory_space<vmem>>, %arg2: memref<1x128xf32, #tpu.memory_space<vmem>>, %arg3: memref<1x128xf32, #tpu.memory_space<vmem>>, %arg4: memref<128x128xf32, #tpu.memory_space<vmem>>, %arg5: memref<128x128xf32, #tpu.memory_space<vmem>>, %arg6: memref<20480x128xf32, #tpu.memory_space<vmem>>) attributes {dimension_semantics = [], scalar_prefetch = 0 : i64, scratch_operands = 0 : i64, tpu.core_type = #tpu.core_type<tc>} {
    %get3A = arith.constant 0 : index
    %get3A_0 = arith.constant 0 : index
    %get3A_1 = vector.load %arg1[%get3A, %get3A_0] : memref<10240x4xf32, #tpu.memory_space<vmem>>, vector<10240x4xf32>
    %slice3A = vector.extract_strided_slice %get3A_1 {offsets = [0, 0], sizes = [10000, 1], strides = [1, 1]} : vector<10240x4xf32> to vector<10000x1xf32>
    %slice3A_2 = vector.extract_strided_slice %get3A_1 {offsets = [0, 1], sizes = [10000, 1], strides = [1, 1]} : vector<10240x4xf32> to vector<10000x1xf32>
    %slice3A_3 = vector.extract_strided_slice %get3A_1 {offsets = [0, 2], sizes = [10000, 1], strides = [1, 1]} : vector<10240x4xf32> to vector<10000x1xf32>
    %slice3A_4 = vector.extract_strided_slice %get3A_1 {offsets = [0, 3], sizes = [10000, 1], strides = [1, 1]} : vector<10240x4xf32> to vector<10000x1xf32>
    %get3A_5 = arith.constant 0 : index
    %get3A_6 = arith.constant 0 : index
    %get3A_7 = vector.load %arg0[%get3A_5, %get3A_6] : memref<20480x128xf32, #tpu.memory_space<vmem>>, vector<10000x128xf32>
    %mul3A = vector.broadcast %slice3A_3 : vector<10000x1xf32> to vector<10000x128xf32>
    %mul3A_8 = arith.mulf %get3A_7, %mul3A : vector<10000x128xf32>
    %get3A_9 = arith.constant 0 : index
    %get3A_10 = arith.constant 0 : index
    %get3A_11 = vector.load %arg2[%get3A_9, %get3A_10] : memref<1x128xf32, #tpu.memory_space<vmem>>, vector<1x128xf32>
    %add3A = vector.broadcast %get3A_11 : vector<1x128xf32> to vector<10000x128xf32>
    %add3A_12 = arith.addf %mul3A_8, %add3A : vector<10000x128xf32>
    %max3A = arith.constant 0.000000e+00 : f32
    %max3A_13 = vector.broadcast %max3A : f32 to vector<10000x128xf32>
    %max3A_14 = arith.maximumf %add3A_12, %max3A_13 : vector<10000x128xf32>
    %get3A_15 = arith.constant 10240 : index
    %get3A_16 = arith.constant 0 : index
    %get3A_17 = vector.load %arg0[%get3A_15, %get3A_16] : memref<20480x128xf32, #tpu.memory_space<vmem>>, vector<10000x128xf32>
    %mul3A_18 = vector.broadcast %slice3A_4 : vector<10000x1xf32> to vector<10000x128xf32>
    %mul3A_19 = arith.mulf %get3A_17, %mul3A_18 : vector<10000x128xf32>
    %get3A_20 = arith.constant 0 : index
    %get3A_21 = arith.constant 0 : index
    %get3A_22 = vector.load %arg3[%get3A_20, %get3A_21] : memref<1x128xf32, #tpu.memory_space<vmem>>, vector<1x128xf32>
    %add3A_23 = vector.broadcast %get3A_22 : vector<1x128xf32> to vector<10000x128xf32>
    %add3A_24 = arith.addf %mul3A_19, %add3A_23 : vector<10000x128xf32>
    %max3A_25 = arith.constant 0.000000e+00 : f32
    %max3A_26 = vector.broadcast %max3A_25 : f32 to vector<10000x128xf32>
    %max3A_27 = arith.maximumf %add3A_24, %max3A_26 : vector<10000x128xf32>
    %mul3A_28 = vector.broadcast %slice3A : vector<10000x1xf32> to vector<10000x128xf32>
    %mul3A_29 = arith.mulf %max3A_27, %mul3A_28 : vector<10000x128xf32>
    %get3A_30 = arith.constant 0 : index
    %get3A_31 = arith.constant 0 : index
    %get3A_32 = vector.load %arg4[%get3A_30, %get3A_31] : memref<128x128xf32, #tpu.memory_space<vmem>>, vector<128x128xf32>
    %dot_general3A = arith.constant dense<0.000000e+00> : vector<10000x128xf32>
    %dot_general3A_33 = tpu.matmul %mul3A_29, %get3A_32, %dot_general3A {dimension_numbers = #tpu.dot_dimension_numbers<[1], [0], [0], [1], [0, 0, 1, 1], [], []>, transpose_lhs_hint = false} : vector<10000x128xf32>, vector<128x128xf32>, vector<10000x128xf32> -> vector<10000x128xf32>
    %swap3A = arith.constant 0 : index
    %swap3A_34 = arith.constant 0 : index
    %swap3A_35 = vector.load %arg6[%swap3A, %swap3A_34] : memref<20480x128xf32, #tpu.memory_space<vmem>>, vector<10000x128xf32>
    tpu.vector_store %arg6[%swap3A, %swap3A_34], %dot_general3A_33 {strides = array<i32>} : memref<20480x128xf32, #tpu.memory_space<vmem>>, vector<10000x128xf32>,
    %mul3A_36 = vector.broadcast %slice3A_2 : vector<10000x1xf32> to vector<10000x128xf32>
    %mul3A_37 = arith.mulf %max3A_14, %mul3A_36 : vector<10000x128xf32>
    %get3A_38 = arith.constant 0 : index
    %get3A_39 = arith.constant 0 : index
    %get3A_40 = vector.load %arg5[%get3A_38, %get3A_39] : memref<128x128xf32, #tpu.memory_space<vmem>>, vector<128x128xf32>
    %dot_general3A_41 = arith.constant dense<0.000000e+00> : vector<10000x128xf32>
    %dot_general3A_42 = tpu.matmul %mul3A_37, %get3A_40, %dot_general3A_41 {dimension_numbers = #tpu.dot_dimension_numbers<[1], [0], [0], [1], [0, 0, 1, 1], [], []>, transpose_lhs_hint = false} : vector<10000x128xf32>, vector<128x128xf32>, vector<10000x128xf32> -> vector<10000x128xf32>
    %swap3A_43 = arith.constant 10240 : index
    %swap3A_44 = arith.constant 0 : index
    %swap3A_45 = vector.load %arg6[%swap3A_43, %swap3A_44] : memref<20480x128xf32, #tpu.memory_space<vmem>>, vector<10000x128xf32>
    tpu.vector_store %arg6[%swap3A_43, %swap3A_44], %dot_general3A_42 {strides = array<i32>} : memref<20480x128xf32, #tpu.memory_space<vmem>>, vector<10000x128xf32>,
    %broadcast_in_dim3A = arith.constant 0.000000e+00 : f32
    %broadcast_in_dim3A_46 = vector.broadcast %broadcast_in_dim3A : f32 to vector<240x128xf32>
    %swap3A_47 = arith.constant 10000 : index
    %swap3A_48 = arith.constant 0 : index
    %swap3A_49 = vector.load %arg6[%swap3A_47, %swap3A_48] : memref<20480x128xf32, #tpu.memory_space<vmem>>, vector<240x128xf32>
    tpu.vector_store %arg6[%swap3A_47, %swap3A_48], %broadcast_in_dim3A_46 {strides = array<i32>} : memref<20480x128xf32, #tpu.memory_space<vmem>>, vector<240x128xf32>,
    %broadcast_in_dim3A_50 = arith.constant 0.000000e+00 : f32
    %broadcast_in_dim3A_51 = vector.broadcast %broadcast_in_dim3A_50 : f32 to vector<240x128xf32>
    %swap3A_52 = arith.constant 20240 : index
    %swap3A_53 = arith.constant 0 : index
    %swap3A_54 = vector.load %arg6[%swap3A_52, %swap3A_53] : memref<20480x128xf32, #tpu.memory_space<vmem>>, vector<240x128xf32>
    tpu.vector_store %arg6[%swap3A_52, %swap3A_53], %broadcast_in_dim3A_51 {strides = array<i32>} : memref<20480x128xf32, #tpu.memory_space<vmem>>, vector<240x128xf32>,
    return
  }
}

module attributes {stable_mosaic.version = 14 : i64} {
  func.func @_tc_final_body(%arg0: memref<20480x128xf32, #tpu.memory_space<vmem>>, %arg1: memref<10240x4xf32, #tpu.memory_space<vmem>>, %arg2: memref<1x128xf32, #tpu.memory_space<vmem>>, %arg3: memref<1x128xf32, #tpu.memory_space<vmem>>, %arg4: memref<10000x128xf32, #tpu.memory_space<vmem>>, %arg5: memref<10000x128xf32, #tpu.memory_space<vmem>>) attributes {dimension_semantics = [], scalar_prefetch = 0 : i64, scratch_operands = 0 : i64, tpu.core_type = #tpu.core_type<tc>} {
    %get3A = arith.constant 0 : index
    %get3A_0 = arith.constant 0 : index
    %get3A_1 = vector.load %arg1[%get3A, %get3A_0] : memref<10240x4xf32, #tpu.memory_space<vmem>>, vector<10240x4xf32>
    %slice3A = vector.extract_strided_slice %get3A_1 {offsets = [0, 2], sizes = [10000, 1], strides = [1, 1]} : vector<10240x4xf32> to vector<10000x1xf32>
    %slice3A_2 = vector.extract_strided_slice %get3A_1 {offsets = [0, 3], sizes = [10000, 1], strides = [1, 1]} : vector<10240x4xf32> to vector<10000x1xf32>
    %get3A_3 = arith.constant 0 : index
    %get3A_4 = arith.constant 0 : index
    %get3A_5 = vector.load %arg0[%get3A_3, %get3A_4] : memref<20480x128xf32, #tpu.memory_space<vmem>>, vector<10000x128xf32>
    %mul3A = vector.broadcast %slice3A : vector<10000x1xf32> to vector<10000x128xf32>
    %mul3A_6 = arith.mulf %get3A_5, %mul3A : vector<10000x128xf32>
    %get3A_7 = arith.constant 0 : index
    %get3A_8 = arith.constant 0 : index
    %get3A_9 = vector.load %arg2[%get3A_7, %get3A_8] : memref<1x128xf32, #tpu.memory_space<vmem>>, vector<1x128xf32>
    %add3A = vector.broadcast %get3A_9 : vector<1x128xf32> to vector<10000x128xf32>
    %add3A_10 = arith.addf %mul3A_6, %add3A : vector<10000x128xf32>
    %swap3A = arith.constant 0 : index
    %swap3A_11 = arith.constant 0 : index
    %swap3A_12 = vector.load %arg5[%swap3A, %swap3A_11] : memref<10000x128xf32, #tpu.memory_space<vmem>>, vector<10000x128xf32>
    tpu.vector_store %arg5[%swap3A, %swap3A_11], %add3A_10 {strides = array<i32>} : memref<10000x128xf32, #tpu.memory_space<vmem>>, vector<10000x128xf32>,
    %get3A_13 = arith.constant 10240 : index
    %get3A_14 = arith.constant 0 : index
    %get3A_15 = vector.load %arg0[%get3A_13, %get3A_14] : memref<20480x128xf32, #tpu.memory_space<vmem>>, vector<10000x128xf32>
    %mul3A_16 = vector.broadcast %slice3A_2 : vector<10000x1xf32> to vector<10000x128xf32>
    %mul3A_17 = arith.mulf %get3A_15, %mul3A_16 : vector<10000x128xf32>
    %get3A_18 = arith.constant 0 : index
    %get3A_19 = arith.constant 0 : index
    %get3A_20 = vector.load %arg3[%get3A_18, %get3A_19] : memref<1x128xf32, #tpu.memory_space<vmem>>, vector<1x128xf32>
    %add3A_21 = vector.broadcast %get3A_20 : vector<1x128xf32> to vector<10000x128xf32>
    %add3A_22 = arith.addf %mul3A_17, %add3A_21 : vector<10000x128xf32>
    %swap3A_23 = arith.constant 0 : index
    %swap3A_24 = arith.constant 0 : index
    %swap3A_25 = vector.load %arg4[%swap3A_23, %swap3A_24] : memref<10000x128xf32, #tpu.memory_space<vmem>>, vector<10000x128xf32>
    tpu.vector_store %arg4[%swap3A_23, %swap3A_24], %add3A_22 {strides = array<i32>} : memref<10000x128xf32, #tpu.memory_space<vmem>>, vector<10000x128xf32>,
    return
  }
}

</mosaic_0001>

<sc_bundles>
// kernel: kernel.11.cloned.1.call-start
scs
__scs_entry_jumppad:
0x0: {  	(pc) =	sbr.rel $0x88, $3  }
0x1: {  	(tag) =	ssettag $0x0;
	lr =	simm.s32 $0x1  }
0x2: {  	[smem:$0x3F95] =	sst lr;
	_ =	strace $0xD0000000  }
0x3: {  	_ = 	snop  }
0x4: {  	_ = 	snop  }
0x5: {  	_ = 	snop  }
0x6: {  	_ = 	snop  }
0x7: {  	_ = 	snop  }
__scs_overlays_trampoline_lowered:
0x8: {  	[smem:$0x3FA4] =	sst s0  }
0x9: {  	[smem:$0x3FA5] =	sst s1  }
0xa: {  	[smem:$0x3FA6] =	sst s2  }
0xb: {  	[smem:$0x3FA7] =	sst s3  }
0xc: {  	[smem:$0x3FA8] =	sst s4  }
0xd: {  	[smem:$0x3FA9] =	sst s5  }
0xe: {  	[smem:$0x3FAA] =	sst s6  }
0xf: {  	[smem:$0x3FAB] =	sst s7  }
0x10: {  	[smem:$0x3FAC] =	sst s8  }
0x11: {  	[smem:$0x3FAD] =	sst s9;
	s0 =	simm.s32 @!p0 $0x0  }
0x12: {  	s1 =	sld [smem:$0x3F93];
	s0 =	simm.s32 @p0 $0x1  }
0x13: {  	[smem:$0x3FAE] =	sst s0;
	s0 =	simm.s32 @!p1 $0x0  }
0x14: {  	s2 =	sld [smem:$0x3F92];
	s0 =	simm.s32 @p1 $0x1  }
0x15: {  	[smem:$0x3FAF] =	sst s0;
	s0 =	simm.s32 @!p2 $0x0  }
0x16: {  	s3 =	sld [smem:$0x3FDB];
	s0 =	simm.s32 @p2 $0x1  }
0x17: {  	s4 =	simm.s32 $0x1BF5;
	[smem:$0x3FB1] =	sst s0  }
0x18: {  	s0 =	sld [smem:$0x3F94];
	_ =	swait.ge [sflag:s4], $0x0  }
0x19: {  	s7 =	sld [smem:$0x3F95]  }
0x1a: {  	s8 =	sadd.s32 $0xFFFFE003, lr  }
0x1b: {  	s9 =	sadd.s32 $0xFFFFFEF7, lr;
	s5 =	simm.s32 $0xFFFFFFFF;
	p2 =	slt.u32 s8, $0xFFFFF086  }
0x1c: {  	p1 =	slt.u32 s9, $0xF7A;
	s5 =	simm.s32 @!p2 $0x0  }
0x1d: {  	s5 =	simm.s32 @p1 $0x1;
	p0 =	seq.s32 s7, s2  }
0x1e: {  	s7 =	smul.u32 @!p0 $0xF7A, s2;
	p2 =	seq.s32 @!p0 s5, $0x0  }
0x1f: {  	s9 =	smul.u32 $0xF7A, s1;
	s8 =	simm.s32 @!p0 $0x1BF5;
	p2 =	por !p2, p0  }
0x20: {  	[sflag:s8] =	ssyncset.s32 @!p0 $0xFFFFF086;
	s6 =	sadd.s32 @!p0 s3, s7;
	s7 =	simm.s32 @!p0 $0x108  }
0x21: {  	s3 =	sadd.s32 s3, s9;
	s6 =	sadd.s32 @!p0 $0x88, s6;
	s7 =	simm.s32 @p2 $0x1082  }
0x22: {  	[simem:s7], [sflag:s8] =	dma.local @!p0 [hbm:s6], $0xF7A  }
0x23: {  	s9 =	sor.u32 $0xD0000000, s2;
	s6 =	simm.s32 $0x108;
	_ =	swait.ge @!p0 [sflag:s8], $0x0  }
0x24: {  	s3 =	sadd.s32 $0x88, s3;
	s6 =	simm.s32 @!p1 $0x1082;
	[sflag:s4] =	ssyncset.s32 $0xFFFFF086  }
0x25: {  	[simem:s6], [sflag:s4] =	dma.local [hbm:s3], $0xF7A  }
0x26: {  	[smem:$0x3F95] =	sst s1;
	(tag) =	ssettag s2;
	_ =	strace s9  }
0x27: {  	s1 =	sld [smem:$0x3FA5]  }
0x28: {  	s2 =	sld [smem:$0x3FA6]  }
0x29: {  	s4 =	sld [smem:$0x3FA8]  }
0x2a: {  	p0 =	seq.s32 s5, $0x0;
	s5 =	sld [smem:$0x3FA9]  }
0x2b: {  	s6 =	sld [smem:$0x3FAA]  }
0x2c: {  	s7 =	sld [smem:$0x3FAB]  }
0x2d: {  	s3 =	simm.s32 $0x108;
	s8 =	sld [smem:$0x3FAC]  }
0x2e: {  	s3 =	simm.s32 @!p0 $0x1082;
	s9 =	sld [smem:$0x3FAD]  }
0x2f: {  	lr =	sadd.s32 s0, s3;
	s0 =	sld [smem:$0x3FA4]  }
0x30: {  	s3 =	sld [smem:$0x3FA7]  }
0x31: {  	[smem:$0x3FB0] =	sst s10  }
0x32: {  	s10 =	sld [smem:$0x3FAE];
	_ =	sdelay $0x3  }
0x33: {  	p0 =	seq.s32 s10, $0x1;
	s10 =	sld [smem:$0x3FB0];
	_ =	sdelay $0x3  }
0x34: {  	[smem:$0x3FB0] =	sst s10  }
0x35: {  	s10 =	sld [smem:$0x3FAF];
	_ =	sdelay $0x3  }
0x36: {  	p1 =	seq.s32 s10, $0x1;
	s10 =	sld [smem:$0x3FB0];
	_ =	sdelay $0x3  }
0x37: {  	[smem:$0x3FB0] =	sst s10  }
0x38: {  	s10 =	sld [smem:$0x3FB1]  }
0x39: {  	_ = 	snop;
	(pc) =	sbr.ind lr, $3  }
0x3a: {  	_ = 	snop  }
0x3b: {  	_ = 	snop  }
0x3c: {  	p2 =	seq.s32 s10, $0x1;
	s10 =	sld [smem:$0x3FB0]  }
0x3d: {  	_ =	shalt  }
0x3e: {  	_ =	shalt  }
0x3f: {  	_ =	shalt  }
0x40: {  	_ =	shalt  }
0x41: {  	_ =	shalt  }
0x42: {  	_ =	shalt  }
0x43: {  	_ =	shalt  }
0x44: {  	_ =	shalt  }
0x45: {  	_ =	shalt  }
0x46: {  	_ =	shalt  }
0x47: {  	_ =	shalt  }
0x48: {  	_ =	shalt  }
0x49: {  	_ =	shalt  }
0x4a: {  	_ =	shalt  }
0x4b: {  	_ =	shalt  }
0x4c: {  	_ =	shalt  }
0x4d: {  	_ =	shalt  }
0x4e: {  	_ =	shalt  }
0x4f: {  	_ =	shalt  }
0x50: {  	_ =	shalt  }
0x51: {  	_ =	shalt  }
0x52: {  	_ =	shalt  }
0x53: {  	_ =	shalt  }
0x54: {  	_ =	shalt  }
0x55: {  	_ =	shalt  }
0x56: {  	_ =	shalt  }
0x57: {  	_ =	shalt  }
0x58: {  	_ =	shalt  }
0x59: {  	_ =	shalt  }
0x5a: {  	_ =	shalt  }
0x5b: {  	_ =	shalt  }
0x5c: {  	_ =	shalt  }
0x5d: {  	_ =	shalt  }
0x5e: {  	_ =	shalt  }
0x5f: {  	_ =	shalt  }
0x60: {  	_ =	shalt  }
0x61: {  	_ =	shalt  }
0x62: {  	_ =	shalt  }
0x63: {  	_ =	shalt  }
0x64: {  	_ =	shalt  }
0x65: {  	_ =	shalt  }
0x66: {  	_ =	shalt  }
0x67: {  	_ =	shalt  }
0x68: {  	_ =	shalt  }
0x69: {  	_ =	shalt  }
0x6a: {  	_ =	shalt  }
0x6b: {  	_ =	shalt  }
0x6c: {  	_ =	shalt  }
0x6d: {  	_ =	shalt  }
0x6e: {  	_ =	shalt  }
0x6f: {  	_ =	shalt  }
0x70: {  	_ =	shalt  }
0x71: {  	_ =	shalt  }
0x72: {  	_ =	shalt  }
0x73: {  	_ =	shalt  }
0x74: {  	_ =	shalt  }
0x75: {  	_ =	shalt  }
0x76: {  	_ =	shalt  }
0x77: {  	_ =	shalt  }
0x78: {  	_ =	shalt  }
0x79: {  	_ =	shalt  }
0x7a: {  	_ =	shalt  }
0x7b: {  	_ =	shalt  }
0x7c: {  	_ =	shalt  }
0x7d: {  	_ =	shalt  }
0x7e: {  	_ =	shalt  }
0x7f: {  	_ =	shalt  }
0x80: {  	_ =	shalt  }
0x81: {  	_ =	shalt  }
0x82: {  	_ =	shalt  }
0x83: {  	_ =	shalt  }
0x84: {  	_ =	shalt  }
0x85: {  	_ =	shalt  }
0x86: {  	_ =	shalt  }
0x87: {  	_ =	shalt  }
.Lfunc_end0:
.L_simem_size_0:
called_computation.1_lowered:
.L_overlay_start_0:
0x88: {  	s2 =	sld [smem:$0x3FD9]  }
0x89: {  	s3 =	sld [smem:$0x3FFE];
	_ =	sdelay $0x1  }
0x8a: {  	s1 =	srdreg.scid  }
0x8b: {  	s0 =	sand.u32 $0x1, s1  }
0x8c: {  	s14 =	sshll.u32 s0, $0xA;
	s2 =	sadd.s32 s3, s2  }
0x8d: {  	s2 =	sadd.s32 s2, s14  }
0x8e: {  	[smem:$0x3FBC] =	sst s2  }
0x8f: {  	_ = 	snop  }
0x90: {  	s2 =	sld [smem:$0x3FD0];
	_ =	sdelay $0x2  }
0x91: {  	s15 =	simm.s32 $0xA;
	s4 =	simm.s32 $0x10  }
0x92: {  	[smem:s4], [sflag:s15] =	dma.local [hbm:s2], $0x1  }
0x93: {  	_ =	swait.eq [sflag:s15], $0x1  }
0x94: {  	[sflag:s15] =	ssyncset.done $0x0  }
0x95: {  	[sflag:s15] =	ssyncadd.s32 $0xFFFFFFFF  }
0x96: {  	s16 =	sld [smem:$0x11];
	(tm) =	ssettm $0x1  }
0x97: {  	s17 =	sld [smem:$0x3FFB];
	_ =	sdelay $0x3  }
0x98: {  	_ =	strace s17  }
0x99: {  	s3 =	sld [smem:$0x3FFC];
	_ =	sdelay $0x3  }
0x9a: {  	_ =	strace s3  }
0x9b: {  	s3 =	sld [smem:$0x3FFD];
	_ =	sdelay $0x3  }
0x9c: {  	_ =	strace s3  }
0x9d: {  	_ =	strace $0x8FFFFFFF  }
0x9e: {  	s18 =	sld [smem:$0x3FDB];
	_ =	sdelay $0x1  }
0x9f: {  	s19 =	simm.s32 $_scs_section_size  }
0xa0: {  	s5 =	simm.s32 $_size__tile_overlayer_lowered;
	s6 =	simm.s32 $_tile_overlayer_lowered  }
0xa1: {  	s22 =	simm.s32 $0x1BFF;
	s21 =	sshll.u32 s6, $0x1;
	s3 =	sadd.s32 s19, s18  }
0xa2: {  	s7 =	simm.s32 $0x0;
	s20 =	sshll.u32 s5, $0x1;
	s5 =	sadd.s32 s21, s3  }
0xa3: {  	[timem:s7], [sflag:s22] =	dma.local [hbm:s5], s20  }
0xa4: {  	_ =	swait.ge [sflag:s22], s20  }
0xa5: {  	s4 =	ssub.s32 $0x0, s20;
	[sflag:s22] =	ssyncset.done $0x0  }
0xa6: {  	[sflag:s22] =	ssyncadd.s32 s4;
	_ =	sdelay $0x1  }
0xa7: {  	s23 =	simm.s32 $0x1B8B  }
0xa8: {  	_ =	swait.ge [sflag:s23], $0x1  }
0xa9: {  	[sflag:s23] =	ssyncset.done $0x0  }
0xaa: {  	s25 =	simm.s32 $0x1B8E;
	s24 =	sld [smem:$0x3FFE];
	[sflag:s23] =	ssyncadd.s32 $0xFFFFFFFF  }
0xab: {  	s26 =	simm.s32 $execute0_lowered;
	[smem:$0x3FD2] =	sst s25  }
0xac: {  	s5 =	sshll.u32 s26, $0x1;
	_ =	strace $0x80000049;
	[dreg:$0x1] =	wrdreg $0xFFFFFFFF  }
0xad: {  	s28 =	simm.s32 $_size_execute0_lowered;
	s3 =	sadd.s32 s3, s5;
	[dreg:$0x0] =	wrdreg $0x0  }
0xae: {  	s5 =	sshll.u32 s28, $0x1;
	[dreg:$0x2] =	wrdreg s3  }
0xaf: {  	[dreg:$0x3] =	wrdreg s5  }
0xb0: {  	[dreg:$0x4] =	wrdreg $0xC0  }
0xb1: {  	_ =	task [dreg:s7], $0x5FFFF  }
0xb2: {  	[dreg:$0x1] =	wrdreg $0xFFFFFFFF  }
0xb3: {  	[dreg:$0x0] =	wrdreg $0x60  }
0xb4: {  	[dreg:$0x2] =	wrdreg s24  }
0xb5: {  	[dreg:$0x3] =	wrdreg s16  }
0xb6: {  	[dreg:$0x4] =	wrdreg $0x84000  }
0xb7: {  	[dreg:$0x5] =	wrdreg $0x9  }
0xb8: {  	_ =	task.clear_ibuf [dreg:s7], $0x6FFFF;
	_ =	strace $0x90000049  }
0xb9: {  	s29 =	simm.s32 $0x9;
	_ =	strace $0x8000004B  }
0xba: {  	_ =	swait.ge [sflag:s29], $0x1  }
0xbb: {  	[sflag:s29] =	ssyncadd.s32 $0xFFFFFFFF  }
0xbc: {  	_ =	strace $0x9000004B  }
0xbd: {  	_ =	sfence  }
0xbe: {  	s30 =	sld [smem:$0x0];
	_ =	sdelay $0x2  }
0xbf: {  	s31 =	sshll.u32 s1, $0xD;
	s1 =	sshrl.u32 s1, $0x2  }
0xc0: {  	s3 =	sand.u32 $0x4000, s31;
	s1 =	sadd.s32 s1, s30  }
0xc1: {  	s0 =	sor.u32 s3, s0;
	s1 =	sshll.u32 s1, $0x11  }
0xc2: {  	s0 =	sor.u32 s1, s0  }
0xc3: {  	s0 =	sadd.s32 $0x8F2B, s0  }
0xc4: {  	[sflag:s0] =	ssyncadd.remote.s32 $0x1  }
0xc5: {  	_ =	sfence.sel $0xFFFF  }
0xc6: {  	[dreg:$0x0] =	wrdreg $0xFFFFFFFF;
	(pc) =	sbr.abs _section_cstart, $3  }
0xc7: {  	[dreg:$0x1] =	wrdreg $0xFFFFFFFF  }
0xc8: {  	_ =	task.clear_ibuf [dreg:s7], $0x2FFFF;
	_ =	strace $0x9FFFFFFF  }
0xc9: {  	(tm) =	ssettm $0x7FFFFFFF  }
tec
execute0_lowered:
.L_overlay_start_1:
0x0: {  	(tag) =	ssettag $0x1  }
0x1: {  	s0 =	rddreg [dreg:$0x0]  }
0x2: {  	s2 =	rddreg [dreg:$0x2]  }
0x3: {  	s4 =	simm.s32 $0x0;
	s1 =	srdreg.scid;
	s11 =	stileid.u32  }
0x4: {  	s14 =	simm.s32 $0x9;
	s15 =	simm.s32 $0x100;
	s16 =	simm.s32 $0x200  }
0x5: {  	s28 =	simm.s32 $0x3;
	s29 =	simm.s32 $0x280;
	s30 =	simm.s32 $0x8  }
0x6: {  	s31 =	simm.s32 $0x4;
	[smem:$0x7FF] =	sst s4;
	s3 =	smul.u32 $0x2800, s11  }
0x7: {  	s1 =	sand.u32 $0x1, s1;
	s5 =	sadd.s32 $0x53000, s0;
	s9 =	smul.u32 $0x50000, s11  }
0x8: {  	s6 =	sadd.s32 $0x2800, s0;
	s20 =	smul.u32 $0xA200, s11;
	s21 =	sshll.u32 s11, $0x6  }
0x9: {  	_ =	strace $0x8000004A;
	s7 =	smul.u32 $0x28000, s1;
	s8 =	sshll.u32 s1, $0x4  }
0xa: {  	s17 =	ssub.s32 $0x2, s1;
	s1 =	smul.u32 $0xA2000, s1;
	s8 =	sor.u32 s11, s8  }
0xb: {  	s18 =	sshrl.u32 s17, $0x1;
	s19 =	sshrl.u32 s9, $0x2;
	s3 =	sadd.s32 s3, s7  }
0xc: {  	s8 =	smul.u32 $0xA200, s8;
	s10 =	sadd.s32 s19, s2;
	s7 =	sor.u32 $0x1C09, s21  }
0xd: {  	s1 =	sadd.s32 s20, s1;
	s19 =	simm.s32 $0x400;
	s20 =	simm.s32 $0x5  }
0xe: {  	s21 =	simm.s32 $0x300;
	s0 =	sadd.s32 s3, s0;
	s3 =	ssub.s32 s17, s18  }
0xf: {  	s22 =	sadd.s32 $0x500, s1;
	s23 =	sadd.s32 $0x300, s1;
	s9 =	sadd.s32 $0x200, s1  }
0x10: {  	s1 =	sadd.s32 $0x400, s1;
	s13 =	sshrl.u32 s10, $0x3;
	s17 =	simm.s32 $0x1  }
0x11: {  	s18 =	simm.s32 $0x80;
	s0 =	sadd.s32 $0xA3000, s0;
	[dreg:$0xb] =	wrdreg s1  }
0x12: {  	s8 =	sshrl.u32 s8, $0x3;
	s3 =	smax.u32 s3, $0x1;
	[dreg:$0x9] =	wrdreg s0  }
0x13: {  	s25 =	sshrl.u32 s9, $0x3;
	s8 =	sadd.s32 s6, s8;
	[dreg:$0xa] =	wrdreg s3  }
0x14: {  	s0 =	sshrl.u32 s22, $0x3;
	s3 =	sshrl.u32 s23, $0x3;
	s26 =	sadd.s32 s25, s6  }
0x15: {  	s22 =	simm.s32 $0x2;
	s23 =	simm.s32 $0x4400;
	[dreg:$0x7] =	wrdreg s8  }
0x16: {  	s25 =	simm.s32 $0x180;
	s8 =	sadd.s32 $0x20, s8;
	[dreg:$0x6] =	wrdreg s26  }
0x17: {  	s0 =	sadd.s32 s0, s6;
	s24 =	sadd.s32 s3, s6;
	[dreg:$0x8] =	wrdreg s8  }
0x18: {  	s26 =	simm.s32 $0x7;
	s3 =	simm.s32 $0x0;
	[dreg:$0x4] =	wrdreg s0  }
0x19: {  	[dreg:$0x5] =	wrdreg s24;
	s24 =	simm.s32 $0x6;
	s0 =	simm.s32 $0x380  }
.LBB2_1:
0x1a: {  	s1 =	rddreg [dreg:$0x1]  }
0x1b: {  	[spmem:s13], [sflag:s7] =	dma.local [hbm:s1], $0x2800  }
0x1c: {  	_ =	swait.ge [sflag:s14], $0x2800  }
0x1d: {  	[sflag:s14] =	ssyncset.done $0x0  }
0x1e: {  	[sflag:s14] =	ssyncadd.s32 $0xFFFFD800  }
0x1f: {  	[bflag:$0x0] =	sbarrier.arrive $0xFFFF  }
0x20: {  	p0 =	por $0x1, $0x1;
	s9 =	rddreg [dreg:$0x7]  }
0x21: {  	[tilespmem:s4], [sflag:$0x1] =	stream.linear.gather [hbm4b:s9+s4], $0x100, $0x38;
	[tilespmem:$0x1C400] =	vst v63  }
0x22: {  	s1 =	simm.s32 @!p0 $0x7;
	s10 =	rddreg [dreg:$0x8]  }
0x23: {  	[tilespmem:s15], [sflag:$0x2] =	stream.linear.gather [hbm4b:s10+s4], $0x100, $0x38;
	[tilespmem:$0x1C400] =	vst v63  }
0x24: {  	_ =	swait.ge @!p0 [sflag:s1], $0x4000  }
0x25: {  	s9 =	rddreg [dreg:$0x6];
	[sflag:s1] =	ssyncset.done @!p0 $0x0  }
0x26: {  	[sflag:s1] =	ssyncadd.s32 @!p0 $0xFFFFC000;
	s11 =	sadd.s32 $0x0, s9  }
0x27: {  	[tilespmem:s16], [sflag:$0x3] =	stream.linear.gather [hbm4b:s11+s4], $0x100, $0x38;
	[tilespmem:$0x1C400] =	vst v63  }
0x28: {  	_ =	swait.ge [sflag:s17], $0x100  }
0x29: {  	[sflag:s17] =	ssyncset.done $0x0  }
0x2a: {  	[sflag:s17] =	ssyncadd.s32 $0xFFFFFF00  }
0x2b: {  	[tilespmem:s19], [sflag:$0x5] =	stream.indirect.gather [hbm4b:s5+s18], $0x80, s4, s18, $0xb8;
	[tilespmem:$0x1C400] =	vst v63  }
0x2c: {  	_ =	swait.ge [sflag:s20], $0x4000  }
0x2d: {  	[sflag:s20] =	ssyncset.done $0x0  }
0x2e: {  	s1 =	simm.s32 @!p0 $0x8;
	[sflag:s20] =	ssyncadd.s32 $0xFFFFC000  }
0x2f: {  	[spmem:s2] =	stream.indirect.scatter.add.f32 [tilespmem:s19], [sflag:$0x7], $0x80, s18, s18, $0xb8;
	[tilespmem:$0x1C400] =	vst v63  }
0x30: {  	_ =	swait.ge @!p0 [sflag:s1], $0x4000  }
0x31: {  	s12 =	smov.u32 s7;
	s7 =	rddreg [dreg:$0x5];
	[sflag:s1] =	ssyncset.done @!p0 $0x0  }
0x32: {  	[sflag:s1] =	ssyncadd.s32 @!p0 $0xFFFFC000;
	s8 =	sadd.s32 $0x0, s7  }
0x33: {  	[tilespmem:s21], [sflag:$0x4] =	stream.linear.gather [hbm4b:s8+s4], $0x100, $0x38;
	[tilespmem:$0x1C400] =	vst v63  }
0x34: {  	_ =	swait.ge [sflag:s22], $0x100  }
0x35: {  	[sflag:s22] =	ssyncset.done $0x0  }
0x36: {  	[sflag:s22] =	ssyncadd.s32 $0xFFFFFF00  }
0x37: {  	[tilespmem:s23], [sflag:$0x6] =	stream.indirect.gather [hbm4b:s5+s18], $0x80, s15, s18, $0xb8;
	[tilespmem:$0x1C400] =	vst v63  }
0x38: {  	_ =	swait.ge [sflag:s24], $0x4000  }
0x39: {  	[sflag:s24] =	ssyncset.done $0x0  }
0x3a: {  	[sflag:s24] =	ssyncadd.s32 $0xFFFFC000  }
0x3b: {  	[spmem:s2] =	stream.indirect.scatter.add.f32 [tilespmem:s23], [sflag:$0x8], $0x80, s25, s18, $0xb8;
	[tilespmem:$0x1C400] =	vst v63  }
0x3c: {  	_ =	swait.ge [sflag:s26], $0x4000  }
0x3d: {  	s9 =	rddreg [dreg:$0xb]  }
0x3e: {  	[sflag:s26] =	ssyncset.done $0x0;
	s10 =	sshrl.u32 s9, $0x3  }
0x3f: {  	[sflag:s26] =	ssyncadd.s32 $0xFFFFC000;
	s1 =	sadd.s32 s6, s10  }
0x40: {  	[tilespmem:s4], [sflag:$0x1] =	stream.linear.gather [hbm4b:s1+s4], $0x100, $0x38;
	[tilespmem:$0x1C400] =	vst v63  }
0x41: {  	_ =	swait.ge [sflag:s28], $0x100  }
0x42: {  	[sflag:s28] =	ssyncset.done $0x0  }
0x43: {  	[sflag:s28] =	ssyncadd.s32 $0xFFFFFF00  }
0x44: {  	[tilespmem:s19], [sflag:$0x5] =	stream.indirect.gather [hbm4b:s5+s18], $0x80, s16, s18, $0xb8;
	[tilespmem:$0x1C400] =	vst v63  }
0x45: {  	_ =	swait.ge [sflag:s20], $0x4000  }
0x46: {  	[sflag:s20] =	ssyncset.done $0x0  }
0x47: {  	[sflag:s20] =	ssyncadd.s32 $0xFFFFC000  }
0x48: {  	[spmem:s2] =	stream.indirect.scatter.add.f32 [tilespmem:s19], [sflag:$0x7], $0x80, s29, s18, $0xb8;
	[tilespmem:$0x1C400] =	vst v63  }
0x49: {  	_ =	swait.ge [sflag:s30], $0x4000  }
0x4a: {  	s11 =	rddreg [dreg:$0x4];
	[sflag:s30] =	ssyncset.done $0x0  }
0x4b: {  	[sflag:s30] =	ssyncadd.s32 $0xFFFFC000;
	s1 =	sadd.s32 $0x0, s11  }
0x4c: {  	[tilespmem:s15], [sflag:$0x2] =	stream.linear.gather [hbm4b:s1+s4], $0x100, $0x38;
	[tilespmem:$0x1C400] =	vst v63  }
0x4d: {  	_ =	swait.ge [sflag:s31], $0x100  }
0x4e: {  	[sflag:s31] =	ssyncset.done $0x0  }
0x4f: {  	[sflag:s31] =	ssyncadd.s32 $0xFFFFFF00  }
0x50: {  	[tilespmem:s23], [sflag:$0x6] =	stream.indirect.gather [hbm4b:s5+s18], $0x80, s21, s18, $0xb8;
	[tilespmem:$0x1C400] =	vst v63  }
0x51: {  	p1 =	por $0x0, $0x0;
	s9 =	sadd.s32 $0x400, s9;
	_ =	swait.ge [sflag:s24], $0x4000  }
0x52: {  	s10 =	simm.s32 $0x100;
	s1 =	simm.s32 $0x80;
	[sflag:s24] =	ssyncset.done $0x0  }
.LBB2_2:
0x53: {  	s8 =	simm.s32 @!p1 $0x7;
	[sflag:s24] =	ssyncadd.s32 $0xFFFFC000  }
0x54: {  	[spmem:s2] =	stream.indirect.scatter.add.f32 [tilespmem:s23], [sflag:$0x8], $0x80, s0, s18, $0xb8;
	[tilespmem:$0x1C400] =	vst v63  }
0x55: {  	_ =	swait.ge @!p1 [sflag:s8], $0x4000  }
0x56: {  	[sflag:s8] =	ssyncset.done @!p1 $0x0;
	s7 =	rddreg [dreg:$0x6]  }
0x57: {  	[sflag:s8] =	ssyncadd.s32 @!p1 $0xFFFFC000;
	s7 =	sadd.s32 s1, s7  }
0x58: {  	[tilespmem:s16], [sflag:$0x3] =	stream.linear.gather [hbm4b:s7+s4], $0x100, $0x38;
	[tilespmem:$0x1C400] =	vst v63  }
0x59: {  	_ =	swait.ge [sflag:s17], $0x100  }
0x5a: {  	[sflag:s17] =	ssyncset.done $0x0  }
0x5b: {  	[sflag:s17] =	ssyncadd.s32 $0xFFFFFF00  }
0x5c: {  	[tilespmem:s19], [sflag:$0x5] =	stream.indirect.gather [hbm4b:s5+s18], $0x80, s4, s18, $0xb8;
	[tilespmem:$0x1C400] =	vst v63  }
0x5d: {  	_ =	swait.ge [sflag:s20], $0x4000  }
0x5e: {  	[sflag:s20] =	ssyncset.done $0x0  }
0x5f: {  	s7 =	simm.s32 @!p1 $0x8;
	[sflag:s20] =	ssyncadd.s32 $0xFFFFC000  }
0x60: {  	[spmem:s2] =	stream.indirect.scatter.add.f32 [tilespmem:s19], [sflag:$0x7], $0x80, s18, s18, $0xb8;
	[tilespmem:$0x1C400] =	vst v63  }
0x61: {  	_ =	swait.ge @!p1 [sflag:s7], $0x4000  }
0x62: {  	[sflag:s7] =	ssyncset.done @!p1 $0x0;
	s8 =	rddreg [dreg:$0x5]  }
0x63: {  	[sflag:s7] =	ssyncadd.s32 @!p1 $0xFFFFC000;
	s8 =	sadd.s32 s1, s8  }
0x64: {  	[tilespmem:s21], [sflag:$0x4] =	stream.linear.gather [hbm4b:s8+s4], $0x100, $0x38;
	[tilespmem:$0x1C400] =	vst v63  }
0x65: {  	_ =	swait.ge [sflag:s22], $0x100  }
0x66: {  	[sflag:s22] =	ssyncset.done $0x0  }
0x67: {  	[sflag:s22] =	ssyncadd.s32 $0xFFFFFF00  }
0x68: {  	[tilespmem:s23], [sflag:$0x6] =	stream.indirect.gather [hbm4b:s5+s18], $0x80, s15, s18, $0xb8;
	[tilespmem:$0x1C400] =	vst v63  }
0x69: {  	_ =	swait.ge [sflag:s24], $0x4000  }
0x6a: {  	[sflag:s24] =	ssyncset.done $0x0  }
0x6b: {  	[sflag:s24] =	ssyncadd.s32 $0xFFFFC000  }
0x6c: {  	[spmem:s2] =	stream.indirect.scatter.add.f32 [tilespmem:s23], [sflag:$0x8], $0x80, s25, s18, $0xb8;
	[tilespmem:$0x1C400] =	vst v63  }
0x6d: {  	_ =	swait.ge [sflag:s26], $0x4000  }
0x6e: {  	s8 =	sshrl.u32 s9, $0x3;
	[sflag:s26] =	ssyncset.done $0x0  }
0x6f: {  	s7 =	sadd.s32 s6, s8;
	[sflag:s26] =	ssyncadd.s32 $0xFFFFC000  }
0x70: {  	[tilespmem:s4], [sflag:$0x1] =	stream.linear.gather [hbm4b:s7+s4], $0x100, $0x38;
	[tilespmem:$0x1C400] =	vst v63  }
0x71: {  	_ =	swait.ge [sflag:s28], $0x100  }
0x72: {  	[sflag:s28] =	ssyncset.done $0x0  }
0x73: {  	[sflag:s28] =	ssyncadd.s32 $0xFFFFFF00  }
0x74: {  	[tilespmem:s19], [sflag:$0x5] =	stream.indirect.gather [hbm4b:s5+s18], $0x80, s16, s18, $0xb8;
	[tilespmem:$0x1C400] =	vst v63  }
0x75: {  	_ =	swait.ge [sflag:s20], $0x4000  }
0x76: {  	[sflag:s20] =	ssyncset.done $0x0  }
0x77: {  	[sflag:s20] =	ssyncadd.s32 $0xFFFFC000  }
0x78: {  	[spmem:s2] =	stream.indirect.scatter.add.f32 [tilespmem:s19], [sflag:$0x7], $0x80, s29, s18, $0xb8;
	[tilespmem:$0x1C400] =	vst v63  }
0x79: {  	_ =	swait.ge [sflag:s30], $0x4000  }
0x7a: {  	s11 =	smov.u32 s10;
	s8 =	rddreg [dreg:$0x4];
	[sflag:s30] =	ssyncset.done $0x0  }
0x7b: {  	s10 =	sadd.s32 $0x80, s10;
	[sflag:s30] =	ssyncadd.s32 $0xFFFFC000;
	s7 =	sadd.s32 s1, s8  }
0x7c: {  	[tilespmem:s15], [sflag:$0x2] =	stream.linear.gather [hbm4b:s7+s4], $0x100, $0x38;
	[tilespmem:$0x1C400] =	vst v63  }
0x7d: {  	p0 =	sne.s32 s10, $0x1400;
	_ =	swait.ge [sflag:s31], $0x100  }
.Ltmp0:
0x7e: {  	[sflag:s31] =	ssyncset.done $0x0;
	(pc) =	sbr.rel @p0 .LBB2_2-.Ltmp0, $4  }
0x7f: {  	[sflag:s31] =	ssyncadd.s32 $0xFFFFFF00  }
0x80: {  	[tilespmem:s23], [sflag:$0x6] =	stream.indirect.gather [hbm4b:s5+s18], $0x80, s21, s18, $0xb8;
	[tilespmem:$0x1C400] =	vst v63  }
0x81: {  	s1 =	smov.u32 s11;
	_ =	swait.ge [sflag:s24], $0x4000  }
0x82: {  	s9 =	sadd.s32 $0x400, s9;
	p1 =	seq.s32 s1, $0x0;
	[sflag:s24] =	ssyncset.done $0x0  }
0x83: {  	s7 =	simm.s32 @!p1 $0x7;
	[sflag:s24] =	ssyncadd.s32 $0xFFFFC000  }
0x84: {  	[spmem:s2] =	stream.indirect.scatter.add.f32 [tilespmem:s23], [sflag:$0x8], $0x80, s0, s18, $0xb8;
	[tilespmem:$0x1C400] =	vst v63  }
0x85: {  	_ =	swait.ge @!p1 [sflag:s7], $0x4000  }
0x86: {  	s8 =	rddreg [dreg:$0x6];
	[sflag:s7] =	ssyncset.done @!p1 $0x0  }
0x87: {  	[sflag:s7] =	ssyncadd.s32 @!p1 $0xFFFFC000;
	s8 =	sadd.s32 s1, s8  }
0x88: {  	[tilespmem:s16], [sflag:$0x3] =	stream.linear.gather [hbm4b:s8+s4], $0x100, $0x38;
	[tilespmem:$0x1C400] =	vst v63  }
0x89: {  	_ =	swait.ge [sflag:s17], $0x100  }
0x8a: {  	[sflag:s17] =	ssyncset.done $0x0  }
0x8b: {  	[sflag:s17] =	ssyncadd.s32 $0xFFFFFF00  }
0x8c: {  	[tilespmem:s19], [sflag:$0x5] =	stream.indirect.gather [hbm4b:s5+s18], $0x80, s4, s18, $0xb8;
	[tilespmem:$0x1C400] =	vst v63  }
0x8d: {  	_ =	swait.ge [sflag:s20], $0x4000  }
0x8e: {  	[sflag:s20] =	ssyncset.done $0x0  }
0x8f: {  	s7 =	simm.s32 @!p1 $0x8;
	[sflag:s20] =	ssyncadd.s32 $0xFFFFC000  }
0x90: {  	[spmem:s2] =	stream.indirect.scatter.add.f32 [tilespmem:s19], [sflag:$0x7], $0x80, s18, s18, $0xb8;
	[tilespmem:$0x1C400] =	vst v63  }
0x91: {  	_ =	swait.ge @!p1 [sflag:s7], $0x4000  }
0x92: {  	s10 =	rddreg [dreg:$0x5];
	[sflag:s7] =	ssyncset.done @!p1 $0x0  }
0x93: {  	[sflag:s7] =	ssyncadd.s32 @!p1 $0xFFFFC000;
	s11 =	sadd.s32 s1, s10  }
0x94: {  	[tilespmem:s21], [sflag:$0x4] =	stream.linear.gather [hbm4b:s11+s4], $0x100, $0x38;
	[tilespmem:$0x1C400] =	vst v63  }
0x95: {  	_ =	swait.ge [sflag:s22], $0x100  }
0x96: {  	[sflag:s22] =	ssyncset.done $0x0  }
0x97: {  	[sflag:s22] =	ssyncadd.s32 $0xFFFFFF00  }
0x98: {  	[tilespmem:s23], [sflag:$0x6] =	stream.indirect.gather [hbm4b:s5+s18], $0x80, s15, s18, $0xb8;
	[tilespmem:$0x1C400] =	vst v63  }
0x99: {  	_ =	swait.ge [sflag:s24], $0x4000  }
0x9a: {  	[sflag:s24] =	ssyncset.done $0x0  }
0x9b: {  	[sflag:s24] =	ssyncadd.s32 $0xFFFFC000  }
0x9c: {  	[spmem:s2] =	stream.indirect.scatter.add.f32 [tilespmem:s23], [sflag:$0x8], $0x80, s25, s18, $0xb8;
	[tilespmem:$0x1C400] =	vst v63  }
0x9d: {  	_ =	swait.ge [sflag:s26], $0x4000  }
0x9e: {  	s8 =	sshrl.u32 s9, $0x3;
	[sflag:s26] =	ssyncset.done $0x0  }
0x9f: {  	s7 =	sadd.s32 s6, s8;
	[sflag:s26] =	ssyncadd.s32 $0xFFFFC000  }
0xa0: {  	[tilespmem:s4], [sflag:$0x1] =	stream.linear.gather [hbm4b:s7+s4], $0x100, $0x38;
	[tilespmem:$0x1C400] =	vst v63  }
0xa1: {  	_ =	swait.ge [sflag:s28], $0x100  }
0xa2: {  	[sflag:s28] =	ssyncset.done $0x0  }
0xa3: {  	[sflag:s28] =	ssyncadd.s32 $0xFFFFFF00  }
0xa4: {  	[tilespmem:s19], [sflag:$0x5] =	stream.indirect.gather [hbm4b:s5+s18], $0x80, s16, s18, $0xb8;
	[tilespmem:$0x1C400] =	vst v63  }
0xa5: {  	_ =	swait.ge [sflag:s20], $0x4000  }
0xa6: {  	[sflag:s20] =	ssyncset.done $0x0  }
0xa7: {  	[sflag:s20] =	ssyncadd.s32 $0xFFFFC000  }
0xa8: {  	[spmem:s2] =	stream.indirect.scatter.add.f32 [tilespmem:s19], [sflag:$0x7], $0x80, s29, s18, $0xb8;
	[tilespmem:$0x1C400] =	vst v63  }
0xa9: {  	_ =	swait.ge [sflag:s30], $0x4000  }
0xaa: {  	s9 =	rddreg [dreg:$0x4];
	[sflag:s30] =	ssyncset.done $0x0  }
0xab: {  	s10 =	sadd.s32 s1, s9;
	[sflag:s30] =	ssyncadd.s32 $0xFFFFC000  }
0xac: {  	[tilespmem:s15], [sflag:$0x2] =	stream.linear.gather [hbm4b:s10+s4], $0x100, $0x38;
	[tilespmem:$0x1C400] =	vst v63  }
0xad: {  	_ =	swait.ge [sflag:s31], $0x100  }
0xae: {  	[sflag:s31] =	ssyncset.done $0x0  }
0xaf: {  	[sflag:s31] =	ssyncadd.s32 $0xFFFFFF00  }
0xb0: {  	[tilespmem:s23], [sflag:$0x6] =	stream.indirect.gather [hbm4b:s5+s18], $0x80, s21, s18, $0xb8;
	[tilespmem:$0x1C400] =	vst v63  }
0xb1: {  	_ =	swait.ge [sflag:s24], $0x4000  }
0xb2: {  	[sflag:s24] =	ssyncset.done $0x0  }
0xb3: {  	[sflag:s24] =	ssyncadd.s32 $0xFFFFC000  }
0xb4: {  	[spmem:s2] =	stream.indirect.scatter.add.f32 [tilespmem:s23], [sflag:$0x8], $0x80, s0, s18, $0xb8;
	[tilespmem:$0x1C400] =	vst v63  }
0xb5: {  	_ =	swait.ge [sflag:s26], $0x4000  }
0xb6: {  	[sflag:s26] =	ssyncset.done $0x0  }
0xb7: {  	[sflag:s26] =	ssyncadd.s32 $0xFFFFC000  }
0xb8: {  	_ =	swait.ge [sflag:s30], $0x4000  }
0xb9: {  	[sflag:s30] =	ssyncset.done $0x0  }
0xba: {  	[sflag:s30] =	ssyncadd.s32 $0xFFFFC000  }
0xbb: {  	_ =	swait.ge [sflag:s17], $0x100  }
0xbc: {  	[sflag:s17] =	ssyncset.done $0x0  }
0xbd: {  	[sflag:s17] =	ssyncadd.s32 $0xFFFFFF00  }
0xbe: {  	_ =	swait.ge [sflag:s22], $0x100  }
0xbf: {  	[sflag:s22] =	ssyncset.done $0x0  }
0xc0: {  	[sflag:s22] =	ssyncadd.s32 $0xFFFFFF00  }
0xc1: {  	[bflag:$0x0] =	sbarrier.arrive $0xFFFF  }
0xc2: {  	s11 =	rddreg [dreg:$0x9]  }
0xc3: {  	[hbm:s11], [sflag:s12] =	dma.local [spmem:s13], $0x2800  }
0xc4: {  	_ =	swait.ge [sflag:s14], $0x2800  }
0xc5: {  	s3 =	sadd.s32 $0x1, s3;
	s7 =	smov.u32 s12;
	s12 =	rddreg [dreg:$0xa]  }
0xc6: {  	p0 =	sne.s32 s3, s12  }
.Ltmp1:
0xc7: {  	_ = 	snop;
	(pc) =	sbr.rel @p0 .LBB2_1-.Ltmp1, $3  }
0xc8: {  	_ =	sdelay $0x1  }
0xc9: {  	[sflag:s14] =	ssyncset.done $0x0  }
0xca: {  	[sflag:s14] =	ssyncadd.s32 $0xFFFFD800  }
0xcb: {  	_ =	sfence.sel $0x180000  }
0xcc: {  	[bflag:$0x0] =	sbarrier.arrive $0xFFFF  }
0xcd: {  	_ =	strace $0x9000004A  }
0xce: {  	s0 =	stileid.u32;
	[bflag:$0x2] =	sbarrier.arrive $0xFFFF  }
0xcf: {  	p0 =	sne.s32 s0, $0x0;
	s0 =	rddreg [dreg:$0x3]  }
0xd0: {  	s0 =	sadd.s32 @!p0 $0x100000, s0  }
0xd1: {  	[sflag:s0] =	ssyncadd.tile.s32 @!p0 $0x1;
	_ =	shalt  }
.Lfunc_end2:
_tile_overlayer_lowered:
.L_overlay_start_2:
0xd2: {  	(tag) =	ssettag $0x2  }
0xd3: {  	s0 =	rddreg [dreg:$0x0];
	s2 =	stileid.u32  }
0xd4: {  	s1 =	rddreg [dreg:$0x1];
	p0 =	sne.s32 s2, $0x0  }
0xd5: {  	s3 =	rddreg [dreg:$0x2];
	[bflag:$0x3] =	sbarrier.arrive $0xFFFF;
	s2 =	simm.s32 @!p0 $0x1C09  }
0xd6: {  	[timem:s3], [sflag:s2] =	dma.local @!p0 [hbm:s0], s1  }
0xd7: {  	s0 =	simm.s32 @!p0 $0x9  }
0xd8: {  	_ =	swait.ge @!p0 [sflag:s0], s1  }
0xd9: {  	s1 =	ssub.s32 @!p0 $0x0, s1;
	[sflag:s0] =	ssyncset.done @!p0 $0x0  }
0xda: {  	[sflag:s0] =	ssyncadd.s32 @!p0 s1  }
0xdb: {  	[bflag:$0x3] =	sbarrier.arrive $0xFFFF  }
0xdc: {  	_ =	shalt  }

// kernel: kernel.14.cloned.1.call-start
scs
__scs_entry_jumppad:
0x0: {  	(pc) =	sbr.rel $0x88, $3  }
0x1: {  	(tag) =	ssettag $0x0;
	lr =	simm.s32 $0x1  }
0x2: {  	[smem:$0x3F95] =	sst lr;
	_ =	strace $0xD0000000  }
0x3: {  	_ = 	snop  }
0x4: {  	_ = 	snop  }
0x5: {  	_ = 	snop  }
0x6: {  	_ = 	snop  }
0x7: {  	_ = 	snop  }
__scs_overlays_trampoline_lowered:
0x8: {  	[smem:$0x3FA4] =	sst s0  }
0x9: {  	[smem:$0x3FA5] =	sst s1  }
0xa: {  	[smem:$0x3FA6] =	sst s2  }
0xb: {  	[smem:$0x3FA7] =	sst s3  }
0xc: {  	[smem:$0x3FA8] =	sst s4  }
0xd: {  	[smem:$0x3FA9] =	sst s5  }
0xe: {  	[smem:$0x3FAA] =	sst s6  }
0xf: {  	[smem:$0x3FAB] =	sst s7  }
0x10: {  	[smem:$0x3FAC] =	sst s8  }
0x11: {  	[smem:$0x3FAD] =	sst s9;
	s0 =	simm.s32 @!p0 $0x0  }
0x12: {  	s1 =	sld [smem:$0x3F93];
	s0 =	simm.s32 @p0 $0x1  }
0x13: {  	[smem:$0x3FAE] =	sst s0;
	s0 =	simm.s32 @!p1 $0x0  }
0x14: {  	s2 =	sld [smem:$0x3F92];
	s0 =	simm.s32 @p1 $0x1  }
0x15: {  	[smem:$0x3FAF] =	sst s0;
	s0 =	simm.s32 @!p2 $0x0  }
0x16: {  	s3 =	sld [smem:$0x3FDB];
	s0 =	simm.s32 @p2 $0x1  }
0x17: {  	s4 =	simm.s32 $0x1BF5;
	[smem:$0x3FB1] =	sst s0  }
0x18: {  	s0 =	sld [smem:$0x3F94];
	_ =	swait.ge [sflag:s4], $0x0  }
0x19: {  	s7 =	sld [smem:$0x3F95]  }
0x1a: {  	s8 =	sadd.s32 $0xFFFFE003, lr  }
0x1b: {  	s9 =	sadd.s32 $0xFFFFFEF7, lr;
	s5 =	simm.s32 $0xFFFFFFFF;
	p2 =	slt.u32 s8, $0xFFFFF086  }
0x1c: {  	p1 =	slt.u32 s9, $0xF7A;
	s5 =	simm.s32 @!p2 $0x0  }
0x1d: {  	s5 =	simm.s32 @p1 $0x1;
	p0 =	seq.s32 s7, s2  }
0x1e: {  	s7 =	smul.u32 @!p0 $0xF7A, s2;
	p2 =	seq.s32 @!p0 s5, $0x0  }
0x1f: {  	s9 =	smul.u32 $0xF7A, s1;
	s8 =	simm.s32 @!p0 $0x1BF5;
	p2 =	por !p2, p0  }
0x20: {  	[sflag:s8] =	ssyncset.s32 @!p0 $0xFFFFF086;
	s6 =	sadd.s32 @!p0 s3, s7;
	s7 =	simm.s32 @!p0 $0x108  }
0x21: {  	s3 =	sadd.s32 s3, s9;
	s6 =	sadd.s32 @!p0 $0x88, s6;
	s7 =	simm.s32 @p2 $0x1082  }
0x22: {  	[simem:s7], [sflag:s8] =	dma.local @!p0 [hbm:s6], $0xF7A  }
0x23: {  	s9 =	sor.u32 $0xD0000000, s2;
	s6 =	simm.s32 $0x108;
	_ =	swait.ge @!p0 [sflag:s8], $0x0  }
0x24: {  	s3 =	sadd.s32 $0x88, s3;
	s6 =	simm.s32 @!p1 $0x1082;
	[sflag:s4] =	ssyncset.s32 $0xFFFFF086  }
0x25: {  	[simem:s6], [sflag:s4] =	dma.local [hbm:s3], $0xF7A  }
0x26: {  	[smem:$0x3F95] =	sst s1;
	(tag) =	ssettag s2;
	_ =	strace s9  }
0x27: {  	s1 =	sld [smem:$0x3FA5]  }
0x28: {  	s2 =	sld [smem:$0x3FA6]  }
0x29: {  	s4 =	sld [smem:$0x3FA8]  }
0x2a: {  	p0 =	seq.s32 s5, $0x0;
	s5 =	sld [smem:$0x3FA9]  }
0x2b: {  	s6 =	sld [smem:$0x3FAA]  }
0x2c: {  	s7 =	sld [smem:$0x3FAB]  }
0x2d: {  	s3 =	simm.s32 $0x108;
	s8 =	sld [smem:$0x3FAC]  }
0x2e: {  	s3 =	simm.s32 @!p0 $0x1082;
	s9 =	sld [smem:$0x3FAD]  }
0x2f: {  	lr =	sadd.s32 s0, s3;
	s0 =	sld [smem:$0x3FA4]  }
0x30: {  	s3 =	sld [smem:$0x3FA7]  }
0x31: {  	[smem:$0x3FB0] =	sst s10  }
0x32: {  	s10 =	sld [smem:$0x3FAE];
	_ =	sdelay $0x3  }
0x33: {  	p0 =	seq.s32 s10, $0x1;
	s10 =	sld [smem:$0x3FB0];
	_ =	sdelay $0x3  }
0x34: {  	[smem:$0x3FB0] =	sst s10  }
0x35: {  	s10 =	sld [smem:$0x3FAF];
	_ =	sdelay $0x3  }
0x36: {  	p1 =	seq.s32 s10, $0x1;
	s10 =	sld [smem:$0x3FB0];
	_ =	sdelay $0x3  }
0x37: {  	[smem:$0x3FB0] =	sst s10  }
0x38: {  	s10 =	sld [smem:$0x3FB1]  }
0x39: {  	_ = 	snop;
	(pc) =	sbr.ind lr, $3  }
0x3a: {  	_ = 	snop  }
0x3b: {  	_ = 	snop  }
0x3c: {  	p2 =	seq.s32 s10, $0x1;
	s10 =	sld [smem:$0x3FB0]  }
0x3d: {  	_ =	shalt  }
0x3e: {  	_ =	shalt  }
0x3f: {  	_ =	shalt  }
0x40: {  	_ =	shalt  }
0x41: {  	_ =	shalt  }
0x42: {  	_ =	shalt  }
0x43: {  	_ =	shalt  }
0x44: {  	_ =	shalt  }
0x45: {  	_ =	shalt  }
0x46: {  	_ =	shalt  }
0x47: {  	_ =	shalt  }
0x48: {  	_ =	shalt  }
0x49: {  	_ =	shalt  }
0x4a: {  	_ =	shalt  }
0x4b: {  	_ =	shalt  }
0x4c: {  	_ =	shalt  }
0x4d: {  	_ =	shalt  }
0x4e: {  	_ =	shalt  }
0x4f: {  	_ =	shalt  }
0x50: {  	_ =	shalt  }
0x51: {  	_ =	shalt  }
0x52: {  	_ =	shalt  }
0x53: {  	_ =	shalt  }
0x54: {  	_ =	shalt  }
0x55: {  	_ =	shalt  }
0x56: {  	_ =	shalt  }
0x57: {  	_ =	shalt  }
0x58: {  	_ =	shalt  }
0x59: {  	_ =	shalt  }
0x5a: {  	_ =	shalt  }
0x5b: {  	_ =	shalt  }
0x5c: {  	_ =	shalt  }
0x5d: {  	_ =	shalt  }
0x5e: {  	_ =	shalt  }
0x5f: {  	_ =	shalt  }
0x60: {  	_ =	shalt  }
0x61: {  	_ =	shalt  }
0x62: {  	_ =	shalt  }
0x63: {  	_ =	shalt  }
0x64: {  	_ =	shalt  }
0x65: {  	_ =	shalt  }
0x66: {  	_ =	shalt  }
0x67: {  	_ =	shalt  }
0x68: {  	_ =	shalt  }
0x69: {  	_ =	shalt  }
0x6a: {  	_ =	shalt  }
0x6b: {  	_ =	shalt  }
0x6c: {  	_ =	shalt  }
0x6d: {  	_ =	shalt  }
0x6e: {  	_ =	shalt  }
0x6f: {  	_ =	shalt  }
0x70: {  	_ =	shalt  }
0x71: {  	_ =	shalt  }
0x72: {  	_ =	shalt  }
0x73: {  	_ =	shalt  }
0x74: {  	_ =	shalt  }
0x75: {  	_ =	shalt  }
0x76: {  	_ =	shalt  }
0x77: {  	_ =	shalt  }
0x78: {  	_ =	shalt  }
0x79: {  	_ =	shalt  }
0x7a: {  	_ =	shalt  }
0x7b: {  	_ =	shalt  }
0x7c: {  	_ =	shalt  }
0x7d: {  	_ =	shalt  }
0x7e: {  	_ =	shalt  }
0x7f: {  	_ =	shalt  }
0x80: {  	_ =	shalt  }
0x81: {  	_ =	shalt  }
0x82: {  	_ =	shalt  }
0x83: {  	_ =	shalt  }
0x84: {  	_ =	shalt  }
0x85: {  	_ =	shalt  }
0x86: {  	_ =	shalt  }
0x87: {  	_ =	shalt  }
.Lfunc_end0:
.L_simem_size_0:
called_computation.2_lowered:
.L_overlay_start_0:
0x88: {  	s2 =	sld [smem:$0x3FD9]  }
0x89: {  	s3 =	sld [smem:$0x3FFE];
	_ =	sdelay $0x1  }
0x8a: {  	s1 =	srdreg.scid  }
0x8b: {  	s0 =	sand.u32 $0x1, s1  }
0x8c: {  	s14 =	sshll.u32 s0, $0xA;
	s2 =	sadd.s32 s3, s2  }
0x8d: {  	s2 =	sadd.s32 s2, s14  }
0x8e: {  	[smem:$0x3FBC] =	sst s2  }
0x8f: {  	_ = 	snop  }
0x90: {  	s2 =	sld [smem:$0x3FD0];
	_ =	sdelay $0x2  }
0x91: {  	s15 =	simm.s32 $0xA;
	s4 =	simm.s32 $0x10  }
0x92: {  	[smem:s4], [sflag:s15] =	dma.local [hbm:s2], $0x1  }
0x93: {  	_ =	swait.eq [sflag:s15], $0x1  }
0x94: {  	[sflag:s15] =	ssyncset.done $0x0  }
0x95: {  	[sflag:s15] =	ssyncadd.s32 $0xFFFFFFFF  }
0x96: {  	s16 =	sld [smem:$0x11];
	(tm) =	ssettm $0x1  }
0x97: {  	s17 =	sld [smem:$0x3FFB];
	_ =	sdelay $0x3  }
0x98: {  	_ =	strace s17  }
0x99: {  	s3 =	sld [smem:$0x3FFC];
	_ =	sdelay $0x3  }
0x9a: {  	_ =	strace s3  }
0x9b: {  	s3 =	sld [smem:$0x3FFD];
	_ =	sdelay $0x3  }
0x9c: {  	_ =	strace s3  }
0x9d: {  	_ =	strace $0x8FFFFFFF  }
0x9e: {  	s18 =	sld [smem:$0x3FDB];
	_ =	sdelay $0x1  }
0x9f: {  	s19 =	simm.s32 $_scs_section_size  }
0xa0: {  	s5 =	simm.s32 $_size__tile_overlayer_lowered;
	s6 =	simm.s32 $_tile_overlayer_lowered  }
0xa1: {  	s22 =	simm.s32 $0x1BFF;
	s21 =	sshll.u32 s6, $0x1;
	s3 =	sadd.s32 s19, s18  }
0xa2: {  	s7 =	simm.s32 $0x0;
	s20 =	sshll.u32 s5, $0x1;
	s5 =	sadd.s32 s21, s3  }
0xa3: {  	[timem:s7], [sflag:s22] =	dma.local [hbm:s5], s20  }
0xa4: {  	_ =	swait.ge [sflag:s22], s20  }
0xa5: {  	s4 =	ssub.s32 $0x0, s20;
	[sflag:s22] =	ssyncset.done $0x0  }
0xa6: {  	[sflag:s22] =	ssyncadd.s32 s4;
	_ =	sdelay $0x1  }
0xa7: {  	s23 =	simm.s32 $0x1B8B  }
0xa8: {  	_ =	swait.ge [sflag:s23], $0x1  }
0xa9: {  	[sflag:s23] =	ssyncset.done $0x0  }
0xaa: {  	s25 =	simm.s32 $0x1B8E;
	s24 =	sld [smem:$0x3FFE];
	[sflag:s23] =	ssyncadd.s32 $0xFFFFFFFF  }
0xab: {  	s26 =	simm.s32 $execute0_lowered;
	[smem:$0x3FD2] =	sst s25  }
0xac: {  	s5 =	sshll.u32 s26, $0x1;
	_ =	strace $0x8000004C;
	[dreg:$0x1] =	wrdreg $0xFFFFFFFF  }
0xad: {  	s28 =	simm.s32 $_size_execute0_lowered;
	s3 =	sadd.s32 s3, s5;
	[dreg:$0x0] =	wrdreg $0x0  }
0xae: {  	s5 =	sshll.u32 s28, $0x1;
	[dreg:$0x2] =	wrdreg s3  }
0xaf: {  	[dreg:$0x3] =	wrdreg s5  }
0xb0: {  	[dreg:$0x4] =	wrdreg $0xC0  }
0xb1: {  	_ =	task [dreg:s7], $0x5FFFF  }
0xb2: {  	[dreg:$0x1] =	wrdreg $0xFFFFFFFF  }
0xb3: {  	[dreg:$0x0] =	wrdreg $0x60  }
0xb4: {  	[dreg:$0x2] =	wrdreg s24  }
0xb5: {  	[dreg:$0x3] =	wrdreg s16  }
0xb6: {  	[dreg:$0x4] =	wrdreg $0x84000  }
0xb7: {  	[dreg:$0x5] =	wrdreg $0x9  }
0xb8: {  	_ =	task.clear_ibuf [dreg:s7], $0x6FFFF;
	_ =	strace $0x9000004C  }
0xb9: {  	s29 =	simm.s32 $0x9;
	_ =	strace $0x8000004E  }
0xba: {  	_ =	swait.ge [sflag:s29], $0x1  }
0xbb: {  	[sflag:s29] =	ssyncadd.s32 $0xFFFFFFFF  }
0xbc: {  	_ =	strace $0x9000004E  }
0xbd: {  	_ =	sfence  }
0xbe: {  	s30 =	sld [smem:$0x0];
	_ =	sdelay $0x2  }
0xbf: {  	s31 =	sshll.u32 s1, $0xD;
	s1 =	sshrl.u32 s1, $0x2  }
0xc0: {  	s3 =	sand.u32 $0x4000, s31;
	s1 =	sadd.s32 s1, s30  }
0xc1: {  	s0 =	sor.u32 s3, s0;
	s1 =	sshll.u32 s1, $0x11  }
0xc2: {  	s0 =	sor.u32 s1, s0  }
0xc3: {  	s0 =	sadd.s32 $0x8F2B, s0  }
0xc4: {  	[sflag:s0] =	ssyncadd.remote.s32 $0x1  }
0xc5: {  	_ =	sfence.sel $0xFFFF  }
0xc6: {  	[dreg:$0x0] =	wrdreg $0xFFFFFFFF;
	(pc) =	sbr.abs _section_cstart, $3  }
0xc7: {  	[dreg:$0x1] =	wrdreg $0xFFFFFFFF  }
0xc8: {  	_ =	task.clear_ibuf [dreg:s7], $0x2FFFF;
	_ =	strace $0x9FFFFFFF  }
0xc9: {  	(tm) =	ssettm $0x7FFFFFFF  }
tec
execute0_lowered:
.L_overlay_start_1:
0x0: {  	(tag) =	ssettag $0x1  }
0x1: {  	s0 =	rddreg [dreg:$0x0]  }
0x2: {  	s2 =	rddreg [dreg:$0x2]  }
0x3: {  	s4 =	simm.s32 $0x0;
	s1 =	srdreg.scid;
	s11 =	stileid.u32  }
0x4: {  	s14 =	simm.s32 $0x9;
	s15 =	simm.s32 $0x100;
	s16 =	simm.s32 $0x200  }
0x5: {  	s28 =	simm.s32 $0x3;
	s29 =	simm.s32 $0x280;
	s30 =	simm.s32 $0x8  }
0x6: {  	s31 =	simm.s32 $0x4;
	[smem:$0x7FF] =	sst s4;
	s3 =	smul.u32 $0x2800, s11  }
0x7: {  	s1 =	sand.u32 $0x1, s1;
	s5 =	sadd.s32 $0x2B000, s0;
	s9 =	smul.u32 $0x50000, s11  }
0x8: {  	s6 =	sadd.s32 $0x2800, s0;
	s20 =	smul.u32 $0xA200, s11;
	s21 =	sshll.u32 s11, $0x6  }
0x9: {  	_ =	strace $0x8000004D;
	s7 =	smul.u32 $0x28000, s1;
	s8 =	sshll.u32 s1, $0x4  }
0xa: {  	s17 =	ssub.s32 $0x2, s1;
	s1 =	smul.u32 $0xA2000, s1;
	s8 =	sor.u32 s11, s8  }
0xb: {  	s18 =	sshrl.u32 s17, $0x1;
	s19 =	sshrl.u32 s9, $0x2;
	s3 =	sadd.s32 s3, s7  }
0xc: {  	s8 =	smul.u32 $0xA200, s8;
	s10 =	sadd.s32 s19, s2;
	s7 =	sor.u32 $0x1C09, s21  }
0xd: {  	s1 =	sadd.s32 s20, s1;
	s19 =	simm.s32 $0x400;
	s20 =	simm.s32 $0x5  }
0xe: {  	s21 =	simm.s32 $0x300;
	s0 =	sadd.s32 s3, s0;
	s3 =	ssub.s32 s17, s18  }
0xf: {  	s22 =	sadd.s32 $0x500, s1;
	s23 =	sadd.s32 $0x300, s1;
	s9 =	sadd.s32 $0x200, s1  }
0x10: {  	s1 =	sadd.s32 $0x400, s1;
	s13 =	sshrl.u32 s10, $0x3;
	s17 =	simm.s32 $0x1  }
0x11: {  	s18 =	simm.s32 $0x80;
	s0 =	sadd.s32 $0x7B000, s0;
	[dreg:$0xb] =	wrdreg s1  }
0x12: {  	s8 =	sshrl.u32 s8, $0x3;
	s3 =	smax.u32 s3, $0x1;
	[dreg:$0x9] =	wrdreg s0  }
0x13: {  	s25 =	sshrl.u32 s9, $0x3;
	s8 =	sadd.s32 s6, s8;
	[dreg:$0xa] =	wrdreg s3  }
0x14: {  	s0 =	sshrl.u32 s22, $0x3;
	s3 =	sshrl.u32 s23, $0x3;
	s26 =	sadd.s32 s25, s6  }
0x15: {  	s22 =	simm.s32 $0x2;
	s23 =	simm.s32 $0x4400;
	[dreg:$0x7] =	wrdreg s8  }
0x16: {  	s25 =	simm.s32 $0x180;
	s8 =	sadd.s32 $0x20, s8;
	[dreg:$0x6] =	wrdreg s26  }
0x17: {  	s0 =	sadd.s32 s0, s6;
	s24 =	sadd.s32 s3, s6;
	[dreg:$0x8] =	wrdreg s8  }
0x18: {  	s26 =	simm.s32 $0x7;
	s3 =	simm.s32 $0x0;
	[dreg:$0x4] =	wrdreg s0  }
0x19: {  	[dreg:$0x5] =	wrdreg s24;
	s24 =	simm.s32 $0x6;
	s0 =	simm.s32 $0x380  }
.LBB2_1:
0x1a: {  	s1 =	rddreg [dreg:$0x1]  }
0x1b: {  	[spmem:s13], [sflag:s7] =	dma.local [hbm:s1], $0x2800  }
0x1c: {  	_ =	swait.ge [sflag:s14], $0x2800  }
0x1d: {  	[sflag:s14] =	ssyncset.done $0x0  }
0x1e: {  	[sflag:s14] =	ssyncadd.s32 $0xFFFFD800  }
0x1f: {  	[bflag:$0x0] =	sbarrier.arrive $0xFFFF  }
0x20: {  	p0 =	por $0x1, $0x1;
	s9 =	rddreg [dreg:$0x7]  }
0x21: {  	[tilespmem:s4], [sflag:$0x1] =	stream.linear.gather [hbm4b:s9+s4], $0x100, $0x38;
	[tilespmem:$0x1C400] =	vst v63  }
0x22: {  	s1 =	simm.s32 @!p0 $0x7;
	s10 =	rddreg [dreg:$0x8]  }
0x23: {  	[tilespmem:s15], [sflag:$0x2] =	stream.linear.gather [hbm4b:s10+s4], $0x100, $0x38;
	[tilespmem:$0x1C400] =	vst v63  }
0x24: {  	_ =	swait.ge @!p0 [sflag:s1], $0x4000  }
0x25: {  	s9 =	rddreg [dreg:$0x6];
	[sflag:s1] =	ssyncset.done @!p0 $0x0  }
0x26: {  	[sflag:s1] =	ssyncadd.s32 @!p0 $0xFFFFC000;
	s11 =	sadd.s32 $0x0, s9  }
0x27: {  	[tilespmem:s16], [sflag:$0x3] =	stream.linear.gather [hbm4b:s11+s4], $0x100, $0x38;
	[tilespmem:$0x1C400] =	vst v63  }
0x28: {  	_ =	swait.ge [sflag:s17], $0x100  }
0x29: {  	[sflag:s17] =	ssyncset.done $0x0  }
0x2a: {  	[sflag:s17] =	ssyncadd.s32 $0xFFFFFF00  }
0x2b: {  	[tilespmem:s19], [sflag:$0x5] =	stream.indirect.gather [hbm4b:s5+s18], $0x80, s4, s18, $0xb8;
	[tilespmem:$0x1C400] =	vst v63  }
0x2c: {  	_ =	swait.ge [sflag:s20], $0x4000  }
0x2d: {  	[sflag:s20] =	ssyncset.done $0x0  }
0x2e: {  	s1 =	simm.s32 @!p0 $0x8;
	[sflag:s20] =	ssyncadd.s32 $0xFFFFC000  }
0x2f: {  	[spmem:s2] =	stream.indirect.scatter.add.f32 [tilespmem:s19], [sflag:$0x7], $0x80, s18, s18, $0xb8;
	[tilespmem:$0x1C400] =	vst v63  }
0x30: {  	_ =	swait.ge @!p0 [sflag:s1], $0x4000  }
0x31: {  	s12 =	smov.u32 s7;
	s7 =	rddreg [dreg:$0x5];
	[sflag:s1] =	ssyncset.done @!p0 $0x0  }
0x32: {  	[sflag:s1] =	ssyncadd.s32 @!p0 $0xFFFFC000;
	s8 =	sadd.s32 $0x0, s7  }
0x33: {  	[tilespmem:s21], [sflag:$0x4] =	stream.linear.gather [hbm4b:s8+s4], $0x100, $0x38;
	[tilespmem:$0x1C400] =	vst v63  }
0x34: {  	_ =	swait.ge [sflag:s22], $0x100  }
0x35: {  	[sflag:s22] =	ssyncset.done $0x0  }
0x36: {  	[sflag:s22] =	ssyncadd.s32 $0xFFFFFF00  }
0x37: {  	[tilespmem:s23], [sflag:$0x6] =	stream.indirect.gather [hbm4b:s5+s18], $0x80, s15, s18, $0xb8;
	[tilespmem:$0x1C400] =	vst v63  }
0x38: {  	_ =	swait.ge [sflag:s24], $0x4000  }
0x39: {  	[sflag:s24] =	ssyncset.done $0x0  }
0x3a: {  	[sflag:s24] =	ssyncadd.s32 $0xFFFFC000  }
0x3b: {  	[spmem:s2] =	stream.indirect.scatter.add.f32 [tilespmem:s23], [sflag:$0x8], $0x80, s25, s18, $0xb8;
	[tilespmem:$0x1C400] =	vst v63  }
0x3c: {  	_ =	swait.ge [sflag:s26], $0x4000  }
0x3d: {  	s9 =	rddreg [dreg:$0xb]  }
0x3e: {  	[sflag:s26] =	ssyncset.done $0x0;
	s10 =	sshrl.u32 s9, $0x3  }
0x3f: {  	[sflag:s26] =	ssyncadd.s32 $0xFFFFC000;
	s1 =	sadd.s32 s6, s10  }
0x40: {  	[tilespmem:s4], [sflag:$0x1] =	stream.linear.gather [hbm4b:s1+s4], $0x100, $0x38;
	[tilespmem:$0x1C400] =	vst v63  }
0x41: {  	_ =	swait.ge [sflag:s28], $0x100  }
0x42: {  	[sflag:s28] =	ssyncset.done $0x0  }
0x43: {  	[sflag:s28] =	ssyncadd.s32 $0xFFFFFF00  }
0x44: {  	[tilespmem:s19], [sflag:$0x5] =	stream.indirect.gather [hbm4b:s5+s18], $0x80, s16, s18, $0xb8;
	[tilespmem:$0x1C400] =	vst v63  }
0x45: {  	_ =	swait.ge [sflag:s20], $0x4000  }
0x46: {  	[sflag:s20] =	ssyncset.done $0x0  }
0x47: {  	[sflag:s20] =	ssyncadd.s32 $0xFFFFC000  }
0x48: {  	[spmem:s2] =	stream.indirect.scatter.add.f32 [tilespmem:s19], [sflag:$0x7], $0x80, s29, s18, $0xb8;
	[tilespmem:$0x1C400] =	vst v63  }
0x49: {  	_ =	swait.ge [sflag:s30], $0x4000  }
0x4a: {  	s11 =	rddreg [dreg:$0x4];
	[sflag:s30] =	ssyncset.done $0x0  }
0x4b: {  	[sflag:s30] =	ssyncadd.s32 $0xFFFFC000;
	s1 =	sadd.s32 $0x0, s11  }
0x4c: {  	[tilespmem:s15], [sflag:$0x2] =	stream.linear.gather [hbm4b:s1+s4], $0x100, $0x38;
	[tilespmem:$0x1C400] =	vst v63  }
0x4d: {  	_ =	swait.ge [sflag:s31], $0x100  }
0x4e: {  	[sflag:s31] =	ssyncset.done $0x0  }
0x4f: {  	[sflag:s31] =	ssyncadd.s32 $0xFFFFFF00  }
0x50: {  	[tilespmem:s23], [sflag:$0x6] =	stream.indirect.gather [hbm4b:s5+s18], $0x80, s21, s18, $0xb8;
	[tilespmem:$0x1C400] =	vst v63  }
0x51: {  	p1 =	por $0x0, $0x0;
	s9 =	sadd.s32 $0x400, s9;
	_ =	swait.ge [sflag:s24], $0x4000  }
0x52: {  	s10 =	simm.s32 $0x100;
	s1 =	simm.s32 $0x80;
	[sflag:s24] =	ssyncset.done $0x0  }
.LBB2_2:
0x53: {  	s8 =	simm.s32 @!p1 $0x7;
	[sflag:s24] =	ssyncadd.s32 $0xFFFFC000  }
0x54: {  	[spmem:s2] =	stream.indirect.scatter.add.f32 [tilespmem:s23], [sflag:$0x8], $0x80, s0, s18, $0xb8;
	[tilespmem:$0x1C400] =	vst v63  }
0x55: {  	_ =	swait.ge @!p1 [sflag:s8], $0x4000  }
0x56: {  	[sflag:s8] =	ssyncset.done @!p1 $0x0;
	s7 =	rddreg [dreg:$0x6]  }
0x57: {  	[sflag:s8] =	ssyncadd.s32 @!p1 $0xFFFFC000;
	s7 =	sadd.s32 s1, s7  }
0x58: {  	[tilespmem:s16], [sflag:$0x3] =	stream.linear.gather [hbm4b:s7+s4], $0x100, $0x38;
	[tilespmem:$0x1C400] =	vst v63  }
0x59: {  	_ =	swait.ge [sflag:s17], $0x100  }
0x5a: {  	[sflag:s17] =	ssyncset.done $0x0  }
0x5b: {  	[sflag:s17] =	ssyncadd.s32 $0xFFFFFF00  }
0x5c: {  	[tilespmem:s19], [sflag:$0x5] =	stream.indirect.gather [hbm4b:s5+s18], $0x80, s4, s18, $0xb8;
	[tilespmem:$0x1C400] =	vst v63  }
0x5d: {  	_ =	swait.ge [sflag:s20], $0x4000  }
0x5e: {  	[sflag:s20] =	ssyncset.done $0x0  }
0x5f: {  	s7 =	simm.s32 @!p1 $0x8;
	[sflag:s20] =	ssyncadd.s32 $0xFFFFC000  }
0x60: {  	[spmem:s2] =	stream.indirect.scatter.add.f32 [tilespmem:s19], [sflag:$0x7], $0x80, s18, s18, $0xb8;
	[tilespmem:$0x1C400] =	vst v63  }
0x61: {  	_ =	swait.ge @!p1 [sflag:s7], $0x4000  }
0x62: {  	[sflag:s7] =	ssyncset.done @!p1 $0x0;
	s8 =	rddreg [dreg:$0x5]  }
0x63: {  	[sflag:s7] =	ssyncadd.s32 @!p1 $0xFFFFC000;
	s8 =	sadd.s32 s1, s8  }
0x64: {  	[tilespmem:s21], [sflag:$0x4] =	stream.linear.gather [hbm4b:s8+s4], $0x100, $0x38;
	[tilespmem:$0x1C400] =	vst v63  }
0x65: {  	_ =	swait.ge [sflag:s22], $0x100  }
0x66: {  	[sflag:s22] =	ssyncset.done $0x0  }
0x67: {  	[sflag:s22] =	ssyncadd.s32 $0xFFFFFF00  }
0x68: {  	[tilespmem:s23], [sflag:$0x6] =	stream.indirect.gather [hbm4b:s5+s18], $0x80, s15, s18, $0xb8;
	[tilespmem:$0x1C400] =	vst v63  }
0x69: {  	_ =	swait.ge [sflag:s24], $0x4000  }
0x6a: {  	[sflag:s24] =	ssyncset.done $0x0  }
0x6b: {  	[sflag:s24] =	ssyncadd.s32 $0xFFFFC000  }
0x6c: {  	[spmem:s2] =	stream.indirect.scatter.add.f32 [tilespmem:s23], [sflag:$0x8], $0x80, s25, s18, $0xb8;
	[tilespmem:$0x1C400] =	vst v63  }
0x6d: {  	_ =	swait.ge [sflag:s26], $0x4000  }
0x6e: {  	s8 =	sshrl.u32 s9, $0x3;
	[sflag:s26] =	ssyncset.done $0x0  }
0x6f: {  	s7 =	sadd.s32 s6, s8;
	[sflag:s26] =	ssyncadd.s32 $0xFFFFC000  }
0x70: {  	[tilespmem:s4], [sflag:$0x1] =	stream.linear.gather [hbm4b:s7+s4], $0x100, $0x38;
	[tilespmem:$0x1C400] =	vst v63  }
0x71: {  	_ =	swait.ge [sflag:s28], $0x100  }
0x72: {  	[sflag:s28] =	ssyncset.done $0x0  }
0x73: {  	[sflag:s28] =	ssyncadd.s32 $0xFFFFFF00  }
0x74: {  	[tilespmem:s19], [sflag:$0x5] =	stream.indirect.gather [hbm4b:s5+s18], $0x80, s16, s18, $0xb8;
	[tilespmem:$0x1C400] =	vst v63  }
0x75: {  	_ =	swait.ge [sflag:s20], $0x4000  }
0x76: {  	[sflag:s20] =	ssyncset.done $0x0  }
0x77: {  	[sflag:s20] =	ssyncadd.s32 $0xFFFFC000  }
0x78: {  	[spmem:s2] =	stream.indirect.scatter.add.f32 [tilespmem:s19], [sflag:$0x7], $0x80, s29, s18, $0xb8;
	[tilespmem:$0x1C400] =	vst v63  }
0x79: {  	_ =	swait.ge [sflag:s30], $0x4000  }
0x7a: {  	s11 =	smov.u32 s10;
	s8 =	rddreg [dreg:$0x4];
	[sflag:s30] =	ssyncset.done $0x0  }
0x7b: {  	s10 =	sadd.s32 $0x80, s10;
	[sflag:s30] =	ssyncadd.s32 $0xFFFFC000;
	s7 =	sadd.s32 s1, s8  }
0x7c: {  	[tilespmem:s15], [sflag:$0x2] =	stream.linear.gather [hbm4b:s7+s4], $0x100, $0x38;
	[tilespmem:$0x1C400] =	vst v63  }
0x7d: {  	p0 =	sne.s32 s10, $0x1400;
	_ =	swait.ge [sflag:s31], $0x100  }
.Ltmp0:
0x7e: {  	[sflag:s31] =	ssyncset.done $0x0;
	(pc) =	sbr.rel @p0 .LBB2_2-.Ltmp0, $4  }
0x7f: {  	[sflag:s31] =	ssyncadd.s32 $0xFFFFFF00  }
0x80: {  	[tilespmem:s23], [sflag:$0x6] =	stream.indirect.gather [hbm4b:s5+s18], $0x80, s21, s18, $0xb8;
	[tilespmem:$0x1C400] =	vst v63  }
0x81: {  	s1 =	smov.u32 s11;
	_ =	swait.ge [sflag:s24], $0x4000  }
0x82: {  	s9 =	sadd.s32 $0x400, s9;
	p1 =	seq.s32 s1, $0x0;
	[sflag:s24] =	ssyncset.done $0x0  }
0x83: {  	s7 =	simm.s32 @!p1 $0x7;
	[sflag:s24] =	ssyncadd.s32 $0xFFFFC000  }
0x84: {  	[spmem:s2] =	stream.indirect.scatter.add.f32 [tilespmem:s23], [sflag:$0x8], $0x80, s0, s18, $0xb8;
	[tilespmem:$0x1C400] =	vst v63  }
0x85: {  	_ =	swait.ge @!p1 [sflag:s7], $0x4000  }
0x86: {  	s8 =	rddreg [dreg:$0x6];
	[sflag:s7] =	ssyncset.done @!p1 $0x0  }
0x87: {  	[sflag:s7] =	ssyncadd.s32 @!p1 $0xFFFFC000;
	s8 =	sadd.s32 s1, s8  }
0x88: {  	[tilespmem:s16], [sflag:$0x3] =	stream.linear.gather [hbm4b:s8+s4], $0x100, $0x38;
	[tilespmem:$0x1C400] =	vst v63  }
0x89: {  	_ =	swait.ge [sflag:s17], $0x100  }
0x8a: {  	[sflag:s17] =	ssyncset.done $0x0  }
0x8b: {  	[sflag:s17] =	ssyncadd.s32 $0xFFFFFF00  }
0x8c: {  	[tilespmem:s19], [sflag:$0x5] =	stream.indirect.gather [hbm4b:s5+s18], $0x80, s4, s18, $0xb8;
	[tilespmem:$0x1C400] =	vst v63  }
0x8d: {  	_ =	swait.ge [sflag:s20], $0x4000  }
0x8e: {  	[sflag:s20] =	ssyncset.done $0x0  }
0x8f: {  	s7 =	simm.s32 @!p1 $0x8;
	[sflag:s20] =	ssyncadd.s32 $0xFFFFC000  }
0x90: {  	[spmem:s2] =	stream.indirect.scatter.add.f32 [tilespmem:s19], [sflag:$0x7], $0x80, s18, s18, $0xb8;
	[tilespmem:$0x1C400] =	vst v63  }
0x91: {  	_ =	swait.ge @!p1 [sflag:s7], $0x4000  }
0x92: {  	s10 =	rddreg [dreg:$0x5];
	[sflag:s7] =	ssyncset.done @!p1 $0x0  }
0x93: {  	[sflag:s7] =	ssyncadd.s32 @!p1 $0xFFFFC000;
	s11 =	sadd.s32 s1, s10  }
0x94: {  	[tilespmem:s21], [sflag:$0x4] =	stream.linear.gather [hbm4b:s11+s4], $0x100, $0x38;
	[tilespmem:$0x1C400] =	vst v63  }
0x95: {  	_ =	swait.ge [sflag:s22], $0x100  }
0x96: {  	[sflag:s22] =	ssyncset.done $0x0  }
0x97: {  	[sflag:s22] =	ssyncadd.s32 $0xFFFFFF00  }
0x98: {  	[tilespmem:s23], [sflag:$0x6] =	stream.indirect.gather [hbm4b:s5+s18], $0x80, s15, s18, $0xb8;
	[tilespmem:$0x1C400] =	vst v63  }
0x99: {  	_ =	swait.ge [sflag:s24], $0x4000  }
0x9a: {  	[sflag:s24] =	ssyncset.done $0x0  }
0x9b: {  	[sflag:s24] =	ssyncadd.s32 $0xFFFFC000  }
0x9c: {  	[spmem:s2] =	stream.indirect.scatter.add.f32 [tilespmem:s23], [sflag:$0x8], $0x80, s25, s18, $0xb8;
	[tilespmem:$0x1C400] =	vst v63  }
0x9d: {  	_ =	swait.ge [sflag:s26], $0x4000  }
0x9e: {  	s8 =	sshrl.u32 s9, $0x3;
	[sflag:s26] =	ssyncset.done $0x0  }
0x9f: {  	s7 =	sadd.s32 s6, s8;
	[sflag:s26] =	ssyncadd.s32 $0xFFFFC000  }
0xa0: {  	[tilespmem:s4], [sflag:$0x1] =	stream.linear.gather [hbm4b:s7+s4], $0x100, $0x38;
	[tilespmem:$0x1C400] =	vst v63  }
0xa1: {  	_ =	swait.ge [sflag:s28], $0x100  }
0xa2: {  	[sflag:s28] =	ssyncset.done $0x0  }
0xa3: {  	[sflag:s28] =	ssyncadd.s32 $0xFFFFFF00  }
0xa4: {  	[tilespmem:s19], [sflag:$0x5] =	stream.indirect.gather [hbm4b:s5+s18], $0x80, s16, s18, $0xb8;
	[tilespmem:$0x1C400] =	vst v63  }
0xa5: {  	_ =	swait.ge [sflag:s20], $0x4000  }
0xa6: {  	[sflag:s20] =	ssyncset.done $0x0  }
0xa7: {  	[sflag:s20] =	ssyncadd.s32 $0xFFFFC000  }
0xa8: {  	[spmem:s2] =	stream.indirect.scatter.add.f32 [tilespmem:s19], [sflag:$0x7], $0x80, s29, s18, $0xb8;
	[tilespmem:$0x1C400] =	vst v63  }
0xa9: {  	_ =	swait.ge [sflag:s30], $0x4000  }
0xaa: {  	s9 =	rddreg [dreg:$0x4];
	[sflag:s30] =	ssyncset.done $0x0  }
0xab: {  	s10 =	sadd.s32 s1, s9;
	[sflag:s30] =	ssyncadd.s32 $0xFFFFC000  }
0xac: {  	[tilespmem:s15], [sflag:$0x2] =	stream.linear.gather [hbm4b:s10+s4], $0x100, $0x38;
	[tilespmem:$0x1C400] =	vst v63  }
0xad: {  	_ =	swait.ge [sflag:s31], $0x100  }
0xae: {  	[sflag:s31] =	ssyncset.done $0x0  }
0xaf: {  	[sflag:s31] =	ssyncadd.s32 $0xFFFFFF00  }
0xb0: {  	[tilespmem:s23], [sflag:$0x6] =	stream.indirect.gather [hbm4b:s5+s18], $0x80, s21, s18, $0xb8;
	[tilespmem:$0x1C400] =	vst v63  }
0xb1: {  	_ =	swait.ge [sflag:s24], $0x4000  }
0xb2: {  	[sflag:s24] =	ssyncset.done $0x0  }
0xb3: {  	[sflag:s24] =	ssyncadd.s32 $0xFFFFC000  }
0xb4: {  	[spmem:s2] =	stream.indirect.scatter.add.f32 [tilespmem:s23], [sflag:$0x8], $0x80, s0, s18, $0xb8;
	[tilespmem:$0x1C400] =	vst v63  }
0xb5: {  	_ =	swait.ge [sflag:s26], $0x4000  }
0xb6: {  	[sflag:s26] =	ssyncset.done $0x0  }
0xb7: {  	[sflag:s26] =	ssyncadd.s32 $0xFFFFC000  }
0xb8: {  	_ =	swait.ge [sflag:s30], $0x4000  }
0xb9: {  	[sflag:s30] =	ssyncset.done $0x0  }
0xba: {  	[sflag:s30] =	ssyncadd.s32 $0xFFFFC000  }
0xbb: {  	_ =	swait.ge [sflag:s17], $0x100  }
0xbc: {  	[sflag:s17] =	ssyncset.done $0x0  }
0xbd: {  	[sflag:s17] =	ssyncadd.s32 $0xFFFFFF00  }
0xbe: {  	_ =	swait.ge [sflag:s22], $0x100  }
0xbf: {  	[sflag:s22] =	ssyncset.done $0x0  }
0xc0: {  	[sflag:s22] =	ssyncadd.s32 $0xFFFFFF00  }
0xc1: {  	[bflag:$0x0] =	sbarrier.arrive $0xFFFF  }
0xc2: {  	s11 =	rddreg [dreg:$0x9]  }
0xc3: {  	[hbm:s11], [sflag:s12] =	dma.local [spmem:s13], $0x2800  }
0xc4: {  	_ =	swait.ge [sflag:s14], $0x2800  }
0xc5: {  	s3 =	sadd.s32 $0x1, s3;
	s7 =	smov.u32 s12;
	s12 =	rddreg [dreg:$0xa]  }
0xc6: {  	p0 =	sne.s32 s3, s12  }
.Ltmp1:
0xc7: {  	_ = 	snop;
	(pc) =	sbr.rel @p0 .LBB2_1-.Ltmp1, $3  }
0xc8: {  	_ =	sdelay $0x1  }
0xc9: {  	[sflag:s14] =	ssyncset.done $0x0  }
0xca: {  	[sflag:s14] =	ssyncadd.s32 $0xFFFFD800  }
0xcb: {  	_ =	sfence.sel $0x180000  }
0xcc: {  	[bflag:$0x0] =	sbarrier.arrive $0xFFFF  }
0xcd: {  	_ =	strace $0x9000004D  }
0xce: {  	s0 =	stileid.u32;
	[bflag:$0x2] =	sbarrier.arrive $0xFFFF  }
0xcf: {  	p0 =	sne.s32 s0, $0x0;
	s0 =	rddreg [dreg:$0x3]  }
0xd0: {  	s0 =	sadd.s32 @!p0 $0x100000, s0  }
0xd1: {  	[sflag:s0] =	ssyncadd.tile.s32 @!p0 $0x1;
	_ =	shalt  }
.Lfunc_end2:
_tile_overlayer_lowered:
.L_overlay_start_2:
0xd2: {  	(tag) =	ssettag $0x2  }
0xd3: {  	s0 =	rddreg [dreg:$0x0];
	s2 =	stileid.u32  }
0xd4: {  	s1 =	rddreg [dreg:$0x1];
	p0 =	sne.s32 s2, $0x0  }
0xd5: {  	s3 =	rddreg [dreg:$0x2];
	[bflag:$0x3] =	sbarrier.arrive $0xFFFF;
	s2 =	simm.s32 @!p0 $0x1C09  }
0xd6: {  	[timem:s3], [sflag:s2] =	dma.local @!p0 [hbm:s0], s1  }
0xd7: {  	s0 =	simm.s32 @!p0 $0x9  }
0xd8: {  	_ =	swait.ge @!p0 [sflag:s0], s1  }
0xd9: {  	s1 =	ssub.s32 @!p0 $0x0, s1;
	[sflag:s0] =	ssyncset.done @!p0 $0x0  }
0xda: {  	[sflag:s0] =	ssyncadd.s32 @!p0 s1  }
0xdb: {  	[bflag:$0x3] =	sbarrier.arrive $0xFFFF  }
0xdc: {  	_ =	shalt  }

// kernel: kernel.8.cloned.1.call-start
scs
__scs_entry_jumppad:
0x0: {  	(pc) =	sbr.rel $0x88, $3  }
0x1: {  	(tag) =	ssettag $0x0;
	lr =	simm.s32 $0x1  }
0x2: {  	[smem:$0x3F95] =	sst lr;
	_ =	strace $0xD0000000  }
0x3: {  	_ = 	snop  }
0x4: {  	_ = 	snop  }
0x5: {  	_ = 	snop  }
0x6: {  	_ = 	snop  }
0x7: {  	_ = 	snop  }
__scs_overlays_trampoline_lowered:
0x8: {  	[smem:$0x3FA4] =	sst s0  }
0x9: {  	[smem:$0x3FA5] =	sst s1  }
0xa: {  	[smem:$0x3FA6] =	sst s2  }
0xb: {  	[smem:$0x3FA7] =	sst s3  }
0xc: {  	[smem:$0x3FA8] =	sst s4  }
0xd: {  	[smem:$0x3FA9] =	sst s5  }
0xe: {  	[smem:$0x3FAA] =	sst s6  }
0xf: {  	[smem:$0x3FAB] =	sst s7  }
0x10: {  	[smem:$0x3FAC] =	sst s8  }
0x11: {  	[smem:$0x3FAD] =	sst s9;
	s0 =	simm.s32 @!p0 $0x0  }
0x12: {  	s1 =	sld [smem:$0x3F93];
	s0 =	simm.s32 @p0 $0x1  }
0x13: {  	[smem:$0x3FAE] =	sst s0;
	s0 =	simm.s32 @!p1 $0x0  }
0x14: {  	s2 =	sld [smem:$0x3F92];
	s0 =	simm.s32 @p1 $0x1  }
0x15: {  	[smem:$0x3FAF] =	sst s0;
	s0 =	simm.s32 @!p2 $0x0  }
0x16: {  	s3 =	sld [smem:$0x3FDB];
	s0 =	simm.s32 @p2 $0x1  }
0x17: {  	s4 =	simm.s32 $0x1BF5;
	[smem:$0x3FB1] =	sst s0  }
0x18: {  	s0 =	sld [smem:$0x3F94];
	_ =	swait.ge [sflag:s4], $0x0  }
0x19: {  	s7 =	sld [smem:$0x3F95]  }
0x1a: {  	s8 =	sadd.s32 $0xFFFFE003, lr  }
0x1b: {  	s9 =	sadd.s32 $0xFFFFFEF7, lr;
	s5 =	simm.s32 $0xFFFFFFFF;
	p2 =	slt.u32 s8, $0xFFFFF086  }
0x1c: {  	p1 =	slt.u32 s9, $0xF7A;
	s5 =	simm.s32 @!p2 $0x0  }
0x1d: {  	s5 =	simm.s32 @p1 $0x1;
	p0 =	seq.s32 s7, s2  }
0x1e: {  	s7 =	smul.u32 @!p0 $0xF7A, s2;
	p2 =	seq.s32 @!p0 s5, $0x0  }
0x1f: {  	s9 =	smul.u32 $0xF7A, s1;
	s8 =	simm.s32 @!p0 $0x1BF5;
	p2 =	por !p2, p0  }
0x20: {  	[sflag:s8] =	ssyncset.s32 @!p0 $0xFFFFF086;
	s6 =	sadd.s32 @!p0 s3, s7;
	s7 =	simm.s32 @!p0 $0x108  }
0x21: {  	s3 =	sadd.s32 s3, s9;
	s6 =	sadd.s32 @!p0 $0x88, s6;
	s7 =	simm.s32 @p2 $0x1082  }
0x22: {  	[simem:s7], [sflag:s8] =	dma.local @!p0 [hbm:s6], $0xF7A  }
0x23: {  	s9 =	sor.u32 $0xD0000000, s2;
	s6 =	simm.s32 $0x108;
	_ =	swait.ge @!p0 [sflag:s8], $0x0  }
0x24: {  	s3 =	sadd.s32 $0x88, s3;
	s6 =	simm.s32 @!p1 $0x1082;
	[sflag:s4] =	ssyncset.s32 $0xFFFFF086  }
0x25: {  	[simem:s6], [sflag:s4] =	dma.local [hbm:s3], $0xF7A  }
0x26: {  	[smem:$0x3F95] =	sst s1;
	(tag) =	ssettag s2;
	_ =	strace s9  }
0x27: {  	s1 =	sld [smem:$0x3FA5]  }
0x28: {  	s2 =	sld [smem:$0x3FA6]  }
0x29: {  	s4 =	sld [smem:$0x3FA8]  }
0x2a: {  	p0 =	seq.s32 s5, $0x0;
	s5 =	sld [smem:$0x3FA9]  }
0x2b: {  	s6 =	sld [smem:$0x3FAA]  }
0x2c: {  	s7 =	sld [smem:$0x3FAB]  }
0x2d: {  	s3 =	simm.s32 $0x108;
	s8 =	sld [smem:$0x3FAC]  }
0x2e: {  	s3 =	simm.s32 @!p0 $0x1082;
	s9 =	sld [smem:$0x3FAD]  }
0x2f: {  	lr =	sadd.s32 s0, s3;
	s0 =	sld [smem:$0x3FA4]  }
0x30: {  	s3 =	sld [smem:$0x3FA7]  }
0x31: {  	[smem:$0x3FB0] =	sst s10  }
0x32: {  	s10 =	sld [smem:$0x3FAE];
	_ =	sdelay $0x3  }
0x33: {  	p0 =	seq.s32 s10, $0x1;
	s10 =	sld [smem:$0x3FB0];
	_ =	sdelay $0x3  }
0x34: {  	[smem:$0x3FB0] =	sst s10  }
0x35: {  	s10 =	sld [smem:$0x3FAF];
	_ =	sdelay $0x3  }
0x36: {  	p1 =	seq.s32 s10, $0x1;
	s10 =	sld [smem:$0x3FB0];
	_ =	sdelay $0x3  }
0x37: {  	[smem:$0x3FB0] =	sst s10  }
0x38: {  	s10 =	sld [smem:$0x3FB1]  }
0x39: {  	_ = 	snop;
	(pc) =	sbr.ind lr, $3  }
0x3a: {  	_ = 	snop  }
0x3b: {  	_ = 	snop  }
0x3c: {  	p2 =	seq.s32 s10, $0x1;
	s10 =	sld [smem:$0x3FB0]  }
0x3d: {  	_ =	shalt  }
0x3e: {  	_ =	shalt  }
0x3f: {  	_ =	shalt  }
0x40: {  	_ =	shalt  }
0x41: {  	_ =	shalt  }
0x42: {  	_ =	shalt  }
0x43: {  	_ =	shalt  }
0x44: {  	_ =	shalt  }
0x45: {  	_ =	shalt  }
0x46: {  	_ =	shalt  }
0x47: {  	_ =	shalt  }
0x48: {  	_ =	shalt  }
0x49: {  	_ =	shalt  }
0x4a: {  	_ =	shalt  }
0x4b: {  	_ =	shalt  }
0x4c: {  	_ =	shalt  }
0x4d: {  	_ =	shalt  }
0x4e: {  	_ =	shalt  }
0x4f: {  	_ =	shalt  }
0x50: {  	_ =	shalt  }
0x51: {  	_ =	shalt  }
0x52: {  	_ =	shalt  }
0x53: {  	_ =	shalt  }
0x54: {  	_ =	shalt  }
0x55: {  	_ =	shalt  }
0x56: {  	_ =	shalt  }
0x57: {  	_ =	shalt  }
0x58: {  	_ =	shalt  }
0x59: {  	_ =	shalt  }
0x5a: {  	_ =	shalt  }
0x5b: {  	_ =	shalt  }
0x5c: {  	_ =	shalt  }
0x5d: {  	_ =	shalt  }
0x5e: {  	_ =	shalt  }
0x5f: {  	_ =	shalt  }
0x60: {  	_ =	shalt  }
0x61: {  	_ =	shalt  }
0x62: {  	_ =	shalt  }
0x63: {  	_ =	shalt  }
0x64: {  	_ =	shalt  }
0x65: {  	_ =	shalt  }
0x66: {  	_ =	shalt  }
0x67: {  	_ =	shalt  }
0x68: {  	_ =	shalt  }
0x69: {  	_ =	shalt  }
0x6a: {  	_ =	shalt  }
0x6b: {  	_ =	shalt  }
0x6c: {  	_ =	shalt  }
0x6d: {  	_ =	shalt  }
0x6e: {  	_ =	shalt  }
0x6f: {  	_ =	shalt  }
0x70: {  	_ =	shalt  }
0x71: {  	_ =	shalt  }
0x72: {  	_ =	shalt  }
0x73: {  	_ =	shalt  }
0x74: {  	_ =	shalt  }
0x75: {  	_ =	shalt  }
0x76: {  	_ =	shalt  }
0x77: {  	_ =	shalt  }
0x78: {  	_ =	shalt  }
0x79: {  	_ =	shalt  }
0x7a: {  	_ =	shalt  }
0x7b: {  	_ =	shalt  }
0x7c: {  	_ =	shalt  }
0x7d: {  	_ =	shalt  }
0x7e: {  	_ =	shalt  }
0x7f: {  	_ =	shalt  }
0x80: {  	_ =	shalt  }
0x81: {  	_ =	shalt  }
0x82: {  	_ =	shalt  }
0x83: {  	_ =	shalt  }
0x84: {  	_ =	shalt  }
0x85: {  	_ =	shalt  }
0x86: {  	_ =	shalt  }
0x87: {  	_ =	shalt  }
.Lfunc_end0:
.L_simem_size_0:
called_computation_lowered:
.L_overlay_start_0:
0x88: {  	s2 =	sld [smem:$0x3FD9]  }
0x89: {  	s3 =	sld [smem:$0x3FFE];
	_ =	sdelay $0x1  }
0x8a: {  	s1 =	srdreg.scid  }
0x8b: {  	s0 =	sand.u32 $0x1, s1  }
0x8c: {  	s14 =	sshll.u32 s0, $0xA;
	s2 =	sadd.s32 s3, s2  }
0x8d: {  	s2 =	sadd.s32 s2, s14  }
0x8e: {  	[smem:$0x3FBC] =	sst s2  }
0x8f: {  	_ = 	snop  }
0x90: {  	s2 =	sld [smem:$0x3FD0];
	_ =	sdelay $0x2  }
0x91: {  	s15 =	simm.s32 $0xA;
	s4 =	simm.s32 $0x10  }
0x92: {  	[smem:s4], [sflag:s15] =	dma.local [hbm:s2], $0x1  }
0x93: {  	_ =	swait.eq [sflag:s15], $0x1  }
0x94: {  	[sflag:s15] =	ssyncset.done $0x0  }
0x95: {  	s16 =	sld [smem:$0x10];
	[sflag:s15] =	ssyncadd.s32 $0xFFFFFFFF  }
0x96: {  	s17 =	sld [smem:$0x11];
	(tm) =	ssettm $0x1  }
0x97: {  	s18 =	sld [smem:$0x3FFB];
	_ =	sdelay $0x3  }
0x98: {  	_ =	strace s18  }
0x99: {  	s4 =	sld [smem:$0x3FFC];
	_ =	sdelay $0x3  }
0x9a: {  	_ =	strace s4  }
0x9b: {  	s4 =	sld [smem:$0x3FFD];
	_ =	sdelay $0x3  }
0x9c: {  	_ =	strace s4  }
0x9d: {  	_ =	strace $0x8FFFFFFF  }
0x9e: {  	s19 =	sld [smem:$0x3FDB];
	_ =	sdelay $0x1  }
0x9f: {  	s5 =	simm.s32 $_scs_section_size  }
0xa0: {  	s6 =	simm.s32 $_size__tile_overlayer_lowered;
	s7 =	simm.s32 $_tile_overlayer_lowered  }
0xa1: {  	s22 =	simm.s32 $0x1BFF;
	s21 =	sshll.u32 s7, $0x1;
	s4 =	sadd.s32 s5, s19  }
0xa2: {  	s8 =	simm.s32 $0x0;
	s20 =	sshll.u32 s6, $0x1;
	s6 =	sadd.s32 s21, s4  }
0xa3: {  	[timem:s8], [sflag:s22] =	dma.local [hbm:s6], s20  }
0xa4: {  	_ =	swait.ge [sflag:s22], s20  }
0xa5: {  	s5 =	ssub.s32 $0x0, s20;
	[sflag:s22] =	ssyncset.done $0x0  }
0xa6: {  	[sflag:s22] =	ssyncadd.s32 s5;
	_ =	sdelay $0x1  }
0xa7: {  	s23 =	simm.s32 $0x1B8B  }
0xa8: {  	_ =	swait.ge [sflag:s23], $0x1  }
0xa9: {  	[sflag:s23] =	ssyncset.done $0x0  }
0xaa: {  	s25 =	simm.s32 $0x1B8E;
	s24 =	sld [smem:$0x3FFE];
	[sflag:s23] =	ssyncadd.s32 $0xFFFFFFFF  }
0xab: {  	s26 =	simm.s32 $execute0_lowered;
	[smem:$0x3FD2] =	sst s25  }
0xac: {  	s6 =	sshll.u32 s26, $0x1;
	_ =	strace $0x80000046;
	[dreg:$0x1] =	wrdreg $0xFFFFFFFF  }
0xad: {  	s28 =	simm.s32 $_size_execute0_lowered;
	s4 =	sadd.s32 s4, s6;
	[dreg:$0x0] =	wrdreg $0x0  }
0xae: {  	s6 =	sshll.u32 s28, $0x1;
	[dreg:$0x2] =	wrdreg s4  }
0xaf: {  	[dreg:$0x3] =	wrdreg s6  }
0xb0: {  	[dreg:$0x4] =	wrdreg $0xC0  }
0xb1: {  	_ =	task [dreg:s8], $0x5FFFF  }
0xb2: {  	[dreg:$0x1] =	wrdreg $0xFFFFFFFF  }
0xb3: {  	[dreg:$0x0] =	wrdreg $0x60  }
0xb4: {  	[dreg:$0x2] =	wrdreg s24  }
0xb5: {  	[dreg:$0x3] =	wrdreg s17  }
0xb6: {  	[dreg:$0x4] =	wrdreg s16  }
0xb7: {  	[dreg:$0x5] =	wrdreg $0x9  }
0xb8: {  	_ =	task.clear_ibuf [dreg:s8], $0x6FFFF;
	_ =	strace $0x90000046  }
0xb9: {  	s29 =	simm.s32 $0x9;
	_ =	strace $0x80000048  }
0xba: {  	_ =	swait.ge [sflag:s29], $0x1  }
0xbb: {  	[sflag:s29] =	ssyncadd.s32 $0xFFFFFFFF  }
0xbc: {  	_ =	strace $0x90000048  }
0xbd: {  	_ =	sfence  }
0xbe: {  	s30 =	sld [smem:$0x0];
	_ =	sdelay $0x2  }
0xbf: {  	s31 =	sshll.u32 s1, $0xD;
	s1 =	sshrl.u32 s1, $0x2  }
0xc0: {  	s3 =	sand.u32 $0x4000, s31;
	s1 =	sadd.s32 s1, s30  }
0xc1: {  	s0 =	sor.u32 s3, s0;
	s1 =	sshll.u32 s1, $0x11  }
0xc2: {  	s0 =	sor.u32 s1, s0  }
0xc3: {  	s0 =	sadd.s32 $0x8F2B, s0  }
0xc4: {  	[sflag:s0] =	ssyncadd.remote.s32 $0x1  }
0xc5: {  	_ =	sfence.sel $0xFFFF  }
0xc6: {  	[dreg:$0x0] =	wrdreg $0xFFFFFFFF;
	(pc) =	sbr.abs _section_cstart, $3  }
0xc7: {  	[dreg:$0x1] =	wrdreg $0xFFFFFFFF  }
0xc8: {  	_ =	task.clear_ibuf [dreg:s8], $0x2FFFF;
	_ =	strace $0x9FFFFFFF  }
0xc9: {  	(tm) =	ssettm $0x7FFFFFFF  }
tec
execute0_lowered:
.L_overlay_start_1:
0x0: {  	(tag) =	ssettag $0x1  }
0x1: {  	s3 =	rddreg [dreg:$0x0]  }
0x2: {  	s4 =	rddreg [dreg:$0x1]  }
0x3: {  	s0 =	srdreg.scid;
	s6 =	rddreg [dreg:$0x2]  }
0x4: {  	s1 =	stileid.u32;
	s11 =	simm.s32 $0x400;
	s12 =	simm.s32 $0x0  }
0x5: {  	s5 =	sand.u32 $0x1, s0;
	s0 =	rddreg [dreg:$0x3];
	s9 =	smul.u32 $0xA200, s1  }
0x6: {  	s10 =	sshll.u32 s1, $0x7;
	s2 =	sshll.u32 s5, $0x4;
	s7 =	smul.u32 $0xA2000, s5  }
0x7: {  	s26 =	sand.u32 $0x380, s10;
	s28 =	ssub.s32 $0x2, s5;
	s8 =	sor.u32 s1, s2  }
0x8: {  	s31 =	smul.u32 $0x2800, s5;
	s10 =	simm.s32 $0x80;
	s8 =	sshrl.u32 s8, $0x3  }
0x9: {  	s2 =	simm.s32 $0x0;
	s29 =	sshrl.u32 s28, $0x1;
	s8 =	smul.u32 $0x14000, s8  }
0xa: {  	[smem:$0x7FF] =	sst s2;
	s7 =	sadd.s32 s9, s7;
	s30 =	ssub.s32 s28, s29  }
0xb: {  	s9 =	simm.s32 $0x3000;
	_ =	strace $0x80000047;
	s8 =	sor.u32 s26, s8  }
0xc: {  	s7 =	sshrl.u32 s7, $0x3;
	s5 =	smax.u32 s30, $0x1;
	s8 =	sshrl.u32 s8, $0x3  }
0xd: {  	s7 =	sadd.s32 s7, s3;
	s3 =	sadd.s32 s4, s8;
	s4 =	sadd.s32 s6, s8  }
0xe: {  	v1 =	vimm.f32 $0.0e+00;
	v2 =	vimm.f32 $1.000000000e+00;
	v0 =	vmov s31;
	s6 =	sadd.s32 $0x2800, s7;
	s7 =	simm.s32 $0x1;
	s8 =	simm.s32 $0x800  }
.LBB2_1:
0xf: {  	s13 =	simm.s32 $0x0  }
.LBB2_2:
0x10: {  	p0 =	sne.s32 s13, $0x9FC0  }
.Ltmp0:
0x11: {  	_ = 	snop;
	(pc) =	sbr.rel @p0 .LBB2_2-.Ltmp0, $4  }
0x12: {  	_ = 	snop  }
0x13: {  	s14 =	sshra.s32 s13, $0x2  }
0x14: {  	[tilespmem:s14+$0x800] =	vst v1  }
0x15: {  	s13 =	sadd.s32 $0x40, s13;
	[tilespmem:s14+$0x3000] =	vst v1  }
0x16: {  	s13 =	simm.s32 $0x0  }
.LBB2_4:
0x17: {  	s14 =	sadd.s32 s13, s6  }
0x18: {  	[tilespmem:s2], [sflag:$0x1] =	stream.linear.gather [hbm4b:s14+s2], $0x800, $0x38;
	[tilespmem:$0x5800] =	vst v63  }
0x19: {  	_ =	swait.ge [sflag:s7], $0x800  }
0x1a: {  	[sflag:s7] =	ssyncset.done $0x0  }
0x1b: {  	[sflag:s7] =	ssyncadd.s32 $0xFFFFF800  }
0x1c: {  	v3 =	vld [tilespmem:$0x0];
	_ =	sdelay $0x4  }
0x1d: {  	v4 =	vsub.s32 v3, v0  }
0x1e: {  	v3 =	vand.u32 $0x7F, v3;
	v4 =	vand.u32 $0xFFFFFF80, v4  }
0x1f: {  	v3 =	vor.u32 v3, v4;
	_ =	sdelay $0x4  }
0x20: {  	[tilespmem:v3+s8+$0x0] =	vst.idx.add.f32.msk $0xffff, v2  }
0x21: {  	v3 =	vld [tilespmem:$0x80];
	_ =	sdelay $0x7  }
0x22: {  	[tilespmem:v3+s9+$0x0] =	vst.idx.add.f32.msk $0xffff, v2  }
0x23: {  	v3 =	vld [tilespmem:$0x10];
	_ =	sdelay $0x4  }
0x24: {  	v57 =	vsub.s32 v3, v0  }
0x25: {  	v3 =	vand.u32 $0x7F, v3;
	v4 =	vand.u32 $0xFFFFFF80, v57  }
0x26: {  	v3 =	vor.u32 v3, v4;
	_ =	sdelay $0x4  }
0x27: {  	[tilespmem:v3+s8+$0x0] =	vst.idx.add.f32.msk $0xffff, v2  }
0x28: {  	v3 =	vld [tilespmem:$0x90];
	_ =	sdelay $0x7  }
0x29: {  	[tilespmem:v3+s9+$0x0] =	vst.idx.add.f32.msk $0xffff, v2  }
0x2a: {  	v3 =	vld [tilespmem:$0x20];
	_ =	sdelay $0x4  }
0x2b: {  	v58 =	vsub.s32 v3, v0  }
0x2c: {  	v3 =	vand.u32 $0x7F, v3;
	v4 =	vand.u32 $0xFFFFFF80, v58  }
0x2d: {  	v3 =	vor.u32 v3, v4;
	_ =	sdelay $0x4  }
0x2e: {  	[tilespmem:v3+s8+$0x0] =	vst.idx.add.f32.msk $0xffff, v2  }
0x2f: {  	v3 =	vld [tilespmem:$0xA0];
	_ =	sdelay $0x7  }
0x30: {  	[tilespmem:v3+s9+$0x0] =	vst.idx.add.f32.msk $0xffff, v2  }
0x31: {  	v3 =	vld [tilespmem:$0x30];
	_ =	sdelay $0x4  }
0x32: {  	v59 =	vsub.s32 v3, v0  }
0x33: {  	v3 =	vand.u32 $0x7F, v3;
	v4 =	vand.u32 $0xFFFFFF80, v59  }
0x34: {  	v3 =	vor.u32 v3, v4;
	_ =	sdelay $0x4  }
0x35: {  	[tilespmem:v3+s8+$0x0] =	vst.idx.add.f32.msk $0xffff, v2  }
0x36: {  	v3 =	vld [tilespmem:$0xB0];
	_ =	sdelay $0x7  }
0x37: {  	[tilespmem:v3+s9+$0x0] =	vst.idx.add.f32.msk $0xffff, v2  }
0x38: {  	v3 =	vld [tilespmem:$0x40];
	_ =	sdelay $0x4  }
0x39: {  	v60 =	vsub.s32 v3, v0  }
0x3a: {  	v3 =	vand.u32 $0x7F, v3;
	v4 =	vand.u32 $0xFFFFFF80, v60  }
0x3b: {  	v3 =	vor.u32 v3, v4;
	_ =	sdelay $0x4  }
0x3c: {  	[tilespmem:v3+s8+$0x0] =	vst.idx.add.f32.msk $0xffff, v2  }
0x3d: {  	v3 =	vld [tilespmem:$0xC0];
	_ =	sdelay $0x7  }
0x3e: {  	[tilespmem:v3+s9+$0x0] =	vst.idx.add.f32.msk $0xffff, v2  }
0x3f: {  	v3 =	vld [tilespmem:$0x50];
	_ =	sdelay $0x4  }
0x40: {  	v61 =	vsub.s32 v3, v0  }
0x41: {  	v3 =	vand.u32 $0x7F, v3;
	v4 =	vand.u32 $0xFFFFFF80, v61  }
0x42: {  	v3 =	vor.u32 v3, v4;
	_ =	sdelay $0x4  }
0x43: {  	[tilespmem:v3+s8+$0x0] =	vst.idx.add.f32.msk $0xffff, v2  }
0x44: {  	v3 =	vld [tilespmem:$0xD0];
	_ =	sdelay $0x7  }
0x45: {  	[tilespmem:v3+s9+$0x0] =	vst.idx.add.f32.msk $0xffff, v2  }
0x46: {  	v3 =	vld [tilespmem:$0x60];
	_ =	sdelay $0x4  }
0x47: {  	v62 =	vsub.s32 v3, v0  }
0x48: {  	v3 =	vand.u32 $0x7F, v3;
	v4 =	vand.u32 $0xFFFFFF80, v62  }
0x49: {  	v3 =	vor.u32 v3, v4;
	_ =	sdelay $0x4  }
0x4a: {  	[tilespmem:v3+s8+$0x0] =	vst.idx.add.f32.msk $0xffff, v2  }
0x4b: {  	v3 =	vld [tilespmem:$0xE0];
	_ =	sdelay $0x7  }
0x4c: {  	[tilespmem:v3+s9+$0x0] =	vst.idx.add.f32.msk $0xffff, v2  }
0x4d: {  	v3 =	vld [tilespmem:$0x70];
	_ =	sdelay $0x4  }
0x4e: {  	v63 =	vsub.s32 v3, v0  }
0x4f: {  	v3 =	vand.u32 $0x7F, v3;
	v4 =	vand.u32 $0xFFFFFF80, v63  }
0x50: {  	v3 =	vor.u32 v3, v4;
	_ =	sdelay $0x4  }
0x51: {  	[tilespmem:v3+s8+$0x0] =	vst.idx.add.f32.msk $0xffff, v2  }
0x52: {  	v3 =	vld [tilespmem:$0xF0];
	_ =	sdelay $0x7  }
0x53: {  	[tilespmem:v3+s9+$0x0] =	vst.idx.add.f32.msk $0xffff, v2  }
0x54: {  	v3 =	vld [tilespmem:$0x100];
	_ =	sdelay $0x4  }
0x55: {  	v8 =	vsub.s32 v3, v0  }
0x56: {  	v3 =	vand.u32 $0x7F, v3;
	v4 =	vand.u32 $0xFFFFFF80, v8  }
0x57: {  	v3 =	vor.u32 v3, v4;
	_ =	sdelay $0x4  }
0x58: {  	[tilespmem:v3+s8+$0x0] =	vst.idx.add.f32.msk $0xffff, v2  }
0x59: {  	v3 =	vld [tilespmem:$0x180];
	_ =	sdelay $0x7  }
0x5a: {  	[tilespmem:v3+s9+$0x0] =	vst.idx.add.f32.msk $0xffff, v2  }
0x5b: {  	v3 =	vld [tilespmem:$0x110];
	_ =	sdelay $0x4  }
0x5c: {  	v9 =	vsub.s32 v3, v0  }
0x5d: {  	v3 =	vand.u32 $0x7F, v3;
	v4 =	vand.u32 $0xFFFFFF80, v9  }
0x5e: {  	v3 =	vor.u32 v3, v4;
	_ =	sdelay $0x4  }
0x5f: {  	[tilespmem:v3+s8+$0x0] =	vst.idx.add.f32.msk $0xffff, v2  }
0x60: {  	v3 =	vld [tilespmem:$0x190];
	_ =	sdelay $0x7  }
0x61: {  	[tilespmem:v3+s9+$0x0] =	vst.idx.add.f32.msk $0xffff, v2  }
0x62: {  	v3 =	vld [tilespmem:$0x120];
	_ =	sdelay $0x4  }
0x63: {  	v10 =	vsub.s32 v3, v0  }
0x64: {  	v3 =	vand.u32 $0x7F, v3;
	v4 =	vand.u32 $0xFFFFFF80, v10  }
0x65: {  	v3 =	vor.u32 v3, v4;
	_ =	sdelay $0x4  }
0x66: {  	[tilespmem:v3+s8+$0x0] =	vst.idx.add.f32.msk $0xffff, v2  }
0x67: {  	v3 =	vld [tilespmem:$0x1A0];
	_ =	sdelay $0x7  }
0x68: {  	[tilespmem:v3+s9+$0x0] =	vst.idx.add.f32.msk $0xffff, v2  }
0x69: {  	v3 =	vld [tilespmem:$0x130];
	_ =	sdelay $0x4  }
0x6a: {  	v11 =	vsub.s32 v3, v0  }
0x6b: {  	v3 =	vand.u32 $0x7F, v3;
	v4 =	vand.u32 $0xFFFFFF80, v11  }
0x6c: {  	v3 =	vor.u32 v3, v4;
	_ =	sdelay $0x4  }
0x6d: {  	[tilespmem:v3+s8+$0x0] =	vst.idx.add.f32.msk $0xffff, v2  }
0x6e: {  	v3 =	vld [tilespmem:$0x1B0];
	_ =	sdelay $0x7  }
0x6f: {  	[tilespmem:v3+s9+$0x0] =	vst.idx.add.f32.msk $0xffff, v2  }
0x70: {  	v3 =	vld [tilespmem:$0x140];
	_ =	sdelay $0x4  }
0x71: {  	v12 =	vsub.s32 v3, v0  }
0x72: {  	v3 =	vand.u32 $0x7F, v3;
	v4 =	vand.u32 $0xFFFFFF80, v12  }
0x73: {  	v3 =	vor.u32 v3, v4;
	_ =	sdelay $0x4  }
0x74: {  	[tilespmem:v3+s8+$0x0] =	vst.idx.add.f32.msk $0xffff, v2  }
0x75: {  	v3 =	vld [tilespmem:$0x1C0];
	_ =	sdelay $0x7  }
0x76: {  	[tilespmem:v3+s9+$0x0] =	vst.idx.add.f32.msk $0xffff, v2  }
0x77: {  	v3 =	vld [tilespmem:$0x150];
	_ =	sdelay $0x4  }
0x78: {  	v13 =	vsub.s32 v3, v0  }
0x79: {  	v3 =	vand.u32 $0x7F, v3;
	v4 =	vand.u32 $0xFFFFFF80, v13  }
0x7a: {  	v3 =	vor.u32 v3, v4;
	_ =	sdelay $0x4  }
0x7b: {  	[tilespmem:v3+s8+$0x0] =	vst.idx.add.f32.msk $0xffff, v2  }
0x7c: {  	v3 =	vld [tilespmem:$0x1D0];
	_ =	sdelay $0x7  }
0x7d: {  	[tilespmem:v3+s9+$0x0] =	vst.idx.add.f32.msk $0xffff, v2  }
0x7e: {  	v3 =	vld [tilespmem:$0x160];
	_ =	sdelay $0x4  }
0x7f: {  	v14 =	vsub.s32 v3, v0  }
0x80: {  	v3 =	vand.u32 $0x7F, v3;
	v4 =	vand.u32 $0xFFFFFF80, v14  }
0x81: {  	v3 =	vor.u32 v3, v4;
	_ =	sdelay $0x4  }
0x82: {  	[tilespmem:v3+s8+$0x0] =	vst.idx.add.f32.msk $0xffff, v2  }
0x83: {  	v3 =	vld [tilespmem:$0x1E0];
	_ =	sdelay $0x7  }
0x84: {  	[tilespmem:v3+s9+$0x0] =	vst.idx.add.f32.msk $0xffff, v2  }
0x85: {  	v3 =	vld [tilespmem:$0x170];
	_ =	sdelay $0x4  }
0x86: {  	v15 =	vsub.s32 v3, v0  }
0x87: {  	v3 =	vand.u32 $0x7F, v3;
	v4 =	vand.u32 $0xFFFFFF80, v15  }
0x88: {  	v3 =	vor.u32 v3, v4;
	_ =	sdelay $0x4  }
0x89: {  	[tilespmem:v3+s8+$0x0] =	vst.idx.add.f32.msk $0xffff, v2  }
0x8a: {  	v3 =	vld [tilespmem:$0x1F0];
	_ =	sdelay $0x7  }
0x8b: {  	[tilespmem:v3+s9+$0x0] =	vst.idx.add.f32.msk $0xffff, v2  }
0x8c: {  	v3 =	vld [tilespmem:$0x200];
	_ =	sdelay $0x4  }
0x8d: {  	v16 =	vsub.s32 v3, v0  }
0x8e: {  	v3 =	vand.u32 $0x7F, v3;
	v4 =	vand.u32 $0xFFFFFF80, v16  }
0x8f: {  	v3 =	vor.u32 v3, v4;
	_ =	sdelay $0x4  }
0x90: {  	[tilespmem:v3+s8+$0x0] =	vst.idx.add.f32.msk $0xffff, v2  }
0x91: {  	v3 =	vld [tilespmem:$0x280];
	_ =	sdelay $0x7  }
0x92: {  	[tilespmem:v3+s9+$0x0] =	vst.idx.add.f32.msk $0xffff, v2  }
0x93: {  	v3 =	vld [tilespmem:$0x210];
	_ =	sdelay $0x4  }
0x94: {  	v17 =	vsub.s32 v3, v0  }
0x95: {  	v3 =	vand.u32 $0x7F, v3;
	v4 =	vand.u32 $0xFFFFFF80, v17  }
0x96: {  	v3 =	vor.u32 v3, v4;
	_ =	sdelay $0x4  }
0x97: {  	[tilespmem:v3+s8+$0x0] =	vst.idx.add.f32.msk $0xffff, v2  }
0x98: {  	v3 =	vld [tilespmem:$0x290];
	_ =	sdelay $0x7  }
0x99: {  	[tilespmem:v3+s9+$0x0] =	vst.idx.add.f32.msk $0xffff, v2  }
0x9a: {  	v3 =	vld [tilespmem:$0x220];
	_ =	sdelay $0x4  }
0x9b: {  	v18 =	vsub.s32 v3, v0  }
0x9c: {  	v3 =	vand.u32 $0x7F, v3;
	v4 =	vand.u32 $0xFFFFFF80, v18  }
0x9d: {  	v3 =	vor.u32 v3, v4;
	_ =	sdelay $0x4  }
0x9e: {  	[tilespmem:v3+s8+$0x0] =	vst.idx.add.f32.msk $0xffff, v2  }
0x9f: {  	v3 =	vld [tilespmem:$0x2A0];
	_ =	sdelay $0x7  }
0xa0: {  	[tilespmem:v3+s9+$0x0] =	vst.idx.add.f32.msk $0xffff, v2  }
0xa1: {  	v3 =	vld [tilespmem:$0x230];
	_ =	sdelay $0x4  }
0xa2: {  	v19 =	vsub.s32 v3, v0  }
0xa3: {  	v3 =	vand.u32 $0x7F, v3;
	v4 =	vand.u32 $0xFFFFFF80, v19  }
0xa4: {  	v3 =	vor.u32 v3, v4;
	_ =	sdelay $0x4  }
0xa5: {  	[tilespmem:v3+s8+$0x0] =	vst.idx.add.f32.msk $0xffff, v2  }
0xa6: {  	v3 =	vld [tilespmem:$0x2B0];
	_ =	sdelay $0x7  }
0xa7: {  	[tilespmem:v3+s9+$0x0] =	vst.idx.add.f32.msk $0xffff, v2  }
0xa8: {  	v3 =	vld [tilespmem:$0x240];
	_ =	sdelay $0x4  }
0xa9: {  	v20 =	vsub.s32 v3, v0  }
0xaa: {  	v3 =	vand.u32 $0x7F, v3;
	v4 =	vand.u32 $0xFFFFFF80, v20  }
0xab: {  	v3 =	vor.u32 v3, v4;
	_ =	sdelay $0x4  }
0xac: {  	[tilespmem:v3+s8+$0x0] =	vst.idx.add.f32.msk $0xffff, v2  }
0xad: {  	v3 =	vld [tilespmem:$0x2C0];
	_ =	sdelay $0x7  }
0xae: {  	[tilespmem:v3+s9+$0x0] =	vst.idx.add.f32.msk $0xffff, v2  }
0xaf: {  	v3 =	vld [tilespmem:$0x250];
	_ =	sdelay $0x4  }
0xb0: {  	v21 =	vsub.s32 v3, v0  }
0xb1: {  	v3 =	vand.u32 $0x7F, v3;
	v4 =	vand.u32 $0xFFFFFF80, v21  }
0xb2: {  	v3 =	vor.u32 v3, v4;
	_ =	sdelay $0x4  }
0xb3: {  	[tilespmem:v3+s8+$0x0] =	vst.idx.add.f32.msk $0xffff, v2  }
0xb4: {  	v3 =	vld [tilespmem:$0x2D0];
	_ =	sdelay $0x7  }
0xb5: {  	[tilespmem:v3+s9+$0x0] =	vst.idx.add.f32.msk $0xffff, v2  }
0xb6: {  	v3 =	vld [tilespmem:$0x260];
	_ =	sdelay $0x4  }
0xb7: {  	v22 =	vsub.s32 v3, v0  }
0xb8: {  	v3 =	vand.u32 $0x7F, v3;
	v4 =	vand.u32 $0xFFFFFF80, v22  }
0xb9: {  	v3 =	vor.u32 v3, v4;
	_ =	sdelay $0x4  }
0xba: {  	[tilespmem:v3+s8+$0x0] =	vst.idx.add.f32.msk $0xffff, v2  }
0xbb: {  	v3 =	vld [tilespmem:$0x2E0];
	_ =	sdelay $0x7  }
0xbc: {  	[tilespmem:v3+s9+$0x0] =	vst.idx.add.f32.msk $0xffff, v2  }
0xbd: {  	v3 =	vld [tilespmem:$0x270];
	_ =	sdelay $0x4  }
0xbe: {  	v23 =	vsub.s32 v3, v0  }
0xbf: {  	v3 =	vand.u32 $0x7F, v3;
	v4 =	vand.u32 $0xFFFFFF80, v23  }
0xc0: {  	v3 =	vor.u32 v3, v4;
	_ =	sdelay $0x4  }
0xc1: {  	[tilespmem:v3+s8+$0x0] =	vst.idx.add.f32.msk $0xffff, v2  }
0xc2: {  	v3 =	vld [tilespmem:$0x2F0];
	_ =	sdelay $0x7  }
0xc3: {  	[tilespmem:v3+s9+$0x0] =	vst.idx.add.f32.msk $0xffff, v2  }
0xc4: {  	v3 =	vld [tilespmem:$0x300];
	_ =	sdelay $0x4  }
0xc5: {  	v24 =	vsub.s32 v3, v0  }
0xc6: {  	v3 =	vand.u32 $0x7F, v3;
	v4 =	vand.u32 $0xFFFFFF80, v24  }
0xc7: {  	v3 =	vor.u32 v3, v4;
	_ =	sdelay $0x4  }
0xc8: {  	[tilespmem:v3+s8+$0x0] =	vst.idx.add.f32.msk $0xffff, v2  }
0xc9: {  	v3 =	vld [tilespmem:$0x380];
	_ =	sdelay $0x7  }
0xca: {  	[tilespmem:v3+s9+$0x0] =	vst.idx.add.f32.msk $0xffff, v2  }
0xcb: {  	v3 =	vld [tilespmem:$0x310];
	_ =	sdelay $0x4  }
0xcc: {  	v25 =	vsub.s32 v3, v0  }
0xcd: {  	v3 =	vand.u32 $0x7F, v3;
	v4 =	vand.u32 $0xFFFFFF80, v25  }
0xce: {  	v3 =	vor.u32 v3, v4;
	_ =	sdelay $0x4  }
0xcf: {  	[tilespmem:v3+s8+$0x0] =	vst.idx.add.f32.msk $0xffff, v2  }
0xd0: {  	v3 =	vld [tilespmem:$0x390];
	_ =	sdelay $0x7  }
0xd1: {  	[tilespmem:v3+s9+$0x0] =	vst.idx.add.f32.msk $0xffff, v2  }
0xd2: {  	v3 =	vld [tilespmem:$0x320];
	_ =	sdelay $0x4  }
0xd3: {  	v26 =	vsub.s32 v3, v0  }
0xd4: {  	v3 =	vand.u32 $0x7F, v3;
	v4 =	vand.u32 $0xFFFFFF80, v26  }
0xd5: {  	v3 =	vor.u32 v3, v4;
	_ =	sdelay $0x4  }
0xd6: {  	[tilespmem:v3+s8+$0x0] =	vst.idx.add.f32.msk $0xffff, v2  }
0xd7: {  	v3 =	vld [tilespmem:$0x3A0];
	_ =	sdelay $0x7  }
0xd8: {  	[tilespmem:v3+s9+$0x0] =	vst.idx.add.f32.msk $0xffff, v2  }
0xd9: {  	v3 =	vld [tilespmem:$0x330];
	_ =	sdelay $0x4  }
0xda: {  	v27 =	vsub.s32 v3, v0  }
0xdb: {  	v3 =	vand.u32 $0x7F, v3;
	v4 =	vand.u32 $0xFFFFFF80, v27  }
0xdc: {  	v3 =	vor.u32 v3, v4;
	_ =	sdelay $0x4  }
0xdd: {  	[tilespmem:v3+s8+$0x0] =	vst.idx.add.f32.msk $0xffff, v2  }
0xde: {  	v3 =	vld [tilespmem:$0x3B0];
	_ =	sdelay $0x7  }
0xdf: {  	[tilespmem:v3+s9+$0x0] =	vst.idx.add.f32.msk $0xffff, v2  }
0xe0: {  	v3 =	vld [tilespmem:$0x340];
	_ =	sdelay $0x4  }
0xe1: {  	v28 =	vsub.s32 v3, v0  }
0xe2: {  	v3 =	vand.u32 $0x7F, v3;
	v4 =	vand.u32 $0xFFFFFF80, v28  }
0xe3: {  	v3 =	vor.u32 v3, v4;
	_ =	sdelay $0x4  }
0xe4: {  	[tilespmem:v3+s8+$0x0] =	vst.idx.add.f32.msk $0xffff, v2  }
0xe5: {  	v3 =	vld [tilespmem:$0x3C0];
	_ =	sdelay $0x7  }
0xe6: {  	[tilespmem:v3+s9+$0x0] =	vst.idx.add.f32.msk $0xffff, v2  }
0xe7: {  	v3 =	vld [tilespmem:$0x350];
	_ =	sdelay $0x4  }
0xe8: {  	v29 =	vsub.s32 v3, v0  }
0xe9: {  	v3 =	vand.u32 $0x7F, v3;
	v4 =	vand.u32 $0xFFFFFF80, v29  }
0xea: {  	v3 =	vor.u32 v3, v4;
	_ =	sdelay $0x4  }
0xeb: {  	[tilespmem:v3+s8+$0x0] =	vst.idx.add.f32.msk $0xffff, v2  }
0xec: {  	v3 =	vld [tilespmem:$0x3D0];
	_ =	sdelay $0x7  }
0xed: {  	[tilespmem:v3+s9+$0x0] =	vst.idx.add.f32.msk $0xffff, v2  }
0xee: {  	v3 =	vld [tilespmem:$0x360];
	_ =	sdelay $0x4  }
0xef: {  	v30 =	vsub.s32 v3, v0  }
0xf0: {  	v3 =	vand.u32 $0x7F, v3;
	v4 =	vand.u32 $0xFFFFFF80, v30  }
0xf1: {  	v3 =	vor.u32 v3, v4;
	_ =	sdelay $0x4  }
0xf2: {  	[tilespmem:v3+s8+$0x0] =	vst.idx.add.f32.msk $0xffff, v2  }
0xf3: {  	v3 =	vld [tilespmem:$0x3E0];
	_ =	sdelay $0x7  }
0xf4: {  	[tilespmem:v3+s9+$0x0] =	vst.idx.add.f32.msk $0xffff, v2  }
0xf5: {  	v3 =	vld [tilespmem:$0x370];
	_ =	sdelay $0x4  }
0xf6: {  	v31 =	vsub.s32 v3, v0  }
0xf7: {  	v3 =	vand.u32 $0x7F, v3;
	v4 =	vand.u32 $0xFFFFFF80, v31  }
0xf8: {  	v3 =	vor.u32 v3, v4;
	_ =	sdelay $0x4  }
0xf9: {  	[tilespmem:v3+s8+$0x0] =	vst.idx.add.f32.msk $0xffff, v2  }
0xfa: {  	v3 =	vld [tilespmem:$0x3F0];
	_ =	sdelay $0x7  }
0xfb: {  	[tilespmem:v3+s9+$0x0] =	vst.idx.add.f32.msk $0xffff, v2  }
0xfc: {  	v3 =	vld [tilespmem:$0x400];
	_ =	sdelay $0x4  }
0xfd: {  	v32 =	vsub.s32 v3, v0  }
0xfe: {  	v3 =	vand.u32 $0x7F, v3;
	v4 =	vand.u32 $0xFFFFFF80, v32  }
0xff: {  	v3 =	vor.u32 v3, v4;
	_ =	sdelay $0x4  }
0x100: {  	[tilespmem:v3+s8+$0x0] =	vst.idx.add.f32.msk $0xffff, v2  }
0x101: {  	v3 =	vld [tilespmem:$0x480];
	_ =	sdelay $0x7  }
0x102: {  	[tilespmem:v3+s9+$0x0] =	vst.idx.add.f32.msk $0xffff, v2  }
0x103: {  	v3 =	vld [tilespmem:$0x410];
	_ =	sdelay $0x4  }
0x104: {  	v33 =	vsub.s32 v3, v0  }
0x105: {  	v3 =	vand.u32 $0x7F, v3;
	v4 =	vand.u32 $0xFFFFFF80, v33  }
0x106: {  	v3 =	vor.u32 v3, v4;
	_ =	sdelay $0x4  }
0x107: {  	[tilespmem:v3+s8+$0x0] =	vst.idx.add.f32.msk $0xffff, v2  }
0x108: {  	v3 =	vld [tilespmem:$0x490];
	_ =	sdelay $0x7  }
0x109: {  	[tilespmem:v3+s9+$0x0] =	vst.idx.add.f32.msk $0xffff, v2  }
0x10a: {  	v3 =	vld [tilespmem:$0x420];
	_ =	sdelay $0x4  }
0x10b: {  	v34 =	vsub.s32 v3, v0  }
0x10c: {  	v3 =	vand.u32 $0x7F, v3;
	v4 =	vand.u32 $0xFFFFFF80, v34  }
0x10d: {  	v3 =	vor.u32 v3, v4;
	_ =	sdelay $0x4  }
0x10e: {  	[tilespmem:v3+s8+$0x0] =	vst.idx.add.f32.msk $0xffff, v2  }
0x10f: {  	v3 =	vld [tilespmem:$0x4A0];
	_ =	sdelay $0x7  }
0x110: {  	[tilespmem:v3+s9+$0x0] =	vst.idx.add.f32.msk $0xffff, v2  }
0x111: {  	v3 =	vld [tilespmem:$0x430];
	_ =	sdelay $0x4  }
0x112: {  	v35 =	vsub.s32 v3, v0  }
0x113: {  	v3 =	vand.u32 $0x7F, v3;
	v4 =	vand.u32 $0xFFFFFF80, v35  }
0x114: {  	v3 =	vor.u32 v3, v4;
	_ =	sdelay $0x4  }
0x115: {  	[tilespmem:v3+s8+$0x0] =	vst.idx.add.f32.msk $0xffff, v2  }
0x116: {  	v3 =	vld [tilespmem:$0x4B0];
	_ =	sdelay $0x7  }
0x117: {  	[tilespmem:v3+s9+$0x0] =	vst.idx.add.f32.msk $0xffff, v2  }
0x118: {  	v3 =	vld [tilespmem:$0x440];
	_ =	sdelay $0x4  }
0x119: {  	v36 =	vsub.s32 v3, v0  }
0x11a: {  	v3 =	vand.u32 $0x7F, v3;
	v4 =	vand.u32 $0xFFFFFF80, v36  }
0x11b: {  	v3 =	vor.u32 v3, v4;
	_ =	sdelay $0x4  }
0x11c: {  	[tilespmem:v3+s8+$0x0] =	vst.idx.add.f32.msk $0xffff, v2  }
0x11d: {  	v3 =	vld [tilespmem:$0x4C0];
	_ =	sdelay $0x7  }
0x11e: {  	[tilespmem:v3+s9+$0x0] =	vst.idx.add.f32.msk $0xffff, v2  }
0x11f: {  	v3 =	vld [tilespmem:$0x450];
	_ =	sdelay $0x4  }
0x120: {  	v37 =	vsub.s32 v3, v0  }
0x121: {  	v3 =	vand.u32 $0x7F, v3;
	v4 =	vand.u32 $0xFFFFFF80, v37  }
0x122: {  	v3 =	vor.u32 v3, v4;
	_ =	sdelay $0x4  }
0x123: {  	[tilespmem:v3+s8+$0x0] =	vst.idx.add.f32.msk $0xffff, v2  }
0x124: {  	v3 =	vld [tilespmem:$0x4D0];
	_ =	sdelay $0x7  }
0x125: {  	[tilespmem:v3+s9+$0x0] =	vst.idx.add.f32.msk $0xffff, v2  }
0x126: {  	v3 =	vld [tilespmem:$0x460];
	_ =	sdelay $0x4  }
0x127: {  	v38 =	vsub.s32 v3, v0  }
0x128: {  	v3 =	vand.u32 $0x7F, v3;
	v4 =	vand.u32 $0xFFFFFF80, v38  }
0x129: {  	v3 =	vor.u32 v3, v4;
	_ =	sdelay $0x4  }
0x12a: {  	[tilespmem:v3+s8+$0x0] =	vst.idx.add.f32.msk $0xffff, v2  }
0x12b: {  	v3 =	vld [tilespmem:$0x4E0];
	_ =	sdelay $0x7  }
0x12c: {  	[tilespmem:v3+s9+$0x0] =	vst.idx.add.f32.msk $0xffff, v2  }
0x12d: {  	v3 =	vld [tilespmem:$0x470];
	_ =	sdelay $0x4  }
0x12e: {  	v39 =	vsub.s32 v3, v0  }
0x12f: {  	v3 =	vand.u32 $0x7F, v3;
	v4 =	vand.u32 $0xFFFFFF80, v39  }
0x130: {  	v3 =	vor.u32 v3, v4;
	_ =	sdelay $0x4  }
0x131: {  	[tilespmem:v3+s8+$0x0] =	vst.idx.add.f32.msk $0xffff, v2  }
0x132: {  	v3 =	vld [tilespmem:$0x4F0];
	_ =	sdelay $0x7  }
0x133: {  	[tilespmem:v3+s9+$0x0] =	vst.idx.add.f32.msk $0xffff, v2  }
0x134: {  	v3 =	vld [tilespmem:$0x500];
	_ =	sdelay $0x4  }
0x135: {  	v40 =	vsub.s32 v3, v0  }
0x136: {  	v3 =	vand.u32 $0x7F, v3;
	v4 =	vand.u32 $0xFFFFFF80, v40  }
0x137: {  	v3 =	vor.u32 v3, v4;
	_ =	sdelay $0x4  }
0x138: {  	[tilespmem:v3+s8+$0x0] =	vst.idx.add.f32.msk $0xffff, v2  }
0x139: {  	v3 =	vld [tilespmem:$0x580];
	_ =	sdelay $0x7  }
0x13a: {  	[tilespmem:v3+s9+$0x0] =	vst.idx.add.f32.msk $0xffff, v2  }
0x13b: {  	v3 =	vld [tilespmem:$0x510];
	_ =	sdelay $0x4  }
0x13c: {  	v41 =	vsub.s32 v3, v0  }
0x13d: {  	v3 =	vand.u32 $0x7F, v3;
	v4 =	vand.u32 $0xFFFFFF80, v41  }
0x13e: {  	v3 =	vor.u32 v3, v4;
	_ =	sdelay $0x4  }
0x13f: {  	[tilespmem:v3+s8+$0x0] =	vst.idx.add.f32.msk $0xffff, v2  }
0x140: {  	v3 =	vld [tilespmem:$0x590];
	_ =	sdelay $0x7  }
0x141: {  	[tilespmem:v3+s9+$0x0] =	vst.idx.add.f32.msk $0xffff, v2  }
0x142: {  	v3 =	vld [tilespmem:$0x520];
	_ =	sdelay $0x4  }
0x143: {  	v42 =	vsub.s32 v3, v0  }
0x144: {  	v3 =	vand.u32 $0x7F, v3;
	v4 =	vand.u32 $0xFFFFFF80, v42  }
0x145: {  	v3 =	vor.u32 v3, v4;
	_ =	sdelay $0x4  }
0x146: {  	[tilespmem:v3+s8+$0x0] =	vst.idx.add.f32.msk $0xffff, v2  }
0x147: {  	v3 =	vld [tilespmem:$0x5A0];
	_ =	sdelay $0x7  }
0x148: {  	[tilespmem:v3+s9+$0x0] =	vst.idx.add.f32.msk $0xffff, v2  }
0x149: {  	v3 =	vld [tilespmem:$0x530];
	_ =	sdelay $0x4  }
0x14a: {  	v43 =	vsub.s32 v3, v0  }
0x14b: {  	v3 =	vand.u32 $0x7F, v3;
	v4 =	vand.u32 $0xFFFFFF80, v43  }
0x14c: {  	v3 =	vor.u32 v3, v4;
	_ =	sdelay $0x4  }
0x14d: {  	[tilespmem:v3+s8+$0x0] =	vst.idx.add.f32.msk $0xffff, v2  }
0x14e: {  	v3 =	vld [tilespmem:$0x5B0];
	_ =	sdelay $0x7  }
0x14f: {  	[tilespmem:v3+s9+$0x0] =	vst.idx.add.f32.msk $0xffff, v2  }
0x150: {  	v3 =	vld [tilespmem:$0x540];
	_ =	sdelay $0x4  }
0x151: {  	v44 =	vsub.s32 v3, v0  }
0x152: {  	v3 =	vand.u32 $0x7F, v3;
	v4 =	vand.u32 $0xFFFFFF80, v44  }
0x153: {  	v3 =	vor.u32 v3, v4;
	_ =	sdelay $0x4  }
0x154: {  	[tilespmem:v3+s8+$0x0] =	vst.idx.add.f32.msk $0xffff, v2  }
0x155: {  	v3 =	vld [tilespmem:$0x5C0];
	_ =	sdelay $0x7  }
0x156: {  	[tilespmem:v3+s9+$0x0] =	vst.idx.add.f32.msk $0xffff, v2  }
0x157: {  	v3 =	vld [tilespmem:$0x550];
	_ =	sdelay $0x4  }
0x158: {  	v45 =	vsub.s32 v3, v0  }
0x159: {  	v3 =	vand.u32 $0x7F, v3;
	v4 =	vand.u32 $0xFFFFFF80, v45  }
0x15a: {  	v3 =	vor.u32 v3, v4;
	_ =	sdelay $0x4  }
0x15b: {  	[tilespmem:v3+s8+$0x0] =	vst.idx.add.f32.msk $0xffff, v2  }
0x15c: {  	v3 =	vld [tilespmem:$0x5D0];
	_ =	sdelay $0x7  }
0x15d: {  	[tilespmem:v3+s9+$0x0] =	vst.idx.add.f32.msk $0xffff, v2  }
0x15e: {  	v3 =	vld [tilespmem:$0x560];
	_ =	sdelay $0x4  }
0x15f: {  	v46 =	vsub.s32 v3, v0  }
0x160: {  	v3 =	vand.u32 $0x7F, v3;
	v4 =	vand.u32 $0xFFFFFF80, v46  }
0x161: {  	v3 =	vor.u32 v3, v4;
	_ =	sdelay $0x4  }
0x162: {  	[tilespmem:v3+s8+$0x0] =	vst.idx.add.f32.msk $0xffff, v2  }
0x163: {  	v3 =	vld [tilespmem:$0x5E0];
	_ =	sdelay $0x7  }
0x164: {  	[tilespmem:v3+s9+$0x0] =	vst.idx.add.f32.msk $0xffff, v2  }
0x165: {  	v3 =	vld [tilespmem:$0x570];
	_ =	sdelay $0x4  }
0x166: {  	v47 =	vsub.s32 v3, v0  }
0x167: {  	v3 =	vand.u32 $0x7F, v3;
	v4 =	vand.u32 $0xFFFFFF80, v47  }
0x168: {  	v3 =	vor.u32 v3, v4;
	_ =	sdelay $0x4  }
0x169: {  	[tilespmem:v3+s8+$0x0] =	vst.idx.add.f32.msk $0xffff, v2  }
0x16a: {  	v3 =	vld [tilespmem:$0x5F0];
	_ =	sdelay $0x7  }
0x16b: {  	[tilespmem:v3+s9+$0x0] =	vst.idx.add.f32.msk $0xffff, v2  }
0x16c: {  	v3 =	vld [tilespmem:$0x600];
	_ =	sdelay $0x4  }
0x16d: {  	v48 =	vsub.s32 v3, v0  }
0x16e: {  	v3 =	vand.u32 $0x7F, v3;
	v4 =	vand.u32 $0xFFFFFF80, v48  }
0x16f: {  	v3 =	vor.u32 v3, v4;
	_ =	sdelay $0x4  }
0x170: {  	[tilespmem:v3+s8+$0x0] =	vst.idx.add.f32.msk $0xffff, v2  }
0x171: {  	v3 =	vld [tilespmem:$0x680];
	_ =	sdelay $0x7  }
0x172: {  	[tilespmem:v3+s9+$0x0] =	vst.idx.add.f32.msk $0xffff, v2  }
0x173: {  	v3 =	vld [tilespmem:$0x610];
	_ =	sdelay $0x4  }
0x174: {  	v49 =	vsub.s32 v3, v0  }
0x175: {  	v3 =	vand.u32 $0x7F, v3;
	v4 =	vand.u32 $0xFFFFFF80, v49  }
0x176: {  	v3 =	vor.u32 v3, v4;
	_ =	sdelay $0x4  }
0x177: {  	[tilespmem:v3+s8+$0x0] =	vst.idx.add.f32.msk $0xffff, v2  }
0x178: {  	v3 =	vld [tilespmem:$0x690];
	_ =	sdelay $0x7  }
0x179: {  	[tilespmem:v3+s9+$0x0] =	vst.idx.add.f32.msk $0xffff, v2  }
0x17a: {  	v3 =	vld [tilespmem:$0x620];
	_ =	sdelay $0x4  }
0x17b: {  	v50 =	vsub.s32 v3, v0  }
0x17c: {  	v3 =	vand.u32 $0x7F, v3;
	v4 =	vand.u32 $0xFFFFFF80, v50  }
0x17d: {  	v3 =	vor.u32 v3, v4;
	_ =	sdelay $0x4  }
0x17e: {  	[tilespmem:v3+s8+$0x0] =	vst.idx.add.f32.msk $0xffff, v2  }
0x17f: {  	v3 =	vld [tilespmem:$0x6A0];
	_ =	sdelay $0x7  }
0x180: {  	[tilespmem:v3+s9+$0x0] =	vst.idx.add.f32.msk $0xffff, v2  }
0x181: {  	v3 =	vld [tilespmem:$0x630];
	_ =	sdelay $0x4  }
0x182: {  	v51 =	vsub.s32 v3, v0  }
0x183: {  	v3 =	vand.u32 $0x7F, v3;
	v4 =	vand.u32 $0xFFFFFF80, v51  }
0x184: {  	v3 =	vor.u32 v3, v4;
	_ =	sdelay $0x4  }
0x185: {  	[tilespmem:v3+s8+$0x0] =	vst.idx.add.f32.msk $0xffff, v2  }
0x186: {  	v3 =	vld [tilespmem:$0x6B0];
	_ =	sdelay $0x7  }
0x187: {  	[tilespmem:v3+s9+$0x0] =	vst.idx.add.f32.msk $0xffff, v2  }
0x188: {  	v3 =	vld [tilespmem:$0x640];
	_ =	sdelay $0x4  }
0x189: {  	v52 =	vsub.s32 v3, v0  }
0x18a: {  	v3 =	vand.u32 $0x7F, v3;
	v4 =	vand.u32 $0xFFFFFF80, v52  }
0x18b: {  	v3 =	vor.u32 v3, v4;
	_ =	sdelay $0x4  }
0x18c: {  	[tilespmem:v3+s8+$0x0] =	vst.idx.add.f32.msk $0xffff, v2  }
0x18d: {  	v3 =	vld [tilespmem:$0x6C0];
	_ =	sdelay $0x7  }
0x18e: {  	[tilespmem:v3+s9+$0x0] =	vst.idx.add.f32.msk $0xffff, v2  }
0x18f: {  	v3 =	vld [tilespmem:$0x650];
	_ =	sdelay $0x4  }
0x190: {  	v53 =	vsub.s32 v3, v0  }
0x191: {  	v3 =	vand.u32 $0x7F, v3;
	v4 =	vand.u32 $0xFFFFFF80, v53  }
0x192: {  	v3 =	vor.u32 v3, v4;
	_ =	sdelay $0x4  }
0x193: {  	[tilespmem:v3+s8+$0x0] =	vst.idx.add.f32.msk $0xffff, v2  }
0x194: {  	v3 =	vld [tilespmem:$0x6D0];
	_ =	sdelay $0x7  }
0x195: {  	[tilespmem:v3+s9+$0x0] =	vst.idx.add.f32.msk $0xffff, v2  }
0x196: {  	v3 =	vld [tilespmem:$0x660];
	_ =	sdelay $0x4  }
0x197: {  	v54 =	vsub.s32 v3, v0  }
0x198: {  	v3 =	vand.u32 $0x7F, v3;
	v4 =	vand.u32 $0xFFFFFF80, v54  }
0x199: {  	v3 =	vor.u32 v3, v4;
	_ =	sdelay $0x4  }
0x19a: {  	[tilespmem:v3+s8+$0x0] =	vst.idx.add.f32.msk $0xffff, v2  }
0x19b: {  	v3 =	vld [tilespmem:$0x6E0];
	_ =	sdelay $0x7  }
0x19c: {  	[tilespmem:v3+s9+$0x0] =	vst.idx.add.f32.msk $0xffff, v2  }
0x19d: {  	v3 =	vld [tilespmem:$0x670];
	_ =	sdelay $0x4  }
0x19e: {  	v55 =	vsub.s32 v3, v0  }
0x19f: {  	v3 =	vand.u32 $0x7F, v3;
	v4 =	vand.u32 $0xFFFFFF80, v55  }
0x1a0: {  	v3 =	vor.u32 v3, v4;
	_ =	sdelay $0x4  }
0x1a1: {  	[tilespmem:v3+s8+$0x0] =	vst.idx.add.f32.msk $0xffff, v2  }
0x1a2: {  	v3 =	vld [tilespmem:$0x6F0];
	_ =	sdelay $0x7  }
0x1a3: {  	[tilespmem:v3+s9+$0x0] =	vst.idx.add.f32.msk $0xffff, v2  }
0x1a4: {  	v3 =	vld [tilespmem:$0x700];
	_ =	sdelay $0x4  }
0x1a5: {  	v56 =	vsub.s32 v3, v0  }
0x1a6: {  	v3 =	vand.u32 $0x7F, v3;
	v4 =	vand.u32 $0xFFFFFF80, v56  }
0x1a7: {  	v3 =	vor.u32 v3, v4;
	_ =	sdelay $0x4  }
0x1a8: {  	[tilespmem:v3+s8+$0x0] =	vst.idx.add.f32.msk $0xffff, v2  }
0x1a9: {  	v3 =	vld [tilespmem:$0x780];
	_ =	sdelay $0x7  }
0x1aa: {  	[tilespmem:v3+s9+$0x0] =	vst.idx.add.f32.msk $0xffff, v2  }
0x1ab: {  	v3 =	vld [tilespmem:$0x710];
	_ =	sdelay $0x4  }
0x1ac: {  	v57 =	vsub.s32 v3, v0  }
0x1ad: {  	v3 =	vand.u32 $0x7F, v3;
	v4 =	vand.u32 $0xFFFFFF80, v57  }
0x1ae: {  	v3 =	vor.u32 v3, v4;
	_ =	sdelay $0x4  }
0x1af: {  	[tilespmem:v3+s8+$0x0] =	vst.idx.add.f32.msk $0xffff, v2  }
0x1b0: {  	v3 =	vld [tilespmem:$0x790];
	_ =	sdelay $0x7  }
0x1b1: {  	[tilespmem:v3+s9+$0x0] =	vst.idx.add.f32.msk $0xffff, v2  }
0x1b2: {  	v3 =	vld [tilespmem:$0x720];
	_ =	sdelay $0x4  }
0x1b3: {  	v58 =	vsub.s32 v3, v0  }
0x1b4: {  	v3 =	vand.u32 $0x7F, v3;
	v4 =	vand.u32 $0xFFFFFF80, v58  }
0x1b5: {  	v3 =	vor.u32 v3, v4;
	_ =	sdelay $0x4  }
0x1b6: {  	[tilespmem:v3+s8+$0x0] =	vst.idx.add.f32.msk $0xffff, v2  }
0x1b7: {  	v3 =	vld [tilespmem:$0x7A0];
	_ =	sdelay $0x7  }
0x1b8: {  	[tilespmem:v3+s9+$0x0] =	vst.idx.add.f32.msk $0xffff, v2  }
0x1b9: {  	v3 =	vld [tilespmem:$0x730];
	_ =	sdelay $0x4  }
0x1ba: {  	v59 =	vsub.s32 v3, v0  }
0x1bb: {  	v3 =	vand.u32 $0x7F, v3;
	v4 =	vand.u32 $0xFFFFFF80, v59  }
0x1bc: {  	v3 =	vor.u32 v3, v4;
	_ =	sdelay $0x4  }
0x1bd: {  	[tilespmem:v3+s8+$0x0] =	vst.idx.add.f32.msk $0xffff, v2  }
0x1be: {  	v3 =	vld [tilespmem:$0x7B0];
	_ =	sdelay $0x7  }
0x1bf: {  	[tilespmem:v3+s9+$0x0] =	vst.idx.add.f32.msk $0xffff, v2  }
0x1c0: {  	v3 =	vld [tilespmem:$0x740];
	_ =	sdelay $0x4  }
0x1c1: {  	v60 =	vsub.s32 v3, v0  }
0x1c2: {  	v3 =	vand.u32 $0x7F, v3;
	v4 =	vand.u32 $0xFFFFFF80, v60  }
0x1c3: {  	v3 =	vor.u32 v3, v4;
	_ =	sdelay $0x4  }
0x1c4: {  	[tilespmem:v3+s8+$0x0] =	vst.idx.add.f32.msk $0xffff, v2  }
0x1c5: {  	v3 =	vld [tilespmem:$0x7C0];
	_ =	sdelay $0x7  }
0x1c6: {  	[tilespmem:v3+s9+$0x0] =	vst.idx.add.f32.msk $0xffff, v2  }
0x1c7: {  	v3 =	vld [tilespmem:$0x750];
	_ =	sdelay $0x4  }
0x1c8: {  	v61 =	vsub.s32 v3, v0  }
0x1c9: {  	v3 =	vand.u32 $0x7F, v3;
	v4 =	vand.u32 $0xFFFFFF80, v61  }
0x1ca: {  	v3 =	vor.u32 v3, v4;
	_ =	sdelay $0x4  }
0x1cb: {  	[tilespmem:v3+s8+$0x0] =	vst.idx.add.f32.msk $0xffff, v2  }
0x1cc: {  	v3 =	vld [tilespmem:$0x7D0];
	_ =	sdelay $0x7  }
0x1cd: {  	[tilespmem:v3+s9+$0x0] =	vst.idx.add.f32.msk $0xffff, v2  }
0x1ce: {  	v3 =	vld [tilespmem:$0x760];
	_ =	sdelay $0x4  }
0x1cf: {  	v62 =	vsub.s32 v3, v0  }
0x1d0: {  	v3 =	vand.u32 $0x7F, v3;
	v4 =	vand.u32 $0xFFFFFF80, v62  }
0x1d1: {  	v3 =	vor.u32 v3, v4;
	_ =	sdelay $0x4  }
0x1d2: {  	[tilespmem:v3+s8+$0x0] =	vst.idx.add.f32.msk $0xffff, v2  }
0x1d3: {  	v3 =	vld [tilespmem:$0x7E0];
	_ =	sdelay $0x7  }
0x1d4: {  	[tilespmem:v3+s9+$0x0] =	vst.idx.add.f32.msk $0xffff, v2  }
0x1d5: {  	v3 =	vld [tilespmem:$0x770];
	_ =	sdelay $0x4  }
0x1d6: {  	v63 =	vsub.s32 v3, v0  }
0x1d7: {  	v3 =	vand.u32 $0x7F, v3;
	v4 =	vand.u32 $0xFFFFFF80, v63  }
0x1d8: {  	v3 =	vor.u32 v3, v4;
	_ =	sdelay $0x4  }
0x1d9: {  	[tilespmem:v3+s8+$0x0] =	vst.idx.add.f32.msk $0xffff, v2  }
0x1da: {  	v3 =	vld [tilespmem:$0x7F0];
	_ =	sdelay $0x2  }
0x1db: {  	p0 =	sne.s32 s13, $0x1300  }
.Ltmp1:
0x1dc: {  	_ = 	snop;
	(pc) =	sbr.rel @p0 .LBB2_4-.Ltmp1, $2  }
0x1dd: {  	_ =	sdelay $0x2  }
0x1de: {  	s13 =	sadd.s32 $0x100, s13;
	[tilespmem:v3+s9+$0x0] =	vst.idx.add.f32.msk $0xffff, v2  }
0x1df: {  	[hbm4b:s3+s10] =	stream.strided.scatter [tilespmem:s8], [sflag:$0x1], $0x2800, s11, s10, $0x38;
	[tilespmem:$0x5800] =	vst v63  }
0x1e0: {  	s12 =	sadd.s32 $0x1, s12;
	_ =	swait.ge [sflag:s7], $0x2800  }
0x1e1: {  	p0 =	sne.s32 s12, s5;
	[sflag:s7] =	ssyncset.done $0x0  }
.Ltmp2:
0x1e2: {  	[sflag:s7] =	ssyncadd.s32 $0xFFFFD800;
	(pc) =	sbr.rel @p0 .LBB2_1-.Ltmp2, $4  }
0x1e3: {  	[hbm4b:s4+s10] =	stream.strided.scatter [tilespmem:s9], [sflag:$0x1], $0x2800, s11, s10, $0x38;
	[tilespmem:$0x5800] =	vst v63  }
0x1e4: {  	_ =	swait.ge [sflag:s7], $0x2800  }
0x1e5: {  	[sflag:s7] =	ssyncset.done $0x0  }
0x1e6: {  	[sflag:s7] =	ssyncadd.s32 $0xFFFFD800  }
0x1e7: {  	_ =	sfence.sel $0x180000  }
0x1e8: {  	[bflag:$0x0] =	sbarrier.arrive $0xFFFF  }
0x1e9: {  	p0 =	sne.s32 s1, $0x0;
	_ =	strace $0x90000047  }
0x1ea: {  	s0 =	sadd.s32 @!p0 $0x100000, s0;
	[bflag:$0x2] =	sbarrier.arrive $0xFFFF  }
0x1eb: {  	[sflag:s0] =	ssyncadd.tile.s32 @!p0 $0x1;
	_ =	shalt  }
.Lfunc_end2:
_tile_overlayer_lowered:
.L_overlay_start_2:
0x1ec: {  	(tag) =	ssettag $0x2  }
0x1ed: {  	s0 =	rddreg [dreg:$0x0];
	s2 =	stileid.u32  }
0x1ee: {  	s1 =	rddreg [dreg:$0x1];
	p0 =	sne.s32 s2, $0x0  }
0x1ef: {  	s3 =	rddreg [dreg:$0x2];
	[bflag:$0x3] =	sbarrier.arrive $0xFFFF;
	s2 =	simm.s32 @!p0 $0x1C01  }
0x1f0: {  	[timem:s3], [sflag:s2] =	dma.local @!p0 [hbm:s0], s1  }
0x1f1: {  	s0 =	simm.s32 @!p0 $0x1  }
0x1f2: {  	_ =	swait.ge @!p0 [sflag:s0], s1  }
0x1f3: {  	s1 =	ssub.s32 @!p0 $0x0, s1;
	[sflag:s0] =	ssyncset.done @!p0 $0x0  }
0x1f4: {  	[sflag:s0] =	ssyncadd.s32 @!p0 s1  }
0x1f5: {  	[bflag:$0x3] =	sbarrier.arrive $0xFFFF  }
0x1f6: {  	_ =	shalt  }

</sc_bundles>
